<compile_context>
chip_gen: v7x
topology: tpu7x:2x2x1
jax: 0.10.2.dev20260603
libtpu: 0.0.44.dev20260713+nightly
codegen_flags: <defaults>
</compile_context>

<pallas_src>
import jax
import jax.numpy as jnp
from jax import lax
from jax.experimental import pallas as pl
from jax.experimental.pallas import tpu as pltpu
from jax.experimental.pallas import tpu_sc as plsc

N = 10000
E = 320000
IN_C = 128
HID = 256
OUT_C = 128

NC = 2
NS = 16
NW = NC * NS
K = 128
EPT = E // NW
NB = 80
CH = 16
NH = 2
VROWS = 10112
RPT = VROWS // NS
TPT = N // NS
DUMMY = VROWS - 1

WA = IN_C + 16
HWA = WA // NH
WZ = OUT_C
HWZ = WZ // NH


def _sc_segment_sum(width):
    mesh = plsc.VectorSubcoreMesh(core_axis_name="c", subcore_axis_name="s")

    def body(table_h, srcp, dstp, zblk, out, src_v, dst_v, buf_a, buf_b,
             table_s, acc, sem_a, sem_b):
        c = lax.axis_index("c")
        s = lax.axis_index("s")
        g = c * NS + s
        bufs = (buf_a, buf_b)
        sems = (sem_a, sem_b)

        for h in range(NH):
            pltpu.sync_copy(table_h.at[h, pl.ds(s * TPT, TPT)],
                            table_s.at[pl.ds(s * TPT, TPT)])
            pltpu.sync_copy(zblk, acc.at[pl.ds(s * RPT, RPT)])
            plsc.subcore_barrier()

            def chunk(ci, carry):
                pltpu.sync_copy(srcp.at[g, pl.ds(ci * CH, CH)], src_v)
                pltpu.sync_copy(dstp.at[g, pl.ds(ci * CH, CH)], dst_v)
                handles = [pltpu.async_copy(table_s.at[src_v.at[0]], bufs[0],
                                            sems[0])]
                for k in range(CH):
                    handles[k].wait()
                    if k + 1 < CH:
                        handles.append(
                            pltpu.async_copy(table_s.at[src_v.at[k + 1]],
                                             bufs[(k + 1) % 2],
                                             sems[(k + 1) % 2]))
                    pltpu.sync_copy(bufs[k % 2], acc.at[dst_v.at[k]],
                                    add=True)
                return carry

            lax.fori_loop(0, NB // CH, chunk, 0)
            plsc.subcore_barrier()
            pltpu.sync_copy(acc.at[pl.ds(s * RPT, RPT)],
                            out.at[h].at[c].at[pl.ds(s * RPT, RPT)])

    return pl.kernel(
        body,
        out_type=jax.ShapeDtypeStruct((NH, NC, VROWS, width), jnp.float32),
        mesh=mesh,
        scratch_types=[
            pltpu.VMEM((CH, K), jnp.int32),
            pltpu.VMEM((CH, K), jnp.int32),
            pltpu.VMEM((K, width), jnp.float32),
            pltpu.VMEM((K, width), jnp.float32),
            pltpu.VMEM_SHARED((N, width), jnp.float32),
            pltpu.VMEM_SHARED((VROWS, width), jnp.float32),
            pltpu.SemaphoreType.DMA,
            pltpu.SemaphoreType.DMA,
        ],
        compiler_params=pltpu.CompilerParams(use_tc_tiling_on_sc=False),
    )


BN = 2000


def _dense1_body(x_ref, a00_ref, a01_ref, a10_ref, a11_ref, ws0t, wn0t_h0,
                 wn0t_h1, b0r, ws1t, wn1t, b1r, z_ref, q_ref, iv_ref):
    xb = x_ref[...]
    a_h0 = a00_ref[0, 0] + a01_ref[0, 0]
    a_h1 = a10_ref[0, 0] + a11_ref[0, 0]
    onehot = (lax.broadcasted_iota(jnp.int32, (BN, HWA), 1) == (IN_C - HWA))
    deg = jnp.sum(jnp.where(onehot, a_h1, 0.0), axis=1, keepdims=True)
    degc = jnp.maximum(deg, 1.0)
    m = (jnp.dot(a_h0, wn0t_h0[...], preferred_element_type=jnp.float32)
         + jnp.dot(a_h1, wn0t_h1[...], preferred_element_type=jnp.float32))
    h0 = (jnp.dot(xb, ws0t[...], preferred_element_type=jnp.float32)
          + m / degc + b0r[...])
    t = jnp.maximum(h0, 0.0)
    s = jnp.sum(t * t, axis=1, keepdims=True) + 1.0
    inv = 1.0 / (jnp.sqrt(s) + 1e-8)
    p = t * inv
    z = jnp.dot(p, wn1t[...], preferred_element_type=jnp.float32)
    z_ref[0] = z[:, :HWZ]
    z_ref[1] = z[:, HWZ:]
    q_ref[...] = (jnp.dot(p, ws1t[...], preferred_element_type=jnp.float32)
                  + b1r[...])
    iv_ref[...] = jnp.broadcast_to(1.0 / degc, (BN, 8))


def _dense2_body(q_ref, z00_ref, z01_ref, z10_ref, z11_ref, iv_ref, o_ref):
    iv = iv_ref[...][:, 0:1]
    agg = jnp.concatenate([z00_ref[0, 0] + z01_ref[0, 0],
                           z10_ref[0, 0] + z11_ref[0, 0]], axis=1)
    o_ref[...] = q_ref[...] + agg * iv


def _full(shape):
    return pl.BlockSpec(shape, lambda i: (0,) * len(shape))


def kernel(x, edge_index, W_self0, W_neigh0, b0, W_self1, W_neigh1, b1):
    dst = edge_index[0]
    src = edge_index[1]
    padw = NB * K - EPT
    srcp = jnp.concatenate(
        [src.reshape(NW, EPT),
         jnp.zeros((NW, padw), jnp.int32)], axis=1).reshape(NW, NB, K)
    dstp = jnp.concatenate(
        [dst.reshape(NW, EPT),
         jnp.full((NW, padw), DUMMY, jnp.int32)], axis=1).reshape(NW, NB, K)

    table0 = jnp.stack([
        x[:, :HWA],
        jnp.concatenate([x[:, HWA:], jnp.ones((N, 1), jnp.float32),
                         jnp.zeros((N, WA - IN_C - 1), jnp.float32)], axis=1),
    ])
    zblk_a = jnp.zeros((RPT, HWA), jnp.float32)
    zblk_z = jnp.zeros((RPT, HWZ), jnp.float32)

    agg0 = _sc_segment_sum(HWA)(table0, srcp, dstp, zblk_a)

    ws0t = W_self0.T
    wn0t = W_neigh0.T
    wn0t_h0 = wn0t[:HWA]
    wn0t_h1 = jnp.concatenate(
        [wn0t[HWA:], jnp.zeros((HWA - (IN_C - HWA), HID), jnp.float32)],
        axis=0)
    ws1t = W_self1.T
    wn1t = W_neigh1.T
    b0r = b0.reshape(1, HID)
    b1r = b1.reshape(1, OUT_C)

    grid = N // BN
    tablez, q, iv = pl.pallas_call(
        _dense1_body,
        grid=(grid,),
        in_specs=[
            pl.BlockSpec((BN, IN_C), lambda i: (i, 0)),
            pl.BlockSpec((1, 1, BN, HWA), lambda i: (0, 0, i, 0)),
            pl.BlockSpec((1, 1, BN, HWA), lambda i: (0, 1, i, 0)),
            pl.BlockSpec((1, 1, BN, HWA), lambda i: (1, 0, i, 0)),
            pl.BlockSpec((1, 1, BN, HWA), lambda i: (1, 1, i, 0)),
            _full((IN_C, HID)),
            _full((HWA, HID)),
            _full((HWA, HID)),
            _full((1, HID)),
            _full((HID, OUT_C)),
            _full((HID, OUT_C)),
            _full((1, OUT_C)),
        ],
        out_specs=[
            pl.BlockSpec((NH, BN, HWZ), lambda i: (0, i, 0)),
            pl.BlockSpec((BN, OUT_C), lambda i: (i, 0)),
            pl.BlockSpec((BN, 8), lambda i: (i, 0)),
        ],
        out_shape=[
            jax.ShapeDtypeStruct((NH, N, HWZ), jnp.float32),
            jax.ShapeDtypeStruct((N, OUT_C), jnp.float32),
            jax.ShapeDtypeStruct((N, 8), jnp.float32),
        ],
    )(x, agg0, agg0, agg0, agg0, ws0t, wn0t_h0, wn0t_h1, b0r, ws1t, wn1t,
      b1r)

    agg1 = _sc_segment_sum(HWZ)(tablez, srcp, dstp, zblk_z)

    out = pl.pallas_call(
        _dense2_body,
        grid=(grid,),
        in_specs=[
            pl.BlockSpec((BN, OUT_C), lambda i: (i, 0)),
            pl.BlockSpec((1, 1, BN, HWZ), lambda i: (0, 0, i, 0)),
            pl.BlockSpec((1, 1, BN, HWZ), lambda i: (0, 1, i, 0)),
            pl.BlockSpec((1, 1, BN, HWZ), lambda i: (1, 0, i, 0)),
            pl.BlockSpec((1, 1, BN, HWZ), lambda i: (1, 1, i, 0)),
            pl.BlockSpec((BN, 8), lambda i: (i, 0)),
        ],
        out_specs=pl.BlockSpec((BN, OUT_C), lambda i: (i, 0)),
        out_shape=jax.ShapeDtypeStruct((N, OUT_C), jnp.float32),
    )(q, agg1, agg1, agg1, agg1, iv)
    return out

# --- scband reference (transcript-rebuilt; emitter-appended) ---
"""Pipeline reference for scband-projective-graph-sage-7009386627396 (READ-ONLY COPY).

The authoritative reference and input builder live on the scoring server;
editing this copy changes nothing except your own understanding.
"""

import jax, jax.numpy as jnp
import numpy as np

N = 10000
E = 320000
IN_C = 128
HID = 256
OUT_C = 128


def _sage_conv(x, edge_index, W_self, W_neigh, b):
    # x: [N, F+1] homogeneous coords; conv operates on spatial part [N, F]
    spatial = x[:, :-1]
    dst = edge_index[0]
    src = edge_index[1]
    msgs = jnp.take(spatial, src, axis=0)                      # gather [E, F]
    agg = jax.ops.segment_sum(msgs, dst, num_segments=x.shape[0])  # scatter-add
    deg = jax.ops.segment_sum(jnp.ones((edge_index.shape[1],), x.dtype), dst, num_segments=x.shape[0])
    agg = agg / jnp.maximum(deg, 1.0)[:, None]                 # mean aggregation
    out = spatial @ W_self.T + agg @ W_neigh.T + b
    return out


def setup_inputs(seed: int = 0) -> dict:
    key = jax.random.key(seed)
    ks = jax.random.split(key, 8)
    x = jax.random.normal(ks[0], (N, IN_C), dtype=jnp.float32)
    edge_index = jax.random.randint(ks[1], (2, E), 0, N, dtype=jnp.int32)
    s0 = 1.0 / np.sqrt(IN_C)
    W_self0 = jax.random.uniform(ks[2], (HID, IN_C), jnp.float32, -s0, s0)
    W_neigh0 = jax.random.uniform(ks[3], (HID, IN_C), jnp.float32, -s0, s0)
    b0 = jnp.zeros((HID,), jnp.float32)
    s1 = 1.0 / np.sqrt(HID)
    W_self1 = jax.random.uniform(ks[4], (OUT_C, HID), jnp.float32, -s1, s1)
    W_neigh1 = jax.random.uniform(ks[5], (OUT_C, HID), jnp.float32, -s1, s1)
    b1 = jnp.zeros((OUT_C,), jnp.float32)
    return {"x": x, "edge_index": edge_index, "W_self0": W_self0, "W_neigh0": W_neigh0, "b0": b0, "W_self1": W_self1, "W_neigh1": W_neigh1, "b1": b1}


def reference(x, edge_index, W_self0, W_neigh0, b0, W_self1, W_neigh1, b1):
    # attach homogeneous coordinate
    h = jnp.concatenate([x, jnp.ones_like(x[:, :1])], axis=-1)
    # layer 0
    h = _sage_conv(h, edge_index, W_self0, W_neigh0, b0)
    # intermediate projective post-processing (not last layer)
    h = jnp.concatenate([h, jnp.ones_like(h[:, :1])], axis=-1)
    feat = jax.nn.relu(h[:, :-1])
    h = jnp.concatenate([feat, h[:, -1:]], axis=-1)
    norm = jnp.linalg.norm(h, axis=-1, keepdims=True)
    h = h / (norm + 1e-8)
    # projective_dropout is identity in eval mode / p=0
    # layer 1 (last)
    h = _sage_conv(h, edge_index, W_self1, W_neigh1, b1)
    return h

if __name__ == "__main__":
    import jax
    _d = setup_inputs()
    print(jax.jit(kernel)(*tuple(_d.values())))

</pallas_src>

<mosaic_0001>
#map = affine_map<(d0, d1) -> (0, 0, 0)>
#map1 = affine_map<(d0, d1) -> (0, 0)>
#map2 = affine_map<(d0, d1) -> (0, 0, 0, 0)>
module attributes {stable_mosaic.version = 14 : i64} {
  func.func @body(%arg0: i32, %arg1: i32, %arg2: memref<2x10000x72xf32, #tpu.memory_space<hbm>>, %arg3: memref<32x80x128xi32, #tpu.memory_space<hbm>>, %arg4: memref<32x80x128xi32, #tpu.memory_space<hbm>>, %arg5: memref<632x72xf32, #tpu.memory_space<hbm>>, %arg6: memref<2x2x10112x72xf32, #tpu.memory_space<hbm>>, %arg7: memref<16x128xi32, #tpu.memory_space<vmem>>, %arg8: memref<16x128xi32, #tpu.memory_space<vmem>>, %arg9: memref<128x72xf32, #tpu.memory_space<vmem>>, %arg10: memref<128x72xf32, #tpu.memory_space<vmem>>, %arg11: memref<10000x72xf32, #tpu.memory_space<vmem_shared>>, %arg12: memref<10112x72xf32, #tpu.memory_space<vmem_shared>>, %arg13: memref<!tpu.dma_semaphore, #tpu.memory_space<semaphore_mem>>, %arg14: memref<!tpu.dma_semaphore, #tpu.memory_space<semaphore_mem>>) attributes {dimension_semantics = [#tpu.dimension_semantics<core_parallel>, #tpu.dimension_semantics<subcore_parallel>], iteration_bounds = array<i64: 2, 16>, scalar_prefetch = 0 : i64, scratch_operands = 8 : i64, tpu.core_type = #tpu.core_type<sc_vector_subcore>, window_params = [{transform_indices = #map}, {transform_indices = #map}, {transform_indices = #map}, {transform_indices = #map1}, {transform_indices = #map2}]} {
    %mul3A = arith.constant 16 : i32
    %mul3A_0 = arith.muli %arg0, %mul3A : i32
    %add3A = arith.addi %mul3A_0, %arg1 : i32
    %mul3A_1 = arith.constant 625 : i32
    %mul3A_2 = arith.muli %arg1, %mul3A_1 : i32
    %mul3A_3 = arith.constant 625 : i32
    %mul3A_4 = arith.muli %arg1, %mul3A_3 : i32
    %run_scoped3A = arith.constant 0 : i32
    "tpu.region"() ({
      %run_scoped3A_38 = tpu.sem_alloc : memref<!tpu.dma_semaphore, #tpu.memory_space<semaphore_mem>>
      %dma_start3A = arith.constant 0 : i32
      %dma_start3A_39 = tpu.memref_slice %arg11[%mul3A_4, %dma_start3A] : memref<10000x72xf32, #tpu.memory_space<vmem_shared>> -> memref<625x72xf32, #tpu.memory_space<vmem_shared>>
      %dma_start3A_40 = arith.constant 0 : i32
      %dma_start3A_41 = tpu.memref_slice %arg2[%run_scoped3A, %mul3A_2, %dma_start3A_40] : memref<2x10000x72xf32, #tpu.memory_space<hbm>> -> memref<1x625x72xf32, #tpu.memory_space<hbm>>
      %dma_start3A_42 = tpu.memref_squeeze %dma_start3A_41 : memref<1x625x72xf32, #tpu.memory_space<hbm>> -> memref<625x72xf32, #tpu.memory_space<hbm>>
      tpu.enqueue_dma source(%dma_start3A_42 : memref<625x72xf32, #tpu.memory_space<hbm>>) target(%dma_start3A_39 : memref<625x72xf32, #tpu.memory_space<vmem_shared>>) target_semaphore(%run_scoped3A_38 : memref<!tpu.dma_semaphore, #tpu.memory_space<semaphore_mem>>)
      %dma_wait3A = arith.constant 0 : i32
      %dma_wait3A_43 = tpu.memref_slice %arg11[%mul3A_4, %dma_wait3A] : memref<10000x72xf32, #tpu.memory_space<vmem_shared>> -> memref<625x72xf32, #tpu.memory_space<vmem_shared>>
      %dma_wait3A_44 = arith.constant 0 : i32
      %dma_wait3A_45 = tpu.memref_slice %arg2[%run_scoped3A, %mul3A_2, %dma_wait3A_44] : memref<2x10000x72xf32, #tpu.memory_space<hbm>> -> memref<1x625x72xf32, #tpu.memory_space<hbm>>
      %dma_wait3A_46 = tpu.memref_squeeze %dma_wait3A_45 : memref<1x625x72xf32, #tpu.memory_space<hbm>> -> memref<625x72xf32, #tpu.memory_space<hbm>>
      tpu.wait_dma2 semaphore(%run_scoped3A_38 : memref<!tpu.dma_semaphore, #tpu.memory_space<semaphore_mem>>) src(%dma_wait3A_46 : memref<625x72xf32, #tpu.memory_space<hbm>>) dst(%dma_wait3A_43 : memref<625x72xf32, #tpu.memory_space<vmem_shared>>)
      tpu.yield
    }) : () -> ()
    %mul3A_5 = arith.constant 632 : i32
    %mul3A_6 = arith.muli %arg1, %mul3A_5 : i32
    "tpu.region"() ({
      %run_scoped3A_38 = tpu.sem_alloc : memref<!tpu.dma_semaphore, #tpu.memory_space<semaphore_mem>>
      %dma_start3A = arith.constant 0 : i32
      %dma_start3A_39 = tpu.memref_slice %arg12[%mul3A_6, %dma_start3A] : memref<10112x72xf32, #tpu.memory_space<vmem_shared>> -> memref<632x72xf32, #tpu.memory_space<vmem_shared>>
      tpu.enqueue_dma source(%arg5 : memref<632x72xf32, #tpu.memory_space<hbm>>) target(%dma_start3A_39 : memref<632x72xf32, #tpu.memory_space<vmem_shared>>) target_semaphore(%run_scoped3A_38 : memref<!tpu.dma_semaphore, #tpu.memory_space<semaphore_mem>>)
      %dma_wait3A = arith.constant 0 : i32
      %dma_wait3A_40 = tpu.memref_slice %arg12[%mul3A_6, %dma_wait3A] : memref<10112x72xf32, #tpu.memory_space<vmem_shared>> -> memref<632x72xf32, #tpu.memory_space<vmem_shared>>
      tpu.wait_dma2 semaphore(%run_scoped3A_38 : memref<!tpu.dma_semaphore, #tpu.memory_space<semaphore_mem>>) src(%arg5 : memref<632x72xf32, #tpu.memory_space<hbm>>) dst(%dma_wait3A_40 : memref<632x72xf32, #tpu.memory_space<vmem_shared>>)
      tpu.yield
    }) : () -> ()
    %barrier3A = arith.constant 0 : index
    tpu.barrier barrier_id(%barrier3A)
    %scan3A = arith.constant 0 : i32
    %scan3A_7 = arith.constant 0 : i32
    %scan3A_8 = arith.constant 5 : i32
    %scan3A_9 = arith.addi %scan3A_7, %scan3A_8 : i32
    %scan3A_10 = arith.constant 1 : i32
    scf.for %scan3A_38 = %scan3A_7 to %scan3A_9 step %scan3A_10  : i32 {
      %mul3A_39 = arith.constant 16 : i32
      %mul3A_40 = arith.muli %scan3A_38, %mul3A_39 : i32
      "tpu.region"() ({
        %run_scoped3A_281 = tpu.sem_alloc : memref<!tpu.dma_semaphore, #tpu.memory_space<semaphore_mem>>
        %dma_start3A_282 = arith.constant 0 : i32
        %dma_start3A_283 = tpu.memref_slice %arg3[%add3A, %mul3A_40, %dma_start3A_282] : memref<32x80x128xi32, #tpu.memory_space<hbm>> -> memref<1x16x128xi32, #tpu.memory_space<hbm>>
        %dma_start3A_284 = tpu.memref_squeeze %dma_start3A_283 : memref<1x16x128xi32, #tpu.memory_space<hbm>> -> memref<16x128xi32, #tpu.memory_space<hbm>>
        %dma_start3A_285 = arith.constant 0 : i32
        %dma_start3A_286 = tpu.memref_slice %arg3[%add3A, %mul3A_40, %dma_start3A_285] : memref<32x80x128xi32, #tpu.memory_space<hbm>> -> memref<1x16x128xi32, #tpu.memory_space<hbm>>
        %dma_start3A_287 = tpu.memref_squeeze %dma_start3A_286 : memref<1x16x128xi32, #tpu.memory_space<hbm>> -> memref<16x128xi32, #tpu.memory_space<hbm>>
        tpu.enqueue_dma source(%dma_start3A_287 : memref<16x128xi32, #tpu.memory_space<hbm>>) target(%arg7 : memref<16x128xi32, #tpu.memory_space<vmem>>) target_semaphore(%run_scoped3A_281 : memref<!tpu.dma_semaphore, #tpu.memory_space<semaphore_mem>>)
        %dma_wait3A_288 = arith.constant 0 : i32
        %dma_wait3A_289 = tpu.memref_slice %arg3[%add3A, %mul3A_40, %dma_wait3A_288] : memref<32x80x128xi32, #tpu.memory_space<hbm>> -> memref<1x16x128xi32, #tpu.memory_space<hbm>>
        %dma_wait3A_290 = tpu.memref_squeeze %dma_wait3A_289 : memref<1x16x128xi32, #tpu.memory_space<hbm>> -> memref<16x128xi32, #tpu.memory_space<hbm>>
        %dma_wait3A_291 = arith.constant 0 : i32
        %dma_wait3A_292 = tpu.memref_slice %arg3[%add3A, %mul3A_40, %dma_wait3A_291] : memref<32x80x128xi32, #tpu.memory_space<hbm>> -> memref<1x16x128xi32, #tpu.memory_space<hbm>>
        %dma_wait3A_293 = tpu.memref_squeeze %dma_wait3A_292 : memref<1x16x128xi32, #tpu.memory_space<hbm>> -> memref<16x128xi32, #tpu.memory_space<hbm>>
        tpu.wait_dma2 semaphore(%run_scoped3A_281 : memref<!tpu.dma_semaphore, #tpu.memory_space<semaphore_mem>>) src(%dma_wait3A_293 : memref<16x128xi32, #tpu.memory_space<hbm>>) dst(%arg7 : memref<16x128xi32, #tpu.memory_space<vmem>>)
        tpu.yield
      }) : () -> ()
      %mul3A_41 = arith.constant 16 : i32
      %mul3A_42 = arith.muli %scan3A_38, %mul3A_41 : i32
      "tpu.region"() ({
        %run_scoped3A_281 = tpu.sem_alloc : memref<!tpu.dma_semaphore, #tpu.memory_space<semaphore_mem>>
        %dma_start3A_282 = arith.constant 0 : i32
        %dma_start3A_283 = tpu.memref_slice %arg4[%add3A, %mul3A_42, %dma_start3A_282] : memref<32x80x128xi32, #tpu.memory_space<hbm>> -> memref<1x16x128xi32, #tpu.memory_space<hbm>>
        %dma_start3A_284 = tpu.memref_squeeze %dma_start3A_283 : memref<1x16x128xi32, #tpu.memory_space<hbm>> -> memref<16x128xi32, #tpu.memory_space<hbm>>
        %dma_start3A_285 = arith.constant 0 : i32
        %dma_start3A_286 = tpu.memref_slice %arg4[%add3A, %mul3A_42, %dma_start3A_285] : memref<32x80x128xi32, #tpu.memory_space<hbm>> -> memref<1x16x128xi32, #tpu.memory_space<hbm>>
        %dma_start3A_287 = tpu.memref_squeeze %dma_start3A_286 : memref<1x16x128xi32, #tpu.memory_space<hbm>> -> memref<16x128xi32, #tpu.memory_space<hbm>>
        tpu.enqueue_dma source(%dma_start3A_287 : memref<16x128xi32, #tpu.memory_space<hbm>>) target(%arg8 : memref<16x128xi32, #tpu.memory_space<vmem>>) target_semaphore(%run_scoped3A_281 : memref<!tpu.dma_semaphore, #tpu.memory_space<semaphore_mem>>)
        %dma_wait3A_288 = arith.constant 0 : i32
        %dma_wait3A_289 = tpu.memref_slice %arg4[%add3A, %mul3A_42, %dma_wait3A_288] : memref<32x80x128xi32, #tpu.memory_space<hbm>> -> memref<1x16x128xi32, #tpu.memory_space<hbm>>
        %dma_wait3A_290 = tpu.memref_squeeze %dma_wait3A_289 : memref<1x16x128xi32, #tpu.memory_space<hbm>> -> memref<16x128xi32, #tpu.memory_space<hbm>>
        %dma_wait3A_291 = arith.constant 0 : i32
        %dma_wait3A_292 = tpu.memref_slice %arg4[%add3A, %mul3A_42, %dma_wait3A_291] : memref<32x80x128xi32, #tpu.memory_space<hbm>> -> memref<1x16x128xi32, #tpu.memory_space<hbm>>
        %dma_wait3A_293 = tpu.memref_squeeze %dma_wait3A_292 : memref<1x16x128xi32, #tpu.memory_space<hbm>> -> memref<16x128xi32, #tpu.memory_space<hbm>>
        tpu.wait_dma2 semaphore(%run_scoped3A_281 : memref<!tpu.dma_semaphore, #tpu.memory_space<semaphore_mem>>) src(%dma_wait3A_293 : memref<16x128xi32, #tpu.memory_space<hbm>>) dst(%arg8 : memref<16x128xi32, #tpu.memory_space<vmem>>)
        tpu.yield
      }) : () -> ()
      %dma_start3A = arith.constant 0 : i32
      %dma_start3A_43 = arith.constant 0 : i32
      %dma_start3A_44 = tpu.memref_slice %arg7[%dma_start3A, %dma_start3A_43] : memref<16x128xi32, #tpu.memory_space<vmem>> -> memref<1x128xi32, #tpu.memory_space<vmem>>
      %dma_start3A_45 = tpu.memref_squeeze %dma_start3A_44 : memref<1x128xi32, #tpu.memory_space<vmem>> -> memref<128xi32, #tpu.memory_space<vmem>>
      %dma_start3A_46 = arith.constant 0 : i32
      %dma_start3A_47 = arith.constant 0 : i32
      %dma_start3A_48 = tpu.memref_slice %arg11[%dma_start3A_46, %dma_start3A_47] : memref<10000x72xf32, #tpu.memory_space<vmem_shared>> -> memref<10000x72xf32, #tpu.memory_space<vmem_shared>>
      tpu.enqueue_indirect_dma source(%dma_start3A_48 : memref<10000x72xf32, #tpu.memory_space<vmem_shared>>) target(%arg9 : memref<128x72xf32, #tpu.memory_space<vmem>>) offsets(%dma_start3A_45 : memref<128xi32, #tpu.memory_space<vmem>>) semaphore(%arg13 : memref<!tpu.dma_semaphore, #tpu.memory_space<semaphore_mem>>)
      %dma_wait3A = arith.constant 0 : i32
      %dma_wait3A_49 = arith.constant 0 : i32
      %dma_wait3A_50 = tpu.memref_slice %arg7[%dma_wait3A, %dma_wait3A_49] : memref<16x128xi32, #tpu.memory_space<vmem>> -> memref<1x128xi32, #tpu.memory_space<vmem>>
      %dma_wait3A_51 = tpu.memref_squeeze %dma_wait3A_50 : memref<1x128xi32, #tpu.memory_space<vmem>> -> memref<128xi32, #tpu.memory_space<vmem>>
      %dma_wait3A_52 = arith.constant 0 : i32
      %dma_wait3A_53 = arith.constant 0 : i32
      %dma_wait3A_54 = tpu.memref_slice %arg11[%dma_wait3A_52, %dma_wait3A_53] : memref<10000x72xf32, #tpu.memory_space<vmem_shared>> -> memref<10000x72xf32, #tpu.memory_space<vmem_shared>>
      tpu.wait_indirect_dma semaphore(%arg13 : memref<!tpu.dma_semaphore, #tpu.memory_space<semaphore_mem>>) src(%dma_wait3A_54 : memref<10000x72xf32, #tpu.memory_space<vmem_shared>>) dst(%arg9 : memref<128x72xf32, #tpu.memory_space<vmem>>)
      %dma_start3A_55 = arith.constant 1 : i32
      %dma_start3A_56 = arith.constant 0 : i32
      %dma_start3A_57 = tpu.memref_slice %arg7[%dma_start3A_55, %dma_start3A_56] : memref<16x128xi32, #tpu.memory_space<vmem>> -> memref<1x128xi32, #tpu.memory_space<vmem>>
      %dma_start3A_58 = tpu.memref_squeeze %dma_start3A_57 : memref<1x128xi32, #tpu.memory_space<vmem>> -> memref<128xi32, #tpu.memory_space<vmem>>
      %dma_start3A_59 = arith.constant 0 : i32
      %dma_start3A_60 = arith.constant 0 : i32
      %dma_start3A_61 = tpu.memref_slice %arg11[%dma_start3A_59, %dma_start3A_60] : memref<10000x72xf32, #tpu.memory_space<vmem_shared>> -> memref<10000x72xf32, #tpu.memory_space<vmem_shared>>
      tpu.enqueue_indirect_dma source(%dma_start3A_61 : memref<10000x72xf32, #tpu.memory_space<vmem_shared>>) target(%arg10 : memref<128x72xf32, #tpu.memory_space<vmem>>) offsets(%dma_start3A_58 : memref<128xi32, #tpu.memory_space<vmem>>) semaphore(%arg14 : memref<!tpu.dma_semaphore, #tpu.memory_space<semaphore_mem>>)
      %run_scoped3A_62 = arith.constant 0 : i32
      "tpu.region"() ({
        %run_scoped3A_281 = tpu.sem_alloc : memref<!tpu.dma_semaphore, #tpu.memory_space<semaphore_mem>>
        %dma_start3A_282 = arith.constant 0 : i32
        %dma_start3A_283 = tpu.memref_slice %arg8[%run_scoped3A_62, %dma_start3A_282] : memref<16x128xi32, #tpu.memory_space<vmem>> -> memref<1x128xi32, #tpu.memory_space<vmem>>
        %dma_start3A_284 = tpu.memref_squeeze %dma_start3A_283 : memref<1x128xi32, #tpu.memory_space<vmem>> -> memref<128xi32, #tpu.memory_space<vmem>>
        %dma_start3A_285 = arith.constant 0 : i32
        %dma_start3A_286 = arith.constant 0 : i32
        %dma_start3A_287 = tpu.memref_slice %arg12[%dma_start3A_285, %dma_start3A_286] : memref<10112x72xf32, #tpu.memory_space<vmem_shared>> -> memref<10112x72xf32, #tpu.memory_space<vmem_shared>>
        tpu.enqueue_indirect_dma source(%arg9 : memref<128x72xf32, #tpu.memory_space<vmem>>) target(%dma_start3A_287 : memref<10112x72xf32, #tpu.memory_space<vmem_shared>>) offsets(%dma_start3A_284 : memref<128xi32, #tpu.memory_space<vmem>>) semaphore(%run_scoped3A_281 : memref<!tpu.dma_semaphore, #tpu.memory_space<semaphore_mem>>) {add = true}
        %dma_wait3A_288 = arith.constant 0 : i32
        %dma_wait3A_289 = tpu.memref_slice %arg8[%run_scoped3A_62, %dma_wait3A_288] : memref<16x128xi32, #tpu.memory_space<vmem>> -> memref<1x128xi32, #tpu.memory_space<vmem>>
        %dma_wait3A_290 = tpu.memref_squeeze %dma_wait3A_289 : memref<1x128xi32, #tpu.memory_space<vmem>> -> memref<128xi32, #tpu.memory_space<vmem>>
        %dma_wait3A_291 = arith.constant 0 : i32
        %dma_wait3A_292 = arith.constant 0 : i32
        %dma_wait3A_293 = tpu.memref_slice %arg12[%dma_wait3A_291, %dma_wait3A_292] : memref<10112x72xf32, #tpu.memory_space<vmem_shared>> -> memref<10112x72xf32, #tpu.memory_space<vmem_shared>>
        tpu.wait_indirect_dma semaphore(%run_scoped3A_281 : memref<!tpu.dma_semaphore, #tpu.memory_space<semaphore_mem>>) src(%arg9 : memref<128x72xf32, #tpu.memory_space<vmem>>) dst(%dma_wait3A_293 : memref<10112x72xf32, #tpu.memory_space<vmem_shared>>)
        tpu.yield
      }) : () -> ()
      %dma_wait3A_63 = arith.constant 1 : i32
      %dma_wait3A_64 = arith.constant 0 : i32
      %dma_wait3A_65 = tpu.memref_slice %arg7[%dma_wait3A_63, %dma_wait3A_64] : memref<16x128xi32, #tpu.memory_space<vmem>> -> memref<1x128xi32, #tpu.memory_space<vmem>>
      %dma_wait3A_66 = tpu.memref_squeeze %dma_wait3A_65 : memref<1x128xi32, #tpu.memory_space<vmem>> -> memref<128xi32, #tpu.memory_space<vmem>>
      %dma_wait3A_67 = arith.constant 0 : i32
      %dma_wait3A_68 = arith.constant 0 : i32
      %dma_wait3A_69 = tpu.memref_slice %arg11[%dma_wait3A_67, %dma_wait3A_68] : memref<10000x72xf32, #tpu.memory_space<vmem_shared>> -> memref<10000x72xf32, #tpu.memory_space<vmem_shared>>
      tpu.wait_indirect_dma semaphore(%arg14 : memref<!tpu.dma_semaphore, #tpu.memory_space<semaphore_mem>>) src(%dma_wait3A_69 : memref<10000x72xf32, #tpu.memory_space<vmem_shared>>) dst(%arg10 : memref<128x72xf32, #tpu.memory_space<vmem>>)
      %dma_start3A_70 = arith.constant 2 : i32
      %dma_start3A_71 = arith.constant 0 : i32
      %dma_start3A_72 = tpu.memref_slice %arg7[%dma_start3A_70, %dma_start3A_71] : memref<16x128xi32, #tpu.memory_space<vmem>> -> memref<1x128xi32, #tpu.memory_space<vmem>>
      %dma_start3A_73 = tpu.memref_squeeze %dma_start3A_72 : memref<1x128xi32, #tpu.memory_space<vmem>> -> memref<128xi32, #tpu.memory_space<vmem>>
      %dma_start3A_74 = arith.constant 0 : i32
      %dma_start3A_75 = arith.constant 0 : i32
      %dma_start3A_76 = tpu.memref_slice %arg11[%dma_start3A_74, %dma_start3A_75] : memref<10000x72xf32, #tpu.memory_space<vmem_shared>> -> memref<10000x72xf32, #tpu.memory_space<vmem_shared>>
      tpu.enqueue_indirect_dma source(%dma_start3A_76 : memref<10000x72xf32, #tpu.memory_space<vmem_shared>>) target(%arg9 : memref<128x72xf32, #tpu.memory_space<vmem>>) offsets(%dma_start3A_73 : memref<128xi32, #tpu.memory_space<vmem>>) semaphore(%arg13 : memref<!tpu.dma_semaphore, #tpu.memory_space<semaphore_mem>>)
      %run_scoped3A_77 = arith.constant 1 : i32
      "tpu.region"() ({
        %run_scoped3A_281 = tpu.sem_alloc : memref<!tpu.dma_semaphore, #tpu.memory_space<semaphore_mem>>
        %dma_start3A_282 = arith.constant 0 : i32
        %dma_start3A_283 = tpu.memref_slice %arg8[%run_scoped3A_77, %dma_start3A_282] : memref<16x128xi32, #tpu.memory_space<vmem>> -> memref<1x128xi32, #tpu.memory_space<vmem>>
        %dma_start3A_284 = tpu.memref_squeeze %dma_start3A_283 : memref<1x128xi32, #tpu.memory_space<vmem>> -> memref<128xi32, #tpu.memory_space<vmem>>
        %dma_start3A_285 = arith.constant 0 : i32
        %dma_start3A_286 = arith.constant 0 : i32
        %dma_start3A_287 = tpu.memref_slice %arg12[%dma_start3A_285, %dma_start3A_286] : memref<10112x72xf32, #tpu.memory_space<vmem_shared>> -> memref<10112x72xf32, #tpu.memory_space<vmem_shared>>
        tpu.enqueue_indirect_dma source(%arg10 : memref<128x72xf32, #tpu.memory_space<vmem>>) target(%dma_start3A_287 : memref<10112x72xf32, #tpu.memory_space<vmem_shared>>) offsets(%dma_start3A_284 : memref<128xi32, #tpu.memory_space<vmem>>) semaphore(%run_scoped3A_281 : memref<!tpu.dma_semaphore, #tpu.memory_space<semaphore_mem>>) {add = true}
        %dma_wait3A_288 = arith.constant 0 : i32
        %dma_wait3A_289 = tpu.memref_slice %arg8[%run_scoped3A_77, %dma_wait3A_288] : memref<16x128xi32, #tpu.memory_space<vmem>> -> memref<1x128xi32, #tpu.memory_space<vmem>>
        %dma_wait3A_290 = tpu.memref_squeeze %dma_wait3A_289 : memref<1x128xi32, #tpu.memory_space<vmem>> -> memref<128xi32, #tpu.memory_space<vmem>>
        %dma_wait3A_291 = arith.constant 0 : i32
        %dma_wait3A_292 = arith.constant 0 : i32
        %dma_wait3A_293 = tpu.memref_slice %arg12[%dma_wait3A_291, %dma_wait3A_292] : memref<10112x72xf32, #tpu.memory_space<vmem_shared>> -> memref<10112x72xf32, #tpu.memory_space<vmem_shared>>
        tpu.wait_indirect_dma semaphore(%run_scoped3A_281 : memref<!tpu.dma_semaphore, #tpu.memory_space<semaphore_mem>>) src(%arg10 : memref<128x72xf32, #tpu.memory_space<vmem>>) dst(%dma_wait3A_293 : memref<10112x72xf32, #tpu.memory_space<vmem_shared>>)
        tpu.yield
      }) : () -> ()
      %dma_wait3A_78 = arith.constant 2 : i32
      %dma_wait3A_79 = arith.constant 0 : i32
      %dma_wait3A_80 = tpu.memref_slice %arg7[%dma_wait3A_78, %dma_wait3A_79] : memref<16x128xi32, #tpu.memory_space<vmem>> -> memref<1x128xi32, #tpu.memory_space<vmem>>
      %dma_wait3A_81 = tpu.memref_squeeze %dma_wait3A_80 : memref<1x128xi32, #tpu.memory_space<vmem>> -> memref<128xi32, #tpu.memory_space<vmem>>
      %dma_wait3A_82 = arith.constant 0 : i32
      %dma_wait3A_83 = arith.constant 0 : i32
      %dma_wait3A_84 = tpu.memref_slice %arg11[%dma_wait3A_82, %dma_wait3A_83] : memref<10000x72xf32, #tpu.memory_space<vmem_shared>> -> memref<10000x72xf32, #tpu.memory_space<vmem_shared>>
      tpu.wait_indirect_dma semaphore(%arg13 : memref<!tpu.dma_semaphore, #tpu.memory_space<semaphore_mem>>) src(%dma_wait3A_84 : memref<10000x72xf32, #tpu.memory_space<vmem_shared>>) dst(%arg9 : memref<128x72xf32, #tpu.memory_space<vmem>>)
      %dma_start3A_85 = arith.constant 3 : i32
      %dma_start3A_86 = arith.constant 0 : i32
      %dma_start3A_87 = tpu.memref_slice %arg7[%dma_start3A_85, %dma_start3A_86] : memref<16x128xi32, #tpu.memory_space<vmem>> -> memref<1x128xi32, #tpu.memory_space<vmem>>
      %dma_start3A_88 = tpu.memref_squeeze %dma_start3A_87 : memref<1x128xi32, #tpu.memory_space<vmem>> -> memref<128xi32, #tpu.memory_space<vmem>>
      %dma_start3A_89 = arith.constant 0 : i32
      %dma_start3A_90 = arith.constant 0 : i32
      %dma_start3A_91 = tpu.memref_slice %arg11[%dma_start3A_89, %dma_start3A_90] : memref<10000x72xf32, #tpu.memory_space<vmem_shared>> -> memref<10000x72xf32, #tpu.memory_space<vmem_shared>>
      tpu.enqueue_indirect_dma source(%dma_start3A_91 : memref<10000x72xf32, #tpu.memory_space<vmem_shared>>) target(%arg10 : memref<128x72xf32, #tpu.memory_space<vmem>>) offsets(%dma_start3A_88 : memref<128xi32, #tpu.memory_space<vmem>>) semaphore(%arg14 : memref<!tpu.dma_semaphore, #tpu.memory_space<semaphore_mem>>)
      %run_scoped3A_92 = arith.constant 2 : i32
      "tpu.region"() ({
        %run_scoped3A_281 = tpu.sem_alloc : memref<!tpu.dma_semaphore, #tpu.memory_space<semaphore_mem>>
        %dma_start3A_282 = arith.constant 0 : i32
        %dma_start3A_283 = tpu.memref_slice %arg8[%run_scoped3A_92, %dma_start3A_282] : memref<16x128xi32, #tpu.memory_space<vmem>> -> memref<1x128xi32, #tpu.memory_space<vmem>>
        %dma_start3A_284 = tpu.memref_squeeze %dma_start3A_283 : memref<1x128xi32, #tpu.memory_space<vmem>> -> memref<128xi32, #tpu.memory_space<vmem>>
        %dma_start3A_285 = arith.constant 0 : i32
        %dma_start3A_286 = arith.constant 0 : i32
        %dma_start3A_287 = tpu.memref_slice %arg12[%dma_start3A_285, %dma_start3A_286] : memref<10112x72xf32, #tpu.memory_space<vmem_shared>> -> memref<10112x72xf32, #tpu.memory_space<vmem_shared>>
        tpu.enqueue_indirect_dma source(%arg9 : memref<128x72xf32, #tpu.memory_space<vmem>>) target(%dma_start3A_287 : memref<10112x72xf32, #tpu.memory_space<vmem_shared>>) offsets(%dma_start3A_284 : memref<128xi32, #tpu.memory_space<vmem>>) semaphore(%run_scoped3A_281 : memref<!tpu.dma_semaphore, #tpu.memory_space<semaphore_mem>>) {add = true}
        %dma_wait3A_288 = arith.constant 0 : i32
        %dma_wait3A_289 = tpu.memref_slice %arg8[%run_scoped3A_92, %dma_wait3A_288] : memref<16x128xi32, #tpu.memory_space<vmem>> -> memref<1x128xi32, #tpu.memory_space<vmem>>
        %dma_wait3A_290 = tpu.memref_squeeze %dma_wait3A_289 : memref<1x128xi32, #tpu.memory_space<vmem>> -> memref<128xi32, #tpu.memory_space<vmem>>
        %dma_wait3A_291 = arith.constant 0 : i32
        %dma_wait3A_292 = arith.constant 0 : i32
        %dma_wait3A_293 = tpu.memref_slice %arg12[%dma_wait3A_291, %dma_wait3A_292] : memref<10112x72xf32, #tpu.memory_space<vmem_shared>> -> memref<10112x72xf32, #tpu.memory_space<vmem_shared>>
        tpu.wait_indirect_dma semaphore(%run_scoped3A_281 : memref<!tpu.dma_semaphore, #tpu.memory_space<semaphore_mem>>) src(%arg9 : memref<128x72xf32, #tpu.memory_space<vmem>>) dst(%dma_wait3A_293 : memref<10112x72xf32, #tpu.memory_space<vmem_shared>>)
        tpu.yield
      }) : () -> ()
      %dma_wait3A_93 = arith.constant 3 : i32
      %dma_wait3A_94 = arith.constant 0 : i32
      %dma_wait3A_95 = tpu.memref_slice %arg7[%dma_wait3A_93, %dma_wait3A_94] : memref<16x128xi32, #tpu.memory_space<vmem>> -> memref<1x128xi32, #tpu.memory_space<vmem>>
      %dma_wait3A_96 = tpu.memref_squeeze %dma_wait3A_95 : memref<1x128xi32, #tpu.memory_space<vmem>> -> memref<128xi32, #tpu.memory_space<vmem>>
      %dma_wait3A_97 = arith.constant 0 : i32
      %dma_wait3A_98 = arith.constant 0 : i32
      %dma_wait3A_99 = tpu.memref_slice %arg11[%dma_wait3A_97, %dma_wait3A_98] : memref<10000x72xf32, #tpu.memory_space<vmem_shared>> -> memref<10000x72xf32, #tpu.memory_space<vmem_shared>>
      tpu.wait_indirect_dma semaphore(%arg14 : memref<!tpu.dma_semaphore, #tpu.memory_space<semaphore_mem>>) src(%dma_wait3A_99 : memref<10000x72xf32, #tpu.memory_space<vmem_shared>>) dst(%arg10 : memref<128x72xf32, #tpu.memory_space<vmem>>)
      %dma_start3A_100 = arith.constant 4 : i32
      %dma_start3A_101 = arith.constant 0 : i32
      %dma_start3A_102 = tpu.memref_slice %arg7[%dma_start3A_100, %dma_start3A_101] : memref<16x128xi32, #tpu.memory_space<vmem>> -> memref<1x128xi32, #tpu.memory_space<vmem>>
      %dma_start3A_103 = tpu.memref_squeeze %dma_start3A_102 : memref<1x128xi32, #tpu.memory_space<vmem>> -> memref<128xi32, #tpu.memory_space<vmem>>
      %dma_start3A_104 = arith.constant 0 : i32
      %dma_start3A_105 = arith.constant 0 : i32
      %dma_start3A_106 = tpu.memref_slice %arg11[%dma_start3A_104, %dma_start3A_105] : memref<10000x72xf32, #tpu.memory_space<vmem_shared>> -> memref<10000x72xf32, #tpu.memory_space<vmem_shared>>
      tpu.enqueue_indirect_dma source(%dma_start3A_106 : memref<10000x72xf32, #tpu.memory_space<vmem_shared>>) target(%arg9 : memref<128x72xf32, #tpu.memory_space<vmem>>) offsets(%dma_start3A_103 : memref<128xi32, #tpu.memory_space<vmem>>) semaphore(%arg13 : memref<!tpu.dma_semaphore, #tpu.memory_space<semaphore_mem>>)
      %run_scoped3A_107 = arith.constant 3 : i32
      "tpu.region"() ({
        %run_scoped3A_281 = tpu.sem_alloc : memref<!tpu.dma_semaphore, #tpu.memory_space<semaphore_mem>>
        %dma_start3A_282 = arith.constant 0 : i32
        %dma_start3A_283 = tpu.memref_slice %arg8[%run_scoped3A_107, %dma_start3A_282] : memref<16x128xi32, #tpu.memory_space<vmem>> -> memref<1x128xi32, #tpu.memory_space<vmem>>
        %dma_start3A_284 = tpu.memref_squeeze %dma_start3A_283 : memref<1x128xi32, #tpu.memory_space<vmem>> -> memref<128xi32, #tpu.memory_space<vmem>>
        %dma_start3A_285 = arith.constant 0 : i32
        %dma_start3A_286 = arith.constant 0 : i32
        %dma_start3A_287 = tpu.memref_slice %arg12[%dma_start3A_285, %dma_start3A_286] : memref<10112x72xf32, #tpu.memory_space<vmem_shared>> -> memref<10112x72xf32, #tpu.memory_space<vmem_shared>>
        tpu.enqueue_indirect_dma source(%arg10 : memref<128x72xf32, #tpu.memory_space<vmem>>) target(%dma_start3A_287 : memref<10112x72xf32, #tpu.memory_space<vmem_shared>>) offsets(%dma_start3A_284 : memref<128xi32, #tpu.memory_space<vmem>>) semaphore(%run_scoped3A_281 : memref<!tpu.dma_semaphore, #tpu.memory_space<semaphore_mem>>) {add = true}
        %dma_wait3A_288 = arith.constant 0 : i32
        %dma_wait3A_289 = tpu.memref_slice %arg8[%run_scoped3A_107, %dma_wait3A_288] : memref<16x128xi32, #tpu.memory_space<vmem>> -> memref<1x128xi32, #tpu.memory_space<vmem>>
        %dma_wait3A_290 = tpu.memref_squeeze %dma_wait3A_289 : memref<1x128xi32, #tpu.memory_space<vmem>> -> memref<128xi32, #tpu.memory_space<vmem>>
        %dma_wait3A_291 = arith.constant 0 : i32
        %dma_wait3A_292 = arith.constant 0 : i32
        %dma_wait3A_293 = tpu.memref_slice %arg12[%dma_wait3A_291, %dma_wait3A_292] : memref<10112x72xf32, #tpu.memory_space<vmem_shared>> -> memref<10112x72xf32, #tpu.memory_space<vmem_shared>>
        tpu.wait_indirect_dma semaphore(%run_scoped3A_281 : memref<!tpu.dma_semaphore, #tpu.memory_space<semaphore_mem>>) src(%arg10 : memref<128x72xf32, #tpu.memory_space<vmem>>) dst(%dma_wait3A_293 : memref<10112x72xf32, #tpu.memory_space<vmem_shared>>)
        tpu.yield
      }) : () -> ()
      %dma_wait3A_108 = arith.constant 4 : i32
      %dma_wait3A_109 = arith.constant 0 : i32
      %dma_wait3A_110 = tpu.memref_slice %arg7[%dma_wait3A_108, %dma_wait3A_109] : memref<16x128xi32, #tpu.memory_space<vmem>> -> memref<1x128xi32, #tpu.memory_space<vmem>>
      %dma_wait3A_111 = tpu.memref_squeeze %dma_wait3A_110 : memref<1x128xi32, #tpu.memory_space<vmem>> -> memref<128xi32, #tpu.memory_space<vmem>>
      %dma_wait3A_112 = arith.constant 0 : i32
      %dma_wait3A_113 = arith.constant 0 : i32
      %dma_wait3A_114 = tpu.memref_slice %arg11[%dma_wait3A_112, %dma_wait3A_113] : memref<10000x72xf32, #tpu.memory_space<vmem_shared>> -> memref<10000x72xf32, #tpu.memory_space<vmem_shared>>
      tpu.wait_indirect_dma semaphore(%arg13 : memref<!tpu.dma_semaphore, #tpu.memory_space<semaphore_mem>>) src(%dma_wait3A_114 : memref<10000x72xf32, #tpu.memory_space<vmem_shared>>) dst(%arg9 : memref<128x72xf32, #tpu.memory_space<vmem>>)
      %dma_start3A_115 = arith.constant 5 : i32
      %dma_start3A_116 = arith.constant 0 : i32
      %dma_start3A_117 = tpu.memref_slice %arg7[%dma_start3A_115, %dma_start3A_116] : memref<16x128xi32, #tpu.memory_space<vmem>> -> memref<1x128xi32, #tpu.memory_space<vmem>>
      %dma_start3A_118 = tpu.memref_squeeze %dma_start3A_117 : memref<1x128xi32, #tpu.memory_space<vmem>> -> memref<128xi32, #tpu.memory_space<vmem>>
      %dma_start3A_119 = arith.constant 0 : i32
      %dma_start3A_120 = arith.constant 0 : i32
      %dma_start3A_121 = tpu.memref_slice %arg11[%dma_start3A_119, %dma_start3A_120] : memref<10000x72xf32, #tpu.memory_space<vmem_shared>> -> memref<10000x72xf32, #tpu.memory_space<vmem_shared>>
      tpu.enqueue_indirect_dma source(%dma_start3A_121 : memref<10000x72xf32, #tpu.memory_space<vmem_shared>>) target(%arg10 : memref<128x72xf32, #tpu.memory_space<vmem>>) offsets(%dma_start3A_118 : memref<128xi32, #tpu.memory_space<vmem>>) semaphore(%arg14 : memref<!tpu.dma_semaphore, #tpu.memory_space<semaphore_mem>>)
      %run_scoped3A_122 = arith.constant 4 : i32
      "tpu.region"() ({
        %run_scoped3A_281 = tpu.sem_alloc : memref<!tpu.dma_semaphore, #tpu.memory_space<semaphore_mem>>
        %dma_start3A_282 = arith.constant 0 : i32
        %dma_start3A_283 = tpu.memref_slice %arg8[%run_scoped3A_122, %dma_start3A_282] : memref<16x128xi32, #tpu.memory_space<vmem>> -> memref<1x128xi32, #tpu.memory_space<vmem>>
        %dma_start3A_284 = tpu.memref_squeeze %dma_start3A_283 : memref<1x128xi32, #tpu.memory_space<vmem>> -> memref<128xi32, #tpu.memory_space<vmem>>
        %dma_start3A_285 = arith.constant 0 : i32
        %dma_start3A_286 = arith.constant 0 : i32
        %dma_start3A_287 = tpu.memref_slice %arg12[%dma_start3A_285, %dma_start3A_286] : memref<10112x72xf32, #tpu.memory_space<vmem_shared>> -> memref<10112x72xf32, #tpu.memory_space<vmem_shared>>
        tpu.enqueue_indirect_dma source(%arg9 : memref<128x72xf32, #tpu.memory_space<vmem>>) target(%dma_start3A_287 : memref<10112x72xf32, #tpu.memory_space<vmem_shared>>) offsets(%dma_start3A_284 : memref<128xi32, #tpu.memory_space<vmem>>) semaphore(%run_scoped3A_281 : memref<!tpu.dma_semaphore, #tpu.memory_space<semaphore_mem>>) {add = true}
        %dma_wait3A_288 = arith.constant 0 : i32
        %dma_wait3A_289 = tpu.memref_slice %arg8[%run_scoped3A_122, %dma_wait3A_288] : memref<16x128xi32, #tpu.memory_space<vmem>> -> memref<1x128xi32, #tpu.memory_space<vmem>>
        %dma_wait3A_290 = tpu.memref_squeeze %dma_wait3A_289 : memref<1x128xi32, #tpu.memory_space<vmem>> -> memref<128xi32, #tpu.memory_space<vmem>>
        %dma_wait3A_291 = arith.constant 0 : i32
        %dma_wait3A_292 = arith.constant 0 : i32
        %dma_wait3A_293 = tpu.memref_slice %arg12[%dma_wait3A_291, %dma_wait3A_292] : memref<10112x72xf32, #tpu.memory_space<vmem_shared>> -> memref<10112x72xf32, #tpu.memory_space<vmem_shared>>
        tpu.wait_indirect_dma semaphore(%run_scoped3A_281 : memref<!tpu.dma_semaphore, #tpu.memory_space<semaphore_mem>>) src(%arg9 : memref<128x72xf32, #tpu.memory_space<vmem>>) dst(%dma_wait3A_293 : memref<10112x72xf32, #tpu.memory_space<vmem_shared>>)
        tpu.yield
      }) : () -> ()
      %dma_wait3A_123 = arith.constant 5 : i32
      %dma_wait3A_124 = arith.constant 0 : i32
      %dma_wait3A_125 = tpu.memref_slice %arg7[%dma_wait3A_123, %dma_wait3A_124] : memref<16x128xi32, #tpu.memory_space<vmem>> -> memref<1x128xi32, #tpu.memory_space<vmem>>
      %dma_wait3A_126 = tpu.memref_squeeze %dma_wait3A_125 : memref<1x128xi32, #tpu.memory_space<vmem>> -> memref<128xi32, #tpu.memory_space<vmem>>
      %dma_wait3A_127 = arith.constant 0 : i32
      %dma_wait3A_128 = arith.constant 0 : i32
      %dma_wait3A_129 = tpu.memref_slice %arg11[%dma_wait3A_127, %dma_wait3A_128] : memref<10000x72xf32, #tpu.memory_space<vmem_shared>> -> memref<10000x72xf32, #tpu.memory_space<vmem_shared>>
      tpu.wait_indirect_dma semaphore(%arg14 : memref<!tpu.dma_semaphore, #tpu.memory_space<semaphore_mem>>) src(%dma_wait3A_129 : memref<10000x72xf32, #tpu.memory_space<vmem_shared>>) dst(%arg10 : memref<128x72xf32, #tpu.memory_space<vmem>>)
      %dma_start3A_130 = arith.constant 6 : i32
      %dma_start3A_131 = arith.constant 0 : i32
      %dma_start3A_132 = tpu.memref_slice %arg7[%dma_start3A_130, %dma_start3A_131] : memref<16x128xi32, #tpu.memory_space<vmem>> -> memref<1x128xi32, #tpu.memory_space<vmem>>
      %dma_start3A_133 = tpu.memref_squeeze %dma_start3A_132 : memref<1x128xi32, #tpu.memory_space<vmem>> -> memref<128xi32, #tpu.memory_space<vmem>>
      %dma_start3A_134 = arith.constant 0 : i32
      %dma_start3A_135 = arith.constant 0 : i32
      %dma_start3A_136 = tpu.memref_slice %arg11[%dma_start3A_134, %dma_start3A_135] : memref<10000x72xf32, #tpu.memory_space<vmem_shared>> -> memref<10000x72xf32, #tpu.memory_space<vmem_shared>>
      tpu.enqueue_indirect_dma source(%dma_start3A_136 : memref<10000x72xf32, #tpu.memory_space<vmem_shared>>) target(%arg9 : memref<128x72xf32, #tpu.memory_space<vmem>>) offsets(%dma_start3A_133 : memref<128xi32, #tpu.memory_space<vmem>>) semaphore(%arg13 : memref<!tpu.dma_semaphore, #tpu.memory_space<semaphore_mem>>)
      %run_scoped3A_137 = arith.constant 5 : i32
      "tpu.region"() ({
        %run_scoped3A_281 = tpu.sem_alloc : memref<!tpu.dma_semaphore, #tpu.memory_space<semaphore_mem>>
        %dma_start3A_282 = arith.constant 0 : i32
        %dma_start3A_283 = tpu.memref_slice %arg8[%run_scoped3A_137, %dma_start3A_282] : memref<16x128xi32, #tpu.memory_space<vmem>> -> memref<1x128xi32, #tpu.memory_space<vmem>>
        %dma_start3A_284 = tpu.memref_squeeze %dma_start3A_283 : memref<1x128xi32, #tpu.memory_space<vmem>> -> memref<128xi32, #tpu.memory_space<vmem>>
        %dma_start3A_285 = arith.constant 0 : i32
        %dma_start3A_286 = arith.constant 0 : i32
        %dma_start3A_287 = tpu.memref_slice %arg12[%dma_start3A_285, %dma_start3A_286] : memref<10112x72xf32, #tpu.memory_space<vmem_shared>> -> memref<10112x72xf32, #tpu.memory_space<vmem_shared>>
        tpu.enqueue_indirect_dma source(%arg10 : memref<128x72xf32, #tpu.memory_space<vmem>>) target(%dma_start3A_287 : memref<10112x72xf32, #tpu.memory_space<vmem_shared>>) offsets(%dma_start3A_284 : memref<128xi32, #tpu.memory_space<vmem>>) semaphore(%run_scoped3A_281 : memref<!tpu.dma_semaphore, #tpu.memory_space<semaphore_mem>>) {add = true}
        %dma_wait3A_288 = arith.constant 0 : i32
        %dma_wait3A_289 = tpu.memref_slice %arg8[%run_scoped3A_137, %dma_wait3A_288] : memref<16x128xi32, #tpu.memory_space<vmem>> -> memref<1x128xi32, #tpu.memory_space<vmem>>
        %dma_wait3A_290 = tpu.memref_squeeze %dma_wait3A_289 : memref<1x128xi32, #tpu.memory_space<vmem>> -> memref<128xi32, #tpu.memory_space<vmem>>
        %dma_wait3A_291 = arith.constant 0 : i32
        %dma_wait3A_292 = arith.constant 0 : i32
        %dma_wait3A_293 = tpu.memref_slice %arg12[%dma_wait3A_291, %dma_wait3A_292] : memref<10112x72xf32, #tpu.memory_space<vmem_shared>> -> memref<10112x72xf32, #tpu.memory_space<vmem_shared>>
        tpu.wait_indirect_dma semaphore(%run_scoped3A_281 : memref<!tpu.dma_semaphore, #tpu.memory_space<semaphore_mem>>) src(%arg10 : memref<128x72xf32, #tpu.memory_space<vmem>>) dst(%dma_wait3A_293 : memref<10112x72xf32, #tpu.memory_space<vmem_shared>>)
        tpu.yield
      }) : () -> ()
      %dma_wait3A_138 = arith.constant 6 : i32
      %dma_wait3A_139 = arith.constant 0 : i32
      %dma_wait3A_140 = tpu.memref_slice %arg7[%dma_wait3A_138, %dma_wait3A_139] : memref<16x128xi32, #tpu.memory_space<vmem>> -> memref<1x128xi32, #tpu.memory_space<vmem>>
      %dma_wait3A_141 = tpu.memref_squeeze %dma_wait3A_140 : memref<1x128xi32, #tpu.memory_space<vmem>> -> memref<128xi32, #tpu.memory_space<vmem>>
      %dma_wait3A_142 = arith.constant 0 : i32
      %dma_wait3A_143 = arith.constant 0 : i32
      %dma_wait3A_144 = tpu.memref_slice %arg11[%dma_wait3A_142, %dma_wait3A_143] : memref<10000x72xf32, #tpu.memory_space<vmem_shared>> -> memref<10000x72xf32, #tpu.memory_space<vmem_shared>>
      tpu.wait_indirect_dma semaphore(%arg13 : memref<!tpu.dma_semaphore, #tpu.memory_space<semaphore_mem>>) src(%dma_wait3A_144 : memref<10000x72xf32, #tpu.memory_space<vmem_shared>>) dst(%arg9 : memref<128x72xf32, #tpu.memory_space<vmem>>)
      %dma_start3A_145 = arith.constant 7 : i32
      %dma_start3A_146 = arith.constant 0 : i32
      %dma_start3A_147 = tpu.memref_slice %arg7[%dma_start3A_145, %dma_start3A_146] : memref<16x128xi32, #tpu.memory_space<vmem>> -> memref<1x128xi32, #tpu.memory_space<vmem>>
      %dma_start3A_148 = tpu.memref_squeeze %dma_start3A_147 : memref<1x128xi32, #tpu.memory_space<vmem>> -> memref<128xi32, #tpu.memory_space<vmem>>
      %dma_start3A_149 = arith.constant 0 : i32
      %dma_start3A_150 = arith.constant 0 : i32
      %dma_start3A_151 = tpu.memref_slice %arg11[%dma_start3A_149, %dma_start3A_150] : memref<10000x72xf32, #tpu.memory_space<vmem_shared>> -> memref<10000x72xf32, #tpu.memory_space<vmem_shared>>
      tpu.enqueue_indirect_dma source(%dma_start3A_151 : memref<10000x72xf32, #tpu.memory_space<vmem_shared>>) target(%arg10 : memref<128x72xf32, #tpu.memory_space<vmem>>) offsets(%dma_start3A_148 : memref<128xi32, #tpu.memory_space<vmem>>) semaphore(%arg14 : memref<!tpu.dma_semaphore, #tpu.memory_space<semaphore_mem>>)
      %run_scoped3A_152 = arith.constant 6 : i32
      "tpu.region"() ({
        %run_scoped3A_281 = tpu.sem_alloc : memref<!tpu.dma_semaphore, #tpu.memory_space<semaphore_mem>>
        %dma_start3A_282 = arith.constant 0 : i32
        %dma_start3A_283 = tpu.memref_slice %arg8[%run_scoped3A_152, %dma_start3A_282] : memref<16x128xi32, #tpu.memory_space<vmem>> -> memref<1x128xi32, #tpu.memory_space<vmem>>
        %dma_start3A_284 = tpu.memref_squeeze %dma_start3A_283 : memref<1x128xi32, #tpu.memory_space<vmem>> -> memref<128xi32, #tpu.memory_space<vmem>>
        %dma_start3A_285 = arith.constant 0 : i32
        %dma_start3A_286 = arith.constant 0 : i32
        %dma_start3A_287 = tpu.memref_slice %arg12[%dma_start3A_285, %dma_start3A_286] : memref<10112x72xf32, #tpu.memory_space<vmem_shared>> -> memref<10112x72xf32, #tpu.memory_space<vmem_shared>>
        tpu.enqueue_indirect_dma source(%arg9 : memref<128x72xf32, #tpu.memory_space<vmem>>) target(%dma_start3A_287 : memref<10112x72xf32, #tpu.memory_space<vmem_shared>>) offsets(%dma_start3A_284 : memref<128xi32, #tpu.memory_space<vmem>>) semaphore(%run_scoped3A_281 : memref<!tpu.dma_semaphore, #tpu.memory_space<semaphore_mem>>) {add = true}
        %dma_wait3A_288 = arith.constant 0 : i32
        %dma_wait3A_289 = tpu.memref_slice %arg8[%run_scoped3A_152, %dma_wait3A_288] : memref<16x128xi32, #tpu.memory_space<vmem>> -> memref<1x128xi32, #tpu.memory_space<vmem>>
        %dma_wait3A_290 = tpu.memref_squeeze %dma_wait3A_289 : memref<1x128xi32, #tpu.memory_space<vmem>> -> memref<128xi32, #tpu.memory_space<vmem>>
        %dma_wait3A_291 = arith.constant 0 : i32
        %dma_wait3A_292 = arith.constant 0 : i32
        %dma_wait3A_293 = tpu.memref_slice %arg12[%dma_wait3A_291, %dma_wait3A_292] : memref<10112x72xf32, #tpu.memory_space<vmem_shared>> -> memref<10112x72xf32, #tpu.memory_space<vmem_shared>>
        tpu.wait_indirect_dma semaphore(%run_scoped3A_281 : memref<!tpu.dma_semaphore, #tpu.memory_space<semaphore_mem>>) src(%arg9 : memref<128x72xf32, #tpu.memory_space<vmem>>) dst(%dma_wait3A_293 : memref<10112x72xf32, #tpu.memory_space<vmem_shared>>)
        tpu.yield
      }) : () -> ()
      %dma_wait3A_153 = arith.constant 7 : i32
      %dma_wait3A_154 = arith.constant 0 : i32
      %dma_wait3A_155 = tpu.memref_slice %arg7[%dma_wait3A_153, %dma_wait3A_154] : memref<16x128xi32, #tpu.memory_space<vmem>> -> memref<1x128xi32, #tpu.memory_space<vmem>>
      %dma_wait3A_156 = tpu.memref_squeeze %dma_wait3A_155 : memref<1x128xi32, #tpu.memory_space<vmem>> -> memref<128xi32, #tpu.memory_space<vmem>>
      %dma_wait3A_157 = arith.constant 0 : i32
      %dma_wait3A_158 = arith.constant 0 : i32
      %dma_wait3A_159 = tpu.memref_slice %arg11[%dma_wait3A_157, %dma_wait3A_158] : memref<10000x72xf32, #tpu.memory_space<vmem_shared>> -> memref<10000x72xf32, #tpu.memory_space<vmem_shared>>
      tpu.wait_indirect_dma semaphore(%arg14 : memref<!tpu.dma_semaphore, #tpu.memory_space<semaphore_mem>>) src(%dma_wait3A_159 : memref<10000x72xf32, #tpu.memory_space<vmem_shared>>) dst(%arg10 : memref<128x72xf32, #tpu.memory_space<vmem>>)
      %dma_start3A_160 = arith.constant 8 : i32
      %dma_start3A_161 = arith.constant 0 : i32
      %dma_start3A_162 = tpu.memref_slice %arg7[%dma_start3A_160, %dma_start3A_161] : memref<16x128xi32, #tpu.memory_space<vmem>> -> memref<1x128xi32, #tpu.memory_space<vmem>>
      %dma_start3A_163 = tpu.memref_squeeze %dma_start3A_162 : memref<1x128xi32, #tpu.memory_space<vmem>> -> memref<128xi32, #tpu.memory_space<vmem>>
      %dma_start3A_164 = arith.constant 0 : i32
      %dma_start3A_165 = arith.constant 0 : i32
      %dma_start3A_166 = tpu.memref_slice %arg11[%dma_start3A_164, %dma_start3A_165] : memref<10000x72xf32, #tpu.memory_space<vmem_shared>> -> memref<10000x72xf32, #tpu.memory_space<vmem_shared>>
      tpu.enqueue_indirect_dma source(%dma_start3A_166 : memref<10000x72xf32, #tpu.memory_space<vmem_shared>>) target(%arg9 : memref<128x72xf32, #tpu.memory_space<vmem>>) offsets(%dma_start3A_163 : memref<128xi32, #tpu.memory_space<vmem>>) semaphore(%arg13 : memref<!tpu.dma_semaphore, #tpu.memory_space<semaphore_mem>>)
      %run_scoped3A_167 = arith.constant 7 : i32
      "tpu.region"() ({
        %run_scoped3A_281 = tpu.sem_alloc : memref<!tpu.dma_semaphore, #tpu.memory_space<semaphore_mem>>
        %dma_start3A_282 = arith.constant 0 : i32
        %dma_start3A_283 = tpu.memref_slice %arg8[%run_scoped3A_167, %dma_start3A_282] : memref<16x128xi32, #tpu.memory_space<vmem>> -> memref<1x128xi32, #tpu.memory_space<vmem>>
        %dma_start3A_284 = tpu.memref_squeeze %dma_start3A_283 : memref<1x128xi32, #tpu.memory_space<vmem>> -> memref<128xi32, #tpu.memory_space<vmem>>
        %dma_start3A_285 = arith.constant 0 : i32
        %dma_start3A_286 = arith.constant 0 : i32
        %dma_start3A_287 = tpu.memref_slice %arg12[%dma_start3A_285, %dma_start3A_286] : memref<10112x72xf32, #tpu.memory_space<vmem_shared>> -> memref<10112x72xf32, #tpu.memory_space<vmem_shared>>
        tpu.enqueue_indirect_dma source(%arg10 : memref<128x72xf32, #tpu.memory_space<vmem>>) target(%dma_start3A_287 : memref<10112x72xf32, #tpu.memory_space<vmem_shared>>) offsets(%dma_start3A_284 : memref<128xi32, #tpu.memory_space<vmem>>) semaphore(%run_scoped3A_281 : memref<!tpu.dma_semaphore, #tpu.memory_space<semaphore_mem>>) {add = true}
        %dma_wait3A_288 = arith.constant 0 : i32
        %dma_wait3A_289 = tpu.memref_slice %arg8[%run_scoped3A_167, %dma_wait3A_288] : memref<16x128xi32, #tpu.memory_space<vmem>> -> memref<1x128xi32, #tpu.memory_space<vmem>>
        %dma_wait3A_290 = tpu.memref_squeeze %dma_wait3A_289 : memref<1x128xi32, #tpu.memory_space<vmem>> -> memref<128xi32, #tpu.memory_space<vmem>>
        %dma_wait3A_291 = arith.constant 0 : i32
        %dma_wait3A_292 = arith.constant 0 : i32
        %dma_wait3A_293 = tpu.memref_slice %arg12[%dma_wait3A_291, %dma_wait3A_292] : memref<10112x72xf32, #tpu.memory_space<vmem_shared>> -> memref<10112x72xf32, #tpu.memory_space<vmem_shared>>
        tpu.wait_indirect_dma semaphore(%run_scoped3A_281 : memref<!tpu.dma_semaphore, #tpu.memory_space<semaphore_mem>>) src(%arg10 : memref<128x72xf32, #tpu.memory_space<vmem>>) dst(%dma_wait3A_293 : memref<10112x72xf32, #tpu.memory_space<vmem_shared>>)
        tpu.yield
      }) : () -> ()
      %dma_wait3A_168 = arith.constant 8 : i32
      %dma_wait3A_169 = arith.constant 0 : i32
      %dma_wait3A_170 = tpu.memref_slice %arg7[%dma_wait3A_168, %dma_wait3A_169] : memref<16x128xi32, #tpu.memory_space<vmem>> -> memref<1x128xi32, #tpu.memory_space<vmem>>
      %dma_wait3A_171 = tpu.memref_squeeze %dma_wait3A_170 : memref<1x128xi32, #tpu.memory_space<vmem>> -> memref<128xi32, #tpu.memory_space<vmem>>
      %dma_wait3A_172 = arith.constant 0 : i32
      %dma_wait3A_173 = arith.constant 0 : i32
      %dma_wait3A_174 = tpu.memref_slice %arg11[%dma_wait3A_172, %dma_wait3A_173] : memref<10000x72xf32, #tpu.memory_space<vmem_shared>> -> memref<10000x72xf32, #tpu.memory_space<vmem_shared>>
      tpu.wait_indirect_dma semaphore(%arg13 : memref<!tpu.dma_semaphore, #tpu.memory_space<semaphore_mem>>) src(%dma_wait3A_174 : memref<10000x72xf32, #tpu.memory_space<vmem_shared>>) dst(%arg9 : memref<128x72xf32, #tpu.memory_space<vmem>>)
      %dma_start3A_175 = arith.constant 9 : i32
      %dma_start3A_176 = arith.constant 0 : i32
      %dma_start3A_177 = tpu.memref_slice %arg7[%dma_start3A_175, %dma_start3A_176] : memref<16x128xi32, #tpu.memory_space<vmem>> -> memref<1x128xi32, #tpu.memory_space<vmem>>
      %dma_start3A_178 = tpu.memref_squeeze %dma_start3A_177 : memref<1x128xi32, #tpu.memory_space<vmem>> -> memref<128xi32, #tpu.memory_space<vmem>>
      %dma_start3A_179 = arith.constant 0 : i32
      %dma_start3A_180 = arith.constant 0 : i32
      %dma_start3A_181 = tpu.memref_slice %arg11[%dma_start3A_179, %dma_start3A_180] : memref<10000x72xf32, #tpu.memory_space<vmem_shared>> -> memref<10000x72xf32, #tpu.memory_space<vmem_shared>>
      tpu.enqueue_indirect_dma source(%dma_start3A_181 : memref<10000x72xf32, #tpu.memory_space<vmem_shared>>) target(%arg10 : memref<128x72xf32, #tpu.memory_space<vmem>>) offsets(%dma_start3A_178 : memref<128xi32, #tpu.memory_space<vmem>>) semaphore(%arg14 : memref<!tpu.dma_semaphore, #tpu.memory_space<semaphore_mem>>)
      %run_scoped3A_182 = arith.constant 8 : i32
      "tpu.region"() ({
        %run_scoped3A_281 = tpu.sem_alloc : memref<!tpu.dma_semaphore, #tpu.memory_space<semaphore_mem>>
        %dma_start3A_282 = arith.constant 0 : i32
        %dma_start3A_283 = tpu.memref_slice %arg8[%run_scoped3A_182, %dma_start3A_282] : memref<16x128xi32, #tpu.memory_space<vmem>> -> memref<1x128xi32, #tpu.memory_space<vmem>>
        %dma_start3A_284 = tpu.memref_squeeze %dma_start3A_283 : memref<1x128xi32, #tpu.memory_space<vmem>> -> memref<128xi32, #tpu.memory_space<vmem>>
        %dma_start3A_285 = arith.constant 0 : i32
        %dma_start3A_286 = arith.constant 0 : i32
        %dma_start3A_287 = tpu.memref_slice %arg12[%dma_start3A_285, %dma_start3A_286] : memref<10112x72xf32, #tpu.memory_space<vmem_shared>> -> memref<10112x72xf32, #tpu.memory_space<vmem_shared>>
        tpu.enqueue_indirect_dma source(%arg9 : memref<128x72xf32, #tpu.memory_space<vmem>>) target(%dma_start3A_287 : memref<10112x72xf32, #tpu.memory_space<vmem_shared>>) offsets(%dma_start3A_284 : memref<128xi32, #tpu.memory_space<vmem>>) semaphore(%run_scoped3A_281 : memref<!tpu.dma_semaphore, #tpu.memory_space<semaphore_mem>>) {add = true}
        %dma_wait3A_288 = arith.constant 0 : i32
        %dma_wait3A_289 = tpu.memref_slice %arg8[%run_scoped3A_182, %dma_wait3A_288] : memref<16x128xi32, #tpu.memory_space<vmem>> -> memref<1x128xi32, #tpu.memory_space<vmem>>
        %dma_wait3A_290 = tpu.memref_squeeze %dma_wait3A_289 : memref<1x128xi32, #tpu.memory_space<vmem>> -> memref<128xi32, #tpu.memory_space<vmem>>
        %dma_wait3A_291 = arith.constant 0 : i32
        %dma_wait3A_292 = arith.constant 0 : i32
        %dma_wait3A_293 = tpu.memref_slice %arg12[%dma_wait3A_291, %dma_wait3A_292] : memref<10112x72xf32, #tpu.memory_space<vmem_shared>> -> memref<10112x72xf32, #tpu.memory_space<vmem_shared>>
        tpu.wait_indirect_dma semaphore(%run_scoped3A_281 : memref<!tpu.dma_semaphore, #tpu.memory_space<semaphore_mem>>) src(%arg9 : memref<128x72xf32, #tpu.memory_space<vmem>>) dst(%dma_wait3A_293 : memref<10112x72xf32, #tpu.memory_space<vmem_shared>>)
        tpu.yield
      }) : () -> ()
      %dma_wait3A_183 = arith.constant 9 : i32
      %dma_wait3A_184 = arith.constant 0 : i32
      %dma_wait3A_185 = tpu.memref_slice %arg7[%dma_wait3A_183, %dma_wait3A_184] : memref<16x128xi32, #tpu.memory_space<vmem>> -> memref<1x128xi32, #tpu.memory_space<vmem>>
      %dma_wait3A_186 = tpu.memref_squeeze %dma_wait3A_185 : memref<1x128xi32, #tpu.memory_space<vmem>> -> memref<128xi32, #tpu.memory_space<vmem>>
      %dma_wait3A_187 = arith.constant 0 : i32
      %dma_wait3A_188 = arith.constant 0 : i32
      %dma_wait3A_189 = tpu.memref_slice %arg11[%dma_wait3A_187, %dma_wait3A_188] : memref<10000x72xf32, #tpu.memory_space<vmem_shared>> -> memref<10000x72xf32, #tpu.memory_space<vmem_shared>>
      tpu.wait_indirect_dma semaphore(%arg14 : memref<!tpu.dma_semaphore, #tpu.memory_space<semaphore_mem>>) src(%dma_wait3A_189 : memref<10000x72xf32, #tpu.memory_space<vmem_shared>>) dst(%arg10 : memref<128x72xf32, #tpu.memory_space<vmem>>)
      %dma_start3A_190 = arith.constant 10 : i32
      %dma_start3A_191 = arith.constant 0 : i32
      %dma_start3A_192 = tpu.memref_slice %arg7[%dma_start3A_190, %dma_start3A_191] : memref<16x128xi32, #tpu.memory_space<vmem>> -> memref<1x128xi32, #tpu.memory_space<vmem>>
      %dma_start3A_193 = tpu.memref_squeeze %dma_start3A_192 : memref<1x128xi32, #tpu.memory_space<vmem>> -> memref<128xi32, #tpu.memory_space<vmem>>
      %dma_start3A_194 = arith.constant 0 : i32
      %dma_start3A_195 = arith.constant 0 : i32
      %dma_start3A_196 = tpu.memref_slice %arg11[%dma_start3A_194, %dma_start3A_195] : memref<10000x72xf32, #tpu.memory_space<vmem_shared>> -> memref<10000x72xf32, #tpu.memory_space<vmem_shared>>
      tpu.enqueue_indirect_dma source(%dma_start3A_196 : memref<10000x72xf32, #tpu.memory_space<vmem_shared>>) target(%arg9 : memref<128x72xf32, #tpu.memory_space<vmem>>) offsets(%dma_start3A_193 : memref<128xi32, #tpu.memory_space<vmem>>) semaphore(%arg13 : memref<!tpu.dma_semaphore, #tpu.memory_space<semaphore_mem>>)
      %run_scoped3A_197 = arith.constant 9 : i32
      "tpu.region"() ({
        %run_scoped3A_281 = tpu.sem_alloc : memref<!tpu.dma_semaphore, #tpu.memory_space<semaphore_mem>>
        %dma_start3A_282 = arith.constant 0 : i32
        %dma_start3A_283 = tpu.memref_slice %arg8[%run_scoped3A_197, %dma_start3A_282] : memref<16x128xi32, #tpu.memory_space<vmem>> -> memref<1x128xi32, #tpu.memory_space<vmem>>
        %dma_start3A_284 = tpu.memref_squeeze %dma_start3A_283 : memref<1x128xi32, #tpu.memory_space<vmem>> -> memref<128xi32, #tpu.memory_space<vmem>>
        %dma_start3A_285 = arith.constant 0 : i32
        %dma_start3A_286 = arith.constant 0 : i32
        %dma_start3A_287 = tpu.memref_slice %arg12[%dma_start3A_285, %dma_start3A_286] : memref<10112x72xf32, #tpu.memory_space<vmem_shared>> -> memref<10112x72xf32, #tpu.memory_space<vmem_shared>>
        tpu.enqueue_indirect_dma source(%arg10 : memref<128x72xf32, #tpu.memory_space<vmem>>) target(%dma_start3A_287 : memref<10112x72xf32, #tpu.memory_space<vmem_shared>>) offsets(%dma_start3A_284 : memref<128xi32, #tpu.memory_space<vmem>>) semaphore(%run_scoped3A_281 : memref<!tpu.dma_semaphore, #tpu.memory_space<semaphore_mem>>) {add = true}
        %dma_wait3A_288 = arith.constant 0 : i32
        %dma_wait3A_289 = tpu.memref_slice %arg8[%run_scoped3A_197, %dma_wait3A_288] : memref<16x128xi32, #tpu.memory_space<vmem>> -> memref<1x128xi32, #tpu.memory_space<vmem>>
        %dma_wait3A_290 = tpu.memref_squeeze %dma_wait3A_289 : memref<1x128xi32, #tpu.memory_space<vmem>> -> memref<128xi32, #tpu.memory_space<vmem>>
        %dma_wait3A_291 = arith.constant 0 : i32
        %dma_wait3A_292 = arith.constant 0 : i32
        %dma_wait3A_293 = tpu.memref_slice %arg12[%dma_wait3A_291, %dma_wait3A_292] : memref<10112x72xf32, #tpu.memory_space<vmem_shared>> -> memref<10112x72xf32, #tpu.memory_space<vmem_shared>>
        tpu.wait_indirect_dma semaphore(%run_scoped3A_281 : memref<!tpu.dma_semaphore, #tpu.memory_space<semaphore_mem>>) src(%arg10 : memref<128x72xf32, #tpu.memory_space<vmem>>) dst(%dma_wait3A_293 : memref<10112x72xf32, #tpu.memory_space<vmem_shared>>)
        tpu.yield
      }) : () -> ()
      %dma_wait3A_198 = arith.constant 10 : i32
      %dma_wait3A_199 = arith.constant 0 : i32
      %dma_wait3A_200 = tpu.memref_slice %arg7[%dma_wait3A_198, %dma_wait3A_199] : memref<16x128xi32, #tpu.memory_space<vmem>> -> memref<1x128xi32, #tpu.memory_space<vmem>>
      %dma_wait3A_201 = tpu.memref_squeeze %dma_wait3A_200 : memref<1x128xi32, #tpu.memory_space<vmem>> -> memref<128xi32, #tpu.memory_space<vmem>>
      %dma_wait3A_202 = arith.constant 0 : i32
      %dma_wait3A_203 = arith.constant 0 : i32
      %dma_wait3A_204 = tpu.memref_slice %arg11[%dma_wait3A_202, %dma_wait3A_203] : memref<10000x72xf32, #tpu.memory_space<vmem_shared>> -> memref<10000x72xf32, #tpu.memory_space<vmem_shared>>
      tpu.wait_indirect_dma semaphore(%arg13 : memref<!tpu.dma_semaphore, #tpu.memory_space<semaphore_mem>>) src(%dma_wait3A_204 : memref<10000x72xf32, #tpu.memory_space<vmem_shared>>) dst(%arg9 : memref<128x72xf32, #tpu.memory_space<vmem>>)
      %dma_start3A_205 = arith.constant 11 : i32
      %dma_start3A_206 = arith.constant 0 : i32
      %dma_start3A_207 = tpu.memref_slice %arg7[%dma_start3A_205, %dma_start3A_206] : memref<16x128xi32, #tpu.memory_space<vmem>> -> memref<1x128xi32, #tpu.memory_space<vmem>>
      %dma_start3A_208 = tpu.memref_squeeze %dma_start3A_207 : memref<1x128xi32, #tpu.memory_space<vmem>> -> memref<128xi32, #tpu.memory_space<vmem>>
      %dma_start3A_209 = arith.constant 0 : i32
      %dma_start3A_210 = arith.constant 0 : i32
      %dma_start3A_211 = tpu.memref_slice %arg11[%dma_start3A_209, %dma_start3A_210] : memref<10000x72xf32, #tpu.memory_space<vmem_shared>> -> memref<10000x72xf32, #tpu.memory_space<vmem_shared>>
      tpu.enqueue_indirect_dma source(%dma_start3A_211 : memref<10000x72xf32, #tpu.memory_space<vmem_shared>>) target(%arg10 : memref<128x72xf32, #tpu.memory_space<vmem>>) offsets(%dma_start3A_208 : memref<128xi32, #tpu.memory_space<vmem>>) semaphore(%arg14 : memref<!tpu.dma_semaphore, #tpu.memory_space<semaphore_mem>>)
      %run_scoped3A_212 = arith.constant 10 : i32
      "tpu.region"() ({
        %run_scoped3A_281 = tpu.sem_alloc : memref<!tpu.dma_semaphore, #tpu.memory_space<semaphore_mem>>
        %dma_start3A_282 = arith.constant 0 : i32
        %dma_start3A_283 = tpu.memref_slice %arg8[%run_scoped3A_212, %dma_start3A_282] : memref<16x128xi32, #tpu.memory_space<vmem>> -> memref<1x128xi32, #tpu.memory_space<vmem>>
        %dma_start3A_284 = tpu.memref_squeeze %dma_start3A_283 : memref<1x128xi32, #tpu.memory_space<vmem>> -> memref<128xi32, #tpu.memory_space<vmem>>
        %dma_start3A_285 = arith.constant 0 : i32
        %dma_start3A_286 = arith.constant 0 : i32
        %dma_start3A_287 = tpu.memref_slice %arg12[%dma_start3A_285, %dma_start3A_286] : memref<10112x72xf32, #tpu.memory_space<vmem_shared>> -> memref<10112x72xf32, #tpu.memory_space<vmem_shared>>
        tpu.enqueue_indirect_dma source(%arg9 : memref<128x72xf32, #tpu.memory_space<vmem>>) target(%dma_start3A_287 : memref<10112x72xf32, #tpu.memory_space<vmem_shared>>) offsets(%dma_start3A_284 : memref<128xi32, #tpu.memory_space<vmem>>) semaphore(%run_scoped3A_281 : memref<!tpu.dma_semaphore, #tpu.memory_space<semaphore_mem>>) {add = true}
        %dma_wait3A_288 = arith.constant 0 : i32
        %dma_wait3A_289 = tpu.memref_slice %arg8[%run_scoped3A_212, %dma_wait3A_288] : memref<16x128xi32, #tpu.memory_space<vmem>> -> memref<1x128xi32, #tpu.memory_space<vmem>>
        %dma_wait3A_290 = tpu.memref_squeeze %dma_wait3A_289 : memref<1x128xi32, #tpu.memory_space<vmem>> -> memref<128xi32, #tpu.memory_space<vmem>>
        %dma_wait3A_291 = arith.constant 0 : i32
        %dma_wait3A_292 = arith.constant 0 : i32
        %dma_wait3A_293 = tpu.memref_slice %arg12[%dma_wait3A_291, %dma_wait3A_292] : memref<10112x72xf32, #tpu.memory_space<vmem_shared>> -> memref<10112x72xf32, #tpu.memory_space<vmem_shared>>
        tpu.wait_indirect_dma semaphore(%run_scoped3A_281 : memref<!tpu.dma_semaphore, #tpu.memory_space<semaphore_mem>>) src(%arg9 : memref<128x72xf32, #tpu.memory_space<vmem>>) dst(%dma_wait3A_293 : memref<10112x72xf32, #tpu.memory_space<vmem_shared>>)
        tpu.yield
      }) : () -> ()
      %dma_wait3A_213 = arith.constant 11 : i32
      %dma_wait3A_214 = arith.constant 0 : i32
      %dma_wait3A_215 = tpu.memref_slice %arg7[%dma_wait3A_213, %dma_wait3A_214] : memref<16x128xi32, #tpu.memory_space<vmem>> -> memref<1x128xi32, #tpu.memory_space<vmem>>
      %dma_wait3A_216 = tpu.memref_squeeze %dma_wait3A_215 : memref<1x128xi32, #tpu.memory_space<vmem>> -> memref<128xi32, #tpu.memory_space<vmem>>
      %dma_wait3A_217 = arith.constant 0 : i32
      %dma_wait3A_218 = arith.constant 0 : i32
      %dma_wait3A_219 = tpu.memref_slice %arg11[%dma_wait3A_217, %dma_wait3A_218] : memref<10000x72xf32, #tpu.memory_space<vmem_shared>> -> memref<10000x72xf32, #tpu.memory_space<vmem_shared>>
      tpu.wait_indirect_dma semaphore(%arg14 : memref<!tpu.dma_semaphore, #tpu.memory_space<semaphore_mem>>) src(%dma_wait3A_219 : memref<10000x72xf32, #tpu.memory_space<vmem_shared>>) dst(%arg10 : memref<128x72xf32, #tpu.memory_space<vmem>>)
      %dma_start3A_220 = arith.constant 12 : i32
      %dma_start3A_221 = arith.constant 0 : i32
      %dma_start3A_222 = tpu.memref_slice %arg7[%dma_start3A_220, %dma_start3A_221] : memref<16x128xi32, #tpu.memory_space<vmem>> -> memref<1x128xi32, #tpu.memory_space<vmem>>
      %dma_start3A_223 = tpu.memref_squeeze %dma_start3A_222 : memref<1x128xi32, #tpu.memory_space<vmem>> -> memref<128xi32, #tpu.memory_space<vmem>>
      %dma_start3A_224 = arith.constant 0 : i32
      %dma_start3A_225 = arith.constant 0 : i32
      %dma_start3A_226 = tpu.memref_slice %arg11[%dma_start3A_224, %dma_start3A_225] : memref<10000x72xf32, #tpu.memory_space<vmem_shared>> -> memref<10000x72xf32, #tpu.memory_space<vmem_shared>>
      tpu.enqueue_indirect_dma source(%dma_start3A_226 : memref<10000x72xf32, #tpu.memory_space<vmem_shared>>) target(%arg9 : memref<128x72xf32, #tpu.memory_space<vmem>>) offsets(%dma_start3A_223 : memref<128xi32, #tpu.memory_space<vmem>>) semaphore(%arg13 : memref<!tpu.dma_semaphore, #tpu.memory_space<semaphore_mem>>)
      %run_scoped3A_227 = arith.constant 11 : i32
      "tpu.region"() ({
        %run_scoped3A_281 = tpu.sem_alloc : memref<!tpu.dma_semaphore, #tpu.memory_space<semaphore_mem>>
        %dma_start3A_282 = arith.constant 0 : i32
        %dma_start3A_283 = tpu.memref_slice %arg8[%run_scoped3A_227, %dma_start3A_282] : memref<16x128xi32, #tpu.memory_space<vmem>> -> memref<1x128xi32, #tpu.memory_space<vmem>>
        %dma_start3A_284 = tpu.memref_squeeze %dma_start3A_283 : memref<1x128xi32, #tpu.memory_space<vmem>> -> memref<128xi32, #tpu.memory_space<vmem>>
        %dma_start3A_285 = arith.constant 0 : i32
        %dma_start3A_286 = arith.constant 0 : i32
        %dma_start3A_287 = tpu.memref_slice %arg12[%dma_start3A_285, %dma_start3A_286] : memref<10112x72xf32, #tpu.memory_space<vmem_shared>> -> memref<10112x72xf32, #tpu.memory_space<vmem_shared>>
        tpu.enqueue_indirect_dma source(%arg10 : memref<128x72xf32, #tpu.memory_space<vmem>>) target(%dma_start3A_287 : memref<10112x72xf32, #tpu.memory_space<vmem_shared>>) offsets(%dma_start3A_284 : memref<128xi32, #tpu.memory_space<vmem>>) semaphore(%run_scoped3A_281 : memref<!tpu.dma_semaphore, #tpu.memory_space<semaphore_mem>>) {add = true}
        %dma_wait3A_288 = arith.constant 0 : i32
        %dma_wait3A_289 = tpu.memref_slice %arg8[%run_scoped3A_227, %dma_wait3A_288] : memref<16x128xi32, #tpu.memory_space<vmem>> -> memref<1x128xi32, #tpu.memory_space<vmem>>
        %dma_wait3A_290 = tpu.memref_squeeze %dma_wait3A_289 : memref<1x128xi32, #tpu.memory_space<vmem>> -> memref<128xi32, #tpu.memory_space<vmem>>
        %dma_wait3A_291 = arith.constant 0 : i32
        %dma_wait3A_292 = arith.constant 0 : i32
        %dma_wait3A_293 = tpu.memref_slice %arg12[%dma_wait3A_291, %dma_wait3A_292] : memref<10112x72xf32, #tpu.memory_space<vmem_shared>> -> memref<10112x72xf32, #tpu.memory_space<vmem_shared>>
        tpu.wait_indirect_dma semaphore(%run_scoped3A_281 : memref<!tpu.dma_semaphore, #tpu.memory_space<semaphore_mem>>) src(%arg10 : memref<128x72xf32, #tpu.memory_space<vmem>>) dst(%dma_wait3A_293 : memref<10112x72xf32, #tpu.memory_space<vmem_shared>>)
        tpu.yield
      }) : () -> ()
      %dma_wait3A_228 = arith.constant 12 : i32
      %dma_wait3A_229 = arith.constant 0 : i32
      %dma_wait3A_230 = tpu.memref_slice %arg7[%dma_wait3A_228, %dma_wait3A_229] : memref<16x128xi32, #tpu.memory_space<vmem>> -> memref<1x128xi32, #tpu.memory_space<vmem>>
      %dma_wait3A_231 = tpu.memref_squeeze %dma_wait3A_230 : memref<1x128xi32, #tpu.memory_space<vmem>> -> memref<128xi32, #tpu.memory_space<vmem>>
      %dma_wait3A_232 = arith.constant 0 : i32
      %dma_wait3A_233 = arith.constant 0 : i32
      %dma_wait3A_234 = tpu.memref_slice %arg11[%dma_wait3A_232, %dma_wait3A_233] : memref<10000x72xf32, #tpu.memory_space<vmem_shared>> -> memref<10000x72xf32, #tpu.memory_space<vmem_shared>>
      tpu.wait_indirect_dma semaphore(%arg13 : memref<!tpu.dma_semaphore, #tpu.memory_space<semaphore_mem>>) src(%dma_wait3A_234 : memref<10000x72xf32, #tpu.memory_space<vmem_shared>>) dst(%arg9 : memref<128x72xf32, #tpu.memory_space<vmem>>)
      %dma_start3A_235 = arith.constant 13 : i32
      %dma_start3A_236 = arith.constant 0 : i32
      %dma_start3A_237 = tpu.memref_slice %arg7[%dma_start3A_235, %dma_start3A_236] : memref<16x128xi32, #tpu.memory_space<vmem>> -> memref<1x128xi32, #tpu.memory_space<vmem>>
      %dma_start3A_238 = tpu.memref_squeeze %dma_start3A_237 : memref<1x128xi32, #tpu.memory_space<vmem>> -> memref<128xi32, #tpu.memory_space<vmem>>
      %dma_start3A_239 = arith.constant 0 : i32
      %dma_start3A_240 = arith.constant 0 : i32
      %dma_start3A_241 = tpu.memref_slice %arg11[%dma_start3A_239, %dma_start3A_240] : memref<10000x72xf32, #tpu.memory_space<vmem_shared>> -> memref<10000x72xf32, #tpu.memory_space<vmem_shared>>
      tpu.enqueue_indirect_dma source(%dma_start3A_241 : memref<10000x72xf32, #tpu.memory_space<vmem_shared>>) target(%arg10 : memref<128x72xf32, #tpu.memory_space<vmem>>) offsets(%dma_start3A_238 : memref<128xi32, #tpu.memory_space<vmem>>) semaphore(%arg14 : memref<!tpu.dma_semaphore, #tpu.memory_space<semaphore_mem>>)
      %run_scoped3A_242 = arith.constant 12 : i32
      "tpu.region"() ({
        %run_scoped3A_281 = tpu.sem_alloc : memref<!tpu.dma_semaphore, #tpu.memory_space<semaphore_mem>>
        %dma_start3A_282 = arith.constant 0 : i32
        %dma_start3A_283 = tpu.memref_slice %arg8[%run_scoped3A_242, %dma_start3A_282] : memref<16x128xi32, #tpu.memory_space<vmem>> -> memref<1x128xi32, #tpu.memory_space<vmem>>
        %dma_start3A_284 = tpu.memref_squeeze %dma_start3A_283 : memref<1x128xi32, #tpu.memory_space<vmem>> -> memref<128xi32, #tpu.memory_space<vmem>>
        %dma_start3A_285 = arith.constant 0 : i32
        %dma_start3A_286 = arith.constant 0 : i32
        %dma_start3A_287 = tpu.memref_slice %arg12[%dma_start3A_285, %dma_start3A_286] : memref<10112x72xf32, #tpu.memory_space<vmem_shared>> -> memref<10112x72xf32, #tpu.memory_space<vmem_shared>>
        tpu.enqueue_indirect_dma source(%arg9 : memref<128x72xf32, #tpu.memory_space<vmem>>) target(%dma_start3A_287 : memref<10112x72xf32, #tpu.memory_space<vmem_shared>>) offsets(%dma_start3A_284 : memref<128xi32, #tpu.memory_space<vmem>>) semaphore(%run_scoped3A_281 : memref<!tpu.dma_semaphore, #tpu.memory_space<semaphore_mem>>) {add = true}
        %dma_wait3A_288 = arith.constant 0 : i32
        %dma_wait3A_289 = tpu.memref_slice %arg8[%run_scoped3A_242, %dma_wait3A_288] : memref<16x128xi32, #tpu.memory_space<vmem>> -> memref<1x128xi32, #tpu.memory_space<vmem>>
        %dma_wait3A_290 = tpu.memref_squeeze %dma_wait3A_289 : memref<1x128xi32, #tpu.memory_space<vmem>> -> memref<128xi32, #tpu.memory_space<vmem>>
        %dma_wait3A_291 = arith.constant 0 : i32
        %dma_wait3A_292 = arith.constant 0 : i32
        %dma_wait3A_293 = tpu.memref_slice %arg12[%dma_wait3A_291, %dma_wait3A_292] : memref<10112x72xf32, #tpu.memory_space<vmem_shared>> -> memref<10112x72xf32, #tpu.memory_space<vmem_shared>>
        tpu.wait_indirect_dma semaphore(%run_scoped3A_281 : memref<!tpu.dma_semaphore, #tpu.memory_space<semaphore_mem>>) src(%arg9 : memref<128x72xf32, #tpu.memory_space<vmem>>) dst(%dma_wait3A_293 : memref<10112x72xf32, #tpu.memory_space<vmem_shared>>)
        tpu.yield
      }) : () -> ()
      %dma_wait3A_243 = arith.constant 13 : i32
      %dma_wait3A_244 = arith.constant 0 : i32
      %dma_wait3A_245 = tpu.memref_slice %arg7[%dma_wait3A_243, %dma_wait3A_244] : memref<16x128xi32, #tpu.memory_space<vmem>> -> memref<1x128xi32, #tpu.memory_space<vmem>>
      %dma_wait3A_246 = tpu.memref_squeeze %dma_wait3A_245 : memref<1x128xi32, #tpu.memory_space<vmem>> -> memref<128xi32, #tpu.memory_space<vmem>>
      %dma_wait3A_247 = arith.constant 0 : i32
      %dma_wait3A_248 = arith.constant 0 : i32
      %dma_wait3A_249 = tpu.memref_slice %arg11[%dma_wait3A_247, %dma_wait3A_248] : memref<10000x72xf32, #tpu.memory_space<vmem_shared>> -> memref<10000x72xf32, #tpu.memory_space<vmem_shared>>
      tpu.wait_indirect_dma semaphore(%arg14 : memref<!tpu.dma_semaphore, #tpu.memory_space<semaphore_mem>>) src(%dma_wait3A_249 : memref<10000x72xf32, #tpu.memory_space<vmem_shared>>) dst(%arg10 : memref<128x72xf32, #tpu.memory_space<vmem>>)
      %dma_start3A_250 = arith.constant 14 : i32
      %dma_start3A_251 = arith.constant 0 : i32
      %dma_start3A_252 = tpu.memref_slice %arg7[%dma_start3A_250, %dma_start3A_251] : memref<16x128xi32, #tpu.memory_space<vmem>> -> memref<1x128xi32, #tpu.memory_space<vmem>>
      %dma_start3A_253 = tpu.memref_squeeze %dma_start3A_252 : memref<1x128xi32, #tpu.memory_space<vmem>> -> memref<128xi32, #tpu.memory_space<vmem>>
      %dma_start3A_254 = arith.constant 0 : i32
      %dma_start3A_255 = arith.constant 0 : i32
      %dma_start3A_256 = tpu.memref_slice %arg11[%dma_start3A_254, %dma_start3A_255] : memref<10000x72xf32, #tpu.memory_space<vmem_shared>> -> memref<10000x72xf32, #tpu.memory_space<vmem_shared>>
      tpu.enqueue_indirect_dma source(%dma_start3A_256 : memref<10000x72xf32, #tpu.memory_space<vmem_shared>>) target(%arg9 : memref<128x72xf32, #tpu.memory_space<vmem>>) offsets(%dma_start3A_253 : memref<128xi32, #tpu.memory_space<vmem>>) semaphore(%arg13 : memref<!tpu.dma_semaphore, #tpu.memory_space<semaphore_mem>>)
      %run_scoped3A_257 = arith.constant 13 : i32
      "tpu.region"() ({
        %run_scoped3A_281 = tpu.sem_alloc : memref<!tpu.dma_semaphore, #tpu.memory_space<semaphore_mem>>
        %dma_start3A_282 = arith.constant 0 : i32
        %dma_start3A_283 = tpu.memref_slice %arg8[%run_scoped3A_257, %dma_start3A_282] : memref<16x128xi32, #tpu.memory_space<vmem>> -> memref<1x128xi32, #tpu.memory_space<vmem>>
        %dma_start3A_284 = tpu.memref_squeeze %dma_start3A_283 : memref<1x128xi32, #tpu.memory_space<vmem>> -> memref<128xi32, #tpu.memory_space<vmem>>
        %dma_start3A_285 = arith.constant 0 : i32
        %dma_start3A_286 = arith.constant 0 : i32
        %dma_start3A_287 = tpu.memref_slice %arg12[%dma_start3A_285, %dma_start3A_286] : memref<10112x72xf32, #tpu.memory_space<vmem_shared>> -> memref<10112x72xf32, #tpu.memory_space<vmem_shared>>
        tpu.enqueue_indirect_dma source(%arg10 : memref<128x72xf32, #tpu.memory_space<vmem>>) target(%dma_start3A_287 : memref<10112x72xf32, #tpu.memory_space<vmem_shared>>) offsets(%dma_start3A_284 : memref<128xi32, #tpu.memory_space<vmem>>) semaphore(%run_scoped3A_281 : memref<!tpu.dma_semaphore, #tpu.memory_space<semaphore_mem>>) {add = true}
        %dma_wait3A_288 = arith.constant 0 : i32
        %dma_wait3A_289 = tpu.memref_slice %arg8[%run_scoped3A_257, %dma_wait3A_288] : memref<16x128xi32, #tpu.memory_space<vmem>> -> memref<1x128xi32, #tpu.memory_space<vmem>>
        %dma_wait3A_290 = tpu.memref_squeeze %dma_wait3A_289 : memref<1x128xi32, #tpu.memory_space<vmem>> -> memref<128xi32, #tpu.memory_space<vmem>>
        %dma_wait3A_291 = arith.constant 0 : i32
        %dma_wait3A_292 = arith.constant 0 : i32
        %dma_wait3A_293 = tpu.memref_slice %arg12[%dma_wait3A_291, %dma_wait3A_292] : memref<10112x72xf32, #tpu.memory_space<vmem_shared>> -> memref<10112x72xf32, #tpu.memory_space<vmem_shared>>
        tpu.wait_indirect_dma semaphore(%run_scoped3A_281 : memref<!tpu.dma_semaphore, #tpu.memory_space<semaphore_mem>>) src(%arg10 : memref<128x72xf32, #tpu.memory_space<vmem>>) dst(%dma_wait3A_293 : memref<10112x72xf32, #tpu.memory_space<vmem_shared>>)
        tpu.yield
      }) : () -> ()
      %dma_wait3A_258 = arith.constant 14 : i32
      %dma_wait3A_259 = arith.constant 0 : i32
      %dma_wait3A_260 = tpu.memref_slice %arg7[%dma_wait3A_258, %dma_wait3A_259] : memref<16x128xi32, #tpu.memory_space<vmem>> -> memref<1x128xi32, #tpu.memory_space<vmem>>
      %dma_wait3A_261 = tpu.memref_squeeze %dma_wait3A_260 : memref<1x128xi32, #tpu.memory_space<vmem>> -> memref<128xi32, #tpu.memory_space<vmem>>
      %dma_wait3A_262 = arith.constant 0 : i32
      %dma_wait3A_263 = arith.constant 0 : i32
      %dma_wait3A_264 = tpu.memref_slice %arg11[%dma_wait3A_262, %dma_wait3A_263] : memref<10000x72xf32, #tpu.memory_space<vmem_shared>> -> memref<10000x72xf32, #tpu.memory_space<vmem_shared>>
      tpu.wait_indirect_dma semaphore(%arg13 : memref<!tpu.dma_semaphore, #tpu.memory_space<semaphore_mem>>) src(%dma_wait3A_264 : memref<10000x72xf32, #tpu.memory_space<vmem_shared>>) dst(%arg9 : memref<128x72xf32, #tpu.memory_space<vmem>>)
      %dma_start3A_265 = arith.constant 15 : i32
      %dma_start3A_266 = arith.constant 0 : i32
      %dma_start3A_267 = tpu.memref_slice %arg7[%dma_start3A_265, %dma_start3A_266] : memref<16x128xi32, #tpu.memory_space<vmem>> -> memref<1x128xi32, #tpu.memory_space<vmem>>
      %dma_start3A_268 = tpu.memref_squeeze %dma_start3A_267 : memref<1x128xi32, #tpu.memory_space<vmem>> -> memref<128xi32, #tpu.memory_space<vmem>>
      %dma_start3A_269 = arith.constant 0 : i32
      %dma_start3A_270 = arith.constant 0 : i32
      %dma_start3A_271 = tpu.memref_slice %arg11[%dma_start3A_269, %dma_start3A_270] : memref<10000x72xf32, #tpu.memory_space<vmem_shared>> -> memref<10000x72xf32, #tpu.memory_space<vmem_shared>>
      tpu.enqueue_indirect_dma source(%dma_start3A_271 : memref<10000x72xf32, #tpu.memory_space<vmem_shared>>) target(%arg10 : memref<128x72xf32, #tpu.memory_space<vmem>>) offsets(%dma_start3A_268 : memref<128xi32, #tpu.memory_space<vmem>>) semaphore(%arg14 : memref<!tpu.dma_semaphore, #tpu.memory_space<semaphore_mem>>)
      %run_scoped3A_272 = arith.constant 14 : i32
      "tpu.region"() ({
        %run_scoped3A_281 = tpu.sem_alloc : memref<!tpu.dma_semaphore, #tpu.memory_space<semaphore_mem>>
        %dma_start3A_282 = arith.constant 0 : i32
        %dma_start3A_283 = tpu.memref_slice %arg8[%run_scoped3A_272, %dma_start3A_282] : memref<16x128xi32, #tpu.memory_space<vmem>> -> memref<1x128xi32, #tpu.memory_space<vmem>>
        %dma_start3A_284 = tpu.memref_squeeze %dma_start3A_283 : memref<1x128xi32, #tpu.memory_space<vmem>> -> memref<128xi32, #tpu.memory_space<vmem>>
        %dma_start3A_285 = arith.constant 0 : i32
        %dma_start3A_286 = arith.constant 0 : i32
        %dma_start3A_287 = tpu.memref_slice %arg12[%dma_start3A_285, %dma_start3A_286] : memref<10112x72xf32, #tpu.memory_space<vmem_shared>> -> memref<10112x72xf32, #tpu.memory_space<vmem_shared>>
        tpu.enqueue_indirect_dma source(%arg9 : memref<128x72xf32, #tpu.memory_space<vmem>>) target(%dma_start3A_287 : memref<10112x72xf32, #tpu.memory_space<vmem_shared>>) offsets(%dma_start3A_284 : memref<128xi32, #tpu.memory_space<vmem>>) semaphore(%run_scoped3A_281 : memref<!tpu.dma_semaphore, #tpu.memory_space<semaphore_mem>>) {add = true}
        %dma_wait3A_288 = arith.constant 0 : i32
        %dma_wait3A_289 = tpu.memref_slice %arg8[%run_scoped3A_272, %dma_wait3A_288] : memref<16x128xi32, #tpu.memory_space<vmem>> -> memref<1x128xi32, #tpu.memory_space<vmem>>
        %dma_wait3A_290 = tpu.memref_squeeze %dma_wait3A_289 : memref<1x128xi32, #tpu.memory_space<vmem>> -> memref<128xi32, #tpu.memory_space<vmem>>
        %dma_wait3A_291 = arith.constant 0 : i32
        %dma_wait3A_292 = arith.constant 0 : i32
        %dma_wait3A_293 = tpu.memref_slice %arg12[%dma_wait3A_291, %dma_wait3A_292] : memref<10112x72xf32, #tpu.memory_space<vmem_shared>> -> memref<10112x72xf32, #tpu.memory_space<vmem_shared>>
        tpu.wait_indirect_dma semaphore(%run_scoped3A_281 : memref<!tpu.dma_semaphore, #tpu.memory_space<semaphore_mem>>) src(%arg9 : memref<128x72xf32, #tpu.memory_space<vmem>>) dst(%dma_wait3A_293 : memref<10112x72xf32, #tpu.memory_space<vmem_shared>>)
        tpu.yield
      }) : () -> ()
      %dma_wait3A_273 = arith.constant 15 : i32
      %dma_wait3A_274 = arith.constant 0 : i32
      %dma_wait3A_275 = tpu.memref_slice %arg7[%dma_wait3A_273, %dma_wait3A_274] : memref<16x128xi32, #tpu.memory_space<vmem>> -> memref<1x128xi32, #tpu.memory_space<vmem>>
      %dma_wait3A_276 = tpu.memref_squeeze %dma_wait3A_275 : memref<1x128xi32, #tpu.memory_space<vmem>> -> memref<128xi32, #tpu.memory_space<vmem>>
      %dma_wait3A_277 = arith.constant 0 : i32
      %dma_wait3A_278 = arith.constant 0 : i32
      %dma_wait3A_279 = tpu.memref_slice %arg11[%dma_wait3A_277, %dma_wait3A_278] : memref<10000x72xf32, #tpu.memory_space<vmem_shared>> -> memref<10000x72xf32, #tpu.memory_space<vmem_shared>>
      tpu.wait_indirect_dma semaphore(%arg14 : memref<!tpu.dma_semaphore, #tpu.memory_space<semaphore_mem>>) src(%dma_wait3A_279 : memref<10000x72xf32, #tpu.memory_space<vmem_shared>>) dst(%arg10 : memref<128x72xf32, #tpu.memory_space<vmem>>)
      %run_scoped3A_280 = arith.constant 15 : i32
      "tpu.region"() ({
        %run_scoped3A_281 = tpu.sem_alloc : memref<!tpu.dma_semaphore, #tpu.memory_space<semaphore_mem>>
        %dma_start3A_282 = arith.constant 0 : i32
        %dma_start3A_283 = tpu.memref_slice %arg8[%run_scoped3A_280, %dma_start3A_282] : memref<16x128xi32, #tpu.memory_space<vmem>> -> memref<1x128xi32, #tpu.memory_space<vmem>>
        %dma_start3A_284 = tpu.memref_squeeze %dma_start3A_283 : memref<1x128xi32, #tpu.memory_space<vmem>> -> memref<128xi32, #tpu.memory_space<vmem>>
        %dma_start3A_285 = arith.constant 0 : i32
        %dma_start3A_286 = arith.constant 0 : i32
        %dma_start3A_287 = tpu.memref_slice %arg12[%dma_start3A_285, %dma_start3A_286] : memref<10112x72xf32, #tpu.memory_space<vmem_shared>> -> memref<10112x72xf32, #tpu.memory_space<vmem_shared>>
        tpu.enqueue_indirect_dma source(%arg10 : memref<128x72xf32, #tpu.memory_space<vmem>>) target(%dma_start3A_287 : memref<10112x72xf32, #tpu.memory_space<vmem_shared>>) offsets(%dma_start3A_284 : memref<128xi32, #tpu.memory_space<vmem>>) semaphore(%run_scoped3A_281 : memref<!tpu.dma_semaphore, #tpu.memory_space<semaphore_mem>>) {add = true}
        %dma_wait3A_288 = arith.constant 0 : i32
        %dma_wait3A_289 = tpu.memref_slice %arg8[%run_scoped3A_280, %dma_wait3A_288] : memref<16x128xi32, #tpu.memory_space<vmem>> -> memref<1x128xi32, #tpu.memory_space<vmem>>
        %dma_wait3A_290 = tpu.memref_squeeze %dma_wait3A_289 : memref<1x128xi32, #tpu.memory_space<vmem>> -> memref<128xi32, #tpu.memory_space<vmem>>
        %dma_wait3A_291 = arith.constant 0 : i32
        %dma_wait3A_292 = arith.constant 0 : i32
        %dma_wait3A_293 = tpu.memref_slice %arg12[%dma_wait3A_291, %dma_wait3A_292] : memref<10112x72xf32, #tpu.memory_space<vmem_shared>> -> memref<10112x72xf32, #tpu.memory_space<vmem_shared>>
        tpu.wait_indirect_dma semaphore(%run_scoped3A_281 : memref<!tpu.dma_semaphore, #tpu.memory_space<semaphore_mem>>) src(%arg10 : memref<128x72xf32, #tpu.memory_space<vmem>>) dst(%dma_wait3A_293 : memref<10112x72xf32, #tpu.memory_space<vmem_shared>>)
        tpu.yield
      }) : () -> ()
    }
    %scan3A_11 = arith.constant 5 : i32
    %barrier3A_12 = arith.constant 0 : index
    tpu.barrier barrier_id(%barrier3A_12)
    %mul3A_13 = arith.constant 632 : i32
    %mul3A_14 = arith.muli %arg1, %mul3A_13 : i32
    %mul3A_15 = arith.constant 632 : i32
    %mul3A_16 = arith.muli %arg1, %mul3A_15 : i32
    %run_scoped3A_17 = arith.constant 0 : i32
    "tpu.region"() ({
      %run_scoped3A_38 = tpu.sem_alloc : memref<!tpu.dma_semaphore, #tpu.memory_space<semaphore_mem>>
      %dma_start3A = arith.constant 0 : i32
      %dma_start3A_39 = arith.constant 0 : i32
      %dma_start3A_40 = arith.constant 0 : i32
      %dma_start3A_41 = tpu.memref_slice %arg6[%run_scoped3A_17, %dma_start3A, %dma_start3A_39, %dma_start3A_40] : memref<2x2x10112x72xf32, #tpu.memory_space<hbm>> -> memref<1x2x10112x72xf32, #tpu.memory_space<hbm>>
      %dma_start3A_42 = tpu.memref_squeeze %dma_start3A_41 : memref<1x2x10112x72xf32, #tpu.memory_space<hbm>> -> memref<2x10112x72xf32, #tpu.memory_space<hbm>>
      %dma_start3A_43 = arith.constant 0 : i32
      %dma_start3A_44 = arith.constant 0 : i32
      %dma_start3A_45 = tpu.memref_slice %dma_start3A_42[%arg0, %dma_start3A_43, %dma_start3A_44] : memref<2x10112x72xf32, #tpu.memory_space<hbm>> -> memref<1x10112x72xf32, #tpu.memory_space<hbm>>
      %dma_start3A_46 = tpu.memref_squeeze %dma_start3A_45 : memref<1x10112x72xf32, #tpu.memory_space<hbm>> -> memref<10112x72xf32, #tpu.memory_space<hbm>>
      %dma_start3A_47 = arith.constant 0 : i32
      %dma_start3A_48 = tpu.memref_slice %dma_start3A_46[%mul3A_16, %dma_start3A_47] : memref<10112x72xf32, #tpu.memory_space<hbm>> -> memref<632x72xf32, #tpu.memory_space<hbm>>
      %dma_start3A_49 = arith.constant 0 : i32
      %dma_start3A_50 = tpu.memref_slice %arg12[%mul3A_14, %dma_start3A_49] : memref<10112x72xf32, #tpu.memory_space<vmem_shared>> -> memref<632x72xf32, #tpu.memory_space<vmem_shared>>
      tpu.enqueue_dma source(%dma_start3A_50 : memref<632x72xf32, #tpu.memory_space<vmem_shared>>) target(%dma_start3A_48 : memref<632x72xf32, #tpu.memory_space<hbm>>) target_semaphore(%run_scoped3A_38 : memref<!tpu.dma_semaphore, #tpu.memory_space<semaphore_mem>>)
      %dma_wait3A = arith.constant 0 : i32
      %dma_wait3A_51 = arith.constant 0 : i32
      %dma_wait3A_52 = arith.constant 0 : i32
      %dma_wait3A_53 = tpu.memref_slice %arg6[%run_scoped3A_17, %dma_wait3A, %dma_wait3A_51, %dma_wait3A_52] : memref<2x2x10112x72xf32, #tpu.memory_space<hbm>> -> memref<1x2x10112x72xf32, #tpu.memory_space<hbm>>
      %dma_wait3A_54 = tpu.memref_squeeze %dma_wait3A_53 : memref<1x2x10112x72xf32, #tpu.memory_space<hbm>> -> memref<2x10112x72xf32, #tpu.memory_space<hbm>>
      %dma_wait3A_55 = arith.constant 0 : i32
      %dma_wait3A_56 = arith.constant 0 : i32
      %dma_wait3A_57 = tpu.memref_slice %dma_wait3A_54[%arg0, %dma_wait3A_55, %dma_wait3A_56] : memref<2x10112x72xf32, #tpu.memory_space<hbm>> -> memref<1x10112x72xf32, #tpu.memory_space<hbm>>
      %dma_wait3A_58 = tpu.memref_squeeze %dma_wait3A_57 : memref<1x10112x72xf32, #tpu.memory_space<hbm>> -> memref<10112x72xf32, #tpu.memory_space<hbm>>
      %dma_wait3A_59 = arith.constant 0 : i32
      %dma_wait3A_60 = tpu.memref_slice %dma_wait3A_58[%mul3A_16, %dma_wait3A_59] : memref<10112x72xf32, #tpu.memory_space<hbm>> -> memref<632x72xf32, #tpu.memory_space<hbm>>
      %dma_wait3A_61 = arith.constant 0 : i32
      %dma_wait3A_62 = tpu.memref_slice %arg12[%mul3A_14, %dma_wait3A_61] : memref<10112x72xf32, #tpu.memory_space<vmem_shared>> -> memref<632x72xf32, #tpu.memory_space<vmem_shared>>
      tpu.wait_dma2 semaphore(%run_scoped3A_38 : memref<!tpu.dma_semaphore, #tpu.memory_space<semaphore_mem>>) src(%dma_wait3A_62 : memref<632x72xf32, #tpu.memory_space<vmem_shared>>) dst(%dma_wait3A_60 : memref<632x72xf32, #tpu.memory_space<hbm>>)
      tpu.yield
    }) : () -> ()
    %mul3A_18 = arith.constant 625 : i32
    %mul3A_19 = arith.muli %arg1, %mul3A_18 : i32
    %mul3A_20 = arith.constant 625 : i32
    %mul3A_21 = arith.muli %arg1, %mul3A_20 : i32
    %run_scoped3A_22 = arith.constant 1 : i32
    "tpu.region"() ({
      %run_scoped3A_38 = tpu.sem_alloc : memref<!tpu.dma_semaphore, #tpu.memory_space<semaphore_mem>>
      %dma_start3A = arith.constant 0 : i32
      %dma_start3A_39 = tpu.memref_slice %arg11[%mul3A_21, %dma_start3A] : memref<10000x72xf32, #tpu.memory_space<vmem_shared>> -> memref<625x72xf32, #tpu.memory_space<vmem_shared>>
      %dma_start3A_40 = arith.constant 0 : i32
      %dma_start3A_41 = tpu.memref_slice %arg2[%run_scoped3A_22, %mul3A_19, %dma_start3A_40] : memref<2x10000x72xf32, #tpu.memory_space<hbm>> -> memref<1x625x72xf32, #tpu.memory_space<hbm>>
      %dma_start3A_42 = tpu.memref_squeeze %dma_start3A_41 : memref<1x625x72xf32, #tpu.memory_space<hbm>> -> memref<625x72xf32, #tpu.memory_space<hbm>>
      tpu.enqueue_dma source(%dma_start3A_42 : memref<625x72xf32, #tpu.memory_space<hbm>>) target(%dma_start3A_39 : memref<625x72xf32, #tpu.memory_space<vmem_shared>>) target_semaphore(%run_scoped3A_38 : memref<!tpu.dma_semaphore, #tpu.memory_space<semaphore_mem>>)
      %dma_wait3A = arith.constant 0 : i32
      %dma_wait3A_43 = tpu.memref_slice %arg11[%mul3A_21, %dma_wait3A] : memref<10000x72xf32, #tpu.memory_space<vmem_shared>> -> memref<625x72xf32, #tpu.memory_space<vmem_shared>>
      %dma_wait3A_44 = arith.constant 0 : i32
      %dma_wait3A_45 = tpu.memref_slice %arg2[%run_scoped3A_22, %mul3A_19, %dma_wait3A_44] : memref<2x10000x72xf32, #tpu.memory_space<hbm>> -> memref<1x625x72xf32, #tpu.memory_space<hbm>>
      %dma_wait3A_46 = tpu.memref_squeeze %dma_wait3A_45 : memref<1x625x72xf32, #tpu.memory_space<hbm>> -> memref<625x72xf32, #tpu.memory_space<hbm>>
      tpu.wait_dma2 semaphore(%run_scoped3A_38 : memref<!tpu.dma_semaphore, #tpu.memory_space<semaphore_mem>>) src(%dma_wait3A_46 : memref<625x72xf32, #tpu.memory_space<hbm>>) dst(%dma_wait3A_43 : memref<625x72xf32, #tpu.memory_space<vmem_shared>>)
      tpu.yield
    }) : () -> ()
    %mul3A_23 = arith.constant 632 : i32
    %mul3A_24 = arith.muli %arg1, %mul3A_23 : i32
    "tpu.region"() ({
      %run_scoped3A_38 = tpu.sem_alloc : memref<!tpu.dma_semaphore, #tpu.memory_space<semaphore_mem>>
      %dma_start3A = arith.constant 0 : i32
      %dma_start3A_39 = tpu.memref_slice %arg12[%mul3A_24, %dma_start3A] : memref<10112x72xf32, #tpu.memory_space<vmem_shared>> -> memref<632x72xf32, #tpu.memory_space<vmem_shared>>
      tpu.enqueue_dma source(%arg5 : memref<632x72xf32, #tpu.memory_space<hbm>>) target(%dma_start3A_39 : memref<632x72xf32, #tpu.memory_space<vmem_shared>>) target_semaphore(%run_scoped3A_38 : memref<!tpu.dma_semaphore, #tpu.memory_space<semaphore_mem>>)
      %dma_wait3A = arith.constant 0 : i32
      %dma_wait3A_40 = tpu.memref_slice %arg12[%mul3A_24, %dma_wait3A] : memref<10112x72xf32, #tpu.memory_space<vmem_shared>> -> memref<632x72xf32, #tpu.memory_space<vmem_shared>>
      tpu.wait_dma2 semaphore(%run_scoped3A_38 : memref<!tpu.dma_semaphore, #tpu.memory_space<semaphore_mem>>) src(%arg5 : memref<632x72xf32, #tpu.memory_space<hbm>>) dst(%dma_wait3A_40 : memref<632x72xf32, #tpu.memory_space<vmem_shared>>)
      tpu.yield
    }) : () -> ()
    %barrier3A_25 = arith.constant 0 : index
    tpu.barrier barrier_id(%barrier3A_25)
    %scan3A_26 = arith.constant 0 : i32
    %scan3A_27 = arith.constant 0 : i32
    %scan3A_28 = arith.constant 5 : i32
    %scan3A_29 = arith.addi %scan3A_27, %scan3A_28 : i32
    %scan3A_30 = arith.constant 1 : i32
    scf.for %scan3A_38 = %scan3A_27 to %scan3A_29 step %scan3A_30  : i32 {
      %mul3A_39 = arith.constant 16 : i32
      %mul3A_40 = arith.muli %scan3A_38, %mul3A_39 : i32
      "tpu.region"() ({
        %run_scoped3A_281 = tpu.sem_alloc : memref<!tpu.dma_semaphore, #tpu.memory_space<semaphore_mem>>
        %dma_start3A_282 = arith.constant 0 : i32
        %dma_start3A_283 = tpu.memref_slice %arg3[%add3A, %mul3A_40, %dma_start3A_282] : memref<32x80x128xi32, #tpu.memory_space<hbm>> -> memref<1x16x128xi32, #tpu.memory_space<hbm>>
        %dma_start3A_284 = tpu.memref_squeeze %dma_start3A_283 : memref<1x16x128xi32, #tpu.memory_space<hbm>> -> memref<16x128xi32, #tpu.memory_space<hbm>>
        %dma_start3A_285 = arith.constant 0 : i32
        %dma_start3A_286 = tpu.memref_slice %arg3[%add3A, %mul3A_40, %dma_start3A_285] : memref<32x80x128xi32, #tpu.memory_space<hbm>> -> memref<1x16x128xi32, #tpu.memory_space<hbm>>
        %dma_start3A_287 = tpu.memref_squeeze %dma_start3A_286 : memref<1x16x128xi32, #tpu.memory_space<hbm>> -> memref<16x128xi32, #tpu.memory_space<hbm>>
        tpu.enqueue_dma source(%dma_start3A_287 : memref<16x128xi32, #tpu.memory_space<hbm>>) target(%arg7 : memref<16x128xi32, #tpu.memory_space<vmem>>) target_semaphore(%run_scoped3A_281 : memref<!tpu.dma_semaphore, #tpu.memory_space<semaphore_mem>>)
        %dma_wait3A_288 = arith.constant 0 : i32
        %dma_wait3A_289 = tpu.memref_slice %arg3[%add3A, %mul3A_40, %dma_wait3A_288] : memref<32x80x128xi32, #tpu.memory_space<hbm>> -> memref<1x16x128xi32, #tpu.memory_space<hbm>>
        %dma_wait3A_290 = tpu.memref_squeeze %dma_wait3A_289 : memref<1x16x128xi32, #tpu.memory_space<hbm>> -> memref<16x128xi32, #tpu.memory_space<hbm>>
        %dma_wait3A_291 = arith.constant 0 : i32
        %dma_wait3A_292 = tpu.memref_slice %arg3[%add3A, %mul3A_40, %dma_wait3A_291] : memref<32x80x128xi32, #tpu.memory_space<hbm>> -> memref<1x16x128xi32, #tpu.memory_space<hbm>>
        %dma_wait3A_293 = tpu.memref_squeeze %dma_wait3A_292 : memref<1x16x128xi32, #tpu.memory_space<hbm>> -> memref<16x128xi32, #tpu.memory_space<hbm>>
        tpu.wait_dma2 semaphore(%run_scoped3A_281 : memref<!tpu.dma_semaphore, #tpu.memory_space<semaphore_mem>>) src(%dma_wait3A_293 : memref<16x128xi32, #tpu.memory_space<hbm>>) dst(%arg7 : memref<16x128xi32, #tpu.memory_space<vmem>>)
        tpu.yield
      }) : () -> ()
      %mul3A_41 = arith.constant 16 : i32
      %mul3A_42 = arith.muli %scan3A_38, %mul3A_41 : i32
      "tpu.region"() ({
        %run_scoped3A_281 = tpu.sem_alloc : memref<!tpu.dma_semaphore, #tpu.memory_space<semaphore_mem>>
        %dma_start3A_282 = arith.constant 0 : i32
        %dma_start3A_283 = tpu.memref_slice %arg4[%add3A, %mul3A_42, %dma_start3A_282] : memref<32x80x128xi32, #tpu.memory_space<hbm>> -> memref<1x16x128xi32, #tpu.memory_space<hbm>>
        %dma_start3A_284 = tpu.memref_squeeze %dma_start3A_283 : memref<1x16x128xi32, #tpu.memory_space<hbm>> -> memref<16x128xi32, #tpu.memory_space<hbm>>
        %dma_start3A_285 = arith.constant 0 : i32
        %dma_start3A_286 = tpu.memref_slice %arg4[%add3A, %mul3A_42, %dma_start3A_285] : memref<32x80x128xi32, #tpu.memory_space<hbm>> -> memref<1x16x128xi32, #tpu.memory_space<hbm>>
        %dma_start3A_287 = tpu.memref_squeeze %dma_start3A_286 : memref<1x16x128xi32, #tpu.memory_space<hbm>> -> memref<16x128xi32, #tpu.memory_space<hbm>>
        tpu.enqueue_dma source(%dma_start3A_287 : memref<16x128xi32, #tpu.memory_space<hbm>>) target(%arg8 : memref<16x128xi32, #tpu.memory_space<vmem>>) target_semaphore(%run_scoped3A_281 : memref<!tpu.dma_semaphore, #tpu.memory_space<semaphore_mem>>)
        %dma_wait3A_288 = arith.constant 0 : i32
        %dma_wait3A_289 = tpu.memref_slice %arg4[%add3A, %mul3A_42, %dma_wait3A_288] : memref<32x80x128xi32, #tpu.memory_space<hbm>> -> memref<1x16x128xi32, #tpu.memory_space<hbm>>
        %dma_wait3A_290 = tpu.memref_squeeze %dma_wait3A_289 : memref<1x16x128xi32, #tpu.memory_space<hbm>> -> memref<16x128xi32, #tpu.memory_space<hbm>>
        %dma_wait3A_291 = arith.constant 0 : i32
        %dma_wait3A_292 = tpu.memref_slice %arg4[%add3A, %mul3A_42, %dma_wait3A_291] : memref<32x80x128xi32, #tpu.memory_space<hbm>> -> memref<1x16x128xi32, #tpu.memory_space<hbm>>
        %dma_wait3A_293 = tpu.memref_squeeze %dma_wait3A_292 : memref<1x16x128xi32, #tpu.memory_space<hbm>> -> memref<16x128xi32, #tpu.memory_space<hbm>>
        tpu.wait_dma2 semaphore(%run_scoped3A_281 : memref<!tpu.dma_semaphore, #tpu.memory_space<semaphore_mem>>) src(%dma_wait3A_293 : memref<16x128xi32, #tpu.memory_space<hbm>>) dst(%arg8 : memref<16x128xi32, #tpu.memory_space<vmem>>)
        tpu.yield
      }) : () -> ()
      %dma_start3A = arith.constant 0 : i32
      %dma_start3A_43 = arith.constant 0 : i32
      %dma_start3A_44 = tpu.memref_slice %arg7[%dma_start3A, %dma_start3A_43] : memref<16x128xi32, #tpu.memory_space<vmem>> -> memref<1x128xi32, #tpu.memory_space<vmem>>
      %dma_start3A_45 = tpu.memref_squeeze %dma_start3A_44 : memref<1x128xi32, #tpu.memory_space<vmem>> -> memref<128xi32, #tpu.memory_space<vmem>>
      %dma_start3A_46 = arith.constant 0 : i32
      %dma_start3A_47 = arith.constant 0 : i32
      %dma_start3A_48 = tpu.memref_slice %arg11[%dma_start3A_46, %dma_start3A_47] : memref<10000x72xf32, #tpu.memory_space<vmem_shared>> -> memref<10000x72xf32, #tpu.memory_space<vmem_shared>>
      tpu.enqueue_indirect_dma source(%dma_start3A_48 : memref<10000x72xf32, #tpu.memory_space<vmem_shared>>) target(%arg9 : memref<128x72xf32, #tpu.memory_space<vmem>>) offsets(%dma_start3A_45 : memref<128xi32, #tpu.memory_space<vmem>>) semaphore(%arg13 : memref<!tpu.dma_semaphore, #tpu.memory_space<semaphore_mem>>)
      %dma_wait3A = arith.constant 0 : i32
      %dma_wait3A_49 = arith.constant 0 : i32
      %dma_wait3A_50 = tpu.memref_slice %arg7[%dma_wait3A, %dma_wait3A_49] : memref<16x128xi32, #tpu.memory_space<vmem>> -> memref<1x128xi32, #tpu.memory_space<vmem>>
      %dma_wait3A_51 = tpu.memref_squeeze %dma_wait3A_50 : memref<1x128xi32, #tpu.memory_space<vmem>> -> memref<128xi32, #tpu.memory_space<vmem>>
      %dma_wait3A_52 = arith.constant 0 : i32
      %dma_wait3A_53 = arith.constant 0 : i32
      %dma_wait3A_54 = tpu.memref_slice %arg11[%dma_wait3A_52, %dma_wait3A_53] : memref<10000x72xf32, #tpu.memory_space<vmem_shared>> -> memref<10000x72xf32, #tpu.memory_space<vmem_shared>>
      tpu.wait_indirect_dma semaphore(%arg13 : memref<!tpu.dma_semaphore, #tpu.memory_space<semaphore_mem>>) src(%dma_wait3A_54 : memref<10000x72xf32, #tpu.memory_space<vmem_shared>>) dst(%arg9 : memref<128x72xf32, #tpu.memory_space<vmem>>)
      %dma_start3A_55 = arith.constant 1 : i32
      %dma_start3A_56 = arith.constant 0 : i32
      %dma_start3A_57 = tpu.memref_slice %arg7[%dma_start3A_55, %dma_start3A_56] : memref<16x128xi32, #tpu.memory_space<vmem>> -> memref<1x128xi32, #tpu.memory_space<vmem>>
      %dma_start3A_58 = tpu.memref_squeeze %dma_start3A_57 : memref<1x128xi32, #tpu.memory_space<vmem>> -> memref<128xi32, #tpu.memory_space<vmem>>
      %dma_start3A_59 = arith.constant 0 : i32
      %dma_start3A_60 = arith.constant 0 : i32
      %dma_start3A_61 = tpu.memref_slice %arg11[%dma_start3A_59, %dma_start3A_60] : memref<10000x72xf32, #tpu.memory_space<vmem_shared>> -> memref<10000x72xf32, #tpu.memory_space<vmem_shared>>
      tpu.enqueue_indirect_dma source(%dma_start3A_61 : memref<10000x72xf32, #tpu.memory_space<vmem_shared>>) target(%arg10 : memref<128x72xf32, #tpu.memory_space<vmem>>) offsets(%dma_start3A_58 : memref<128xi32, #tpu.memory_space<vmem>>) semaphore(%arg14 : memref<!tpu.dma_semaphore, #tpu.memory_space<semaphore_mem>>)
      %run_scoped3A_62 = arith.constant 0 : i32
      "tpu.region"() ({
        %run_scoped3A_281 = tpu.sem_alloc : memref<!tpu.dma_semaphore, #tpu.memory_space<semaphore_mem>>
        %dma_start3A_282 = arith.constant 0 : i32
        %dma_start3A_283 = tpu.memref_slice %arg8[%run_scoped3A_62, %dma_start3A_282] : memref<16x128xi32, #tpu.memory_space<vmem>> -> memref<1x128xi32, #tpu.memory_space<vmem>>
        %dma_start3A_284 = tpu.memref_squeeze %dma_start3A_283 : memref<1x128xi32, #tpu.memory_space<vmem>> -> memref<128xi32, #tpu.memory_space<vmem>>
        %dma_start3A_285 = arith.constant 0 : i32
        %dma_start3A_286 = arith.constant 0 : i32
        %dma_start3A_287 = tpu.memref_slice %arg12[%dma_start3A_285, %dma_start3A_286] : memref<10112x72xf32, #tpu.memory_space<vmem_shared>> -> memref<10112x72xf32, #tpu.memory_space<vmem_shared>>
        tpu.enqueue_indirect_dma source(%arg9 : memref<128x72xf32, #tpu.memory_space<vmem>>) target(%dma_start3A_287 : memref<10112x72xf32, #tpu.memory_space<vmem_shared>>) offsets(%dma_start3A_284 : memref<128xi32, #tpu.memory_space<vmem>>) semaphore(%run_scoped3A_281 : memref<!tpu.dma_semaphore, #tpu.memory_space<semaphore_mem>>) {add = true}
        %dma_wait3A_288 = arith.constant 0 : i32
        %dma_wait3A_289 = tpu.memref_slice %arg8[%run_scoped3A_62, %dma_wait3A_288] : memref<16x128xi32, #tpu.memory_space<vmem>> -> memref<1x128xi32, #tpu.memory_space<vmem>>
        %dma_wait3A_290 = tpu.memref_squeeze %dma_wait3A_289 : memref<1x128xi32, #tpu.memory_space<vmem>> -> memref<128xi32, #tpu.memory_space<vmem>>
        %dma_wait3A_291 = arith.constant 0 : i32
        %dma_wait3A_292 = arith.constant 0 : i32
        %dma_wait3A_293 = tpu.memref_slice %arg12[%dma_wait3A_291, %dma_wait3A_292] : memref<10112x72xf32, #tpu.memory_space<vmem_shared>> -> memref<10112x72xf32, #tpu.memory_space<vmem_shared>>
        tpu.wait_indirect_dma semaphore(%run_scoped3A_281 : memref<!tpu.dma_semaphore, #tpu.memory_space<semaphore_mem>>) src(%arg9 : memref<128x72xf32, #tpu.memory_space<vmem>>) dst(%dma_wait3A_293 : memref<10112x72xf32, #tpu.memory_space<vmem_shared>>)
        tpu.yield
      }) : () -> ()
      %dma_wait3A_63 = arith.constant 1 : i32
      %dma_wait3A_64 = arith.constant 0 : i32
      %dma_wait3A_65 = tpu.memref_slice %arg7[%dma_wait3A_63, %dma_wait3A_64] : memref<16x128xi32, #tpu.memory_space<vmem>> -> memref<1x128xi32, #tpu.memory_space<vmem>>
      %dma_wait3A_66 = tpu.memref_squeeze %dma_wait3A_65 : memref<1x128xi32, #tpu.memory_space<vmem>> -> memref<128xi32, #tpu.memory_space<vmem>>
      %dma_wait3A_67 = arith.constant 0 : i32
      %dma_wait3A_68 = arith.constant 0 : i32
      %dma_wait3A_69 = tpu.memref_slice %arg11[%dma_wait3A_67, %dma_wait3A_68] : memref<10000x72xf32, #tpu.memory_space<vmem_shared>> -> memref<10000x72xf32, #tpu.memory_space<vmem_shared>>
      tpu.wait_indirect_dma semaphore(%arg14 : memref<!tpu.dma_semaphore, #tpu.memory_space<semaphore_mem>>) src(%dma_wait3A_69 : memref<10000x72xf32, #tpu.memory_space<vmem_shared>>) dst(%arg10 : memref<128x72xf32, #tpu.memory_space<vmem>>)
      %dma_start3A_70 = arith.constant 2 : i32
      %dma_start3A_71 = arith.constant 0 : i32
      %dma_start3A_72 = tpu.memref_slice %arg7[%dma_start3A_70, %dma_start3A_71] : memref<16x128xi32, #tpu.memory_space<vmem>> -> memref<1x128xi32, #tpu.memory_space<vmem>>
      %dma_start3A_73 = tpu.memref_squeeze %dma_start3A_72 : memref<1x128xi32, #tpu.memory_space<vmem>> -> memref<128xi32, #tpu.memory_space<vmem>>
      %dma_start3A_74 = arith.constant 0 : i32
      %dma_start3A_75 = arith.constant 0 : i32
      %dma_start3A_76 = tpu.memref_slice %arg11[%dma_start3A_74, %dma_start3A_75] : memref<10000x72xf32, #tpu.memory_space<vmem_shared>> -> memref<10000x72xf32, #tpu.memory_space<vmem_shared>>
      tpu.enqueue_indirect_dma source(%dma_start3A_76 : memref<10000x72xf32, #tpu.memory_space<vmem_shared>>) target(%arg9 : memref<128x72xf32, #tpu.memory_space<vmem>>) offsets(%dma_start3A_73 : memref<128xi32, #tpu.memory_space<vmem>>) semaphore(%arg13 : memref<!tpu.dma_semaphore, #tpu.memory_space<semaphore_mem>>)
      %run_scoped3A_77 = arith.constant 1 : i32
      "tpu.region"() ({
        %run_scoped3A_281 = tpu.sem_alloc : memref<!tpu.dma_semaphore, #tpu.memory_space<semaphore_mem>>
        %dma_start3A_282 = arith.constant 0 : i32
        %dma_start3A_283 = tpu.memref_slice %arg8[%run_scoped3A_77, %dma_start3A_282] : memref<16x128xi32, #tpu.memory_space<vmem>> -> memref<1x128xi32, #tpu.memory_space<vmem>>
        %dma_start3A_284 = tpu.memref_squeeze %dma_start3A_283 : memref<1x128xi32, #tpu.memory_space<vmem>> -> memref<128xi32, #tpu.memory_space<vmem>>
        %dma_start3A_285 = arith.constant 0 : i32
        %dma_start3A_286 = arith.constant 0 : i32
        %dma_start3A_287 = tpu.memref_slice %arg12[%dma_start3A_285, %dma_start3A_286] : memref<10112x72xf32, #tpu.memory_space<vmem_shared>> -> memref<10112x72xf32, #tpu.memory_space<vmem_shared>>
        tpu.enqueue_indirect_dma source(%arg10 : memref<128x72xf32, #tpu.memory_space<vmem>>) target(%dma_start3A_287 : memref<10112x72xf32, #tpu.memory_space<vmem_shared>>) offsets(%dma_start3A_284 : memref<128xi32, #tpu.memory_space<vmem>>) semaphore(%run_scoped3A_281 : memref<!tpu.dma_semaphore, #tpu.memory_space<semaphore_mem>>) {add = true}
        %dma_wait3A_288 = arith.constant 0 : i32
        %dma_wait3A_289 = tpu.memref_slice %arg8[%run_scoped3A_77, %dma_wait3A_288] : memref<16x128xi32, #tpu.memory_space<vmem>> -> memref<1x128xi32, #tpu.memory_space<vmem>>
        %dma_wait3A_290 = tpu.memref_squeeze %dma_wait3A_289 : memref<1x128xi32, #tpu.memory_space<vmem>> -> memref<128xi32, #tpu.memory_space<vmem>>
        %dma_wait3A_291 = arith.constant 0 : i32
        %dma_wait3A_292 = arith.constant 0 : i32
        %dma_wait3A_293 = tpu.memref_slice %arg12[%dma_wait3A_291, %dma_wait3A_292] : memref<10112x72xf32, #tpu.memory_space<vmem_shared>> -> memref<10112x72xf32, #tpu.memory_space<vmem_shared>>
        tpu.wait_indirect_dma semaphore(%run_scoped3A_281 : memref<!tpu.dma_semaphore, #tpu.memory_space<semaphore_mem>>) src(%arg10 : memref<128x72xf32, #tpu.memory_space<vmem>>) dst(%dma_wait3A_293 : memref<10112x72xf32, #tpu.memory_space<vmem_shared>>)
        tpu.yield
      }) : () -> ()
      %dma_wait3A_78 = arith.constant 2 : i32
      %dma_wait3A_79 = arith.constant 0 : i32
      %dma_wait3A_80 = tpu.memref_slice %arg7[%dma_wait3A_78, %dma_wait3A_79] : memref<16x128xi32, #tpu.memory_space<vmem>> -> memref<1x128xi32, #tpu.memory_space<vmem>>
      %dma_wait3A_81 = tpu.memref_squeeze %dma_wait3A_80 : memref<1x128xi32, #tpu.memory_space<vmem>> -> memref<128xi32, #tpu.memory_space<vmem>>
      %dma_wait3A_82 = arith.constant 0 : i32
      %dma_wait3A_83 = arith.constant 0 : i32
      %dma_wait3A_84 = tpu.memref_slice %arg11[%dma_wait3A_82, %dma_wait3A_83] : memref<10000x72xf32, #tpu.memory_space<vmem_shared>> -> memref<10000x72xf32, #tpu.memory_space<vmem_shared>>
      tpu.wait_indirect_dma semaphore(%arg13 : memref<!tpu.dma_semaphore, #tpu.memory_space<semaphore_mem>>) src(%dma_wait3A_84 : memref<10000x72xf32, #tpu.memory_space<vmem_shared>>) dst(%arg9 : memref<128x72xf32, #tpu.memory_space<vmem>>)
      %dma_start3A_85 = arith.constant 3 : i32
      %dma_start3A_86 = arith.constant 0 : i32
      %dma_start3A_87 = tpu.memref_slice %arg7[%dma_start3A_85, %dma_start3A_86] : memref<16x128xi32, #tpu.memory_space<vmem>> -> memref<1x128xi32, #tpu.memory_space<vmem>>
      %dma_start3A_88 = tpu.memref_squeeze %dma_start3A_87 : memref<1x128xi32, #tpu.memory_space<vmem>> -> memref<128xi32, #tpu.memory_space<vmem>>
      %dma_start3A_89 = arith.constant 0 : i32
      %dma_start3A_90 = arith.constant 0 : i32
      %dma_start3A_91 = tpu.memref_slice %arg11[%dma_start3A_89, %dma_start3A_90] : memref<10000x72xf32, #tpu.memory_space<vmem_shared>> -> memref<10000x72xf32, #tpu.memory_space<vmem_shared>>
      tpu.enqueue_indirect_dma source(%dma_start3A_91 : memref<10000x72xf32, #tpu.memory_space<vmem_shared>>) target(%arg10 : memref<128x72xf32, #tpu.memory_space<vmem>>) offsets(%dma_start3A_88 : memref<128xi32, #tpu.memory_space<vmem>>) semaphore(%arg14 : memref<!tpu.dma_semaphore, #tpu.memory_space<semaphore_mem>>)
      %run_scoped3A_92 = arith.constant 2 : i32
      "tpu.region"() ({
        %run_scoped3A_281 = tpu.sem_alloc : memref<!tpu.dma_semaphore, #tpu.memory_space<semaphore_mem>>
        %dma_start3A_282 = arith.constant 0 : i32
        %dma_start3A_283 = tpu.memref_slice %arg8[%run_scoped3A_92, %dma_start3A_282] : memref<16x128xi32, #tpu.memory_space<vmem>> -> memref<1x128xi32, #tpu.memory_space<vmem>>
        %dma_start3A_284 = tpu.memref_squeeze %dma_start3A_283 : memref<1x128xi32, #tpu.memory_space<vmem>> -> memref<128xi32, #tpu.memory_space<vmem>>
        %dma_start3A_285 = arith.constant 0 : i32
        %dma_start3A_286 = arith.constant 0 : i32
        %dma_start3A_287 = tpu.memref_slice %arg12[%dma_start3A_285, %dma_start3A_286] : memref<10112x72xf32, #tpu.memory_space<vmem_shared>> -> memref<10112x72xf32, #tpu.memory_space<vmem_shared>>
        tpu.enqueue_indirect_dma source(%arg9 : memref<128x72xf32, #tpu.memory_space<vmem>>) target(%dma_start3A_287 : memref<10112x72xf32, #tpu.memory_space<vmem_shared>>) offsets(%dma_start3A_284 : memref<128xi32, #tpu.memory_space<vmem>>) semaphore(%run_scoped3A_281 : memref<!tpu.dma_semaphore, #tpu.memory_space<semaphore_mem>>) {add = true}
        %dma_wait3A_288 = arith.constant 0 : i32
        %dma_wait3A_289 = tpu.memref_slice %arg8[%run_scoped3A_92, %dma_wait3A_288] : memref<16x128xi32, #tpu.memory_space<vmem>> -> memref<1x128xi32, #tpu.memory_space<vmem>>
        %dma_wait3A_290 = tpu.memref_squeeze %dma_wait3A_289 : memref<1x128xi32, #tpu.memory_space<vmem>> -> memref<128xi32, #tpu.memory_space<vmem>>
        %dma_wait3A_291 = arith.constant 0 : i32
        %dma_wait3A_292 = arith.constant 0 : i32
        %dma_wait3A_293 = tpu.memref_slice %arg12[%dma_wait3A_291, %dma_wait3A_292] : memref<10112x72xf32, #tpu.memory_space<vmem_shared>> -> memref<10112x72xf32, #tpu.memory_space<vmem_shared>>
        tpu.wait_indirect_dma semaphore(%run_scoped3A_281 : memref<!tpu.dma_semaphore, #tpu.memory_space<semaphore_mem>>) src(%arg9 : memref<128x72xf32, #tpu.memory_space<vmem>>) dst(%dma_wait3A_293 : memref<10112x72xf32, #tpu.memory_space<vmem_shared>>)
        tpu.yield
      }) : () -> ()
      %dma_wait3A_93 = arith.constant 3 : i32
      %dma_wait3A_94 = arith.constant 0 : i32
      %dma_wait3A_95 = tpu.memref_slice %arg7[%dma_wait3A_93, %dma_wait3A_94] : memref<16x128xi32, #tpu.memory_space<vmem>> -> memref<1x128xi32, #tpu.memory_space<vmem>>
      %dma_wait3A_96 = tpu.memref_squeeze %dma_wait3A_95 : memref<1x128xi32, #tpu.memory_space<vmem>> -> memref<128xi32, #tpu.memory_space<vmem>>
      %dma_wait3A_97 = arith.constant 0 : i32
      %dma_wait3A_98 = arith.constant 0 : i32
      %dma_wait3A_99 = tpu.memref_slice %arg11[%dma_wait3A_97, %dma_wait3A_98] : memref<10000x72xf32, #tpu.memory_space<vmem_shared>> -> memref<10000x72xf32, #tpu.memory_space<vmem_shared>>
      tpu.wait_indirect_dma semaphore(%arg14 : memref<!tpu.dma_semaphore, #tpu.memory_space<semaphore_mem>>) src(%dma_wait3A_99 : memref<10000x72xf32, #tpu.memory_space<vmem_shared>>) dst(%arg10 : memref<128x72xf32, #tpu.memory_space<vmem>>)
      %dma_start3A_100 = arith.constant 4 : i32
      %dma_start3A_101 = arith.constant 0 : i32
      %dma_start3A_102 = tpu.memref_slice %arg7[%dma_start3A_100, %dma_start3A_101] : memref<16x128xi32, #tpu.memory_space<vmem>> -> memref<1x128xi32, #tpu.memory_space<vmem>>
      %dma_start3A_103 = tpu.memref_squeeze %dma_start3A_102 : memref<1x128xi32, #tpu.memory_space<vmem>> -> memref<128xi32, #tpu.memory_space<vmem>>
      %dma_start3A_104 = arith.constant 0 : i32
      %dma_start3A_105 = arith.constant 0 : i32
      %dma_start3A_106 = tpu.memref_slice %arg11[%dma_start3A_104, %dma_start3A_105] : memref<10000x72xf32, #tpu.memory_space<vmem_shared>> -> memref<10000x72xf32, #tpu.memory_space<vmem_shared>>
      tpu.enqueue_indirect_dma source(%dma_start3A_106 : memref<10000x72xf32, #tpu.memory_space<vmem_shared>>) target(%arg9 : memref<128x72xf32, #tpu.memory_space<vmem>>) offsets(%dma_start3A_103 : memref<128xi32, #tpu.memory_space<vmem>>) semaphore(%arg13 : memref<!tpu.dma_semaphore, #tpu.memory_space<semaphore_mem>>)
      %run_scoped3A_107 = arith.constant 3 : i32
      "tpu.region"() ({
        %run_scoped3A_281 = tpu.sem_alloc : memref<!tpu.dma_semaphore, #tpu.memory_space<semaphore_mem>>
        %dma_start3A_282 = arith.constant 0 : i32
        %dma_start3A_283 = tpu.memref_slice %arg8[%run_scoped3A_107, %dma_start3A_282] : memref<16x128xi32, #tpu.memory_space<vmem>> -> memref<1x128xi32, #tpu.memory_space<vmem>>
        %dma_start3A_284 = tpu.memref_squeeze %dma_start3A_283 : memref<1x128xi32, #tpu.memory_space<vmem>> -> memref<128xi32, #tpu.memory_space<vmem>>
        %dma_start3A_285 = arith.constant 0 : i32
        %dma_start3A_286 = arith.constant 0 : i32
        %dma_start3A_287 = tpu.memref_slice %arg12[%dma_start3A_285, %dma_start3A_286] : memref<10112x72xf32, #tpu.memory_space<vmem_shared>> -> memref<10112x72xf32, #tpu.memory_space<vmem_shared>>
        tpu.enqueue_indirect_dma source(%arg10 : memref<128x72xf32, #tpu.memory_space<vmem>>) target(%dma_start3A_287 : memref<10112x72xf32, #tpu.memory_space<vmem_shared>>) offsets(%dma_start3A_284 : memref<128xi32, #tpu.memory_space<vmem>>) semaphore(%run_scoped3A_281 : memref<!tpu.dma_semaphore, #tpu.memory_space<semaphore_mem>>) {add = true}
        %dma_wait3A_288 = arith.constant 0 : i32
        %dma_wait3A_289 = tpu.memref_slice %arg8[%run_scoped3A_107, %dma_wait3A_288] : memref<16x128xi32, #tpu.memory_space<vmem>> -> memref<1x128xi32, #tpu.memory_space<vmem>>
        %dma_wait3A_290 = tpu.memref_squeeze %dma_wait3A_289 : memref<1x128xi32, #tpu.memory_space<vmem>> -> memref<128xi32, #tpu.memory_space<vmem>>
        %dma_wait3A_291 = arith.constant 0 : i32
        %dma_wait3A_292 = arith.constant 0 : i32
        %dma_wait3A_293 = tpu.memref_slice %arg12[%dma_wait3A_291, %dma_wait3A_292] : memref<10112x72xf32, #tpu.memory_space<vmem_shared>> -> memref<10112x72xf32, #tpu.memory_space<vmem_shared>>
        tpu.wait_indirect_dma semaphore(%run_scoped3A_281 : memref<!tpu.dma_semaphore, #tpu.memory_space<semaphore_mem>>) src(%arg10 : memref<128x72xf32, #tpu.memory_space<vmem>>) dst(%dma_wait3A_293 : memref<10112x72xf32, #tpu.memory_space<vmem_shared>>)
        tpu.yield
      }) : () -> ()
      %dma_wait3A_108 = arith.constant 4 : i32
      %dma_wait3A_109 = arith.constant 0 : i32
      %dma_wait3A_110 = tpu.memref_slice %arg7[%dma_wait3A_108, %dma_wait3A_109] : memref<16x128xi32, #tpu.memory_space<vmem>> -> memref<1x128xi32, #tpu.memory_space<vmem>>
      %dma_wait3A_111 = tpu.memref_squeeze %dma_wait3A_110 : memref<1x128xi32, #tpu.memory_space<vmem>> -> memref<128xi32, #tpu.memory_space<vmem>>
      %dma_wait3A_112 = arith.constant 0 : i32
      %dma_wait3A_113 = arith.constant 0 : i32
      %dma_wait3A_114 = tpu.memref_slice %arg11[%dma_wait3A_112, %dma_wait3A_113] : memref<10000x72xf32, #tpu.memory_space<vmem_shared>> -> memref<10000x72xf32, #tpu.memory_space<vmem_shared>>
      tpu.wait_indirect_dma semaphore(%arg13 : memref<!tpu.dma_semaphore, #tpu.memory_space<semaphore_mem>>) src(%dma_wait3A_114 : memref<10000x72xf32, #tpu.memory_space<vmem_shared>>) dst(%arg9 : memref<128x72xf32, #tpu.memory_space<vmem>>)
      %dma_start3A_115 = arith.constant 5 : i32
      %dma_start3A_116 = arith.constant 0 : i32
      %dma_start3A_117 = tpu.memref_slice %arg7[%dma_start3A_115, %dma_start3A_116] : memref<16x128xi32, #tpu.memory_space<vmem>> -> memref<1x128xi32, #tpu.memory_space<vmem>>
      %dma_start3A_118 = tpu.memref_squeeze %dma_start3A_117 : memref<1x128xi32, #tpu.memory_space<vmem>> -> memref<128xi32, #tpu.memory_space<vmem>>
      %dma_start3A_119 = arith.constant 0 : i32
      %dma_start3A_120 = arith.constant 0 : i32
      %dma_start3A_121 = tpu.memref_slice %arg11[%dma_start3A_119, %dma_start3A_120] : memref<10000x72xf32, #tpu.memory_space<vmem_shared>> -> memref<10000x72xf32, #tpu.memory_space<vmem_shared>>
      tpu.enqueue_indirect_dma source(%dma_start3A_121 : memref<10000x72xf32, #tpu.memory_space<vmem_shared>>) target(%arg10 : memref<128x72xf32, #tpu.memory_space<vmem>>) offsets(%dma_start3A_118 : memref<128xi32, #tpu.memory_space<vmem>>) semaphore(%arg14 : memref<!tpu.dma_semaphore, #tpu.memory_space<semaphore_mem>>)
      %run_scoped3A_122 = arith.constant 4 : i32
      "tpu.region"() ({
        %run_scoped3A_281 = tpu.sem_alloc : memref<!tpu.dma_semaphore, #tpu.memory_space<semaphore_mem>>
        %dma_start3A_282 = arith.constant 0 : i32
        %dma_start3A_283 = tpu.memref_slice %arg8[%run_scoped3A_122, %dma_start3A_282] : memref<16x128xi32, #tpu.memory_space<vmem>> -> memref<1x128xi32, #tpu.memory_space<vmem>>
        %dma_start3A_284 = tpu.memref_squeeze %dma_start3A_283 : memref<1x128xi32, #tpu.memory_space<vmem>> -> memref<128xi32, #tpu.memory_space<vmem>>
        %dma_start3A_285 = arith.constant 0 : i32
        %dma_start3A_286 = arith.constant 0 : i32
        %dma_start3A_287 = tpu.memref_slice %arg12[%dma_start3A_285, %dma_start3A_286] : memref<10112x72xf32, #tpu.memory_space<vmem_shared>> -> memref<10112x72xf32, #tpu.memory_space<vmem_shared>>
        tpu.enqueue_indirect_dma source(%arg9 : memref<128x72xf32, #tpu.memory_space<vmem>>) target(%dma_start3A_287 : memref<10112x72xf32, #tpu.memory_space<vmem_shared>>) offsets(%dma_start3A_284 : memref<128xi32, #tpu.memory_space<vmem>>) semaphore(%run_scoped3A_281 : memref<!tpu.dma_semaphore, #tpu.memory_space<semaphore_mem>>) {add = true}
        %dma_wait3A_288 = arith.constant 0 : i32
        %dma_wait3A_289 = tpu.memref_slice %arg8[%run_scoped3A_122, %dma_wait3A_288] : memref<16x128xi32, #tpu.memory_space<vmem>> -> memref<1x128xi32, #tpu.memory_space<vmem>>
        %dma_wait3A_290 = tpu.memref_squeeze %dma_wait3A_289 : memref<1x128xi32, #tpu.memory_space<vmem>> -> memref<128xi32, #tpu.memory_space<vmem>>
        %dma_wait3A_291 = arith.constant 0 : i32
        %dma_wait3A_292 = arith.constant 0 : i32
        %dma_wait3A_293 = tpu.memref_slice %arg12[%dma_wait3A_291, %dma_wait3A_292] : memref<10112x72xf32, #tpu.memory_space<vmem_shared>> -> memref<10112x72xf32, #tpu.memory_space<vmem_shared>>
        tpu.wait_indirect_dma semaphore(%run_scoped3A_281 : memref<!tpu.dma_semaphore, #tpu.memory_space<semaphore_mem>>) src(%arg9 : memref<128x72xf32, #tpu.memory_space<vmem>>) dst(%dma_wait3A_293 : memref<10112x72xf32, #tpu.memory_space<vmem_shared>>)
        tpu.yield
      }) : () -> ()
      %dma_wait3A_123 = arith.constant 5 : i32
      %dma_wait3A_124 = arith.constant 0 : i32
      %dma_wait3A_125 = tpu.memref_slice %arg7[%dma_wait3A_123, %dma_wait3A_124] : memref<16x128xi32, #tpu.memory_space<vmem>> -> memref<1x128xi32, #tpu.memory_space<vmem>>
      %dma_wait3A_126 = tpu.memref_squeeze %dma_wait3A_125 : memref<1x128xi32, #tpu.memory_space<vmem>> -> memref<128xi32, #tpu.memory_space<vmem>>
      %dma_wait3A_127 = arith.constant 0 : i32
      %dma_wait3A_128 = arith.constant 0 : i32
      %dma_wait3A_129 = tpu.memref_slice %arg11[%dma_wait3A_127, %dma_wait3A_128] : memref<10000x72xf32, #tpu.memory_space<vmem_shared>> -> memref<10000x72xf32, #tpu.memory_space<vmem_shared>>
      tpu.wait_indirect_dma semaphore(%arg14 : memref<!tpu.dma_semaphore, #tpu.memory_space<semaphore_mem>>) src(%dma_wait3A_129 : memref<10000x72xf32, #tpu.memory_space<vmem_shared>>) dst(%arg10 : memref<128x72xf32, #tpu.memory_space<vmem>>)
      %dma_start3A_130 = arith.constant 6 : i32
      %dma_start3A_131 = arith.constant 0 : i32
      %dma_start3A_132 = tpu.memref_slice %arg7[%dma_start3A_130, %dma_start3A_131] : memref<16x128xi32, #tpu.memory_space<vmem>> -> memref<1x128xi32, #tpu.memory_space<vmem>>
      %dma_start3A_133 = tpu.memref_squeeze %dma_start3A_132 : memref<1x128xi32, #tpu.memory_space<vmem>> -> memref<128xi32, #tpu.memory_space<vmem>>
      %dma_start3A_134 = arith.constant 0 : i32
      %dma_start3A_135 = arith.constant 0 : i32
      %dma_start3A_136 = tpu.memref_slice %arg11[%dma_start3A_134, %dma_start3A_135] : memref<10000x72xf32, #tpu.memory_space<vmem_shared>> -> memref<10000x72xf32, #tpu.memory_space<vmem_shared>>
      tpu.enqueue_indirect_dma source(%dma_start3A_136 : memref<10000x72xf32, #tpu.memory_space<vmem_shared>>) target(%arg9 : memref<128x72xf32, #tpu.memory_space<vmem>>) offsets(%dma_start3A_133 : memref<128xi32, #tpu.memory_space<vmem>>) semaphore(%arg13 : memref<!tpu.dma_semaphore, #tpu.memory_space<semaphore_mem>>)
      %run_scoped3A_137 = arith.constant 5 : i32
      "tpu.region"() ({
        %run_scoped3A_281 = tpu.sem_alloc : memref<!tpu.dma_semaphore, #tpu.memory_space<semaphore_mem>>
        %dma_start3A_282 = arith.constant 0 : i32
        %dma_start3A_283 = tpu.memref_slice %arg8[%run_scoped3A_137, %dma_start3A_282] : memref<16x128xi32, #tpu.memory_space<vmem>> -> memref<1x128xi32, #tpu.memory_space<vmem>>
        %dma_start3A_284 = tpu.memref_squeeze %dma_start3A_283 : memref<1x128xi32, #tpu.memory_space<vmem>> -> memref<128xi32, #tpu.memory_space<vmem>>
        %dma_start3A_285 = arith.constant 0 : i32
        %dma_start3A_286 = arith.constant 0 : i32
        %dma_start3A_287 = tpu.memref_slice %arg12[%dma_start3A_285, %dma_start3A_286] : memref<10112x72xf32, #tpu.memory_space<vmem_shared>> -> memref<10112x72xf32, #tpu.memory_space<vmem_shared>>
        tpu.enqueue_indirect_dma source(%arg10 : memref<128x72xf32, #tpu.memory_space<vmem>>) target(%dma_start3A_287 : memref<10112x72xf32, #tpu.memory_space<vmem_shared>>) offsets(%dma_start3A_284 : memref<128xi32, #tpu.memory_space<vmem>>) semaphore(%run_scoped3A_281 : memref<!tpu.dma_semaphore, #tpu.memory_space<semaphore_mem>>) {add = true}
        %dma_wait3A_288 = arith.constant 0 : i32
        %dma_wait3A_289 = tpu.memref_slice %arg8[%run_scoped3A_137, %dma_wait3A_288] : memref<16x128xi32, #tpu.memory_space<vmem>> -> memref<1x128xi32, #tpu.memory_space<vmem>>
        %dma_wait3A_290 = tpu.memref_squeeze %dma_wait3A_289 : memref<1x128xi32, #tpu.memory_space<vmem>> -> memref<128xi32, #tpu.memory_space<vmem>>
        %dma_wait3A_291 = arith.constant 0 : i32
        %dma_wait3A_292 = arith.constant 0 : i32
        %dma_wait3A_293 = tpu.memref_slice %arg12[%dma_wait3A_291, %dma_wait3A_292] : memref<10112x72xf32, #tpu.memory_space<vmem_shared>> -> memref<10112x72xf32, #tpu.memory_space<vmem_shared>>
        tpu.wait_indirect_dma semaphore(%run_scoped3A_281 : memref<!tpu.dma_semaphore, #tpu.memory_space<semaphore_mem>>) src(%arg10 : memref<128x72xf32, #tpu.memory_space<vmem>>) dst(%dma_wait3A_293 : memref<10112x72xf32, #tpu.memory_space<vmem_shared>>)
        tpu.yield
      }) : () -> ()
      %dma_wait3A_138 = arith.constant 6 : i32
      %dma_wait3A_139 = arith.constant 0 : i32
      %dma_wait3A_140 = tpu.memref_slice %arg7[%dma_wait3A_138, %dma_wait3A_139] : memref<16x128xi32, #tpu.memory_space<vmem>> -> memref<1x128xi32, #tpu.memory_space<vmem>>
      %dma_wait3A_141 = tpu.memref_squeeze %dma_wait3A_140 : memref<1x128xi32, #tpu.memory_space<vmem>> -> memref<128xi32, #tpu.memory_space<vmem>>
      %dma_wait3A_142 = arith.constant 0 : i32
      %dma_wait3A_143 = arith.constant 0 : i32
      %dma_wait3A_144 = tpu.memref_slice %arg11[%dma_wait3A_142, %dma_wait3A_143] : memref<10000x72xf32, #tpu.memory_space<vmem_shared>> -> memref<10000x72xf32, #tpu.memory_space<vmem_shared>>
      tpu.wait_indirect_dma semaphore(%arg13 : memref<!tpu.dma_semaphore, #tpu.memory_space<semaphore_mem>>) src(%dma_wait3A_144 : memref<10000x72xf32, #tpu.memory_space<vmem_shared>>) dst(%arg9 : memref<128x72xf32, #tpu.memory_space<vmem>>)
      %dma_start3A_145 = arith.constant 7 : i32
      %dma_start3A_146 = arith.constant 0 : i32
      %dma_start3A_147 = tpu.memref_slice %arg7[%dma_start3A_145, %dma_start3A_146] : memref<16x128xi32, #tpu.memory_space<vmem>> -> memref<1x128xi32, #tpu.memory_space<vmem>>
      %dma_start3A_148 = tpu.memref_squeeze %dma_start3A_147 : memref<1x128xi32, #tpu.memory_space<vmem>> -> memref<128xi32, #tpu.memory_space<vmem>>
      %dma_start3A_149 = arith.constant 0 : i32
      %dma_start3A_150 = arith.constant 0 : i32
      %dma_start3A_151 = tpu.memref_slice %arg11[%dma_start3A_149, %dma_start3A_150] : memref<10000x72xf32, #tpu.memory_space<vmem_shared>> -> memref<10000x72xf32, #tpu.memory_space<vmem_shared>>
      tpu.enqueue_indirect_dma source(%dma_start3A_151 : memref<10000x72xf32, #tpu.memory_space<vmem_shared>>) target(%arg10 : memref<128x72xf32, #tpu.memory_space<vmem>>) offsets(%dma_start3A_148 : memref<128xi32, #tpu.memory_space<vmem>>) semaphore(%arg14 : memref<!tpu.dma_semaphore, #tpu.memory_space<semaphore_mem>>)
      %run_scoped3A_152 = arith.constant 6 : i32
      "tpu.region"() ({
        %run_scoped3A_281 = tpu.sem_alloc : memref<!tpu.dma_semaphore, #tpu.memory_space<semaphore_mem>>
        %dma_start3A_282 = arith.constant 0 : i32
        %dma_start3A_283 = tpu.memref_slice %arg8[%run_scoped3A_152, %dma_start3A_282] : memref<16x128xi32, #tpu.memory_space<vmem>> -> memref<1x128xi32, #tpu.memory_space<vmem>>
        %dma_start3A_284 = tpu.memref_squeeze %dma_start3A_283 : memref<1x128xi32, #tpu.memory_space<vmem>> -> memref<128xi32, #tpu.memory_space<vmem>>
        %dma_start3A_285 = arith.constant 0 : i32
        %dma_start3A_286 = arith.constant 0 : i32
        %dma_start3A_287 = tpu.memref_slice %arg12[%dma_start3A_285, %dma_start3A_286] : memref<10112x72xf32, #tpu.memory_space<vmem_shared>> -> memref<10112x72xf32, #tpu.memory_space<vmem_shared>>
        tpu.enqueue_indirect_dma source(%arg9 : memref<128x72xf32, #tpu.memory_space<vmem>>) target(%dma_start3A_287 : memref<10112x72xf32, #tpu.memory_space<vmem_shared>>) offsets(%dma_start3A_284 : memref<128xi32, #tpu.memory_space<vmem>>) semaphore(%run_scoped3A_281 : memref<!tpu.dma_semaphore, #tpu.memory_space<semaphore_mem>>) {add = true}
        %dma_wait3A_288 = arith.constant 0 : i32
        %dma_wait3A_289 = tpu.memref_slice %arg8[%run_scoped3A_152, %dma_wait3A_288] : memref<16x128xi32, #tpu.memory_space<vmem>> -> memref<1x128xi32, #tpu.memory_space<vmem>>
        %dma_wait3A_290 = tpu.memref_squeeze %dma_wait3A_289 : memref<1x128xi32, #tpu.memory_space<vmem>> -> memref<128xi32, #tpu.memory_space<vmem>>
        %dma_wait3A_291 = arith.constant 0 : i32
        %dma_wait3A_292 = arith.constant 0 : i32
        %dma_wait3A_293 = tpu.memref_slice %arg12[%dma_wait3A_291, %dma_wait3A_292] : memref<10112x72xf32, #tpu.memory_space<vmem_shared>> -> memref<10112x72xf32, #tpu.memory_space<vmem_shared>>
        tpu.wait_indirect_dma semaphore(%run_scoped3A_281 : memref<!tpu.dma_semaphore, #tpu.memory_space<semaphore_mem>>) src(%arg9 : memref<128x72xf32, #tpu.memory_space<vmem>>) dst(%dma_wait3A_293 : memref<10112x72xf32, #tpu.memory_space<vmem_shared>>)
        tpu.yield
      }) : () -> ()
      %dma_wait3A_153 = arith.constant 7 : i32
      %dma_wait3A_154 = arith.constant 0 : i32
      %dma_wait3A_155 = tpu.memref_slice %arg7[%dma_wait3A_153, %dma_wait3A_154] : memref<16x128xi32, #tpu.memory_space<vmem>> -> memref<1x128xi32, #tpu.memory_space<vmem>>
      %dma_wait3A_156 = tpu.memref_squeeze %dma_wait3A_155 : memref<1x128xi32, #tpu.memory_space<vmem>> -> memref<128xi32, #tpu.memory_space<vmem>>
      %dma_wait3A_157 = arith.constant 0 : i32
      %dma_wait3A_158 = arith.constant 0 : i32
      %dma_wait3A_159 = tpu.memref_slice %arg11[%dma_wait3A_157, %dma_wait3A_158] : memref<10000x72xf32, #tpu.memory_space<vmem_shared>> -> memref<10000x72xf32, #tpu.memory_space<vmem_shared>>
      tpu.wait_indirect_dma semaphore(%arg14 : memref<!tpu.dma_semaphore, #tpu.memory_space<semaphore_mem>>) src(%dma_wait3A_159 : memref<10000x72xf32, #tpu.memory_space<vmem_shared>>) dst(%arg10 : memref<128x72xf32, #tpu.memory_space<vmem>>)
      %dma_start3A_160 = arith.constant 8 : i32
      %dma_start3A_161 = arith.constant 0 : i32
      %dma_start3A_162 = tpu.memref_slice %arg7[%dma_start3A_160, %dma_start3A_161] : memref<16x128xi32, #tpu.memory_space<vmem>> -> memref<1x128xi32, #tpu.memory_space<vmem>>
      %dma_start3A_163 = tpu.memref_squeeze %dma_start3A_162 : memref<1x128xi32, #tpu.memory_space<vmem>> -> memref<128xi32, #tpu.memory_space<vmem>>
      %dma_start3A_164 = arith.constant 0 : i32
      %dma_start3A_165 = arith.constant 0 : i32
      %dma_start3A_166 = tpu.memref_slice %arg11[%dma_start3A_164, %dma_start3A_165] : memref<10000x72xf32, #tpu.memory_space<vmem_shared>> -> memref<10000x72xf32, #tpu.memory_space<vmem_shared>>
      tpu.enqueue_indirect_dma source(%dma_start3A_166 : memref<10000x72xf32, #tpu.memory_space<vmem_shared>>) target(%arg9 : memref<128x72xf32, #tpu.memory_space<vmem>>) offsets(%dma_start3A_163 : memref<128xi32, #tpu.memory_space<vmem>>) semaphore(%arg13 : memref<!tpu.dma_semaphore, #tpu.memory_space<semaphore_mem>>)
      %run_scoped3A_167 = arith.constant 7 : i32
      "tpu.region"() ({
        %run_scoped3A_281 = tpu.sem_alloc : memref<!tpu.dma_semaphore, #tpu.memory_space<semaphore_mem>>
        %dma_start3A_282 = arith.constant 0 : i32
        %dma_start3A_283 = tpu.memref_slice %arg8[%run_scoped3A_167, %dma_start3A_282] : memref<16x128xi32, #tpu.memory_space<vmem>> -> memref<1x128xi32, #tpu.memory_space<vmem>>
        %dma_start3A_284 = tpu.memref_squeeze %dma_start3A_283 : memref<1x128xi32, #tpu.memory_space<vmem>> -> memref<128xi32, #tpu.memory_space<vmem>>
        %dma_start3A_285 = arith.constant 0 : i32
        %dma_start3A_286 = arith.constant 0 : i32
        %dma_start3A_287 = tpu.memref_slice %arg12[%dma_start3A_285, %dma_start3A_286] : memref<10112x72xf32, #tpu.memory_space<vmem_shared>> -> memref<10112x72xf32, #tpu.memory_space<vmem_shared>>
        tpu.enqueue_indirect_dma source(%arg10 : memref<128x72xf32, #tpu.memory_space<vmem>>) target(%dma_start3A_287 : memref<10112x72xf32, #tpu.memory_space<vmem_shared>>) offsets(%dma_start3A_284 : memref<128xi32, #tpu.memory_space<vmem>>) semaphore(%run_scoped3A_281 : memref<!tpu.dma_semaphore, #tpu.memory_space<semaphore_mem>>) {add = true}
        %dma_wait3A_288 = arith.constant 0 : i32
        %dma_wait3A_289 = tpu.memref_slice %arg8[%run_scoped3A_167, %dma_wait3A_288] : memref<16x128xi32, #tpu.memory_space<vmem>> -> memref<1x128xi32, #tpu.memory_space<vmem>>
        %dma_wait3A_290 = tpu.memref_squeeze %dma_wait3A_289 : memref<1x128xi32, #tpu.memory_space<vmem>> -> memref<128xi32, #tpu.memory_space<vmem>>
        %dma_wait3A_291 = arith.constant 0 : i32
        %dma_wait3A_292 = arith.constant 0 : i32
        %dma_wait3A_293 = tpu.memref_slice %arg12[%dma_wait3A_291, %dma_wait3A_292] : memref<10112x72xf32, #tpu.memory_space<vmem_shared>> -> memref<10112x72xf32, #tpu.memory_space<vmem_shared>>
        tpu.wait_indirect_dma semaphore(%run_scoped3A_281 : memref<!tpu.dma_semaphore, #tpu.memory_space<semaphore_mem>>) src(%arg10 : memref<128x72xf32, #tpu.memory_space<vmem>>) dst(%dma_wait3A_293 : memref<10112x72xf32, #tpu.memory_space<vmem_shared>>)
        tpu.yield
      }) : () -> ()
      %dma_wait3A_168 = arith.constant 8 : i32
      %dma_wait3A_169 = arith.constant 0 : i32
      %dma_wait3A_170 = tpu.memref_slice %arg7[%dma_wait3A_168, %dma_wait3A_169] : memref<16x128xi32, #tpu.memory_space<vmem>> -> memref<1x128xi32, #tpu.memory_space<vmem>>
      %dma_wait3A_171 = tpu.memref_squeeze %dma_wait3A_170 : memref<1x128xi32, #tpu.memory_space<vmem>> -> memref<128xi32, #tpu.memory_space<vmem>>
      %dma_wait3A_172 = arith.constant 0 : i32
      %dma_wait3A_173 = arith.constant 0 : i32
      %dma_wait3A_174 = tpu.memref_slice %arg11[%dma_wait3A_172, %dma_wait3A_173] : memref<10000x72xf32, #tpu.memory_space<vmem_shared>> -> memref<10000x72xf32, #tpu.memory_space<vmem_shared>>
      tpu.wait_indirect_dma semaphore(%arg13 : memref<!tpu.dma_semaphore, #tpu.memory_space<semaphore_mem>>) src(%dma_wait3A_174 : memref<10000x72xf32, #tpu.memory_space<vmem_shared>>) dst(%arg9 : memref<128x72xf32, #tpu.memory_space<vmem>>)
      %dma_start3A_175 = arith.constant 9 : i32
      %dma_start3A_176 = arith.constant 0 : i32
      %dma_start3A_177 = tpu.memref_slice %arg7[%dma_start3A_175, %dma_start3A_176] : memref<16x128xi32, #tpu.memory_space<vmem>> -> memref<1x128xi32, #tpu.memory_space<vmem>>
      %dma_start3A_178 = tpu.memref_squeeze %dma_start3A_177 : memref<1x128xi32, #tpu.memory_space<vmem>> -> memref<128xi32, #tpu.memory_space<vmem>>
      %dma_start3A_179 = arith.constant 0 : i32
      %dma_start3A_180 = arith.constant 0 : i32
      %dma_start3A_181 = tpu.memref_slice %arg11[%dma_start3A_179, %dma_start3A_180] : memref<10000x72xf32, #tpu.memory_space<vmem_shared>> -> memref<10000x72xf32, #tpu.memory_space<vmem_shared>>
      tpu.enqueue_indirect_dma source(%dma_start3A_181 : memref<10000x72xf32, #tpu.memory_space<vmem_shared>>) target(%arg10 : memref<128x72xf32, #tpu.memory_space<vmem>>) offsets(%dma_start3A_178 : memref<128xi32, #tpu.memory_space<vmem>>) semaphore(%arg14 : memref<!tpu.dma_semaphore, #tpu.memory_space<semaphore_mem>>)
      %run_scoped3A_182 = arith.constant 8 : i32
      "tpu.region"() ({
        %run_scoped3A_281 = tpu.sem_alloc : memref<!tpu.dma_semaphore, #tpu.memory_space<semaphore_mem>>
        %dma_start3A_282 = arith.constant 0 : i32
        %dma_start3A_283 = tpu.memref_slice %arg8[%run_scoped3A_182, %dma_start3A_282] : memref<16x128xi32, #tpu.memory_space<vmem>> -> memref<1x128xi32, #tpu.memory_space<vmem>>
        %dma_start3A_284 = tpu.memref_squeeze %dma_start3A_283 : memref<1x128xi32, #tpu.memory_space<vmem>> -> memref<128xi32, #tpu.memory_space<vmem>>
        %dma_start3A_285 = arith.constant 0 : i32
        %dma_start3A_286 = arith.constant 0 : i32
        %dma_start3A_287 = tpu.memref_slice %arg12[%dma_start3A_285, %dma_start3A_286] : memref<10112x72xf32, #tpu.memory_space<vmem_shared>> -> memref<10112x72xf32, #tpu.memory_space<vmem_shared>>
        tpu.enqueue_indirect_dma source(%arg9 : memref<128x72xf32, #tpu.memory_space<vmem>>) target(%dma_start3A_287 : memref<10112x72xf32, #tpu.memory_space<vmem_shared>>) offsets(%dma_start3A_284 : memref<128xi32, #tpu.memory_space<vmem>>) semaphore(%run_scoped3A_281 : memref<!tpu.dma_semaphore, #tpu.memory_space<semaphore_mem>>) {add = true}
        %dma_wait3A_288 = arith.constant 0 : i32
        %dma_wait3A_289 = tpu.memref_slice %arg8[%run_scoped3A_182, %dma_wait3A_288] : memref<16x128xi32, #tpu.memory_space<vmem>> -> memref<1x128xi32, #tpu.memory_space<vmem>>
        %dma_wait3A_290 = tpu.memref_squeeze %dma_wait3A_289 : memref<1x128xi32, #tpu.memory_space<vmem>> -> memref<128xi32, #tpu.memory_space<vmem>>
        %dma_wait3A_291 = arith.constant 0 : i32
        %dma_wait3A_292 = arith.constant 0 : i32
        %dma_wait3A_293 = tpu.memref_slice %arg12[%dma_wait3A_291, %dma_wait3A_292] : memref<10112x72xf32, #tpu.memory_space<vmem_shared>> -> memref<10112x72xf32, #tpu.memory_space<vmem_shared>>
        tpu.wait_indirect_dma semaphore(%run_scoped3A_281 : memref<!tpu.dma_semaphore, #tpu.memory_space<semaphore_mem>>) src(%arg9 : memref<128x72xf32, #tpu.memory_space<vmem>>) dst(%dma_wait3A_293 : memref<10112x72xf32, #tpu.memory_space<vmem_shared>>)
        tpu.yield
      }) : () -> ()
      %dma_wait3A_183 = arith.constant 9 : i32
      %dma_wait3A_184 = arith.constant 0 : i32
      %dma_wait3A_185 = tpu.memref_slice %arg7[%dma_wait3A_183, %dma_wait3A_184] : memref<16x128xi32, #tpu.memory_space<vmem>> -> memref<1x128xi32, #tpu.memory_space<vmem>>
      %dma_wait3A_186 = tpu.memref_squeeze %dma_wait3A_185 : memref<1x128xi32, #tpu.memory_space<vmem>> -> memref<128xi32, #tpu.memory_space<vmem>>
      %dma_wait3A_187 = arith.constant 0 : i32
      %dma_wait3A_188 = arith.constant 0 : i32
      %dma_wait3A_189 = tpu.memref_slice %arg11[%dma_wait3A_187, %dma_wait3A_188] : memref<10000x72xf32, #tpu.memory_space<vmem_shared>> -> memref<10000x72xf32, #tpu.memory_space<vmem_shared>>
      tpu.wait_indirect_dma semaphore(%arg14 : memref<!tpu.dma_semaphore, #tpu.memory_space<semaphore_mem>>) src(%dma_wait3A_189 : memref<10000x72xf32, #tpu.memory_space<vmem_shared>>) dst(%arg10 : memref<128x72xf32, #tpu.memory_space<vmem>>)
      %dma_start3A_190 = arith.constant 10 : i32
      %dma_start3A_191 = arith.constant 0 : i32
      %dma_start3A_192 = tpu.memref_slice %arg7[%dma_start3A_190, %dma_start3A_191] : memref<16x128xi32, #tpu.memory_space<vmem>> -> memref<1x128xi32, #tpu.memory_space<vmem>>
      %dma_start3A_193 = tpu.memref_squeeze %dma_start3A_192 : memref<1x128xi32, #tpu.memory_space<vmem>> -> memref<128xi32, #tpu.memory_space<vmem>>
      %dma_start3A_194 = arith.constant 0 : i32
      %dma_start3A_195 = arith.constant 0 : i32
      %dma_start3A_196 = tpu.memref_slice %arg11[%dma_start3A_194, %dma_start3A_195] : memref<10000x72xf32, #tpu.memory_space<vmem_shared>> -> memref<10000x72xf32, #tpu.memory_space<vmem_shared>>
      tpu.enqueue_indirect_dma source(%dma_start3A_196 : memref<10000x72xf32, #tpu.memory_space<vmem_shared>>) target(%arg9 : memref<128x72xf32, #tpu.memory_space<vmem>>) offsets(%dma_start3A_193 : memref<128xi32, #tpu.memory_space<vmem>>) semaphore(%arg13 : memref<!tpu.dma_semaphore, #tpu.memory_space<semaphore_mem>>)
      %run_scoped3A_197 = arith.constant 9 : i32
      "tpu.region"() ({
        %run_scoped3A_281 = tpu.sem_alloc : memref<!tpu.dma_semaphore, #tpu.memory_space<semaphore_mem>>
        %dma_start3A_282 = arith.constant 0 : i32
        %dma_start3A_283 = tpu.memref_slice %arg8[%run_scoped3A_197, %dma_start3A_282] : memref<16x128xi32, #tpu.memory_space<vmem>> -> memref<1x128xi32, #tpu.memory_space<vmem>>
        %dma_start3A_284 = tpu.memref_squeeze %dma_start3A_283 : memref<1x128xi32, #tpu.memory_space<vmem>> -> memref<128xi32, #tpu.memory_space<vmem>>
        %dma_start3A_285 = arith.constant 0 : i32
        %dma_start3A_286 = arith.constant 0 : i32
        %dma_start3A_287 = tpu.memref_slice %arg12[%dma_start3A_285, %dma_start3A_286] : memref<10112x72xf32, #tpu.memory_space<vmem_shared>> -> memref<10112x72xf32, #tpu.memory_space<vmem_shared>>
        tpu.enqueue_indirect_dma source(%arg10 : memref<128x72xf32, #tpu.memory_space<vmem>>) target(%dma_start3A_287 : memref<10112x72xf32, #tpu.memory_space<vmem_shared>>) offsets(%dma_start3A_284 : memref<128xi32, #tpu.memory_space<vmem>>) semaphore(%run_scoped3A_281 : memref<!tpu.dma_semaphore, #tpu.memory_space<semaphore_mem>>) {add = true}
        %dma_wait3A_288 = arith.constant 0 : i32
        %dma_wait3A_289 = tpu.memref_slice %arg8[%run_scoped3A_197, %dma_wait3A_288] : memref<16x128xi32, #tpu.memory_space<vmem>> -> memref<1x128xi32, #tpu.memory_space<vmem>>
        %dma_wait3A_290 = tpu.memref_squeeze %dma_wait3A_289 : memref<1x128xi32, #tpu.memory_space<vmem>> -> memref<128xi32, #tpu.memory_space<vmem>>
        %dma_wait3A_291 = arith.constant 0 : i32
        %dma_wait3A_292 = arith.constant 0 : i32
        %dma_wait3A_293 = tpu.memref_slice %arg12[%dma_wait3A_291, %dma_wait3A_292] : memref<10112x72xf32, #tpu.memory_space<vmem_shared>> -> memref<10112x72xf32, #tpu.memory_space<vmem_shared>>
        tpu.wait_indirect_dma semaphore(%run_scoped3A_281 : memref<!tpu.dma_semaphore, #tpu.memory_space<semaphore_mem>>) src(%arg10 : memref<128x72xf32, #tpu.memory_space<vmem>>) dst(%dma_wait3A_293 : memref<10112x72xf32, #tpu.memory_space<vmem_shared>>)
        tpu.yield
      }) : () -> ()
      %dma_wait3A_198 = arith.constant 10 : i32
      %dma_wait3A_199 = arith.constant 0 : i32
      %dma_wait3A_200 = tpu.memref_slice %arg7[%dma_wait3A_198, %dma_wait3A_199] : memref<16x128xi32, #tpu.memory_space<vmem>> -> memref<1x128xi32, #tpu.memory_space<vmem>>
      %dma_wait3A_201 = tpu.memref_squeeze %dma_wait3A_200 : memref<1x128xi32, #tpu.memory_space<vmem>> -> memref<128xi32, #tpu.memory_space<vmem>>
      %dma_wait3A_202 = arith.constant 0 : i32
      %dma_wait3A_203 = arith.constant 0 : i32
      %dma_wait3A_204 = tpu.memref_slice %arg11[%dma_wait3A_202, %dma_wait3A_203] : memref<10000x72xf32, #tpu.memory_space<vmem_shared>> -> memref<10000x72xf32, #tpu.memory_space<vmem_shared>>
      tpu.wait_indirect_dma semaphore(%arg13 : memref<!tpu.dma_semaphore, #tpu.memory_space<semaphore_mem>>) src(%dma_wait3A_204 : memref<10000x72xf32, #tpu.memory_space<vmem_shared>>) dst(%arg9 : memref<128x72xf32, #tpu.memory_space<vmem>>)
      %dma_start3A_205 = arith.constant 11 : i32
      %dma_start3A_206 = arith.constant 0 : i32
      %dma_start3A_207 = tpu.memref_slice %arg7[%dma_start3A_205, %dma_start3A_206] : memref<16x128xi32, #tpu.memory_space<vmem>> -> memref<1x128xi32, #tpu.memory_space<vmem>>
      %dma_start3A_208 = tpu.memref_squeeze %dma_start3A_207 : memref<1x128xi32, #tpu.memory_space<vmem>> -> memref<128xi32, #tpu.memory_space<vmem>>
      %dma_start3A_209 = arith.constant 0 : i32
      %dma_start3A_210 = arith.constant 0 : i32
      %dma_start3A_211 = tpu.memref_slice %arg11[%dma_start3A_209, %dma_start3A_210] : memref<10000x72xf32, #tpu.memory_space<vmem_shared>> -> memref<10000x72xf32, #tpu.memory_space<vmem_shared>>
      tpu.enqueue_indirect_dma source(%dma_start3A_211 : memref<10000x72xf32, #tpu.memory_space<vmem_shared>>) target(%arg10 : memref<128x72xf32, #tpu.memory_space<vmem>>) offsets(%dma_start3A_208 : memref<128xi32, #tpu.memory_space<vmem>>) semaphore(%arg14 : memref<!tpu.dma_semaphore, #tpu.memory_space<semaphore_mem>>)
      %run_scoped3A_212 = arith.constant 10 : i32
      "tpu.region"() ({
        %run_scoped3A_281 = tpu.sem_alloc : memref<!tpu.dma_semaphore, #tpu.memory_space<semaphore_mem>>
        %dma_start3A_282 = arith.constant 0 : i32
        %dma_start3A_283 = tpu.memref_slice %arg8[%run_scoped3A_212, %dma_start3A_282] : memref<16x128xi32, #tpu.memory_space<vmem>> -> memref<1x128xi32, #tpu.memory_space<vmem>>
        %dma_start3A_284 = tpu.memref_squeeze %dma_start3A_283 : memref<1x128xi32, #tpu.memory_space<vmem>> -> memref<128xi32, #tpu.memory_space<vmem>>
        %dma_start3A_285 = arith.constant 0 : i32
        %dma_start3A_286 = arith.constant 0 : i32
        %dma_start3A_287 = tpu.memref_slice %arg12[%dma_start3A_285, %dma_start3A_286] : memref<10112x72xf32, #tpu.memory_space<vmem_shared>> -> memref<10112x72xf32, #tpu.memory_space<vmem_shared>>
        tpu.enqueue_indirect_dma source(%arg9 : memref<128x72xf32, #tpu.memory_space<vmem>>) target(%dma_start3A_287 : memref<10112x72xf32, #tpu.memory_space<vmem_shared>>) offsets(%dma_start3A_284 : memref<128xi32, #tpu.memory_space<vmem>>) semaphore(%run_scoped3A_281 : memref<!tpu.dma_semaphore, #tpu.memory_space<semaphore_mem>>) {add = true}
        %dma_wait3A_288 = arith.constant 0 : i32
        %dma_wait3A_289 = tpu.memref_slice %arg8[%run_scoped3A_212, %dma_wait3A_288] : memref<16x128xi32, #tpu.memory_space<vmem>> -> memref<1x128xi32, #tpu.memory_space<vmem>>
        %dma_wait3A_290 = tpu.memref_squeeze %dma_wait3A_289 : memref<1x128xi32, #tpu.memory_space<vmem>> -> memref<128xi32, #tpu.memory_space<vmem>>
        %dma_wait3A_291 = arith.constant 0 : i32
        %dma_wait3A_292 = arith.constant 0 : i32
        %dma_wait3A_293 = tpu.memref_slice %arg12[%dma_wait3A_291, %dma_wait3A_292] : memref<10112x72xf32, #tpu.memory_space<vmem_shared>> -> memref<10112x72xf32, #tpu.memory_space<vmem_shared>>
        tpu.wait_indirect_dma semaphore(%run_scoped3A_281 : memref<!tpu.dma_semaphore, #tpu.memory_space<semaphore_mem>>) src(%arg9 : memref<128x72xf32, #tpu.memory_space<vmem>>) dst(%dma_wait3A_293 : memref<10112x72xf32, #tpu.memory_space<vmem_shared>>)
        tpu.yield
      }) : () -> ()
      %dma_wait3A_213 = arith.constant 11 : i32
      %dma_wait3A_214 = arith.constant 0 : i32
      %dma_wait3A_215 = tpu.memref_slice %arg7[%dma_wait3A_213, %dma_wait3A_214] : memref<16x128xi32, #tpu.memory_space<vmem>> -> memref<1x128xi32, #tpu.memory_space<vmem>>
      %dma_wait3A_216 = tpu.memref_squeeze %dma_wait3A_215 : memref<1x128xi32, #tpu.memory_space<vmem>> -> memref<128xi32, #tpu.memory_space<vmem>>
      %dma_wait3A_217 = arith.constant 0 : i32
      %dma_wait3A_218 = arith.constant 0 : i32
      %dma_wait3A_219 = tpu.memref_slice %arg11[%dma_wait3A_217, %dma_wait3A_218] : memref<10000x72xf32, #tpu.memory_space<vmem_shared>> -> memref<10000x72xf32, #tpu.memory_space<vmem_shared>>
      tpu.wait_indirect_dma semaphore(%arg14 : memref<!tpu.dma_semaphore, #tpu.memory_space<semaphore_mem>>) src(%dma_wait3A_219 : memref<10000x72xf32, #tpu.memory_space<vmem_shared>>) dst(%arg10 : memref<128x72xf32, #tpu.memory_space<vmem>>)
      %dma_start3A_220 = arith.constant 12 : i32
      %dma_start3A_221 = arith.constant 0 : i32
      %dma_start3A_222 = tpu.memref_slice %arg7[%dma_start3A_220, %dma_start3A_221] : memref<16x128xi32, #tpu.memory_space<vmem>> -> memref<1x128xi32, #tpu.memory_space<vmem>>
      %dma_start3A_223 = tpu.memref_squeeze %dma_start3A_222 : memref<1x128xi32, #tpu.memory_space<vmem>> -> memref<128xi32, #tpu.memory_space<vmem>>
      %dma_start3A_224 = arith.constant 0 : i32
      %dma_start3A_225 = arith.constant 0 : i32
      %dma_start3A_226 = tpu.memref_slice %arg11[%dma_start3A_224, %dma_start3A_225] : memref<10000x72xf32, #tpu.memory_space<vmem_shared>> -> memref<10000x72xf32, #tpu.memory_space<vmem_shared>>
      tpu.enqueue_indirect_dma source(%dma_start3A_226 : memref<10000x72xf32, #tpu.memory_space<vmem_shared>>) target(%arg9 : memref<128x72xf32, #tpu.memory_space<vmem>>) offsets(%dma_start3A_223 : memref<128xi32, #tpu.memory_space<vmem>>) semaphore(%arg13 : memref<!tpu.dma_semaphore, #tpu.memory_space<semaphore_mem>>)
      %run_scoped3A_227 = arith.constant 11 : i32
      "tpu.region"() ({
        %run_scoped3A_281 = tpu.sem_alloc : memref<!tpu.dma_semaphore, #tpu.memory_space<semaphore_mem>>
        %dma_start3A_282 = arith.constant 0 : i32
        %dma_start3A_283 = tpu.memref_slice %arg8[%run_scoped3A_227, %dma_start3A_282] : memref<16x128xi32, #tpu.memory_space<vmem>> -> memref<1x128xi32, #tpu.memory_space<vmem>>
        %dma_start3A_284 = tpu.memref_squeeze %dma_start3A_283 : memref<1x128xi32, #tpu.memory_space<vmem>> -> memref<128xi32, #tpu.memory_space<vmem>>
        %dma_start3A_285 = arith.constant 0 : i32
        %dma_start3A_286 = arith.constant 0 : i32
        %dma_start3A_287 = tpu.memref_slice %arg12[%dma_start3A_285, %dma_start3A_286] : memref<10112x72xf32, #tpu.memory_space<vmem_shared>> -> memref<10112x72xf32, #tpu.memory_space<vmem_shared>>
        tpu.enqueue_indirect_dma source(%arg10 : memref<128x72xf32, #tpu.memory_space<vmem>>) target(%dma_start3A_287 : memref<10112x72xf32, #tpu.memory_space<vmem_shared>>) offsets(%dma_start3A_284 : memref<128xi32, #tpu.memory_space<vmem>>) semaphore(%run_scoped3A_281 : memref<!tpu.dma_semaphore, #tpu.memory_space<semaphore_mem>>) {add = true}
        %dma_wait3A_288 = arith.constant 0 : i32
        %dma_wait3A_289 = tpu.memref_slice %arg8[%run_scoped3A_227, %dma_wait3A_288] : memref<16x128xi32, #tpu.memory_space<vmem>> -> memref<1x128xi32, #tpu.memory_space<vmem>>
        %dma_wait3A_290 = tpu.memref_squeeze %dma_wait3A_289 : memref<1x128xi32, #tpu.memory_space<vmem>> -> memref<128xi32, #tpu.memory_space<vmem>>
        %dma_wait3A_291 = arith.constant 0 : i32
        %dma_wait3A_292 = arith.constant 0 : i32
        %dma_wait3A_293 = tpu.memref_slice %arg12[%dma_wait3A_291, %dma_wait3A_292] : memref<10112x72xf32, #tpu.memory_space<vmem_shared>> -> memref<10112x72xf32, #tpu.memory_space<vmem_shared>>
        tpu.wait_indirect_dma semaphore(%run_scoped3A_281 : memref<!tpu.dma_semaphore, #tpu.memory_space<semaphore_mem>>) src(%arg10 : memref<128x72xf32, #tpu.memory_space<vmem>>) dst(%dma_wait3A_293 : memref<10112x72xf32, #tpu.memory_space<vmem_shared>>)
        tpu.yield
      }) : () -> ()
      %dma_wait3A_228 = arith.constant 12 : i32
      %dma_wait3A_229 = arith.constant 0 : i32
      %dma_wait3A_230 = tpu.memref_slice %arg7[%dma_wait3A_228, %dma_wait3A_229] : memref<16x128xi32, #tpu.memory_space<vmem>> -> memref<1x128xi32, #tpu.memory_space<vmem>>
      %dma_wait3A_231 = tpu.memref_squeeze %dma_wait3A_230 : memref<1x128xi32, #tpu.memory_space<vmem>> -> memref<128xi32, #tpu.memory_space<vmem>>
      %dma_wait3A_232 = arith.constant 0 : i32
      %dma_wait3A_233 = arith.constant 0 : i32
      %dma_wait3A_234 = tpu.memref_slice %arg11[%dma_wait3A_232, %dma_wait3A_233] : memref<10000x72xf32, #tpu.memory_space<vmem_shared>> -> memref<10000x72xf32, #tpu.memory_space<vmem_shared>>
      tpu.wait_indirect_dma semaphore(%arg13 : memref<!tpu.dma_semaphore, #tpu.memory_space<semaphore_mem>>) src(%dma_wait3A_234 : memref<10000x72xf32, #tpu.memory_space<vmem_shared>>) dst(%arg9 : memref<128x72xf32, #tpu.memory_space<vmem>>)
      %dma_start3A_235 = arith.constant 13 : i32
      %dma_start3A_236 = arith.constant 0 : i32
      %dma_start3A_237 = tpu.memref_slice %arg7[%dma_start3A_235, %dma_start3A_236] : memref<16x128xi32, #tpu.memory_space<vmem>> -> memref<1x128xi32, #tpu.memory_space<vmem>>
      %dma_start3A_238 = tpu.memref_squeeze %dma_start3A_237 : memref<1x128xi32, #tpu.memory_space<vmem>> -> memref<128xi32, #tpu.memory_space<vmem>>
      %dma_start3A_239 = arith.constant 0 : i32
      %dma_start3A_240 = arith.constant 0 : i32
      %dma_start3A_241 = tpu.memref_slice %arg11[%dma_start3A_239, %dma_start3A_240] : memref<10000x72xf32, #tpu.memory_space<vmem_shared>> -> memref<10000x72xf32, #tpu.memory_space<vmem_shared>>
      tpu.enqueue_indirect_dma source(%dma_start3A_241 : memref<10000x72xf32, #tpu.memory_space<vmem_shared>>) target(%arg10 : memref<128x72xf32, #tpu.memory_space<vmem>>) offsets(%dma_start3A_238 : memref<128xi32, #tpu.memory_space<vmem>>) semaphore(%arg14 : memref<!tpu.dma_semaphore, #tpu.memory_space<semaphore_mem>>)
      %run_scoped3A_242 = arith.constant 12 : i32
      "tpu.region"() ({
        %run_scoped3A_281 = tpu.sem_alloc : memref<!tpu.dma_semaphore, #tpu.memory_space<semaphore_mem>>
        %dma_start3A_282 = arith.constant 0 : i32
        %dma_start3A_283 = tpu.memref_slice %arg8[%run_scoped3A_242, %dma_start3A_282] : memref<16x128xi32, #tpu.memory_space<vmem>> -> memref<1x128xi32, #tpu.memory_space<vmem>>
        %dma_start3A_284 = tpu.memref_squeeze %dma_start3A_283 : memref<1x128xi32, #tpu.memory_space<vmem>> -> memref<128xi32, #tpu.memory_space<vmem>>
        %dma_start3A_285 = arith.constant 0 : i32
        %dma_start3A_286 = arith.constant 0 : i32
        %dma_start3A_287 = tpu.memref_slice %arg12[%dma_start3A_285, %dma_start3A_286] : memref<10112x72xf32, #tpu.memory_space<vmem_shared>> -> memref<10112x72xf32, #tpu.memory_space<vmem_shared>>
        tpu.enqueue_indirect_dma source(%arg9 : memref<128x72xf32, #tpu.memory_space<vmem>>) target(%dma_start3A_287 : memref<10112x72xf32, #tpu.memory_space<vmem_shared>>) offsets(%dma_start3A_284 : memref<128xi32, #tpu.memory_space<vmem>>) semaphore(%run_scoped3A_281 : memref<!tpu.dma_semaphore, #tpu.memory_space<semaphore_mem>>) {add = true}
        %dma_wait3A_288 = arith.constant 0 : i32
        %dma_wait3A_289 = tpu.memref_slice %arg8[%run_scoped3A_242, %dma_wait3A_288] : memref<16x128xi32, #tpu.memory_space<vmem>> -> memref<1x128xi32, #tpu.memory_space<vmem>>
        %dma_wait3A_290 = tpu.memref_squeeze %dma_wait3A_289 : memref<1x128xi32, #tpu.memory_space<vmem>> -> memref<128xi32, #tpu.memory_space<vmem>>
        %dma_wait3A_291 = arith.constant 0 : i32
        %dma_wait3A_292 = arith.constant 0 : i32
        %dma_wait3A_293 = tpu.memref_slice %arg12[%dma_wait3A_291, %dma_wait3A_292] : memref<10112x72xf32, #tpu.memory_space<vmem_shared>> -> memref<10112x72xf32, #tpu.memory_space<vmem_shared>>
        tpu.wait_indirect_dma semaphore(%run_scoped3A_281 : memref<!tpu.dma_semaphore, #tpu.memory_space<semaphore_mem>>) src(%arg9 : memref<128x72xf32, #tpu.memory_space<vmem>>) dst(%dma_wait3A_293 : memref<10112x72xf32, #tpu.memory_space<vmem_shared>>)
        tpu.yield
      }) : () -> ()
      %dma_wait3A_243 = arith.constant 13 : i32
      %dma_wait3A_244 = arith.constant 0 : i32
      %dma_wait3A_245 = tpu.memref_slice %arg7[%dma_wait3A_243, %dma_wait3A_244] : memref<16x128xi32, #tpu.memory_space<vmem>> -> memref<1x128xi32, #tpu.memory_space<vmem>>
      %dma_wait3A_246 = tpu.memref_squeeze %dma_wait3A_245 : memref<1x128xi32, #tpu.memory_space<vmem>> -> memref<128xi32, #tpu.memory_space<vmem>>
      %dma_wait3A_247 = arith.constant 0 : i32
      %dma_wait3A_248 = arith.constant 0 : i32
      %dma_wait3A_249 = tpu.memref_slice %arg11[%dma_wait3A_247, %dma_wait3A_248] : memref<10000x72xf32, #tpu.memory_space<vmem_shared>> -> memref<10000x72xf32, #tpu.memory_space<vmem_shared>>
      tpu.wait_indirect_dma semaphore(%arg14 : memref<!tpu.dma_semaphore, #tpu.memory_space<semaphore_mem>>) src(%dma_wait3A_249 : memref<10000x72xf32, #tpu.memory_space<vmem_shared>>) dst(%arg10 : memref<128x72xf32, #tpu.memory_space<vmem>>)
      %dma_start3A_250 = arith.constant 14 : i32
      %dma_start3A_251 = arith.constant 0 : i32
      %dma_start3A_252 = tpu.memref_slice %arg7[%dma_start3A_250, %dma_start3A_251] : memref<16x128xi32, #tpu.memory_space<vmem>> -> memref<1x128xi32, #tpu.memory_space<vmem>>
      %dma_start3A_253 = tpu.memref_squeeze %dma_start3A_252 : memref<1x128xi32, #tpu.memory_space<vmem>> -> memref<128xi32, #tpu.memory_space<vmem>>
      %dma_start3A_254 = arith.constant 0 : i32
      %dma_start3A_255 = arith.constant 0 : i32
      %dma_start3A_256 = tpu.memref_slice %arg11[%dma_start3A_254, %dma_start3A_255] : memref<10000x72xf32, #tpu.memory_space<vmem_shared>> -> memref<10000x72xf32, #tpu.memory_space<vmem_shared>>
      tpu.enqueue_indirect_dma source(%dma_start3A_256 : memref<10000x72xf32, #tpu.memory_space<vmem_shared>>) target(%arg9 : memref<128x72xf32, #tpu.memory_space<vmem>>) offsets(%dma_start3A_253 : memref<128xi32, #tpu.memory_space<vmem>>) semaphore(%arg13 : memref<!tpu.dma_semaphore, #tpu.memory_space<semaphore_mem>>)
      %run_scoped3A_257 = arith.constant 13 : i32
      "tpu.region"() ({
        %run_scoped3A_281 = tpu.sem_alloc : memref<!tpu.dma_semaphore, #tpu.memory_space<semaphore_mem>>
        %dma_start3A_282 = arith.constant 0 : i32
        %dma_start3A_283 = tpu.memref_slice %arg8[%run_scoped3A_257, %dma_start3A_282] : memref<16x128xi32, #tpu.memory_space<vmem>> -> memref<1x128xi32, #tpu.memory_space<vmem>>
        %dma_start3A_284 = tpu.memref_squeeze %dma_start3A_283 : memref<1x128xi32, #tpu.memory_space<vmem>> -> memref<128xi32, #tpu.memory_space<vmem>>
        %dma_start3A_285 = arith.constant 0 : i32
        %dma_start3A_286 = arith.constant 0 : i32
        %dma_start3A_287 = tpu.memref_slice %arg12[%dma_start3A_285, %dma_start3A_286] : memref<10112x72xf32, #tpu.memory_space<vmem_shared>> -> memref<10112x72xf32, #tpu.memory_space<vmem_shared>>
        tpu.enqueue_indirect_dma source(%arg10 : memref<128x72xf32, #tpu.memory_space<vmem>>) target(%dma_start3A_287 : memref<10112x72xf32, #tpu.memory_space<vmem_shared>>) offsets(%dma_start3A_284 : memref<128xi32, #tpu.memory_space<vmem>>) semaphore(%run_scoped3A_281 : memref<!tpu.dma_semaphore, #tpu.memory_space<semaphore_mem>>) {add = true}
        %dma_wait3A_288 = arith.constant 0 : i32
        %dma_wait3A_289 = tpu.memref_slice %arg8[%run_scoped3A_257, %dma_wait3A_288] : memref<16x128xi32, #tpu.memory_space<vmem>> -> memref<1x128xi32, #tpu.memory_space<vmem>>
        %dma_wait3A_290 = tpu.memref_squeeze %dma_wait3A_289 : memref<1x128xi32, #tpu.memory_space<vmem>> -> memref<128xi32, #tpu.memory_space<vmem>>
        %dma_wait3A_291 = arith.constant 0 : i32
        %dma_wait3A_292 = arith.constant 0 : i32
        %dma_wait3A_293 = tpu.memref_slice %arg12[%dma_wait3A_291, %dma_wait3A_292] : memref<10112x72xf32, #tpu.memory_space<vmem_shared>> -> memref<10112x72xf32, #tpu.memory_space<vmem_shared>>
        tpu.wait_indirect_dma semaphore(%run_scoped3A_281 : memref<!tpu.dma_semaphore, #tpu.memory_space<semaphore_mem>>) src(%arg10 : memref<128x72xf32, #tpu.memory_space<vmem>>) dst(%dma_wait3A_293 : memref<10112x72xf32, #tpu.memory_space<vmem_shared>>)
        tpu.yield
      }) : () -> ()
      %dma_wait3A_258 = arith.constant 14 : i32
      %dma_wait3A_259 = arith.constant 0 : i32
      %dma_wait3A_260 = tpu.memref_slice %arg7[%dma_wait3A_258, %dma_wait3A_259] : memref<16x128xi32, #tpu.memory_space<vmem>> -> memref<1x128xi32, #tpu.memory_space<vmem>>
      %dma_wait3A_261 = tpu.memref_squeeze %dma_wait3A_260 : memref<1x128xi32, #tpu.memory_space<vmem>> -> memref<128xi32, #tpu.memory_space<vmem>>
      %dma_wait3A_262 = arith.constant 0 : i32
      %dma_wait3A_263 = arith.constant 0 : i32
      %dma_wait3A_264 = tpu.memref_slice %arg11[%dma_wait3A_262, %dma_wait3A_263] : memref<10000x72xf32, #tpu.memory_space<vmem_shared>> -> memref<10000x72xf32, #tpu.memory_space<vmem_shared>>
      tpu.wait_indirect_dma semaphore(%arg13 : memref<!tpu.dma_semaphore, #tpu.memory_space<semaphore_mem>>) src(%dma_wait3A_264 : memref<10000x72xf32, #tpu.memory_space<vmem_shared>>) dst(%arg9 : memref<128x72xf32, #tpu.memory_space<vmem>>)
      %dma_start3A_265 = arith.constant 15 : i32
      %dma_start3A_266 = arith.constant 0 : i32
      %dma_start3A_267 = tpu.memref_slice %arg7[%dma_start3A_265, %dma_start3A_266] : memref<16x128xi32, #tpu.memory_space<vmem>> -> memref<1x128xi32, #tpu.memory_space<vmem>>
      %dma_start3A_268 = tpu.memref_squeeze %dma_start3A_267 : memref<1x128xi32, #tpu.memory_space<vmem>> -> memref<128xi32, #tpu.memory_space<vmem>>
      %dma_start3A_269 = arith.constant 0 : i32
      %dma_start3A_270 = arith.constant 0 : i32
      %dma_start3A_271 = tpu.memref_slice %arg11[%dma_start3A_269, %dma_start3A_270] : memref<10000x72xf32, #tpu.memory_space<vmem_shared>> -> memref<10000x72xf32, #tpu.memory_space<vmem_shared>>
      tpu.enqueue_indirect_dma source(%dma_start3A_271 : memref<10000x72xf32, #tpu.memory_space<vmem_shared>>) target(%arg10 : memref<128x72xf32, #tpu.memory_space<vmem>>) offsets(%dma_start3A_268 : memref<128xi32, #tpu.memory_space<vmem>>) semaphore(%arg14 : memref<!tpu.dma_semaphore, #tpu.memory_space<semaphore_mem>>)
      %run_scoped3A_272 = arith.constant 14 : i32
      "tpu.region"() ({
        %run_scoped3A_281 = tpu.sem_alloc : memref<!tpu.dma_semaphore, #tpu.memory_space<semaphore_mem>>
        %dma_start3A_282 = arith.constant 0 : i32
        %dma_start3A_283 = tpu.memref_slice %arg8[%run_scoped3A_272, %dma_start3A_282] : memref<16x128xi32, #tpu.memory_space<vmem>> -> memref<1x128xi32, #tpu.memory_space<vmem>>
        %dma_start3A_284 = tpu.memref_squeeze %dma_start3A_283 : memref<1x128xi32, #tpu.memory_space<vmem>> -> memref<128xi32, #tpu.memory_space<vmem>>
        %dma_start3A_285 = arith.constant 0 : i32
        %dma_start3A_286 = arith.constant 0 : i32
        %dma_start3A_287 = tpu.memref_slice %arg12[%dma_start3A_285, %dma_start3A_286] : memref<10112x72xf32, #tpu.memory_space<vmem_shared>> -> memref<10112x72xf32, #tpu.memory_space<vmem_shared>>
        tpu.enqueue_indirect_dma source(%arg9 : memref<128x72xf32, #tpu.memory_space<vmem>>) target(%dma_start3A_287 : memref<10112x72xf32, #tpu.memory_space<vmem_shared>>) offsets(%dma_start3A_284 : memref<128xi32, #tpu.memory_space<vmem>>) semaphore(%run_scoped3A_281 : memref<!tpu.dma_semaphore, #tpu.memory_space<semaphore_mem>>) {add = true}
        %dma_wait3A_288 = arith.constant 0 : i32
        %dma_wait3A_289 = tpu.memref_slice %arg8[%run_scoped3A_272, %dma_wait3A_288] : memref<16x128xi32, #tpu.memory_space<vmem>> -> memref<1x128xi32, #tpu.memory_space<vmem>>
        %dma_wait3A_290 = tpu.memref_squeeze %dma_wait3A_289 : memref<1x128xi32, #tpu.memory_space<vmem>> -> memref<128xi32, #tpu.memory_space<vmem>>
        %dma_wait3A_291 = arith.constant 0 : i32
        %dma_wait3A_292 = arith.constant 0 : i32
        %dma_wait3A_293 = tpu.memref_slice %arg12[%dma_wait3A_291, %dma_wait3A_292] : memref<10112x72xf32, #tpu.memory_space<vmem_shared>> -> memref<10112x72xf32, #tpu.memory_space<vmem_shared>>
        tpu.wait_indirect_dma semaphore(%run_scoped3A_281 : memref<!tpu.dma_semaphore, #tpu.memory_space<semaphore_mem>>) src(%arg9 : memref<128x72xf32, #tpu.memory_space<vmem>>) dst(%dma_wait3A_293 : memref<10112x72xf32, #tpu.memory_space<vmem_shared>>)
        tpu.yield
      }) : () -> ()
      %dma_wait3A_273 = arith.constant 15 : i32
      %dma_wait3A_274 = arith.constant 0 : i32
      %dma_wait3A_275 = tpu.memref_slice %arg7[%dma_wait3A_273, %dma_wait3A_274] : memref<16x128xi32, #tpu.memory_space<vmem>> -> memref<1x128xi32, #tpu.memory_space<vmem>>
      %dma_wait3A_276 = tpu.memref_squeeze %dma_wait3A_275 : memref<1x128xi32, #tpu.memory_space<vmem>> -> memref<128xi32, #tpu.memory_space<vmem>>
      %dma_wait3A_277 = arith.constant 0 : i32
      %dma_wait3A_278 = arith.constant 0 : i32
      %dma_wait3A_279 = tpu.memref_slice %arg11[%dma_wait3A_277, %dma_wait3A_278] : memref<10000x72xf32, #tpu.memory_space<vmem_shared>> -> memref<10000x72xf32, #tpu.memory_space<vmem_shared>>
      tpu.wait_indirect_dma semaphore(%arg14 : memref<!tpu.dma_semaphore, #tpu.memory_space<semaphore_mem>>) src(%dma_wait3A_279 : memref<10000x72xf32, #tpu.memory_space<vmem_shared>>) dst(%arg10 : memref<128x72xf32, #tpu.memory_space<vmem>>)
      %run_scoped3A_280 = arith.constant 15 : i32
      "tpu.region"() ({
        %run_scoped3A_281 = tpu.sem_alloc : memref<!tpu.dma_semaphore, #tpu.memory_space<semaphore_mem>>
        %dma_start3A_282 = arith.constant 0 : i32
        %dma_start3A_283 = tpu.memref_slice %arg8[%run_scoped3A_280, %dma_start3A_282] : memref<16x128xi32, #tpu.memory_space<vmem>> -> memref<1x128xi32, #tpu.memory_space<vmem>>
        %dma_start3A_284 = tpu.memref_squeeze %dma_start3A_283 : memref<1x128xi32, #tpu.memory_space<vmem>> -> memref<128xi32, #tpu.memory_space<vmem>>
        %dma_start3A_285 = arith.constant 0 : i32
        %dma_start3A_286 = arith.constant 0 : i32
        %dma_start3A_287 = tpu.memref_slice %arg12[%dma_start3A_285, %dma_start3A_286] : memref<10112x72xf32, #tpu.memory_space<vmem_shared>> -> memref<10112x72xf32, #tpu.memory_space<vmem_shared>>
        tpu.enqueue_indirect_dma source(%arg10 : memref<128x72xf32, #tpu.memory_space<vmem>>) target(%dma_start3A_287 : memref<10112x72xf32, #tpu.memory_space<vmem_shared>>) offsets(%dma_start3A_284 : memref<128xi32, #tpu.memory_space<vmem>>) semaphore(%run_scoped3A_281 : memref<!tpu.dma_semaphore, #tpu.memory_space<semaphore_mem>>) {add = true}
        %dma_wait3A_288 = arith.constant 0 : i32
        %dma_wait3A_289 = tpu.memref_slice %arg8[%run_scoped3A_280, %dma_wait3A_288] : memref<16x128xi32, #tpu.memory_space<vmem>> -> memref<1x128xi32, #tpu.memory_space<vmem>>
        %dma_wait3A_290 = tpu.memref_squeeze %dma_wait3A_289 : memref<1x128xi32, #tpu.memory_space<vmem>> -> memref<128xi32, #tpu.memory_space<vmem>>
        %dma_wait3A_291 = arith.constant 0 : i32
        %dma_wait3A_292 = arith.constant 0 : i32
        %dma_wait3A_293 = tpu.memref_slice %arg12[%dma_wait3A_291, %dma_wait3A_292] : memref<10112x72xf32, #tpu.memory_space<vmem_shared>> -> memref<10112x72xf32, #tpu.memory_space<vmem_shared>>
        tpu.wait_indirect_dma semaphore(%run_scoped3A_281 : memref<!tpu.dma_semaphore, #tpu.memory_space<semaphore_mem>>) src(%arg10 : memref<128x72xf32, #tpu.memory_space<vmem>>) dst(%dma_wait3A_293 : memref<10112x72xf32, #tpu.memory_space<vmem_shared>>)
        tpu.yield
      }) : () -> ()
    }
    %scan3A_31 = arith.constant 5 : i32
    %barrier3A_32 = arith.constant 0 : index
    tpu.barrier barrier_id(%barrier3A_32)
    %mul3A_33 = arith.constant 632 : i32
    %mul3A_34 = arith.muli %arg1, %mul3A_33 : i32
    %mul3A_35 = arith.constant 632 : i32
    %mul3A_36 = arith.muli %arg1, %mul3A_35 : i32
    %run_scoped3A_37 = arith.constant 1 : i32
    "tpu.region"() ({
      %run_scoped3A_38 = tpu.sem_alloc : memref<!tpu.dma_semaphore, #tpu.memory_space<semaphore_mem>>
      %dma_start3A = arith.constant 0 : i32
      %dma_start3A_39 = arith.constant 0 : i32
      %dma_start3A_40 = arith.constant 0 : i32
      %dma_start3A_41 = tpu.memref_slice %arg6[%run_scoped3A_37, %dma_start3A, %dma_start3A_39, %dma_start3A_40] : memref<2x2x10112x72xf32, #tpu.memory_space<hbm>> -> memref<1x2x10112x72xf32, #tpu.memory_space<hbm>>
      %dma_start3A_42 = tpu.memref_squeeze %dma_start3A_41 : memref<1x2x10112x72xf32, #tpu.memory_space<hbm>> -> memref<2x10112x72xf32, #tpu.memory_space<hbm>>
      %dma_start3A_43 = arith.constant 0 : i32
      %dma_start3A_44 = arith.constant 0 : i32
      %dma_start3A_45 = tpu.memref_slice %dma_start3A_42[%arg0, %dma_start3A_43, %dma_start3A_44] : memref<2x10112x72xf32, #tpu.memory_space<hbm>> -> memref<1x10112x72xf32, #tpu.memory_space<hbm>>
      %dma_start3A_46 = tpu.memref_squeeze %dma_start3A_45 : memref<1x10112x72xf32, #tpu.memory_space<hbm>> -> memref<10112x72xf32, #tpu.memory_space<hbm>>
      %dma_start3A_47 = arith.constant 0 : i32
      %dma_start3A_48 = tpu.memref_slice %dma_start3A_46[%mul3A_36, %dma_start3A_47] : memref<10112x72xf32, #tpu.memory_space<hbm>> -> memref<632x72xf32, #tpu.memory_space<hbm>>
      %dma_start3A_49 = arith.constant 0 : i32
      %dma_start3A_50 = tpu.memref_slice %arg12[%mul3A_34, %dma_start3A_49] : memref<10112x72xf32, #tpu.memory_space<vmem_shared>> -> memref<632x72xf32, #tpu.memory_space<vmem_shared>>
      tpu.enqueue_dma source(%dma_start3A_50 : memref<632x72xf32, #tpu.memory_space<vmem_shared>>) target(%dma_start3A_48 : memref<632x72xf32, #tpu.memory_space<hbm>>) target_semaphore(%run_scoped3A_38 : memref<!tpu.dma_semaphore, #tpu.memory_space<semaphore_mem>>)
      %dma_wait3A = arith.constant 0 : i32
      %dma_wait3A_51 = arith.constant 0 : i32
      %dma_wait3A_52 = arith.constant 0 : i32
      %dma_wait3A_53 = tpu.memref_slice %arg6[%run_scoped3A_37, %dma_wait3A, %dma_wait3A_51, %dma_wait3A_52] : memref<2x2x10112x72xf32, #tpu.memory_space<hbm>> -> memref<1x2x10112x72xf32, #tpu.memory_space<hbm>>
      %dma_wait3A_54 = tpu.memref_squeeze %dma_wait3A_53 : memref<1x2x10112x72xf32, #tpu.memory_space<hbm>> -> memref<2x10112x72xf32, #tpu.memory_space<hbm>>
      %dma_wait3A_55 = arith.constant 0 : i32
      %dma_wait3A_56 = arith.constant 0 : i32
      %dma_wait3A_57 = tpu.memref_slice %dma_wait3A_54[%arg0, %dma_wait3A_55, %dma_wait3A_56] : memref<2x10112x72xf32, #tpu.memory_space<hbm>> -> memref<1x10112x72xf32, #tpu.memory_space<hbm>>
      %dma_wait3A_58 = tpu.memref_squeeze %dma_wait3A_57 : memref<1x10112x72xf32, #tpu.memory_space<hbm>> -> memref<10112x72xf32, #tpu.memory_space<hbm>>
      %dma_wait3A_59 = arith.constant 0 : i32
      %dma_wait3A_60 = tpu.memref_slice %dma_wait3A_58[%mul3A_36, %dma_wait3A_59] : memref<10112x72xf32, #tpu.memory_space<hbm>> -> memref<632x72xf32, #tpu.memory_space<hbm>>
      %dma_wait3A_61 = arith.constant 0 : i32
      %dma_wait3A_62 = tpu.memref_slice %arg12[%mul3A_34, %dma_wait3A_61] : memref<10112x72xf32, #tpu.memory_space<vmem_shared>> -> memref<632x72xf32, #tpu.memory_space<vmem_shared>>
      tpu.wait_dma2 semaphore(%run_scoped3A_38 : memref<!tpu.dma_semaphore, #tpu.memory_space<semaphore_mem>>) src(%dma_wait3A_62 : memref<632x72xf32, #tpu.memory_space<vmem_shared>>) dst(%dma_wait3A_60 : memref<632x72xf32, #tpu.memory_space<hbm>>)
      tpu.yield
    }) : () -> ()
    return
  }
}

#map = affine_map<(d0, d1) -> (0, 0, 0)>
#map1 = affine_map<(d0, d1) -> (0, 0)>
#map2 = affine_map<(d0, d1) -> (0, 0, 0, 0)>
module attributes {stable_mosaic.version = 14 : i64} {
  func.func @body(%arg0: i32, %arg1: i32, %arg2: memref<2x10000x64xf32, #tpu.memory_space<hbm>>, %arg3: memref<32x80x128xi32, #tpu.memory_space<hbm>>, %arg4: memref<32x80x128xi32, #tpu.memory_space<hbm>>, %arg5: memref<632x64xf32, #tpu.memory_space<hbm>>, %arg6: memref<2x2x10112x64xf32, #tpu.memory_space<hbm>>, %arg7: memref<16x128xi32, #tpu.memory_space<vmem>>, %arg8: memref<16x128xi32, #tpu.memory_space<vmem>>, %arg9: memref<128x64xf32, #tpu.memory_space<vmem>>, %arg10: memref<128x64xf32, #tpu.memory_space<vmem>>, %arg11: memref<10000x64xf32, #tpu.memory_space<vmem_shared>>, %arg12: memref<10112x64xf32, #tpu.memory_space<vmem_shared>>, %arg13: memref<!tpu.dma_semaphore, #tpu.memory_space<semaphore_mem>>, %arg14: memref<!tpu.dma_semaphore, #tpu.memory_space<semaphore_mem>>) attributes {dimension_semantics = [#tpu.dimension_semantics<core_parallel>, #tpu.dimension_semantics<subcore_parallel>], iteration_bounds = array<i64: 2, 16>, scalar_prefetch = 0 : i64, scratch_operands = 8 : i64, tpu.core_type = #tpu.core_type<sc_vector_subcore>, window_params = [{transform_indices = #map}, {transform_indices = #map}, {transform_indices = #map}, {transform_indices = #map1}, {transform_indices = #map2}]} {
    %mul3A = arith.constant 16 : i32
    %mul3A_0 = arith.muli %arg0, %mul3A : i32
    %add3A = arith.addi %mul3A_0, %arg1 : i32
    %mul3A_1 = arith.constant 625 : i32
    %mul3A_2 = arith.muli %arg1, %mul3A_1 : i32
    %mul3A_3 = arith.constant 625 : i32
    %mul3A_4 = arith.muli %arg1, %mul3A_3 : i32
    %run_scoped3A = arith.constant 0 : i32
    "tpu.region"() ({
      %run_scoped3A_38 = tpu.sem_alloc : memref<!tpu.dma_semaphore, #tpu.memory_space<semaphore_mem>>
      %dma_start3A = arith.constant 0 : i32
      %dma_start3A_39 = tpu.memref_slice %arg11[%mul3A_4, %dma_start3A] : memref<10000x64xf32, #tpu.memory_space<vmem_shared>> -> memref<625x64xf32, #tpu.memory_space<vmem_shared>>
      %dma_start3A_40 = arith.constant 0 : i32
      %dma_start3A_41 = tpu.memref_slice %arg2[%run_scoped3A, %mul3A_2, %dma_start3A_40] : memref<2x10000x64xf32, #tpu.memory_space<hbm>> -> memref<1x625x64xf32, #tpu.memory_space<hbm>>
      %dma_start3A_42 = tpu.memref_squeeze %dma_start3A_41 : memref<1x625x64xf32, #tpu.memory_space<hbm>> -> memref<625x64xf32, #tpu.memory_space<hbm>>
      tpu.enqueue_dma source(%dma_start3A_42 : memref<625x64xf32, #tpu.memory_space<hbm>>) target(%dma_start3A_39 : memref<625x64xf32, #tpu.memory_space<vmem_shared>>) target_semaphore(%run_scoped3A_38 : memref<!tpu.dma_semaphore, #tpu.memory_space<semaphore_mem>>)
      %dma_wait3A = arith.constant 0 : i32
      %dma_wait3A_43 = tpu.memref_slice %arg11[%mul3A_4, %dma_wait3A] : memref<10000x64xf32, #tpu.memory_space<vmem_shared>> -> memref<625x64xf32, #tpu.memory_space<vmem_shared>>
      %dma_wait3A_44 = arith.constant 0 : i32
      %dma_wait3A_45 = tpu.memref_slice %arg2[%run_scoped3A, %mul3A_2, %dma_wait3A_44] : memref<2x10000x64xf32, #tpu.memory_space<hbm>> -> memref<1x625x64xf32, #tpu.memory_space<hbm>>
      %dma_wait3A_46 = tpu.memref_squeeze %dma_wait3A_45 : memref<1x625x64xf32, #tpu.memory_space<hbm>> -> memref<625x64xf32, #tpu.memory_space<hbm>>
      tpu.wait_dma2 semaphore(%run_scoped3A_38 : memref<!tpu.dma_semaphore, #tpu.memory_space<semaphore_mem>>) src(%dma_wait3A_46 : memref<625x64xf32, #tpu.memory_space<hbm>>) dst(%dma_wait3A_43 : memref<625x64xf32, #tpu.memory_space<vmem_shared>>)
      tpu.yield
    }) : () -> ()
    %mul3A_5 = arith.constant 632 : i32
    %mul3A_6 = arith.muli %arg1, %mul3A_5 : i32
    "tpu.region"() ({
      %run_scoped3A_38 = tpu.sem_alloc : memref<!tpu.dma_semaphore, #tpu.memory_space<semaphore_mem>>
      %dma_start3A = arith.constant 0 : i32
      %dma_start3A_39 = tpu.memref_slice %arg12[%mul3A_6, %dma_start3A] : memref<10112x64xf32, #tpu.memory_space<vmem_shared>> -> memref<632x64xf32, #tpu.memory_space<vmem_shared>>
      tpu.enqueue_dma source(%arg5 : memref<632x64xf32, #tpu.memory_space<hbm>>) target(%dma_start3A_39 : memref<632x64xf32, #tpu.memory_space<vmem_shared>>) target_semaphore(%run_scoped3A_38 : memref<!tpu.dma_semaphore, #tpu.memory_space<semaphore_mem>>)
      %dma_wait3A = arith.constant 0 : i32
      %dma_wait3A_40 = tpu.memref_slice %arg12[%mul3A_6, %dma_wait3A] : memref<10112x64xf32, #tpu.memory_space<vmem_shared>> -> memref<632x64xf32, #tpu.memory_space<vmem_shared>>
      tpu.wait_dma2 semaphore(%run_scoped3A_38 : memref<!tpu.dma_semaphore, #tpu.memory_space<semaphore_mem>>) src(%arg5 : memref<632x64xf32, #tpu.memory_space<hbm>>) dst(%dma_wait3A_40 : memref<632x64xf32, #tpu.memory_space<vmem_shared>>)
      tpu.yield
    }) : () -> ()
    %barrier3A = arith.constant 0 : index
    tpu.barrier barrier_id(%barrier3A)
    %scan3A = arith.constant 0 : i32
    %scan3A_7 = arith.constant 0 : i32
    %scan3A_8 = arith.constant 5 : i32
    %scan3A_9 = arith.addi %scan3A_7, %scan3A_8 : i32
    %scan3A_10 = arith.constant 1 : i32
    scf.for %scan3A_38 = %scan3A_7 to %scan3A_9 step %scan3A_10  : i32 {
      %mul3A_39 = arith.constant 16 : i32
      %mul3A_40 = arith.muli %scan3A_38, %mul3A_39 : i32
      "tpu.region"() ({
        %run_scoped3A_281 = tpu.sem_alloc : memref<!tpu.dma_semaphore, #tpu.memory_space<semaphore_mem>>
        %dma_start3A_282 = arith.constant 0 : i32
        %dma_start3A_283 = tpu.memref_slice %arg3[%add3A, %mul3A_40, %dma_start3A_282] : memref<32x80x128xi32, #tpu.memory_space<hbm>> -> memref<1x16x128xi32, #tpu.memory_space<hbm>>
        %dma_start3A_284 = tpu.memref_squeeze %dma_start3A_283 : memref<1x16x128xi32, #tpu.memory_space<hbm>> -> memref<16x128xi32, #tpu.memory_space<hbm>>
        %dma_start3A_285 = arith.constant 0 : i32
        %dma_start3A_286 = tpu.memref_slice %arg3[%add3A, %mul3A_40, %dma_start3A_285] : memref<32x80x128xi32, #tpu.memory_space<hbm>> -> memref<1x16x128xi32, #tpu.memory_space<hbm>>
        %dma_start3A_287 = tpu.memref_squeeze %dma_start3A_286 : memref<1x16x128xi32, #tpu.memory_space<hbm>> -> memref<16x128xi32, #tpu.memory_space<hbm>>
        tpu.enqueue_dma source(%dma_start3A_287 : memref<16x128xi32, #tpu.memory_space<hbm>>) target(%arg7 : memref<16x128xi32, #tpu.memory_space<vmem>>) target_semaphore(%run_scoped3A_281 : memref<!tpu.dma_semaphore, #tpu.memory_space<semaphore_mem>>)
        %dma_wait3A_288 = arith.constant 0 : i32
        %dma_wait3A_289 = tpu.memref_slice %arg3[%add3A, %mul3A_40, %dma_wait3A_288] : memref<32x80x128xi32, #tpu.memory_space<hbm>> -> memref<1x16x128xi32, #tpu.memory_space<hbm>>
        %dma_wait3A_290 = tpu.memref_squeeze %dma_wait3A_289 : memref<1x16x128xi32, #tpu.memory_space<hbm>> -> memref<16x128xi32, #tpu.memory_space<hbm>>
        %dma_wait3A_291 = arith.constant 0 : i32
        %dma_wait3A_292 = tpu.memref_slice %arg3[%add3A, %mul3A_40, %dma_wait3A_291] : memref<32x80x128xi32, #tpu.memory_space<hbm>> -> memref<1x16x128xi32, #tpu.memory_space<hbm>>
        %dma_wait3A_293 = tpu.memref_squeeze %dma_wait3A_292 : memref<1x16x128xi32, #tpu.memory_space<hbm>> -> memref<16x128xi32, #tpu.memory_space<hbm>>
        tpu.wait_dma2 semaphore(%run_scoped3A_281 : memref<!tpu.dma_semaphore, #tpu.memory_space<semaphore_mem>>) src(%dma_wait3A_293 : memref<16x128xi32, #tpu.memory_space<hbm>>) dst(%arg7 : memref<16x128xi32, #tpu.memory_space<vmem>>)
        tpu.yield
      }) : () -> ()
      %mul3A_41 = arith.constant 16 : i32
      %mul3A_42 = arith.muli %scan3A_38, %mul3A_41 : i32
      "tpu.region"() ({
        %run_scoped3A_281 = tpu.sem_alloc : memref<!tpu.dma_semaphore, #tpu.memory_space<semaphore_mem>>
        %dma_start3A_282 = arith.constant 0 : i32
        %dma_start3A_283 = tpu.memref_slice %arg4[%add3A, %mul3A_42, %dma_start3A_282] : memref<32x80x128xi32, #tpu.memory_space<hbm>> -> memref<1x16x128xi32, #tpu.memory_space<hbm>>
        %dma_start3A_284 = tpu.memref_squeeze %dma_start3A_283 : memref<1x16x128xi32, #tpu.memory_space<hbm>> -> memref<16x128xi32, #tpu.memory_space<hbm>>
        %dma_start3A_285 = arith.constant 0 : i32
        %dma_start3A_286 = tpu.memref_slice %arg4[%add3A, %mul3A_42, %dma_start3A_285] : memref<32x80x128xi32, #tpu.memory_space<hbm>> -> memref<1x16x128xi32, #tpu.memory_space<hbm>>
        %dma_start3A_287 = tpu.memref_squeeze %dma_start3A_286 : memref<1x16x128xi32, #tpu.memory_space<hbm>> -> memref<16x128xi32, #tpu.memory_space<hbm>>
        tpu.enqueue_dma source(%dma_start3A_287 : memref<16x128xi32, #tpu.memory_space<hbm>>) target(%arg8 : memref<16x128xi32, #tpu.memory_space<vmem>>) target_semaphore(%run_scoped3A_281 : memref<!tpu.dma_semaphore, #tpu.memory_space<semaphore_mem>>)
        %dma_wait3A_288 = arith.constant 0 : i32
        %dma_wait3A_289 = tpu.memref_slice %arg4[%add3A, %mul3A_42, %dma_wait3A_288] : memref<32x80x128xi32, #tpu.memory_space<hbm>> -> memref<1x16x128xi32, #tpu.memory_space<hbm>>
        %dma_wait3A_290 = tpu.memref_squeeze %dma_wait3A_289 : memref<1x16x128xi32, #tpu.memory_space<hbm>> -> memref<16x128xi32, #tpu.memory_space<hbm>>
        %dma_wait3A_291 = arith.constant 0 : i32
        %dma_wait3A_292 = tpu.memref_slice %arg4[%add3A, %mul3A_42, %dma_wait3A_291] : memref<32x80x128xi32, #tpu.memory_space<hbm>> -> memref<1x16x128xi32, #tpu.memory_space<hbm>>
        %dma_wait3A_293 = tpu.memref_squeeze %dma_wait3A_292 : memref<1x16x128xi32, #tpu.memory_space<hbm>> -> memref<16x128xi32, #tpu.memory_space<hbm>>
        tpu.wait_dma2 semaphore(%run_scoped3A_281 : memref<!tpu.dma_semaphore, #tpu.memory_space<semaphore_mem>>) src(%dma_wait3A_293 : memref<16x128xi32, #tpu.memory_space<hbm>>) dst(%arg8 : memref<16x128xi32, #tpu.memory_space<vmem>>)
        tpu.yield
      }) : () -> ()
      %dma_start3A = arith.constant 0 : i32
      %dma_start3A_43 = arith.constant 0 : i32
      %dma_start3A_44 = tpu.memref_slice %arg7[%dma_start3A, %dma_start3A_43] : memref<16x128xi32, #tpu.memory_space<vmem>> -> memref<1x128xi32, #tpu.memory_space<vmem>>
      %dma_start3A_45 = tpu.memref_squeeze %dma_start3A_44 : memref<1x128xi32, #tpu.memory_space<vmem>> -> memref<128xi32, #tpu.memory_space<vmem>>
      %dma_start3A_46 = arith.constant 0 : i32
      %dma_start3A_47 = arith.constant 0 : i32
      %dma_start3A_48 = tpu.memref_slice %arg11[%dma_start3A_46, %dma_start3A_47] : memref<10000x64xf32, #tpu.memory_space<vmem_shared>> -> memref<10000x64xf32, #tpu.memory_space<vmem_shared>>
      tpu.enqueue_indirect_dma source(%dma_start3A_48 : memref<10000x64xf32, #tpu.memory_space<vmem_shared>>) target(%arg9 : memref<128x64xf32, #tpu.memory_space<vmem>>) offsets(%dma_start3A_45 : memref<128xi32, #tpu.memory_space<vmem>>) semaphore(%arg13 : memref<!tpu.dma_semaphore, #tpu.memory_space<semaphore_mem>>)
      %dma_wait3A = arith.constant 0 : i32
      %dma_wait3A_49 = arith.constant 0 : i32
      %dma_wait3A_50 = tpu.memref_slice %arg7[%dma_wait3A, %dma_wait3A_49] : memref<16x128xi32, #tpu.memory_space<vmem>> -> memref<1x128xi32, #tpu.memory_space<vmem>>
      %dma_wait3A_51 = tpu.memref_squeeze %dma_wait3A_50 : memref<1x128xi32, #tpu.memory_space<vmem>> -> memref<128xi32, #tpu.memory_space<vmem>>
      %dma_wait3A_52 = arith.constant 0 : i32
      %dma_wait3A_53 = arith.constant 0 : i32
      %dma_wait3A_54 = tpu.memref_slice %arg11[%dma_wait3A_52, %dma_wait3A_53] : memref<10000x64xf32, #tpu.memory_space<vmem_shared>> -> memref<10000x64xf32, #tpu.memory_space<vmem_shared>>
      tpu.wait_indirect_dma semaphore(%arg13 : memref<!tpu.dma_semaphore, #tpu.memory_space<semaphore_mem>>) src(%dma_wait3A_54 : memref<10000x64xf32, #tpu.memory_space<vmem_shared>>) dst(%arg9 : memref<128x64xf32, #tpu.memory_space<vmem>>)
      %dma_start3A_55 = arith.constant 1 : i32
      %dma_start3A_56 = arith.constant 0 : i32
      %dma_start3A_57 = tpu.memref_slice %arg7[%dma_start3A_55, %dma_start3A_56] : memref<16x128xi32, #tpu.memory_space<vmem>> -> memref<1x128xi32, #tpu.memory_space<vmem>>
      %dma_start3A_58 = tpu.memref_squeeze %dma_start3A_57 : memref<1x128xi32, #tpu.memory_space<vmem>> -> memref<128xi32, #tpu.memory_space<vmem>>
      %dma_start3A_59 = arith.constant 0 : i32
      %dma_start3A_60 = arith.constant 0 : i32
      %dma_start3A_61 = tpu.memref_slice %arg11[%dma_start3A_59, %dma_start3A_60] : memref<10000x64xf32, #tpu.memory_space<vmem_shared>> -> memref<10000x64xf32, #tpu.memory_space<vmem_shared>>
      tpu.enqueue_indirect_dma source(%dma_start3A_61 : memref<10000x64xf32, #tpu.memory_space<vmem_shared>>) target(%arg10 : memref<128x64xf32, #tpu.memory_space<vmem>>) offsets(%dma_start3A_58 : memref<128xi32, #tpu.memory_space<vmem>>) semaphore(%arg14 : memref<!tpu.dma_semaphore, #tpu.memory_space<semaphore_mem>>)
      %run_scoped3A_62 = arith.constant 0 : i32
      "tpu.region"() ({
        %run_scoped3A_281 = tpu.sem_alloc : memref<!tpu.dma_semaphore, #tpu.memory_space<semaphore_mem>>
        %dma_start3A_282 = arith.constant 0 : i32
        %dma_start3A_283 = tpu.memref_slice %arg8[%run_scoped3A_62, %dma_start3A_282] : memref<16x128xi32, #tpu.memory_space<vmem>> -> memref<1x128xi32, #tpu.memory_space<vmem>>
        %dma_start3A_284 = tpu.memref_squeeze %dma_start3A_283 : memref<1x128xi32, #tpu.memory_space<vmem>> -> memref<128xi32, #tpu.memory_space<vmem>>
        %dma_start3A_285 = arith.constant 0 : i32
        %dma_start3A_286 = arith.constant 0 : i32
        %dma_start3A_287 = tpu.memref_slice %arg12[%dma_start3A_285, %dma_start3A_286] : memref<10112x64xf32, #tpu.memory_space<vmem_shared>> -> memref<10112x64xf32, #tpu.memory_space<vmem_shared>>
        tpu.enqueue_indirect_dma source(%arg9 : memref<128x64xf32, #tpu.memory_space<vmem>>) target(%dma_start3A_287 : memref<10112x64xf32, #tpu.memory_space<vmem_shared>>) offsets(%dma_start3A_284 : memref<128xi32, #tpu.memory_space<vmem>>) semaphore(%run_scoped3A_281 : memref<!tpu.dma_semaphore, #tpu.memory_space<semaphore_mem>>) {add = true}
        %dma_wait3A_288 = arith.constant 0 : i32
        %dma_wait3A_289 = tpu.memref_slice %arg8[%run_scoped3A_62, %dma_wait3A_288] : memref<16x128xi32, #tpu.memory_space<vmem>> -> memref<1x128xi32, #tpu.memory_space<vmem>>
        %dma_wait3A_290 = tpu.memref_squeeze %dma_wait3A_289 : memref<1x128xi32, #tpu.memory_space<vmem>> -> memref<128xi32, #tpu.memory_space<vmem>>
        %dma_wait3A_291 = arith.constant 0 : i32
        %dma_wait3A_292 = arith.constant 0 : i32
        %dma_wait3A_293 = tpu.memref_slice %arg12[%dma_wait3A_291, %dma_wait3A_292] : memref<10112x64xf32, #tpu.memory_space<vmem_shared>> -> memref<10112x64xf32, #tpu.memory_space<vmem_shared>>
        tpu.wait_indirect_dma semaphore(%run_scoped3A_281 : memref<!tpu.dma_semaphore, #tpu.memory_space<semaphore_mem>>) src(%arg9 : memref<128x64xf32, #tpu.memory_space<vmem>>) dst(%dma_wait3A_293 : memref<10112x64xf32, #tpu.memory_space<vmem_shared>>)
        tpu.yield
      }) : () -> ()
      %dma_wait3A_63 = arith.constant 1 : i32
      %dma_wait3A_64 = arith.constant 0 : i32
      %dma_wait3A_65 = tpu.memref_slice %arg7[%dma_wait3A_63, %dma_wait3A_64] : memref<16x128xi32, #tpu.memory_space<vmem>> -> memref<1x128xi32, #tpu.memory_space<vmem>>
      %dma_wait3A_66 = tpu.memref_squeeze %dma_wait3A_65 : memref<1x128xi32, #tpu.memory_space<vmem>> -> memref<128xi32, #tpu.memory_space<vmem>>
      %dma_wait3A_67 = arith.constant 0 : i32
      %dma_wait3A_68 = arith.constant 0 : i32
      %dma_wait3A_69 = tpu.memref_slice %arg11[%dma_wait3A_67, %dma_wait3A_68] : memref<10000x64xf32, #tpu.memory_space<vmem_shared>> -> memref<10000x64xf32, #tpu.memory_space<vmem_shared>>
      tpu.wait_indirect_dma semaphore(%arg14 : memref<!tpu.dma_semaphore, #tpu.memory_space<semaphore_mem>>) src(%dma_wait3A_69 : memref<10000x64xf32, #tpu.memory_space<vmem_shared>>) dst(%arg10 : memref<128x64xf32, #tpu.memory_space<vmem>>)
      %dma_start3A_70 = arith.constant 2 : i32
      %dma_start3A_71 = arith.constant 0 : i32
      %dma_start3A_72 = tpu.memref_slice %arg7[%dma_start3A_70, %dma_start3A_71] : memref<16x128xi32, #tpu.memory_space<vmem>> -> memref<1x128xi32, #tpu.memory_space<vmem>>
      %dma_start3A_73 = tpu.memref_squeeze %dma_start3A_72 : memref<1x128xi32, #tpu.memory_space<vmem>> -> memref<128xi32, #tpu.memory_space<vmem>>
      %dma_start3A_74 = arith.constant 0 : i32
      %dma_start3A_75 = arith.constant 0 : i32
      %dma_start3A_76 = tpu.memref_slice %arg11[%dma_start3A_74, %dma_start3A_75] : memref<10000x64xf32, #tpu.memory_space<vmem_shared>> -> memref<10000x64xf32, #tpu.memory_space<vmem_shared>>
      tpu.enqueue_indirect_dma source(%dma_start3A_76 : memref<10000x64xf32, #tpu.memory_space<vmem_shared>>) target(%arg9 : memref<128x64xf32, #tpu.memory_space<vmem>>) offsets(%dma_start3A_73 : memref<128xi32, #tpu.memory_space<vmem>>) semaphore(%arg13 : memref<!tpu.dma_semaphore, #tpu.memory_space<semaphore_mem>>)
      %run_scoped3A_77 = arith.constant 1 : i32
      "tpu.region"() ({
        %run_scoped3A_281 = tpu.sem_alloc : memref<!tpu.dma_semaphore, #tpu.memory_space<semaphore_mem>>
        %dma_start3A_282 = arith.constant 0 : i32
        %dma_start3A_283 = tpu.memref_slice %arg8[%run_scoped3A_77, %dma_start3A_282] : memref<16x128xi32, #tpu.memory_space<vmem>> -> memref<1x128xi32, #tpu.memory_space<vmem>>
        %dma_start3A_284 = tpu.memref_squeeze %dma_start3A_283 : memref<1x128xi32, #tpu.memory_space<vmem>> -> memref<128xi32, #tpu.memory_space<vmem>>
        %dma_start3A_285 = arith.constant 0 : i32
        %dma_start3A_286 = arith.constant 0 : i32
        %dma_start3A_287 = tpu.memref_slice %arg12[%dma_start3A_285, %dma_start3A_286] : memref<10112x64xf32, #tpu.memory_space<vmem_shared>> -> memref<10112x64xf32, #tpu.memory_space<vmem_shared>>
        tpu.enqueue_indirect_dma source(%arg10 : memref<128x64xf32, #tpu.memory_space<vmem>>) target(%dma_start3A_287 : memref<10112x64xf32, #tpu.memory_space<vmem_shared>>) offsets(%dma_start3A_284 : memref<128xi32, #tpu.memory_space<vmem>>) semaphore(%run_scoped3A_281 : memref<!tpu.dma_semaphore, #tpu.memory_space<semaphore_mem>>) {add = true}
        %dma_wait3A_288 = arith.constant 0 : i32
        %dma_wait3A_289 = tpu.memref_slice %arg8[%run_scoped3A_77, %dma_wait3A_288] : memref<16x128xi32, #tpu.memory_space<vmem>> -> memref<1x128xi32, #tpu.memory_space<vmem>>
        %dma_wait3A_290 = tpu.memref_squeeze %dma_wait3A_289 : memref<1x128xi32, #tpu.memory_space<vmem>> -> memref<128xi32, #tpu.memory_space<vmem>>
        %dma_wait3A_291 = arith.constant 0 : i32
        %dma_wait3A_292 = arith.constant 0 : i32
        %dma_wait3A_293 = tpu.memref_slice %arg12[%dma_wait3A_291, %dma_wait3A_292] : memref<10112x64xf32, #tpu.memory_space<vmem_shared>> -> memref<10112x64xf32, #tpu.memory_space<vmem_shared>>
        tpu.wait_indirect_dma semaphore(%run_scoped3A_281 : memref<!tpu.dma_semaphore, #tpu.memory_space<semaphore_mem>>) src(%arg10 : memref<128x64xf32, #tpu.memory_space<vmem>>) dst(%dma_wait3A_293 : memref<10112x64xf32, #tpu.memory_space<vmem_shared>>)
        tpu.yield
      }) : () -> ()
      %dma_wait3A_78 = arith.constant 2 : i32
      %dma_wait3A_79 = arith.constant 0 : i32
      %dma_wait3A_80 = tpu.memref_slice %arg7[%dma_wait3A_78, %dma_wait3A_79] : memref<16x128xi32, #tpu.memory_space<vmem>> -> memref<1x128xi32, #tpu.memory_space<vmem>>
      %dma_wait3A_81 = tpu.memref_squeeze %dma_wait3A_80 : memref<1x128xi32, #tpu.memory_space<vmem>> -> memref<128xi32, #tpu.memory_space<vmem>>
      %dma_wait3A_82 = arith.constant 0 : i32
      %dma_wait3A_83 = arith.constant 0 : i32
      %dma_wait3A_84 = tpu.memref_slice %arg11[%dma_wait3A_82, %dma_wait3A_83] : memref<10000x64xf32, #tpu.memory_space<vmem_shared>> -> memref<10000x64xf32, #tpu.memory_space<vmem_shared>>
      tpu.wait_indirect_dma semaphore(%arg13 : memref<!tpu.dma_semaphore, #tpu.memory_space<semaphore_mem>>) src(%dma_wait3A_84 : memref<10000x64xf32, #tpu.memory_space<vmem_shared>>) dst(%arg9 : memref<128x64xf32, #tpu.memory_space<vmem>>)
      %dma_start3A_85 = arith.constant 3 : i32
      %dma_start3A_86 = arith.constant 0 : i32
      %dma_start3A_87 = tpu.memref_slice %arg7[%dma_start3A_85, %dma_start3A_86] : memref<16x128xi32, #tpu.memory_space<vmem>> -> memref<1x128xi32, #tpu.memory_space<vmem>>
      %dma_start3A_88 = tpu.memref_squeeze %dma_start3A_87 : memref<1x128xi32, #tpu.memory_space<vmem>> -> memref<128xi32, #tpu.memory_space<vmem>>
      %dma_start3A_89 = arith.constant 0 : i32
      %dma_start3A_90 = arith.constant 0 : i32
      %dma_start3A_91 = tpu.memref_slice %arg11[%dma_start3A_89, %dma_start3A_90] : memref<10000x64xf32, #tpu.memory_space<vmem_shared>> -> memref<10000x64xf32, #tpu.memory_space<vmem_shared>>
      tpu.enqueue_indirect_dma source(%dma_start3A_91 : memref<10000x64xf32, #tpu.memory_space<vmem_shared>>) target(%arg10 : memref<128x64xf32, #tpu.memory_space<vmem>>) offsets(%dma_start3A_88 : memref<128xi32, #tpu.memory_space<vmem>>) semaphore(%arg14 : memref<!tpu.dma_semaphore, #tpu.memory_space<semaphore_mem>>)
      %run_scoped3A_92 = arith.constant 2 : i32
      "tpu.region"() ({
        %run_scoped3A_281 = tpu.sem_alloc : memref<!tpu.dma_semaphore, #tpu.memory_space<semaphore_mem>>
        %dma_start3A_282 = arith.constant 0 : i32
        %dma_start3A_283 = tpu.memref_slice %arg8[%run_scoped3A_92, %dma_start3A_282] : memref<16x128xi32, #tpu.memory_space<vmem>> -> memref<1x128xi32, #tpu.memory_space<vmem>>
        %dma_start3A_284 = tpu.memref_squeeze %dma_start3A_283 : memref<1x128xi32, #tpu.memory_space<vmem>> -> memref<128xi32, #tpu.memory_space<vmem>>
        %dma_start3A_285 = arith.constant 0 : i32
        %dma_start3A_286 = arith.constant 0 : i32
        %dma_start3A_287 = tpu.memref_slice %arg12[%dma_start3A_285, %dma_start3A_286] : memref<10112x64xf32, #tpu.memory_space<vmem_shared>> -> memref<10112x64xf32, #tpu.memory_space<vmem_shared>>
        tpu.enqueue_indirect_dma source(%arg9 : memref<128x64xf32, #tpu.memory_space<vmem>>) target(%dma_start3A_287 : memref<10112x64xf32, #tpu.memory_space<vmem_shared>>) offsets(%dma_start3A_284 : memref<128xi32, #tpu.memory_space<vmem>>) semaphore(%run_scoped3A_281 : memref<!tpu.dma_semaphore, #tpu.memory_space<semaphore_mem>>) {add = true}
        %dma_wait3A_288 = arith.constant 0 : i32
        %dma_wait3A_289 = tpu.memref_slice %arg8[%run_scoped3A_92, %dma_wait3A_288] : memref<16x128xi32, #tpu.memory_space<vmem>> -> memref<1x128xi32, #tpu.memory_space<vmem>>
        %dma_wait3A_290 = tpu.memref_squeeze %dma_wait3A_289 : memref<1x128xi32, #tpu.memory_space<vmem>> -> memref<128xi32, #tpu.memory_space<vmem>>
        %dma_wait3A_291 = arith.constant 0 : i32
        %dma_wait3A_292 = arith.constant 0 : i32
        %dma_wait3A_293 = tpu.memref_slice %arg12[%dma_wait3A_291, %dma_wait3A_292] : memref<10112x64xf32, #tpu.memory_space<vmem_shared>> -> memref<10112x64xf32, #tpu.memory_space<vmem_shared>>
        tpu.wait_indirect_dma semaphore(%run_scoped3A_281 : memref<!tpu.dma_semaphore, #tpu.memory_space<semaphore_mem>>) src(%arg9 : memref<128x64xf32, #tpu.memory_space<vmem>>) dst(%dma_wait3A_293 : memref<10112x64xf32, #tpu.memory_space<vmem_shared>>)
        tpu.yield
      }) : () -> ()
      %dma_wait3A_93 = arith.constant 3 : i32
      %dma_wait3A_94 = arith.constant 0 : i32
      %dma_wait3A_95 = tpu.memref_slice %arg7[%dma_wait3A_93, %dma_wait3A_94] : memref<16x128xi32, #tpu.memory_space<vmem>> -> memref<1x128xi32, #tpu.memory_space<vmem>>
      %dma_wait3A_96 = tpu.memref_squeeze %dma_wait3A_95 : memref<1x128xi32, #tpu.memory_space<vmem>> -> memref<128xi32, #tpu.memory_space<vmem>>
      %dma_wait3A_97 = arith.constant 0 : i32
      %dma_wait3A_98 = arith.constant 0 : i32
      %dma_wait3A_99 = tpu.memref_slice %arg11[%dma_wait3A_97, %dma_wait3A_98] : memref<10000x64xf32, #tpu.memory_space<vmem_shared>> -> memref<10000x64xf32, #tpu.memory_space<vmem_shared>>
      tpu.wait_indirect_dma semaphore(%arg14 : memref<!tpu.dma_semaphore, #tpu.memory_space<semaphore_mem>>) src(%dma_wait3A_99 : memref<10000x64xf32, #tpu.memory_space<vmem_shared>>) dst(%arg10 : memref<128x64xf32, #tpu.memory_space<vmem>>)
      %dma_start3A_100 = arith.constant 4 : i32
      %dma_start3A_101 = arith.constant 0 : i32
      %dma_start3A_102 = tpu.memref_slice %arg7[%dma_start3A_100, %dma_start3A_101] : memref<16x128xi32, #tpu.memory_space<vmem>> -> memref<1x128xi32, #tpu.memory_space<vmem>>
      %dma_start3A_103 = tpu.memref_squeeze %dma_start3A_102 : memref<1x128xi32, #tpu.memory_space<vmem>> -> memref<128xi32, #tpu.memory_space<vmem>>
      %dma_start3A_104 = arith.constant 0 : i32
      %dma_start3A_105 = arith.constant 0 : i32
      %dma_start3A_106 = tpu.memref_slice %arg11[%dma_start3A_104, %dma_start3A_105] : memref<10000x64xf32, #tpu.memory_space<vmem_shared>> -> memref<10000x64xf32, #tpu.memory_space<vmem_shared>>
      tpu.enqueue_indirect_dma source(%dma_start3A_106 : memref<10000x64xf32, #tpu.memory_space<vmem_shared>>) target(%arg9 : memref<128x64xf32, #tpu.memory_space<vmem>>) offsets(%dma_start3A_103 : memref<128xi32, #tpu.memory_space<vmem>>) semaphore(%arg13 : memref<!tpu.dma_semaphore, #tpu.memory_space<semaphore_mem>>)
      %run_scoped3A_107 = arith.constant 3 : i32
      "tpu.region"() ({
        %run_scoped3A_281 = tpu.sem_alloc : memref<!tpu.dma_semaphore, #tpu.memory_space<semaphore_mem>>
        %dma_start3A_282 = arith.constant 0 : i32
        %dma_start3A_283 = tpu.memref_slice %arg8[%run_scoped3A_107, %dma_start3A_282] : memref<16x128xi32, #tpu.memory_space<vmem>> -> memref<1x128xi32, #tpu.memory_space<vmem>>
        %dma_start3A_284 = tpu.memref_squeeze %dma_start3A_283 : memref<1x128xi32, #tpu.memory_space<vmem>> -> memref<128xi32, #tpu.memory_space<vmem>>
        %dma_start3A_285 = arith.constant 0 : i32
        %dma_start3A_286 = arith.constant 0 : i32
        %dma_start3A_287 = tpu.memref_slice %arg12[%dma_start3A_285, %dma_start3A_286] : memref<10112x64xf32, #tpu.memory_space<vmem_shared>> -> memref<10112x64xf32, #tpu.memory_space<vmem_shared>>
        tpu.enqueue_indirect_dma source(%arg10 : memref<128x64xf32, #tpu.memory_space<vmem>>) target(%dma_start3A_287 : memref<10112x64xf32, #tpu.memory_space<vmem_shared>>) offsets(%dma_start3A_284 : memref<128xi32, #tpu.memory_space<vmem>>) semaphore(%run_scoped3A_281 : memref<!tpu.dma_semaphore, #tpu.memory_space<semaphore_mem>>) {add = true}
        %dma_wait3A_288 = arith.constant 0 : i32
        %dma_wait3A_289 = tpu.memref_slice %arg8[%run_scoped3A_107, %dma_wait3A_288] : memref<16x128xi32, #tpu.memory_space<vmem>> -> memref<1x128xi32, #tpu.memory_space<vmem>>
        %dma_wait3A_290 = tpu.memref_squeeze %dma_wait3A_289 : memref<1x128xi32, #tpu.memory_space<vmem>> -> memref<128xi32, #tpu.memory_space<vmem>>
        %dma_wait3A_291 = arith.constant 0 : i32
        %dma_wait3A_292 = arith.constant 0 : i32
        %dma_wait3A_293 = tpu.memref_slice %arg12[%dma_wait3A_291, %dma_wait3A_292] : memref<10112x64xf32, #tpu.memory_space<vmem_shared>> -> memref<10112x64xf32, #tpu.memory_space<vmem_shared>>
        tpu.wait_indirect_dma semaphore(%run_scoped3A_281 : memref<!tpu.dma_semaphore, #tpu.memory_space<semaphore_mem>>) src(%arg10 : memref<128x64xf32, #tpu.memory_space<vmem>>) dst(%dma_wait3A_293 : memref<10112x64xf32, #tpu.memory_space<vmem_shared>>)
        tpu.yield
      }) : () -> ()
      %dma_wait3A_108 = arith.constant 4 : i32
      %dma_wait3A_109 = arith.constant 0 : i32
      %dma_wait3A_110 = tpu.memref_slice %arg7[%dma_wait3A_108, %dma_wait3A_109] : memref<16x128xi32, #tpu.memory_space<vmem>> -> memref<1x128xi32, #tpu.memory_space<vmem>>
      %dma_wait3A_111 = tpu.memref_squeeze %dma_wait3A_110 : memref<1x128xi32, #tpu.memory_space<vmem>> -> memref<128xi32, #tpu.memory_space<vmem>>
      %dma_wait3A_112 = arith.constant 0 : i32
      %dma_wait3A_113 = arith.constant 0 : i32
      %dma_wait3A_114 = tpu.memref_slice %arg11[%dma_wait3A_112, %dma_wait3A_113] : memref<10000x64xf32, #tpu.memory_space<vmem_shared>> -> memref<10000x64xf32, #tpu.memory_space<vmem_shared>>
      tpu.wait_indirect_dma semaphore(%arg13 : memref<!tpu.dma_semaphore, #tpu.memory_space<semaphore_mem>>) src(%dma_wait3A_114 : memref<10000x64xf32, #tpu.memory_space<vmem_shared>>) dst(%arg9 : memref<128x64xf32, #tpu.memory_space<vmem>>)
      %dma_start3A_115 = arith.constant 5 : i32
      %dma_start3A_116 = arith.constant 0 : i32
      %dma_start3A_117 = tpu.memref_slice %arg7[%dma_start3A_115, %dma_start3A_116] : memref<16x128xi32, #tpu.memory_space<vmem>> -> memref<1x128xi32, #tpu.memory_space<vmem>>
      %dma_start3A_118 = tpu.memref_squeeze %dma_start3A_117 : memref<1x128xi32, #tpu.memory_space<vmem>> -> memref<128xi32, #tpu.memory_space<vmem>>
      %dma_start3A_119 = arith.constant 0 : i32
      %dma_start3A_120 = arith.constant 0 : i32
      %dma_start3A_121 = tpu.memref_slice %arg11[%dma_start3A_119, %dma_start3A_120] : memref<10000x64xf32, #tpu.memory_space<vmem_shared>> -> memref<10000x64xf32, #tpu.memory_space<vmem_shared>>
      tpu.enqueue_indirect_dma source(%dma_start3A_121 : memref<10000x64xf32, #tpu.memory_space<vmem_shared>>) target(%arg10 : memref<128x64xf32, #tpu.memory_space<vmem>>) offsets(%dma_start3A_118 : memref<128xi32, #tpu.memory_space<vmem>>) semaphore(%arg14 : memref<!tpu.dma_semaphore, #tpu.memory_space<semaphore_mem>>)
      %run_scoped3A_122 = arith.constant 4 : i32
      "tpu.region"() ({
        %run_scoped3A_281 = tpu.sem_alloc : memref<!tpu.dma_semaphore, #tpu.memory_space<semaphore_mem>>
        %dma_start3A_282 = arith.constant 0 : i32
        %dma_start3A_283 = tpu.memref_slice %arg8[%run_scoped3A_122, %dma_start3A_282] : memref<16x128xi32, #tpu.memory_space<vmem>> -> memref<1x128xi32, #tpu.memory_space<vmem>>
        %dma_start3A_284 = tpu.memref_squeeze %dma_start3A_283 : memref<1x128xi32, #tpu.memory_space<vmem>> -> memref<128xi32, #tpu.memory_space<vmem>>
        %dma_start3A_285 = arith.constant 0 : i32
        %dma_start3A_286 = arith.constant 0 : i32
        %dma_start3A_287 = tpu.memref_slice %arg12[%dma_start3A_285, %dma_start3A_286] : memref<10112x64xf32, #tpu.memory_space<vmem_shared>> -> memref<10112x64xf32, #tpu.memory_space<vmem_shared>>
        tpu.enqueue_indirect_dma source(%arg9 : memref<128x64xf32, #tpu.memory_space<vmem>>) target(%dma_start3A_287 : memref<10112x64xf32, #tpu.memory_space<vmem_shared>>) offsets(%dma_start3A_284 : memref<128xi32, #tpu.memory_space<vmem>>) semaphore(%run_scoped3A_281 : memref<!tpu.dma_semaphore, #tpu.memory_space<semaphore_mem>>) {add = true}
        %dma_wait3A_288 = arith.constant 0 : i32
        %dma_wait3A_289 = tpu.memref_slice %arg8[%run_scoped3A_122, %dma_wait3A_288] : memref<16x128xi32, #tpu.memory_space<vmem>> -> memref<1x128xi32, #tpu.memory_space<vmem>>
        %dma_wait3A_290 = tpu.memref_squeeze %dma_wait3A_289 : memref<1x128xi32, #tpu.memory_space<vmem>> -> memref<128xi32, #tpu.memory_space<vmem>>
        %dma_wait3A_291 = arith.constant 0 : i32
        %dma_wait3A_292 = arith.constant 0 : i32
        %dma_wait3A_293 = tpu.memref_slice %arg12[%dma_wait3A_291, %dma_wait3A_292] : memref<10112x64xf32, #tpu.memory_space<vmem_shared>> -> memref<10112x64xf32, #tpu.memory_space<vmem_shared>>
        tpu.wait_indirect_dma semaphore(%run_scoped3A_281 : memref<!tpu.dma_semaphore, #tpu.memory_space<semaphore_mem>>) src(%arg9 : memref<128x64xf32, #tpu.memory_space<vmem>>) dst(%dma_wait3A_293 : memref<10112x64xf32, #tpu.memory_space<vmem_shared>>)
        tpu.yield
      }) : () -> ()
      %dma_wait3A_123 = arith.constant 5 : i32
      %dma_wait3A_124 = arith.constant 0 : i32
      %dma_wait3A_125 = tpu.memref_slice %arg7[%dma_wait3A_123, %dma_wait3A_124] : memref<16x128xi32, #tpu.memory_space<vmem>> -> memref<1x128xi32, #tpu.memory_space<vmem>>
      %dma_wait3A_126 = tpu.memref_squeeze %dma_wait3A_125 : memref<1x128xi32, #tpu.memory_space<vmem>> -> memref<128xi32, #tpu.memory_space<vmem>>
      %dma_wait3A_127 = arith.constant 0 : i32
      %dma_wait3A_128 = arith.constant 0 : i32
      %dma_wait3A_129 = tpu.memref_slice %arg11[%dma_wait3A_127, %dma_wait3A_128] : memref<10000x64xf32, #tpu.memory_space<vmem_shared>> -> memref<10000x64xf32, #tpu.memory_space<vmem_shared>>
      tpu.wait_indirect_dma semaphore(%arg14 : memref<!tpu.dma_semaphore, #tpu.memory_space<semaphore_mem>>) src(%dma_wait3A_129 : memref<10000x64xf32, #tpu.memory_space<vmem_shared>>) dst(%arg10 : memref<128x64xf32, #tpu.memory_space<vmem>>)
      %dma_start3A_130 = arith.constant 6 : i32
      %dma_start3A_131 = arith.constant 0 : i32
      %dma_start3A_132 = tpu.memref_slice %arg7[%dma_start3A_130, %dma_start3A_131] : memref<16x128xi32, #tpu.memory_space<vmem>> -> memref<1x128xi32, #tpu.memory_space<vmem>>
      %dma_start3A_133 = tpu.memref_squeeze %dma_start3A_132 : memref<1x128xi32, #tpu.memory_space<vmem>> -> memref<128xi32, #tpu.memory_space<vmem>>
      %dma_start3A_134 = arith.constant 0 : i32
      %dma_start3A_135 = arith.constant 0 : i32
      %dma_start3A_136 = tpu.memref_slice %arg11[%dma_start3A_134, %dma_start3A_135] : memref<10000x64xf32, #tpu.memory_space<vmem_shared>> -> memref<10000x64xf32, #tpu.memory_space<vmem_shared>>
      tpu.enqueue_indirect_dma source(%dma_start3A_136 : memref<10000x64xf32, #tpu.memory_space<vmem_shared>>) target(%arg9 : memref<128x64xf32, #tpu.memory_space<vmem>>) offsets(%dma_start3A_133 : memref<128xi32, #tpu.memory_space<vmem>>) semaphore(%arg13 : memref<!tpu.dma_semaphore, #tpu.memory_space<semaphore_mem>>)
      %run_scoped3A_137 = arith.constant 5 : i32
      "tpu.region"() ({
        %run_scoped3A_281 = tpu.sem_alloc : memref<!tpu.dma_semaphore, #tpu.memory_space<semaphore_mem>>
        %dma_start3A_282 = arith.constant 0 : i32
        %dma_start3A_283 = tpu.memref_slice %arg8[%run_scoped3A_137, %dma_start3A_282] : memref<16x128xi32, #tpu.memory_space<vmem>> -> memref<1x128xi32, #tpu.memory_space<vmem>>
        %dma_start3A_284 = tpu.memref_squeeze %dma_start3A_283 : memref<1x128xi32, #tpu.memory_space<vmem>> -> memref<128xi32, #tpu.memory_space<vmem>>
        %dma_start3A_285 = arith.constant 0 : i32
        %dma_start3A_286 = arith.constant 0 : i32
        %dma_start3A_287 = tpu.memref_slice %arg12[%dma_start3A_285, %dma_start3A_286] : memref<10112x64xf32, #tpu.memory_space<vmem_shared>> -> memref<10112x64xf32, #tpu.memory_space<vmem_shared>>
        tpu.enqueue_indirect_dma source(%arg10 : memref<128x64xf32, #tpu.memory_space<vmem>>) target(%dma_start3A_287 : memref<10112x64xf32, #tpu.memory_space<vmem_shared>>) offsets(%dma_start3A_284 : memref<128xi32, #tpu.memory_space<vmem>>) semaphore(%run_scoped3A_281 : memref<!tpu.dma_semaphore, #tpu.memory_space<semaphore_mem>>) {add = true}
        %dma_wait3A_288 = arith.constant 0 : i32
        %dma_wait3A_289 = tpu.memref_slice %arg8[%run_scoped3A_137, %dma_wait3A_288] : memref<16x128xi32, #tpu.memory_space<vmem>> -> memref<1x128xi32, #tpu.memory_space<vmem>>
        %dma_wait3A_290 = tpu.memref_squeeze %dma_wait3A_289 : memref<1x128xi32, #tpu.memory_space<vmem>> -> memref<128xi32, #tpu.memory_space<vmem>>
        %dma_wait3A_291 = arith.constant 0 : i32
        %dma_wait3A_292 = arith.constant 0 : i32
        %dma_wait3A_293 = tpu.memref_slice %arg12[%dma_wait3A_291, %dma_wait3A_292] : memref<10112x64xf32, #tpu.memory_space<vmem_shared>> -> memref<10112x64xf32, #tpu.memory_space<vmem_shared>>
        tpu.wait_indirect_dma semaphore(%run_scoped3A_281 : memref<!tpu.dma_semaphore, #tpu.memory_space<semaphore_mem>>) src(%arg10 : memref<128x64xf32, #tpu.memory_space<vmem>>) dst(%dma_wait3A_293 : memref<10112x64xf32, #tpu.memory_space<vmem_shared>>)
        tpu.yield
      }) : () -> ()
      %dma_wait3A_138 = arith.constant 6 : i32
      %dma_wait3A_139 = arith.constant 0 : i32
      %dma_wait3A_140 = tpu.memref_slice %arg7[%dma_wait3A_138, %dma_wait3A_139] : memref<16x128xi32, #tpu.memory_space<vmem>> -> memref<1x128xi32, #tpu.memory_space<vmem>>
      %dma_wait3A_141 = tpu.memref_squeeze %dma_wait3A_140 : memref<1x128xi32, #tpu.memory_space<vmem>> -> memref<128xi32, #tpu.memory_space<vmem>>
      %dma_wait3A_142 = arith.constant 0 : i32
      %dma_wait3A_143 = arith.constant 0 : i32
      %dma_wait3A_144 = tpu.memref_slice %arg11[%dma_wait3A_142, %dma_wait3A_143] : memref<10000x64xf32, #tpu.memory_space<vmem_shared>> -> memref<10000x64xf32, #tpu.memory_space<vmem_shared>>
      tpu.wait_indirect_dma semaphore(%arg13 : memref<!tpu.dma_semaphore, #tpu.memory_space<semaphore_mem>>) src(%dma_wait3A_144 : memref<10000x64xf32, #tpu.memory_space<vmem_shared>>) dst(%arg9 : memref<128x64xf32, #tpu.memory_space<vmem>>)
      %dma_start3A_145 = arith.constant 7 : i32
      %dma_start3A_146 = arith.constant 0 : i32
      %dma_start3A_147 = tpu.memref_slice %arg7[%dma_start3A_145, %dma_start3A_146] : memref<16x128xi32, #tpu.memory_space<vmem>> -> memref<1x128xi32, #tpu.memory_space<vmem>>
      %dma_start3A_148 = tpu.memref_squeeze %dma_start3A_147 : memref<1x128xi32, #tpu.memory_space<vmem>> -> memref<128xi32, #tpu.memory_space<vmem>>
      %dma_start3A_149 = arith.constant 0 : i32
      %dma_start3A_150 = arith.constant 0 : i32
      %dma_start3A_151 = tpu.memref_slice %arg11[%dma_start3A_149, %dma_start3A_150] : memref<10000x64xf32, #tpu.memory_space<vmem_shared>> -> memref<10000x64xf32, #tpu.memory_space<vmem_shared>>
      tpu.enqueue_indirect_dma source(%dma_start3A_151 : memref<10000x64xf32, #tpu.memory_space<vmem_shared>>) target(%arg10 : memref<128x64xf32, #tpu.memory_space<vmem>>) offsets(%dma_start3A_148 : memref<128xi32, #tpu.memory_space<vmem>>) semaphore(%arg14 : memref<!tpu.dma_semaphore, #tpu.memory_space<semaphore_mem>>)
      %run_scoped3A_152 = arith.constant 6 : i32
      "tpu.region"() ({
        %run_scoped3A_281 = tpu.sem_alloc : memref<!tpu.dma_semaphore, #tpu.memory_space<semaphore_mem>>
        %dma_start3A_282 = arith.constant 0 : i32
        %dma_start3A_283 = tpu.memref_slice %arg8[%run_scoped3A_152, %dma_start3A_282] : memref<16x128xi32, #tpu.memory_space<vmem>> -> memref<1x128xi32, #tpu.memory_space<vmem>>
        %dma_start3A_284 = tpu.memref_squeeze %dma_start3A_283 : memref<1x128xi32, #tpu.memory_space<vmem>> -> memref<128xi32, #tpu.memory_space<vmem>>
        %dma_start3A_285 = arith.constant 0 : i32
        %dma_start3A_286 = arith.constant 0 : i32
        %dma_start3A_287 = tpu.memref_slice %arg12[%dma_start3A_285, %dma_start3A_286] : memref<10112x64xf32, #tpu.memory_space<vmem_shared>> -> memref<10112x64xf32, #tpu.memory_space<vmem_shared>>
        tpu.enqueue_indirect_dma source(%arg9 : memref<128x64xf32, #tpu.memory_space<vmem>>) target(%dma_start3A_287 : memref<10112x64xf32, #tpu.memory_space<vmem_shared>>) offsets(%dma_start3A_284 : memref<128xi32, #tpu.memory_space<vmem>>) semaphore(%run_scoped3A_281 : memref<!tpu.dma_semaphore, #tpu.memory_space<semaphore_mem>>) {add = true}
        %dma_wait3A_288 = arith.constant 0 : i32
        %dma_wait3A_289 = tpu.memref_slice %arg8[%run_scoped3A_152, %dma_wait3A_288] : memref<16x128xi32, #tpu.memory_space<vmem>> -> memref<1x128xi32, #tpu.memory_space<vmem>>
        %dma_wait3A_290 = tpu.memref_squeeze %dma_wait3A_289 : memref<1x128xi32, #tpu.memory_space<vmem>> -> memref<128xi32, #tpu.memory_space<vmem>>
        %dma_wait3A_291 = arith.constant 0 : i32
        %dma_wait3A_292 = arith.constant 0 : i32
        %dma_wait3A_293 = tpu.memref_slice %arg12[%dma_wait3A_291, %dma_wait3A_292] : memref<10112x64xf32, #tpu.memory_space<vmem_shared>> -> memref<10112x64xf32, #tpu.memory_space<vmem_shared>>
        tpu.wait_indirect_dma semaphore(%run_scoped3A_281 : memref<!tpu.dma_semaphore, #tpu.memory_space<semaphore_mem>>) src(%arg9 : memref<128x64xf32, #tpu.memory_space<vmem>>) dst(%dma_wait3A_293 : memref<10112x64xf32, #tpu.memory_space<vmem_shared>>)
        tpu.yield
      }) : () -> ()
      %dma_wait3A_153 = arith.constant 7 : i32
      %dma_wait3A_154 = arith.constant 0 : i32
      %dma_wait3A_155 = tpu.memref_slice %arg7[%dma_wait3A_153, %dma_wait3A_154] : memref<16x128xi32, #tpu.memory_space<vmem>> -> memref<1x128xi32, #tpu.memory_space<vmem>>
      %dma_wait3A_156 = tpu.memref_squeeze %dma_wait3A_155 : memref<1x128xi32, #tpu.memory_space<vmem>> -> memref<128xi32, #tpu.memory_space<vmem>>
      %dma_wait3A_157 = arith.constant 0 : i32
      %dma_wait3A_158 = arith.constant 0 : i32
      %dma_wait3A_159 = tpu.memref_slice %arg11[%dma_wait3A_157, %dma_wait3A_158] : memref<10000x64xf32, #tpu.memory_space<vmem_shared>> -> memref<10000x64xf32, #tpu.memory_space<vmem_shared>>
      tpu.wait_indirect_dma semaphore(%arg14 : memref<!tpu.dma_semaphore, #tpu.memory_space<semaphore_mem>>) src(%dma_wait3A_159 : memref<10000x64xf32, #tpu.memory_space<vmem_shared>>) dst(%arg10 : memref<128x64xf32, #tpu.memory_space<vmem>>)
      %dma_start3A_160 = arith.constant 8 : i32
      %dma_start3A_161 = arith.constant 0 : i32
      %dma_start3A_162 = tpu.memref_slice %arg7[%dma_start3A_160, %dma_start3A_161] : memref<16x128xi32, #tpu.memory_space<vmem>> -> memref<1x128xi32, #tpu.memory_space<vmem>>
      %dma_start3A_163 = tpu.memref_squeeze %dma_start3A_162 : memref<1x128xi32, #tpu.memory_space<vmem>> -> memref<128xi32, #tpu.memory_space<vmem>>
      %dma_start3A_164 = arith.constant 0 : i32
      %dma_start3A_165 = arith.constant 0 : i32
      %dma_start3A_166 = tpu.memref_slice %arg11[%dma_start3A_164, %dma_start3A_165] : memref<10000x64xf32, #tpu.memory_space<vmem_shared>> -> memref<10000x64xf32, #tpu.memory_space<vmem_shared>>
      tpu.enqueue_indirect_dma source(%dma_start3A_166 : memref<10000x64xf32, #tpu.memory_space<vmem_shared>>) target(%arg9 : memref<128x64xf32, #tpu.memory_space<vmem>>) offsets(%dma_start3A_163 : memref<128xi32, #tpu.memory_space<vmem>>) semaphore(%arg13 : memref<!tpu.dma_semaphore, #tpu.memory_space<semaphore_mem>>)
      %run_scoped3A_167 = arith.constant 7 : i32
      "tpu.region"() ({
        %run_scoped3A_281 = tpu.sem_alloc : memref<!tpu.dma_semaphore, #tpu.memory_space<semaphore_mem>>
        %dma_start3A_282 = arith.constant 0 : i32
        %dma_start3A_283 = tpu.memref_slice %arg8[%run_scoped3A_167, %dma_start3A_282] : memref<16x128xi32, #tpu.memory_space<vmem>> -> memref<1x128xi32, #tpu.memory_space<vmem>>
        %dma_start3A_284 = tpu.memref_squeeze %dma_start3A_283 : memref<1x128xi32, #tpu.memory_space<vmem>> -> memref<128xi32, #tpu.memory_space<vmem>>
        %dma_start3A_285 = arith.constant 0 : i32
        %dma_start3A_286 = arith.constant 0 : i32
        %dma_start3A_287 = tpu.memref_slice %arg12[%dma_start3A_285, %dma_start3A_286] : memref<10112x64xf32, #tpu.memory_space<vmem_shared>> -> memref<10112x64xf32, #tpu.memory_space<vmem_shared>>
        tpu.enqueue_indirect_dma source(%arg10 : memref<128x64xf32, #tpu.memory_space<vmem>>) target(%dma_start3A_287 : memref<10112x64xf32, #tpu.memory_space<vmem_shared>>) offsets(%dma_start3A_284 : memref<128xi32, #tpu.memory_space<vmem>>) semaphore(%run_scoped3A_281 : memref<!tpu.dma_semaphore, #tpu.memory_space<semaphore_mem>>) {add = true}
        %dma_wait3A_288 = arith.constant 0 : i32
        %dma_wait3A_289 = tpu.memref_slice %arg8[%run_scoped3A_167, %dma_wait3A_288] : memref<16x128xi32, #tpu.memory_space<vmem>> -> memref<1x128xi32, #tpu.memory_space<vmem>>
        %dma_wait3A_290 = tpu.memref_squeeze %dma_wait3A_289 : memref<1x128xi32, #tpu.memory_space<vmem>> -> memref<128xi32, #tpu.memory_space<vmem>>
        %dma_wait3A_291 = arith.constant 0 : i32
        %dma_wait3A_292 = arith.constant 0 : i32
        %dma_wait3A_293 = tpu.memref_slice %arg12[%dma_wait3A_291, %dma_wait3A_292] : memref<10112x64xf32, #tpu.memory_space<vmem_shared>> -> memref<10112x64xf32, #tpu.memory_space<vmem_shared>>
        tpu.wait_indirect_dma semaphore(%run_scoped3A_281 : memref<!tpu.dma_semaphore, #tpu.memory_space<semaphore_mem>>) src(%arg10 : memref<128x64xf32, #tpu.memory_space<vmem>>) dst(%dma_wait3A_293 : memref<10112x64xf32, #tpu.memory_space<vmem_shared>>)
        tpu.yield
      }) : () -> ()
      %dma_wait3A_168 = arith.constant 8 : i32
      %dma_wait3A_169 = arith.constant 0 : i32
      %dma_wait3A_170 = tpu.memref_slice %arg7[%dma_wait3A_168, %dma_wait3A_169] : memref<16x128xi32, #tpu.memory_space<vmem>> -> memref<1x128xi32, #tpu.memory_space<vmem>>
      %dma_wait3A_171 = tpu.memref_squeeze %dma_wait3A_170 : memref<1x128xi32, #tpu.memory_space<vmem>> -> memref<128xi32, #tpu.memory_space<vmem>>
      %dma_wait3A_172 = arith.constant 0 : i32
      %dma_wait3A_173 = arith.constant 0 : i32
      %dma_wait3A_174 = tpu.memref_slice %arg11[%dma_wait3A_172, %dma_wait3A_173] : memref<10000x64xf32, #tpu.memory_space<vmem_shared>> -> memref<10000x64xf32, #tpu.memory_space<vmem_shared>>
      tpu.wait_indirect_dma semaphore(%arg13 : memref<!tpu.dma_semaphore, #tpu.memory_space<semaphore_mem>>) src(%dma_wait3A_174 : memref<10000x64xf32, #tpu.memory_space<vmem_shared>>) dst(%arg9 : memref<128x64xf32, #tpu.memory_space<vmem>>)
      %dma_start3A_175 = arith.constant 9 : i32
      %dma_start3A_176 = arith.constant 0 : i32
      %dma_start3A_177 = tpu.memref_slice %arg7[%dma_start3A_175, %dma_start3A_176] : memref<16x128xi32, #tpu.memory_space<vmem>> -> memref<1x128xi32, #tpu.memory_space<vmem>>
      %dma_start3A_178 = tpu.memref_squeeze %dma_start3A_177 : memref<1x128xi32, #tpu.memory_space<vmem>> -> memref<128xi32, #tpu.memory_space<vmem>>
      %dma_start3A_179 = arith.constant 0 : i32
      %dma_start3A_180 = arith.constant 0 : i32
      %dma_start3A_181 = tpu.memref_slice %arg11[%dma_start3A_179, %dma_start3A_180] : memref<10000x64xf32, #tpu.memory_space<vmem_shared>> -> memref<10000x64xf32, #tpu.memory_space<vmem_shared>>
      tpu.enqueue_indirect_dma source(%dma_start3A_181 : memref<10000x64xf32, #tpu.memory_space<vmem_shared>>) target(%arg10 : memref<128x64xf32, #tpu.memory_space<vmem>>) offsets(%dma_start3A_178 : memref<128xi32, #tpu.memory_space<vmem>>) semaphore(%arg14 : memref<!tpu.dma_semaphore, #tpu.memory_space<semaphore_mem>>)
      %run_scoped3A_182 = arith.constant 8 : i32
      "tpu.region"() ({
        %run_scoped3A_281 = tpu.sem_alloc : memref<!tpu.dma_semaphore, #tpu.memory_space<semaphore_mem>>
        %dma_start3A_282 = arith.constant 0 : i32
        %dma_start3A_283 = tpu.memref_slice %arg8[%run_scoped3A_182, %dma_start3A_282] : memref<16x128xi32, #tpu.memory_space<vmem>> -> memref<1x128xi32, #tpu.memory_space<vmem>>
        %dma_start3A_284 = tpu.memref_squeeze %dma_start3A_283 : memref<1x128xi32, #tpu.memory_space<vmem>> -> memref<128xi32, #tpu.memory_space<vmem>>
        %dma_start3A_285 = arith.constant 0 : i32
        %dma_start3A_286 = arith.constant 0 : i32
        %dma_start3A_287 = tpu.memref_slice %arg12[%dma_start3A_285, %dma_start3A_286] : memref<10112x64xf32, #tpu.memory_space<vmem_shared>> -> memref<10112x64xf32, #tpu.memory_space<vmem_shared>>
        tpu.enqueue_indirect_dma source(%arg9 : memref<128x64xf32, #tpu.memory_space<vmem>>) target(%dma_start3A_287 : memref<10112x64xf32, #tpu.memory_space<vmem_shared>>) offsets(%dma_start3A_284 : memref<128xi32, #tpu.memory_space<vmem>>) semaphore(%run_scoped3A_281 : memref<!tpu.dma_semaphore, #tpu.memory_space<semaphore_mem>>) {add = true}
        %dma_wait3A_288 = arith.constant 0 : i32
        %dma_wait3A_289 = tpu.memref_slice %arg8[%run_scoped3A_182, %dma_wait3A_288] : memref<16x128xi32, #tpu.memory_space<vmem>> -> memref<1x128xi32, #tpu.memory_space<vmem>>
        %dma_wait3A_290 = tpu.memref_squeeze %dma_wait3A_289 : memref<1x128xi32, #tpu.memory_space<vmem>> -> memref<128xi32, #tpu.memory_space<vmem>>
        %dma_wait3A_291 = arith.constant 0 : i32
        %dma_wait3A_292 = arith.constant 0 : i32
        %dma_wait3A_293 = tpu.memref_slice %arg12[%dma_wait3A_291, %dma_wait3A_292] : memref<10112x64xf32, #tpu.memory_space<vmem_shared>> -> memref<10112x64xf32, #tpu.memory_space<vmem_shared>>
        tpu.wait_indirect_dma semaphore(%run_scoped3A_281 : memref<!tpu.dma_semaphore, #tpu.memory_space<semaphore_mem>>) src(%arg9 : memref<128x64xf32, #tpu.memory_space<vmem>>) dst(%dma_wait3A_293 : memref<10112x64xf32, #tpu.memory_space<vmem_shared>>)
        tpu.yield
      }) : () -> ()
      %dma_wait3A_183 = arith.constant 9 : i32
      %dma_wait3A_184 = arith.constant 0 : i32
      %dma_wait3A_185 = tpu.memref_slice %arg7[%dma_wait3A_183, %dma_wait3A_184] : memref<16x128xi32, #tpu.memory_space<vmem>> -> memref<1x128xi32, #tpu.memory_space<vmem>>
      %dma_wait3A_186 = tpu.memref_squeeze %dma_wait3A_185 : memref<1x128xi32, #tpu.memory_space<vmem>> -> memref<128xi32, #tpu.memory_space<vmem>>
      %dma_wait3A_187 = arith.constant 0 : i32
      %dma_wait3A_188 = arith.constant 0 : i32
      %dma_wait3A_189 = tpu.memref_slice %arg11[%dma_wait3A_187, %dma_wait3A_188] : memref<10000x64xf32, #tpu.memory_space<vmem_shared>> -> memref<10000x64xf32, #tpu.memory_space<vmem_shared>>
      tpu.wait_indirect_dma semaphore(%arg14 : memref<!tpu.dma_semaphore, #tpu.memory_space<semaphore_mem>>) src(%dma_wait3A_189 : memref<10000x64xf32, #tpu.memory_space<vmem_shared>>) dst(%arg10 : memref<128x64xf32, #tpu.memory_space<vmem>>)
      %dma_start3A_190 = arith.constant 10 : i32
      %dma_start3A_191 = arith.constant 0 : i32
      %dma_start3A_192 = tpu.memref_slice %arg7[%dma_start3A_190, %dma_start3A_191] : memref<16x128xi32, #tpu.memory_space<vmem>> -> memref<1x128xi32, #tpu.memory_space<vmem>>
      %dma_start3A_193 = tpu.memref_squeeze %dma_start3A_192 : memref<1x128xi32, #tpu.memory_space<vmem>> -> memref<128xi32, #tpu.memory_space<vmem>>
      %dma_start3A_194 = arith.constant 0 : i32
      %dma_start3A_195 = arith.constant 0 : i32
      %dma_start3A_196 = tpu.memref_slice %arg11[%dma_start3A_194, %dma_start3A_195] : memref<10000x64xf32, #tpu.memory_space<vmem_shared>> -> memref<10000x64xf32, #tpu.memory_space<vmem_shared>>
      tpu.enqueue_indirect_dma source(%dma_start3A_196 : memref<10000x64xf32, #tpu.memory_space<vmem_shared>>) target(%arg9 : memref<128x64xf32, #tpu.memory_space<vmem>>) offsets(%dma_start3A_193 : memref<128xi32, #tpu.memory_space<vmem>>) semaphore(%arg13 : memref<!tpu.dma_semaphore, #tpu.memory_space<semaphore_mem>>)
      %run_scoped3A_197 = arith.constant 9 : i32
      "tpu.region"() ({
        %run_scoped3A_281 = tpu.sem_alloc : memref<!tpu.dma_semaphore, #tpu.memory_space<semaphore_mem>>
        %dma_start3A_282 = arith.constant 0 : i32
        %dma_start3A_283 = tpu.memref_slice %arg8[%run_scoped3A_197, %dma_start3A_282] : memref<16x128xi32, #tpu.memory_space<vmem>> -> memref<1x128xi32, #tpu.memory_space<vmem>>
        %dma_start3A_284 = tpu.memref_squeeze %dma_start3A_283 : memref<1x128xi32, #tpu.memory_space<vmem>> -> memref<128xi32, #tpu.memory_space<vmem>>
        %dma_start3A_285 = arith.constant 0 : i32
        %dma_start3A_286 = arith.constant 0 : i32
        %dma_start3A_287 = tpu.memref_slice %arg12[%dma_start3A_285, %dma_start3A_286] : memref<10112x64xf32, #tpu.memory_space<vmem_shared>> -> memref<10112x64xf32, #tpu.memory_space<vmem_shared>>
        tpu.enqueue_indirect_dma source(%arg10 : memref<128x64xf32, #tpu.memory_space<vmem>>) target(%dma_start3A_287 : memref<10112x64xf32, #tpu.memory_space<vmem_shared>>) offsets(%dma_start3A_284 : memref<128xi32, #tpu.memory_space<vmem>>) semaphore(%run_scoped3A_281 : memref<!tpu.dma_semaphore, #tpu.memory_space<semaphore_mem>>) {add = true}
        %dma_wait3A_288 = arith.constant 0 : i32
        %dma_wait3A_289 = tpu.memref_slice %arg8[%run_scoped3A_197, %dma_wait3A_288] : memref<16x128xi32, #tpu.memory_space<vmem>> -> memref<1x128xi32, #tpu.memory_space<vmem>>
        %dma_wait3A_290 = tpu.memref_squeeze %dma_wait3A_289 : memref<1x128xi32, #tpu.memory_space<vmem>> -> memref<128xi32, #tpu.memory_space<vmem>>
        %dma_wait3A_291 = arith.constant 0 : i32
        %dma_wait3A_292 = arith.constant 0 : i32
        %dma_wait3A_293 = tpu.memref_slice %arg12[%dma_wait3A_291, %dma_wait3A_292] : memref<10112x64xf32, #tpu.memory_space<vmem_shared>> -> memref<10112x64xf32, #tpu.memory_space<vmem_shared>>
        tpu.wait_indirect_dma semaphore(%run_scoped3A_281 : memref<!tpu.dma_semaphore, #tpu.memory_space<semaphore_mem>>) src(%arg10 : memref<128x64xf32, #tpu.memory_space<vmem>>) dst(%dma_wait3A_293 : memref<10112x64xf32, #tpu.memory_space<vmem_shared>>)
        tpu.yield
      }) : () -> ()
      %dma_wait3A_198 = arith.constant 10 : i32
      %dma_wait3A_199 = arith.constant 0 : i32
      %dma_wait3A_200 = tpu.memref_slice %arg7[%dma_wait3A_198, %dma_wait3A_199] : memref<16x128xi32, #tpu.memory_space<vmem>> -> memref<1x128xi32, #tpu.memory_space<vmem>>
      %dma_wait3A_201 = tpu.memref_squeeze %dma_wait3A_200 : memref<1x128xi32, #tpu.memory_space<vmem>> -> memref<128xi32, #tpu.memory_space<vmem>>
      %dma_wait3A_202 = arith.constant 0 : i32
      %dma_wait3A_203 = arith.constant 0 : i32
      %dma_wait3A_204 = tpu.memref_slice %arg11[%dma_wait3A_202, %dma_wait3A_203] : memref<10000x64xf32, #tpu.memory_space<vmem_shared>> -> memref<10000x64xf32, #tpu.memory_space<vmem_shared>>
      tpu.wait_indirect_dma semaphore(%arg13 : memref<!tpu.dma_semaphore, #tpu.memory_space<semaphore_mem>>) src(%dma_wait3A_204 : memref<10000x64xf32, #tpu.memory_space<vmem_shared>>) dst(%arg9 : memref<128x64xf32, #tpu.memory_space<vmem>>)
      %dma_start3A_205 = arith.constant 11 : i32
      %dma_start3A_206 = arith.constant 0 : i32
      %dma_start3A_207 = tpu.memref_slice %arg7[%dma_start3A_205, %dma_start3A_206] : memref<16x128xi32, #tpu.memory_space<vmem>> -> memref<1x128xi32, #tpu.memory_space<vmem>>
      %dma_start3A_208 = tpu.memref_squeeze %dma_start3A_207 : memref<1x128xi32, #tpu.memory_space<vmem>> -> memref<128xi32, #tpu.memory_space<vmem>>
      %dma_start3A_209 = arith.constant 0 : i32
      %dma_start3A_210 = arith.constant 0 : i32
      %dma_start3A_211 = tpu.memref_slice %arg11[%dma_start3A_209, %dma_start3A_210] : memref<10000x64xf32, #tpu.memory_space<vmem_shared>> -> memref<10000x64xf32, #tpu.memory_space<vmem_shared>>
      tpu.enqueue_indirect_dma source(%dma_start3A_211 : memref<10000x64xf32, #tpu.memory_space<vmem_shared>>) target(%arg10 : memref<128x64xf32, #tpu.memory_space<vmem>>) offsets(%dma_start3A_208 : memref<128xi32, #tpu.memory_space<vmem>>) semaphore(%arg14 : memref<!tpu.dma_semaphore, #tpu.memory_space<semaphore_mem>>)
      %run_scoped3A_212 = arith.constant 10 : i32
      "tpu.region"() ({
        %run_scoped3A_281 = tpu.sem_alloc : memref<!tpu.dma_semaphore, #tpu.memory_space<semaphore_mem>>
        %dma_start3A_282 = arith.constant 0 : i32
        %dma_start3A_283 = tpu.memref_slice %arg8[%run_scoped3A_212, %dma_start3A_282] : memref<16x128xi32, #tpu.memory_space<vmem>> -> memref<1x128xi32, #tpu.memory_space<vmem>>
        %dma_start3A_284 = tpu.memref_squeeze %dma_start3A_283 : memref<1x128xi32, #tpu.memory_space<vmem>> -> memref<128xi32, #tpu.memory_space<vmem>>
        %dma_start3A_285 = arith.constant 0 : i32
        %dma_start3A_286 = arith.constant 0 : i32
        %dma_start3A_287 = tpu.memref_slice %arg12[%dma_start3A_285, %dma_start3A_286] : memref<10112x64xf32, #tpu.memory_space<vmem_shared>> -> memref<10112x64xf32, #tpu.memory_space<vmem_shared>>
        tpu.enqueue_indirect_dma source(%arg9 : memref<128x64xf32, #tpu.memory_space<vmem>>) target(%dma_start3A_287 : memref<10112x64xf32, #tpu.memory_space<vmem_shared>>) offsets(%dma_start3A_284 : memref<128xi32, #tpu.memory_space<vmem>>) semaphore(%run_scoped3A_281 : memref<!tpu.dma_semaphore, #tpu.memory_space<semaphore_mem>>) {add = true}
        %dma_wait3A_288 = arith.constant 0 : i32
        %dma_wait3A_289 = tpu.memref_slice %arg8[%run_scoped3A_212, %dma_wait3A_288] : memref<16x128xi32, #tpu.memory_space<vmem>> -> memref<1x128xi32, #tpu.memory_space<vmem>>
        %dma_wait3A_290 = tpu.memref_squeeze %dma_wait3A_289 : memref<1x128xi32, #tpu.memory_space<vmem>> -> memref<128xi32, #tpu.memory_space<vmem>>
        %dma_wait3A_291 = arith.constant 0 : i32
        %dma_wait3A_292 = arith.constant 0 : i32
        %dma_wait3A_293 = tpu.memref_slice %arg12[%dma_wait3A_291, %dma_wait3A_292] : memref<10112x64xf32, #tpu.memory_space<vmem_shared>> -> memref<10112x64xf32, #tpu.memory_space<vmem_shared>>
        tpu.wait_indirect_dma semaphore(%run_scoped3A_281 : memref<!tpu.dma_semaphore, #tpu.memory_space<semaphore_mem>>) src(%arg9 : memref<128x64xf32, #tpu.memory_space<vmem>>) dst(%dma_wait3A_293 : memref<10112x64xf32, #tpu.memory_space<vmem_shared>>)
        tpu.yield
      }) : () -> ()
      %dma_wait3A_213 = arith.constant 11 : i32
      %dma_wait3A_214 = arith.constant 0 : i32
      %dma_wait3A_215 = tpu.memref_slice %arg7[%dma_wait3A_213, %dma_wait3A_214] : memref<16x128xi32, #tpu.memory_space<vmem>> -> memref<1x128xi32, #tpu.memory_space<vmem>>
      %dma_wait3A_216 = tpu.memref_squeeze %dma_wait3A_215 : memref<1x128xi32, #tpu.memory_space<vmem>> -> memref<128xi32, #tpu.memory_space<vmem>>
      %dma_wait3A_217 = arith.constant 0 : i32
      %dma_wait3A_218 = arith.constant 0 : i32
      %dma_wait3A_219 = tpu.memref_slice %arg11[%dma_wait3A_217, %dma_wait3A_218] : memref<10000x64xf32, #tpu.memory_space<vmem_shared>> -> memref<10000x64xf32, #tpu.memory_space<vmem_shared>>
      tpu.wait_indirect_dma semaphore(%arg14 : memref<!tpu.dma_semaphore, #tpu.memory_space<semaphore_mem>>) src(%dma_wait3A_219 : memref<10000x64xf32, #tpu.memory_space<vmem_shared>>) dst(%arg10 : memref<128x64xf32, #tpu.memory_space<vmem>>)
      %dma_start3A_220 = arith.constant 12 : i32
      %dma_start3A_221 = arith.constant 0 : i32
      %dma_start3A_222 = tpu.memref_slice %arg7[%dma_start3A_220, %dma_start3A_221] : memref<16x128xi32, #tpu.memory_space<vmem>> -> memref<1x128xi32, #tpu.memory_space<vmem>>
      %dma_start3A_223 = tpu.memref_squeeze %dma_start3A_222 : memref<1x128xi32, #tpu.memory_space<vmem>> -> memref<128xi32, #tpu.memory_space<vmem>>
      %dma_start3A_224 = arith.constant 0 : i32
      %dma_start3A_225 = arith.constant 0 : i32
      %dma_start3A_226 = tpu.memref_slice %arg11[%dma_start3A_224, %dma_start3A_225] : memref<10000x64xf32, #tpu.memory_space<vmem_shared>> -> memref<10000x64xf32, #tpu.memory_space<vmem_shared>>
      tpu.enqueue_indirect_dma source(%dma_start3A_226 : memref<10000x64xf32, #tpu.memory_space<vmem_shared>>) target(%arg9 : memref<128x64xf32, #tpu.memory_space<vmem>>) offsets(%dma_start3A_223 : memref<128xi32, #tpu.memory_space<vmem>>) semaphore(%arg13 : memref<!tpu.dma_semaphore, #tpu.memory_space<semaphore_mem>>)
      %run_scoped3A_227 = arith.constant 11 : i32
      "tpu.region"() ({
        %run_scoped3A_281 = tpu.sem_alloc : memref<!tpu.dma_semaphore, #tpu.memory_space<semaphore_mem>>
        %dma_start3A_282 = arith.constant 0 : i32
        %dma_start3A_283 = tpu.memref_slice %arg8[%run_scoped3A_227, %dma_start3A_282] : memref<16x128xi32, #tpu.memory_space<vmem>> -> memref<1x128xi32, #tpu.memory_space<vmem>>
        %dma_start3A_284 = tpu.memref_squeeze %dma_start3A_283 : memref<1x128xi32, #tpu.memory_space<vmem>> -> memref<128xi32, #tpu.memory_space<vmem>>
        %dma_start3A_285 = arith.constant 0 : i32
        %dma_start3A_286 = arith.constant 0 : i32
        %dma_start3A_287 = tpu.memref_slice %arg12[%dma_start3A_285, %dma_start3A_286] : memref<10112x64xf32, #tpu.memory_space<vmem_shared>> -> memref<10112x64xf32, #tpu.memory_space<vmem_shared>>
        tpu.enqueue_indirect_dma source(%arg10 : memref<128x64xf32, #tpu.memory_space<vmem>>) target(%dma_start3A_287 : memref<10112x64xf32, #tpu.memory_space<vmem_shared>>) offsets(%dma_start3A_284 : memref<128xi32, #tpu.memory_space<vmem>>) semaphore(%run_scoped3A_281 : memref<!tpu.dma_semaphore, #tpu.memory_space<semaphore_mem>>) {add = true}
        %dma_wait3A_288 = arith.constant 0 : i32
        %dma_wait3A_289 = tpu.memref_slice %arg8[%run_scoped3A_227, %dma_wait3A_288] : memref<16x128xi32, #tpu.memory_space<vmem>> -> memref<1x128xi32, #tpu.memory_space<vmem>>
        %dma_wait3A_290 = tpu.memref_squeeze %dma_wait3A_289 : memref<1x128xi32, #tpu.memory_space<vmem>> -> memref<128xi32, #tpu.memory_space<vmem>>
        %dma_wait3A_291 = arith.constant 0 : i32
        %dma_wait3A_292 = arith.constant 0 : i32
        %dma_wait3A_293 = tpu.memref_slice %arg12[%dma_wait3A_291, %dma_wait3A_292] : memref<10112x64xf32, #tpu.memory_space<vmem_shared>> -> memref<10112x64xf32, #tpu.memory_space<vmem_shared>>
        tpu.wait_indirect_dma semaphore(%run_scoped3A_281 : memref<!tpu.dma_semaphore, #tpu.memory_space<semaphore_mem>>) src(%arg10 : memref<128x64xf32, #tpu.memory_space<vmem>>) dst(%dma_wait3A_293 : memref<10112x64xf32, #tpu.memory_space<vmem_shared>>)
        tpu.yield
      }) : () -> ()
      %dma_wait3A_228 = arith.constant 12 : i32
      %dma_wait3A_229 = arith.constant 0 : i32
      %dma_wait3A_230 = tpu.memref_slice %arg7[%dma_wait3A_228, %dma_wait3A_229] : memref<16x128xi32, #tpu.memory_space<vmem>> -> memref<1x128xi32, #tpu.memory_space<vmem>>
      %dma_wait3A_231 = tpu.memref_squeeze %dma_wait3A_230 : memref<1x128xi32, #tpu.memory_space<vmem>> -> memref<128xi32, #tpu.memory_space<vmem>>
      %dma_wait3A_232 = arith.constant 0 : i32
      %dma_wait3A_233 = arith.constant 0 : i32
      %dma_wait3A_234 = tpu.memref_slice %arg11[%dma_wait3A_232, %dma_wait3A_233] : memref<10000x64xf32, #tpu.memory_space<vmem_shared>> -> memref<10000x64xf32, #tpu.memory_space<vmem_shared>>
      tpu.wait_indirect_dma semaphore(%arg13 : memref<!tpu.dma_semaphore, #tpu.memory_space<semaphore_mem>>) src(%dma_wait3A_234 : memref<10000x64xf32, #tpu.memory_space<vmem_shared>>) dst(%arg9 : memref<128x64xf32, #tpu.memory_space<vmem>>)
      %dma_start3A_235 = arith.constant 13 : i32
      %dma_start3A_236 = arith.constant 0 : i32
      %dma_start3A_237 = tpu.memref_slice %arg7[%dma_start3A_235, %dma_start3A_236] : memref<16x128xi32, #tpu.memory_space<vmem>> -> memref<1x128xi32, #tpu.memory_space<vmem>>
      %dma_start3A_238 = tpu.memref_squeeze %dma_start3A_237 : memref<1x128xi32, #tpu.memory_space<vmem>> -> memref<128xi32, #tpu.memory_space<vmem>>
      %dma_start3A_239 = arith.constant 0 : i32
      %dma_start3A_240 = arith.constant 0 : i32
      %dma_start3A_241 = tpu.memref_slice %arg11[%dma_start3A_239, %dma_start3A_240] : memref<10000x64xf32, #tpu.memory_space<vmem_shared>> -> memref<10000x64xf32, #tpu.memory_space<vmem_shared>>
      tpu.enqueue_indirect_dma source(%dma_start3A_241 : memref<10000x64xf32, #tpu.memory_space<vmem_shared>>) target(%arg10 : memref<128x64xf32, #tpu.memory_space<vmem>>) offsets(%dma_start3A_238 : memref<128xi32, #tpu.memory_space<vmem>>) semaphore(%arg14 : memref<!tpu.dma_semaphore, #tpu.memory_space<semaphore_mem>>)
      %run_scoped3A_242 = arith.constant 12 : i32
      "tpu.region"() ({
        %run_scoped3A_281 = tpu.sem_alloc : memref<!tpu.dma_semaphore, #tpu.memory_space<semaphore_mem>>
        %dma_start3A_282 = arith.constant 0 : i32
        %dma_start3A_283 = tpu.memref_slice %arg8[%run_scoped3A_242, %dma_start3A_282] : memref<16x128xi32, #tpu.memory_space<vmem>> -> memref<1x128xi32, #tpu.memory_space<vmem>>
        %dma_start3A_284 = tpu.memref_squeeze %dma_start3A_283 : memref<1x128xi32, #tpu.memory_space<vmem>> -> memref<128xi32, #tpu.memory_space<vmem>>
        %dma_start3A_285 = arith.constant 0 : i32
        %dma_start3A_286 = arith.constant 0 : i32
        %dma_start3A_287 = tpu.memref_slice %arg12[%dma_start3A_285, %dma_start3A_286] : memref<10112x64xf32, #tpu.memory_space<vmem_shared>> -> memref<10112x64xf32, #tpu.memory_space<vmem_shared>>
        tpu.enqueue_indirect_dma source(%arg9 : memref<128x64xf32, #tpu.memory_space<vmem>>) target(%dma_start3A_287 : memref<10112x64xf32, #tpu.memory_space<vmem_shared>>) offsets(%dma_start3A_284 : memref<128xi32, #tpu.memory_space<vmem>>) semaphore(%run_scoped3A_281 : memref<!tpu.dma_semaphore, #tpu.memory_space<semaphore_mem>>) {add = true}
        %dma_wait3A_288 = arith.constant 0 : i32
        %dma_wait3A_289 = tpu.memref_slice %arg8[%run_scoped3A_242, %dma_wait3A_288] : memref<16x128xi32, #tpu.memory_space<vmem>> -> memref<1x128xi32, #tpu.memory_space<vmem>>
        %dma_wait3A_290 = tpu.memref_squeeze %dma_wait3A_289 : memref<1x128xi32, #tpu.memory_space<vmem>> -> memref<128xi32, #tpu.memory_space<vmem>>
        %dma_wait3A_291 = arith.constant 0 : i32
        %dma_wait3A_292 = arith.constant 0 : i32
        %dma_wait3A_293 = tpu.memref_slice %arg12[%dma_wait3A_291, %dma_wait3A_292] : memref<10112x64xf32, #tpu.memory_space<vmem_shared>> -> memref<10112x64xf32, #tpu.memory_space<vmem_shared>>
        tpu.wait_indirect_dma semaphore(%run_scoped3A_281 : memref<!tpu.dma_semaphore, #tpu.memory_space<semaphore_mem>>) src(%arg9 : memref<128x64xf32, #tpu.memory_space<vmem>>) dst(%dma_wait3A_293 : memref<10112x64xf32, #tpu.memory_space<vmem_shared>>)
        tpu.yield
      }) : () -> ()
      %dma_wait3A_243 = arith.constant 13 : i32
      %dma_wait3A_244 = arith.constant 0 : i32
      %dma_wait3A_245 = tpu.memref_slice %arg7[%dma_wait3A_243, %dma_wait3A_244] : memref<16x128xi32, #tpu.memory_space<vmem>> -> memref<1x128xi32, #tpu.memory_space<vmem>>
      %dma_wait3A_246 = tpu.memref_squeeze %dma_wait3A_245 : memref<1x128xi32, #tpu.memory_space<vmem>> -> memref<128xi32, #tpu.memory_space<vmem>>
      %dma_wait3A_247 = arith.constant 0 : i32
      %dma_wait3A_248 = arith.constant 0 : i32
      %dma_wait3A_249 = tpu.memref_slice %arg11[%dma_wait3A_247, %dma_wait3A_248] : memref<10000x64xf32, #tpu.memory_space<vmem_shared>> -> memref<10000x64xf32, #tpu.memory_space<vmem_shared>>
      tpu.wait_indirect_dma semaphore(%arg14 : memref<!tpu.dma_semaphore, #tpu.memory_space<semaphore_mem>>) src(%dma_wait3A_249 : memref<10000x64xf32, #tpu.memory_space<vmem_shared>>) dst(%arg10 : memref<128x64xf32, #tpu.memory_space<vmem>>)
      %dma_start3A_250 = arith.constant 14 : i32
      %dma_start3A_251 = arith.constant 0 : i32
      %dma_start3A_252 = tpu.memref_slice %arg7[%dma_start3A_250, %dma_start3A_251] : memref<16x128xi32, #tpu.memory_space<vmem>> -> memref<1x128xi32, #tpu.memory_space<vmem>>
      %dma_start3A_253 = tpu.memref_squeeze %dma_start3A_252 : memref<1x128xi32, #tpu.memory_space<vmem>> -> memref<128xi32, #tpu.memory_space<vmem>>
      %dma_start3A_254 = arith.constant 0 : i32
      %dma_start3A_255 = arith.constant 0 : i32
      %dma_start3A_256 = tpu.memref_slice %arg11[%dma_start3A_254, %dma_start3A_255] : memref<10000x64xf32, #tpu.memory_space<vmem_shared>> -> memref<10000x64xf32, #tpu.memory_space<vmem_shared>>
      tpu.enqueue_indirect_dma source(%dma_start3A_256 : memref<10000x64xf32, #tpu.memory_space<vmem_shared>>) target(%arg9 : memref<128x64xf32, #tpu.memory_space<vmem>>) offsets(%dma_start3A_253 : memref<128xi32, #tpu.memory_space<vmem>>) semaphore(%arg13 : memref<!tpu.dma_semaphore, #tpu.memory_space<semaphore_mem>>)
      %run_scoped3A_257 = arith.constant 13 : i32
      "tpu.region"() ({
        %run_scoped3A_281 = tpu.sem_alloc : memref<!tpu.dma_semaphore, #tpu.memory_space<semaphore_mem>>
        %dma_start3A_282 = arith.constant 0 : i32
        %dma_start3A_283 = tpu.memref_slice %arg8[%run_scoped3A_257, %dma_start3A_282] : memref<16x128xi32, #tpu.memory_space<vmem>> -> memref<1x128xi32, #tpu.memory_space<vmem>>
        %dma_start3A_284 = tpu.memref_squeeze %dma_start3A_283 : memref<1x128xi32, #tpu.memory_space<vmem>> -> memref<128xi32, #tpu.memory_space<vmem>>
        %dma_start3A_285 = arith.constant 0 : i32
        %dma_start3A_286 = arith.constant 0 : i32
        %dma_start3A_287 = tpu.memref_slice %arg12[%dma_start3A_285, %dma_start3A_286] : memref<10112x64xf32, #tpu.memory_space<vmem_shared>> -> memref<10112x64xf32, #tpu.memory_space<vmem_shared>>
        tpu.enqueue_indirect_dma source(%arg10 : memref<128x64xf32, #tpu.memory_space<vmem>>) target(%dma_start3A_287 : memref<10112x64xf32, #tpu.memory_space<vmem_shared>>) offsets(%dma_start3A_284 : memref<128xi32, #tpu.memory_space<vmem>>) semaphore(%run_scoped3A_281 : memref<!tpu.dma_semaphore, #tpu.memory_space<semaphore_mem>>) {add = true}
        %dma_wait3A_288 = arith.constant 0 : i32
        %dma_wait3A_289 = tpu.memref_slice %arg8[%run_scoped3A_257, %dma_wait3A_288] : memref<16x128xi32, #tpu.memory_space<vmem>> -> memref<1x128xi32, #tpu.memory_space<vmem>>
        %dma_wait3A_290 = tpu.memref_squeeze %dma_wait3A_289 : memref<1x128xi32, #tpu.memory_space<vmem>> -> memref<128xi32, #tpu.memory_space<vmem>>
        %dma_wait3A_291 = arith.constant 0 : i32
        %dma_wait3A_292 = arith.constant 0 : i32
        %dma_wait3A_293 = tpu.memref_slice %arg12[%dma_wait3A_291, %dma_wait3A_292] : memref<10112x64xf32, #tpu.memory_space<vmem_shared>> -> memref<10112x64xf32, #tpu.memory_space<vmem_shared>>
        tpu.wait_indirect_dma semaphore(%run_scoped3A_281 : memref<!tpu.dma_semaphore, #tpu.memory_space<semaphore_mem>>) src(%arg10 : memref<128x64xf32, #tpu.memory_space<vmem>>) dst(%dma_wait3A_293 : memref<10112x64xf32, #tpu.memory_space<vmem_shared>>)
        tpu.yield
      }) : () -> ()
      %dma_wait3A_258 = arith.constant 14 : i32
      %dma_wait3A_259 = arith.constant 0 : i32
      %dma_wait3A_260 = tpu.memref_slice %arg7[%dma_wait3A_258, %dma_wait3A_259] : memref<16x128xi32, #tpu.memory_space<vmem>> -> memref<1x128xi32, #tpu.memory_space<vmem>>
      %dma_wait3A_261 = tpu.memref_squeeze %dma_wait3A_260 : memref<1x128xi32, #tpu.memory_space<vmem>> -> memref<128xi32, #tpu.memory_space<vmem>>
      %dma_wait3A_262 = arith.constant 0 : i32
      %dma_wait3A_263 = arith.constant 0 : i32
      %dma_wait3A_264 = tpu.memref_slice %arg11[%dma_wait3A_262, %dma_wait3A_263] : memref<10000x64xf32, #tpu.memory_space<vmem_shared>> -> memref<10000x64xf32, #tpu.memory_space<vmem_shared>>
      tpu.wait_indirect_dma semaphore(%arg13 : memref<!tpu.dma_semaphore, #tpu.memory_space<semaphore_mem>>) src(%dma_wait3A_264 : memref<10000x64xf32, #tpu.memory_space<vmem_shared>>) dst(%arg9 : memref<128x64xf32, #tpu.memory_space<vmem>>)
      %dma_start3A_265 = arith.constant 15 : i32
      %dma_start3A_266 = arith.constant 0 : i32
      %dma_start3A_267 = tpu.memref_slice %arg7[%dma_start3A_265, %dma_start3A_266] : memref<16x128xi32, #tpu.memory_space<vmem>> -> memref<1x128xi32, #tpu.memory_space<vmem>>
      %dma_start3A_268 = tpu.memref_squeeze %dma_start3A_267 : memref<1x128xi32, #tpu.memory_space<vmem>> -> memref<128xi32, #tpu.memory_space<vmem>>
      %dma_start3A_269 = arith.constant 0 : i32
      %dma_start3A_270 = arith.constant 0 : i32
      %dma_start3A_271 = tpu.memref_slice %arg11[%dma_start3A_269, %dma_start3A_270] : memref<10000x64xf32, #tpu.memory_space<vmem_shared>> -> memref<10000x64xf32, #tpu.memory_space<vmem_shared>>
      tpu.enqueue_indirect_dma source(%dma_start3A_271 : memref<10000x64xf32, #tpu.memory_space<vmem_shared>>) target(%arg10 : memref<128x64xf32, #tpu.memory_space<vmem>>) offsets(%dma_start3A_268 : memref<128xi32, #tpu.memory_space<vmem>>) semaphore(%arg14 : memref<!tpu.dma_semaphore, #tpu.memory_space<semaphore_mem>>)
      %run_scoped3A_272 = arith.constant 14 : i32
      "tpu.region"() ({
        %run_scoped3A_281 = tpu.sem_alloc : memref<!tpu.dma_semaphore, #tpu.memory_space<semaphore_mem>>
        %dma_start3A_282 = arith.constant 0 : i32
        %dma_start3A_283 = tpu.memref_slice %arg8[%run_scoped3A_272, %dma_start3A_282] : memref<16x128xi32, #tpu.memory_space<vmem>> -> memref<1x128xi32, #tpu.memory_space<vmem>>
        %dma_start3A_284 = tpu.memref_squeeze %dma_start3A_283 : memref<1x128xi32, #tpu.memory_space<vmem>> -> memref<128xi32, #tpu.memory_space<vmem>>
        %dma_start3A_285 = arith.constant 0 : i32
        %dma_start3A_286 = arith.constant 0 : i32
        %dma_start3A_287 = tpu.memref_slice %arg12[%dma_start3A_285, %dma_start3A_286] : memref<10112x64xf32, #tpu.memory_space<vmem_shared>> -> memref<10112x64xf32, #tpu.memory_space<vmem_shared>>
        tpu.enqueue_indirect_dma source(%arg9 : memref<128x64xf32, #tpu.memory_space<vmem>>) target(%dma_start3A_287 : memref<10112x64xf32, #tpu.memory_space<vmem_shared>>) offsets(%dma_start3A_284 : memref<128xi32, #tpu.memory_space<vmem>>) semaphore(%run_scoped3A_281 : memref<!tpu.dma_semaphore, #tpu.memory_space<semaphore_mem>>) {add = true}
        %dma_wait3A_288 = arith.constant 0 : i32
        %dma_wait3A_289 = tpu.memref_slice %arg8[%run_scoped3A_272, %dma_wait3A_288] : memref<16x128xi32, #tpu.memory_space<vmem>> -> memref<1x128xi32, #tpu.memory_space<vmem>>
        %dma_wait3A_290 = tpu.memref_squeeze %dma_wait3A_289 : memref<1x128xi32, #tpu.memory_space<vmem>> -> memref<128xi32, #tpu.memory_space<vmem>>
        %dma_wait3A_291 = arith.constant 0 : i32
        %dma_wait3A_292 = arith.constant 0 : i32
        %dma_wait3A_293 = tpu.memref_slice %arg12[%dma_wait3A_291, %dma_wait3A_292] : memref<10112x64xf32, #tpu.memory_space<vmem_shared>> -> memref<10112x64xf32, #tpu.memory_space<vmem_shared>>
        tpu.wait_indirect_dma semaphore(%run_scoped3A_281 : memref<!tpu.dma_semaphore, #tpu.memory_space<semaphore_mem>>) src(%arg9 : memref<128x64xf32, #tpu.memory_space<vmem>>) dst(%dma_wait3A_293 : memref<10112x64xf32, #tpu.memory_space<vmem_shared>>)
        tpu.yield
      }) : () -> ()
      %dma_wait3A_273 = arith.constant 15 : i32
      %dma_wait3A_274 = arith.constant 0 : i32
      %dma_wait3A_275 = tpu.memref_slice %arg7[%dma_wait3A_273, %dma_wait3A_274] : memref<16x128xi32, #tpu.memory_space<vmem>> -> memref<1x128xi32, #tpu.memory_space<vmem>>
      %dma_wait3A_276 = tpu.memref_squeeze %dma_wait3A_275 : memref<1x128xi32, #tpu.memory_space<vmem>> -> memref<128xi32, #tpu.memory_space<vmem>>
      %dma_wait3A_277 = arith.constant 0 : i32
      %dma_wait3A_278 = arith.constant 0 : i32
      %dma_wait3A_279 = tpu.memref_slice %arg11[%dma_wait3A_277, %dma_wait3A_278] : memref<10000x64xf32, #tpu.memory_space<vmem_shared>> -> memref<10000x64xf32, #tpu.memory_space<vmem_shared>>
      tpu.wait_indirect_dma semaphore(%arg14 : memref<!tpu.dma_semaphore, #tpu.memory_space<semaphore_mem>>) src(%dma_wait3A_279 : memref<10000x64xf32, #tpu.memory_space<vmem_shared>>) dst(%arg10 : memref<128x64xf32, #tpu.memory_space<vmem>>)
      %run_scoped3A_280 = arith.constant 15 : i32
      "tpu.region"() ({
        %run_scoped3A_281 = tpu.sem_alloc : memref<!tpu.dma_semaphore, #tpu.memory_space<semaphore_mem>>
        %dma_start3A_282 = arith.constant 0 : i32
        %dma_start3A_283 = tpu.memref_slice %arg8[%run_scoped3A_280, %dma_start3A_282] : memref<16x128xi32, #tpu.memory_space<vmem>> -> memref<1x128xi32, #tpu.memory_space<vmem>>
        %dma_start3A_284 = tpu.memref_squeeze %dma_start3A_283 : memref<1x128xi32, #tpu.memory_space<vmem>> -> memref<128xi32, #tpu.memory_space<vmem>>
        %dma_start3A_285 = arith.constant 0 : i32
        %dma_start3A_286 = arith.constant 0 : i32
        %dma_start3A_287 = tpu.memref_slice %arg12[%dma_start3A_285, %dma_start3A_286] : memref<10112x64xf32, #tpu.memory_space<vmem_shared>> -> memref<10112x64xf32, #tpu.memory_space<vmem_shared>>
        tpu.enqueue_indirect_dma source(%arg10 : memref<128x64xf32, #tpu.memory_space<vmem>>) target(%dma_start3A_287 : memref<10112x64xf32, #tpu.memory_space<vmem_shared>>) offsets(%dma_start3A_284 : memref<128xi32, #tpu.memory_space<vmem>>) semaphore(%run_scoped3A_281 : memref<!tpu.dma_semaphore, #tpu.memory_space<semaphore_mem>>) {add = true}
        %dma_wait3A_288 = arith.constant 0 : i32
        %dma_wait3A_289 = tpu.memref_slice %arg8[%run_scoped3A_280, %dma_wait3A_288] : memref<16x128xi32, #tpu.memory_space<vmem>> -> memref<1x128xi32, #tpu.memory_space<vmem>>
        %dma_wait3A_290 = tpu.memref_squeeze %dma_wait3A_289 : memref<1x128xi32, #tpu.memory_space<vmem>> -> memref<128xi32, #tpu.memory_space<vmem>>
        %dma_wait3A_291 = arith.constant 0 : i32
        %dma_wait3A_292 = arith.constant 0 : i32
        %dma_wait3A_293 = tpu.memref_slice %arg12[%dma_wait3A_291, %dma_wait3A_292] : memref<10112x64xf32, #tpu.memory_space<vmem_shared>> -> memref<10112x64xf32, #tpu.memory_space<vmem_shared>>
        tpu.wait_indirect_dma semaphore(%run_scoped3A_281 : memref<!tpu.dma_semaphore, #tpu.memory_space<semaphore_mem>>) src(%arg10 : memref<128x64xf32, #tpu.memory_space<vmem>>) dst(%dma_wait3A_293 : memref<10112x64xf32, #tpu.memory_space<vmem_shared>>)
        tpu.yield
      }) : () -> ()
    }
    %scan3A_11 = arith.constant 5 : i32
    %barrier3A_12 = arith.constant 0 : index
    tpu.barrier barrier_id(%barrier3A_12)
    %mul3A_13 = arith.constant 632 : i32
    %mul3A_14 = arith.muli %arg1, %mul3A_13 : i32
    %mul3A_15 = arith.constant 632 : i32
    %mul3A_16 = arith.muli %arg1, %mul3A_15 : i32
    %run_scoped3A_17 = arith.constant 0 : i32
    "tpu.region"() ({
      %run_scoped3A_38 = tpu.sem_alloc : memref<!tpu.dma_semaphore, #tpu.memory_space<semaphore_mem>>
      %dma_start3A = arith.constant 0 : i32
      %dma_start3A_39 = arith.constant 0 : i32
      %dma_start3A_40 = arith.constant 0 : i32
      %dma_start3A_41 = tpu.memref_slice %arg6[%run_scoped3A_17, %dma_start3A, %dma_start3A_39, %dma_start3A_40] : memref<2x2x10112x64xf32, #tpu.memory_space<hbm>> -> memref<1x2x10112x64xf32, #tpu.memory_space<hbm>>
      %dma_start3A_42 = tpu.memref_squeeze %dma_start3A_41 : memref<1x2x10112x64xf32, #tpu.memory_space<hbm>> -> memref<2x10112x64xf32, #tpu.memory_space<hbm>>
      %dma_start3A_43 = arith.constant 0 : i32
      %dma_start3A_44 = arith.constant 0 : i32
      %dma_start3A_45 = tpu.memref_slice %dma_start3A_42[%arg0, %dma_start3A_43, %dma_start3A_44] : memref<2x10112x64xf32, #tpu.memory_space<hbm>> -> memref<1x10112x64xf32, #tpu.memory_space<hbm>>
      %dma_start3A_46 = tpu.memref_squeeze %dma_start3A_45 : memref<1x10112x64xf32, #tpu.memory_space<hbm>> -> memref<10112x64xf32, #tpu.memory_space<hbm>>
      %dma_start3A_47 = arith.constant 0 : i32
      %dma_start3A_48 = tpu.memref_slice %dma_start3A_46[%mul3A_16, %dma_start3A_47] : memref<10112x64xf32, #tpu.memory_space<hbm>> -> memref<632x64xf32, #tpu.memory_space<hbm>>
      %dma_start3A_49 = arith.constant 0 : i32
      %dma_start3A_50 = tpu.memref_slice %arg12[%mul3A_14, %dma_start3A_49] : memref<10112x64xf32, #tpu.memory_space<vmem_shared>> -> memref<632x64xf32, #tpu.memory_space<vmem_shared>>
      tpu.enqueue_dma source(%dma_start3A_50 : memref<632x64xf32, #tpu.memory_space<vmem_shared>>) target(%dma_start3A_48 : memref<632x64xf32, #tpu.memory_space<hbm>>) target_semaphore(%run_scoped3A_38 : memref<!tpu.dma_semaphore, #tpu.memory_space<semaphore_mem>>)
      %dma_wait3A = arith.constant 0 : i32
      %dma_wait3A_51 = arith.constant 0 : i32
      %dma_wait3A_52 = arith.constant 0 : i32
      %dma_wait3A_53 = tpu.memref_slice %arg6[%run_scoped3A_17, %dma_wait3A, %dma_wait3A_51, %dma_wait3A_52] : memref<2x2x10112x64xf32, #tpu.memory_space<hbm>> -> memref<1x2x10112x64xf32, #tpu.memory_space<hbm>>
      %dma_wait3A_54 = tpu.memref_squeeze %dma_wait3A_53 : memref<1x2x10112x64xf32, #tpu.memory_space<hbm>> -> memref<2x10112x64xf32, #tpu.memory_space<hbm>>
      %dma_wait3A_55 = arith.constant 0 : i32
      %dma_wait3A_56 = arith.constant 0 : i32
      %dma_wait3A_57 = tpu.memref_slice %dma_wait3A_54[%arg0, %dma_wait3A_55, %dma_wait3A_56] : memref<2x10112x64xf32, #tpu.memory_space<hbm>> -> memref<1x10112x64xf32, #tpu.memory_space<hbm>>
      %dma_wait3A_58 = tpu.memref_squeeze %dma_wait3A_57 : memref<1x10112x64xf32, #tpu.memory_space<hbm>> -> memref<10112x64xf32, #tpu.memory_space<hbm>>
      %dma_wait3A_59 = arith.constant 0 : i32
      %dma_wait3A_60 = tpu.memref_slice %dma_wait3A_58[%mul3A_16, %dma_wait3A_59] : memref<10112x64xf32, #tpu.memory_space<hbm>> -> memref<632x64xf32, #tpu.memory_space<hbm>>
      %dma_wait3A_61 = arith.constant 0 : i32
      %dma_wait3A_62 = tpu.memref_slice %arg12[%mul3A_14, %dma_wait3A_61] : memref<10112x64xf32, #tpu.memory_space<vmem_shared>> -> memref<632x64xf32, #tpu.memory_space<vmem_shared>>
      tpu.wait_dma2 semaphore(%run_scoped3A_38 : memref<!tpu.dma_semaphore, #tpu.memory_space<semaphore_mem>>) src(%dma_wait3A_62 : memref<632x64xf32, #tpu.memory_space<vmem_shared>>) dst(%dma_wait3A_60 : memref<632x64xf32, #tpu.memory_space<hbm>>)
      tpu.yield
    }) : () -> ()
    %mul3A_18 = arith.constant 625 : i32
    %mul3A_19 = arith.muli %arg1, %mul3A_18 : i32
    %mul3A_20 = arith.constant 625 : i32
    %mul3A_21 = arith.muli %arg1, %mul3A_20 : i32
    %run_scoped3A_22 = arith.constant 1 : i32
    "tpu.region"() ({
      %run_scoped3A_38 = tpu.sem_alloc : memref<!tpu.dma_semaphore, #tpu.memory_space<semaphore_mem>>
      %dma_start3A = arith.constant 0 : i32
      %dma_start3A_39 = tpu.memref_slice %arg11[%mul3A_21, %dma_start3A] : memref<10000x64xf32, #tpu.memory_space<vmem_shared>> -> memref<625x64xf32, #tpu.memory_space<vmem_shared>>
      %dma_start3A_40 = arith.constant 0 : i32
      %dma_start3A_41 = tpu.memref_slice %arg2[%run_scoped3A_22, %mul3A_19, %dma_start3A_40] : memref<2x10000x64xf32, #tpu.memory_space<hbm>> -> memref<1x625x64xf32, #tpu.memory_space<hbm>>
      %dma_start3A_42 = tpu.memref_squeeze %dma_start3A_41 : memref<1x625x64xf32, #tpu.memory_space<hbm>> -> memref<625x64xf32, #tpu.memory_space<hbm>>
      tpu.enqueue_dma source(%dma_start3A_42 : memref<625x64xf32, #tpu.memory_space<hbm>>) target(%dma_start3A_39 : memref<625x64xf32, #tpu.memory_space<vmem_shared>>) target_semaphore(%run_scoped3A_38 : memref<!tpu.dma_semaphore, #tpu.memory_space<semaphore_mem>>)
      %dma_wait3A = arith.constant 0 : i32
      %dma_wait3A_43 = tpu.memref_slice %arg11[%mul3A_21, %dma_wait3A] : memref<10000x64xf32, #tpu.memory_space<vmem_shared>> -> memref<625x64xf32, #tpu.memory_space<vmem_shared>>
      %dma_wait3A_44 = arith.constant 0 : i32
      %dma_wait3A_45 = tpu.memref_slice %arg2[%run_scoped3A_22, %mul3A_19, %dma_wait3A_44] : memref<2x10000x64xf32, #tpu.memory_space<hbm>> -> memref<1x625x64xf32, #tpu.memory_space<hbm>>
      %dma_wait3A_46 = tpu.memref_squeeze %dma_wait3A_45 : memref<1x625x64xf32, #tpu.memory_space<hbm>> -> memref<625x64xf32, #tpu.memory_space<hbm>>
      tpu.wait_dma2 semaphore(%run_scoped3A_38 : memref<!tpu.dma_semaphore, #tpu.memory_space<semaphore_mem>>) src(%dma_wait3A_46 : memref<625x64xf32, #tpu.memory_space<hbm>>) dst(%dma_wait3A_43 : memref<625x64xf32, #tpu.memory_space<vmem_shared>>)
      tpu.yield
    }) : () -> ()
    %mul3A_23 = arith.constant 632 : i32
    %mul3A_24 = arith.muli %arg1, %mul3A_23 : i32
    "tpu.region"() ({
      %run_scoped3A_38 = tpu.sem_alloc : memref<!tpu.dma_semaphore, #tpu.memory_space<semaphore_mem>>
      %dma_start3A = arith.constant 0 : i32
      %dma_start3A_39 = tpu.memref_slice %arg12[%mul3A_24, %dma_start3A] : memref<10112x64xf32, #tpu.memory_space<vmem_shared>> -> memref<632x64xf32, #tpu.memory_space<vmem_shared>>
      tpu.enqueue_dma source(%arg5 : memref<632x64xf32, #tpu.memory_space<hbm>>) target(%dma_start3A_39 : memref<632x64xf32, #tpu.memory_space<vmem_shared>>) target_semaphore(%run_scoped3A_38 : memref<!tpu.dma_semaphore, #tpu.memory_space<semaphore_mem>>)
      %dma_wait3A = arith.constant 0 : i32
      %dma_wait3A_40 = tpu.memref_slice %arg12[%mul3A_24, %dma_wait3A] : memref<10112x64xf32, #tpu.memory_space<vmem_shared>> -> memref<632x64xf32, #tpu.memory_space<vmem_shared>>
      tpu.wait_dma2 semaphore(%run_scoped3A_38 : memref<!tpu.dma_semaphore, #tpu.memory_space<semaphore_mem>>) src(%arg5 : memref<632x64xf32, #tpu.memory_space<hbm>>) dst(%dma_wait3A_40 : memref<632x64xf32, #tpu.memory_space<vmem_shared>>)
      tpu.yield
    }) : () -> ()
    %barrier3A_25 = arith.constant 0 : index
    tpu.barrier barrier_id(%barrier3A_25)
    %scan3A_26 = arith.constant 0 : i32
    %scan3A_27 = arith.constant 0 : i32
    %scan3A_28 = arith.constant 5 : i32
    %scan3A_29 = arith.addi %scan3A_27, %scan3A_28 : i32
    %scan3A_30 = arith.constant 1 : i32
    scf.for %scan3A_38 = %scan3A_27 to %scan3A_29 step %scan3A_30  : i32 {
      %mul3A_39 = arith.constant 16 : i32
      %mul3A_40 = arith.muli %scan3A_38, %mul3A_39 : i32
      "tpu.region"() ({
        %run_scoped3A_281 = tpu.sem_alloc : memref<!tpu.dma_semaphore, #tpu.memory_space<semaphore_mem>>
        %dma_start3A_282 = arith.constant 0 : i32
        %dma_start3A_283 = tpu.memref_slice %arg3[%add3A, %mul3A_40, %dma_start3A_282] : memref<32x80x128xi32, #tpu.memory_space<hbm>> -> memref<1x16x128xi32, #tpu.memory_space<hbm>>
        %dma_start3A_284 = tpu.memref_squeeze %dma_start3A_283 : memref<1x16x128xi32, #tpu.memory_space<hbm>> -> memref<16x128xi32, #tpu.memory_space<hbm>>
        %dma_start3A_285 = arith.constant 0 : i32
        %dma_start3A_286 = tpu.memref_slice %arg3[%add3A, %mul3A_40, %dma_start3A_285] : memref<32x80x128xi32, #tpu.memory_space<hbm>> -> memref<1x16x128xi32, #tpu.memory_space<hbm>>
        %dma_start3A_287 = tpu.memref_squeeze %dma_start3A_286 : memref<1x16x128xi32, #tpu.memory_space<hbm>> -> memref<16x128xi32, #tpu.memory_space<hbm>>
        tpu.enqueue_dma source(%dma_start3A_287 : memref<16x128xi32, #tpu.memory_space<hbm>>) target(%arg7 : memref<16x128xi32, #tpu.memory_space<vmem>>) target_semaphore(%run_scoped3A_281 : memref<!tpu.dma_semaphore, #tpu.memory_space<semaphore_mem>>)
        %dma_wait3A_288 = arith.constant 0 : i32
        %dma_wait3A_289 = tpu.memref_slice %arg3[%add3A, %mul3A_40, %dma_wait3A_288] : memref<32x80x128xi32, #tpu.memory_space<hbm>> -> memref<1x16x128xi32, #tpu.memory_space<hbm>>
        %dma_wait3A_290 = tpu.memref_squeeze %dma_wait3A_289 : memref<1x16x128xi32, #tpu.memory_space<hbm>> -> memref<16x128xi32, #tpu.memory_space<hbm>>
        %dma_wait3A_291 = arith.constant 0 : i32
        %dma_wait3A_292 = tpu.memref_slice %arg3[%add3A, %mul3A_40, %dma_wait3A_291] : memref<32x80x128xi32, #tpu.memory_space<hbm>> -> memref<1x16x128xi32, #tpu.memory_space<hbm>>
        %dma_wait3A_293 = tpu.memref_squeeze %dma_wait3A_292 : memref<1x16x128xi32, #tpu.memory_space<hbm>> -> memref<16x128xi32, #tpu.memory_space<hbm>>
        tpu.wait_dma2 semaphore(%run_scoped3A_281 : memref<!tpu.dma_semaphore, #tpu.memory_space<semaphore_mem>>) src(%dma_wait3A_293 : memref<16x128xi32, #tpu.memory_space<hbm>>) dst(%arg7 : memref<16x128xi32, #tpu.memory_space<vmem>>)
        tpu.yield
      }) : () -> ()
      %mul3A_41 = arith.constant 16 : i32
      %mul3A_42 = arith.muli %scan3A_38, %mul3A_41 : i32
      "tpu.region"() ({
        %run_scoped3A_281 = tpu.sem_alloc : memref<!tpu.dma_semaphore, #tpu.memory_space<semaphore_mem>>
        %dma_start3A_282 = arith.constant 0 : i32
        %dma_start3A_283 = tpu.memref_slice %arg4[%add3A, %mul3A_42, %dma_start3A_282] : memref<32x80x128xi32, #tpu.memory_space<hbm>> -> memref<1x16x128xi32, #tpu.memory_space<hbm>>
        %dma_start3A_284 = tpu.memref_squeeze %dma_start3A_283 : memref<1x16x128xi32, #tpu.memory_space<hbm>> -> memref<16x128xi32, #tpu.memory_space<hbm>>
        %dma_start3A_285 = arith.constant 0 : i32
        %dma_start3A_286 = tpu.memref_slice %arg4[%add3A, %mul3A_42, %dma_start3A_285] : memref<32x80x128xi32, #tpu.memory_space<hbm>> -> memref<1x16x128xi32, #tpu.memory_space<hbm>>
        %dma_start3A_287 = tpu.memref_squeeze %dma_start3A_286 : memref<1x16x128xi32, #tpu.memory_space<hbm>> -> memref<16x128xi32, #tpu.memory_space<hbm>>
        tpu.enqueue_dma source(%dma_start3A_287 : memref<16x128xi32, #tpu.memory_space<hbm>>) target(%arg8 : memref<16x128xi32, #tpu.memory_space<vmem>>) target_semaphore(%run_scoped3A_281 : memref<!tpu.dma_semaphore, #tpu.memory_space<semaphore_mem>>)
        %dma_wait3A_288 = arith.constant 0 : i32
        %dma_wait3A_289 = tpu.memref_slice %arg4[%add3A, %mul3A_42, %dma_wait3A_288] : memref<32x80x128xi32, #tpu.memory_space<hbm>> -> memref<1x16x128xi32, #tpu.memory_space<hbm>>
        %dma_wait3A_290 = tpu.memref_squeeze %dma_wait3A_289 : memref<1x16x128xi32, #tpu.memory_space<hbm>> -> memref<16x128xi32, #tpu.memory_space<hbm>>
        %dma_wait3A_291 = arith.constant 0 : i32
        %dma_wait3A_292 = tpu.memref_slice %arg4[%add3A, %mul3A_42, %dma_wait3A_291] : memref<32x80x128xi32, #tpu.memory_space<hbm>> -> memref<1x16x128xi32, #tpu.memory_space<hbm>>
        %dma_wait3A_293 = tpu.memref_squeeze %dma_wait3A_292 : memref<1x16x128xi32, #tpu.memory_space<hbm>> -> memref<16x128xi32, #tpu.memory_space<hbm>>
        tpu.wait_dma2 semaphore(%run_scoped3A_281 : memref<!tpu.dma_semaphore, #tpu.memory_space<semaphore_mem>>) src(%dma_wait3A_293 : memref<16x128xi32, #tpu.memory_space<hbm>>) dst(%arg8 : memref<16x128xi32, #tpu.memory_space<vmem>>)
        tpu.yield
      }) : () -> ()
      %dma_start3A = arith.constant 0 : i32
      %dma_start3A_43 = arith.constant 0 : i32
      %dma_start3A_44 = tpu.memref_slice %arg7[%dma_start3A, %dma_start3A_43] : memref<16x128xi32, #tpu.memory_space<vmem>> -> memref<1x128xi32, #tpu.memory_space<vmem>>
      %dma_start3A_45 = tpu.memref_squeeze %dma_start3A_44 : memref<1x128xi32, #tpu.memory_space<vmem>> -> memref<128xi32, #tpu.memory_space<vmem>>
      %dma_start3A_46 = arith.constant 0 : i32
      %dma_start3A_47 = arith.constant 0 : i32
      %dma_start3A_48 = tpu.memref_slice %arg11[%dma_start3A_46, %dma_start3A_47] : memref<10000x64xf32, #tpu.memory_space<vmem_shared>> -> memref<10000x64xf32, #tpu.memory_space<vmem_shared>>
      tpu.enqueue_indirect_dma source(%dma_start3A_48 : memref<10000x64xf32, #tpu.memory_space<vmem_shared>>) target(%arg9 : memref<128x64xf32, #tpu.memory_space<vmem>>) offsets(%dma_start3A_45 : memref<128xi32, #tpu.memory_space<vmem>>) semaphore(%arg13 : memref<!tpu.dma_semaphore, #tpu.memory_space<semaphore_mem>>)
      %dma_wait3A = arith.constant 0 : i32
      %dma_wait3A_49 = arith.constant 0 : i32
      %dma_wait3A_50 = tpu.memref_slice %arg7[%dma_wait3A, %dma_wait3A_49] : memref<16x128xi32, #tpu.memory_space<vmem>> -> memref<1x128xi32, #tpu.memory_space<vmem>>
      %dma_wait3A_51 = tpu.memref_squeeze %dma_wait3A_50 : memref<1x128xi32, #tpu.memory_space<vmem>> -> memref<128xi32, #tpu.memory_space<vmem>>
      %dma_wait3A_52 = arith.constant 0 : i32
      %dma_wait3A_53 = arith.constant 0 : i32
      %dma_wait3A_54 = tpu.memref_slice %arg11[%dma_wait3A_52, %dma_wait3A_53] : memref<10000x64xf32, #tpu.memory_space<vmem_shared>> -> memref<10000x64xf32, #tpu.memory_space<vmem_shared>>
      tpu.wait_indirect_dma semaphore(%arg13 : memref<!tpu.dma_semaphore, #tpu.memory_space<semaphore_mem>>) src(%dma_wait3A_54 : memref<10000x64xf32, #tpu.memory_space<vmem_shared>>) dst(%arg9 : memref<128x64xf32, #tpu.memory_space<vmem>>)
      %dma_start3A_55 = arith.constant 1 : i32
      %dma_start3A_56 = arith.constant 0 : i32
      %dma_start3A_57 = tpu.memref_slice %arg7[%dma_start3A_55, %dma_start3A_56] : memref<16x128xi32, #tpu.memory_space<vmem>> -> memref<1x128xi32, #tpu.memory_space<vmem>>
      %dma_start3A_58 = tpu.memref_squeeze %dma_start3A_57 : memref<1x128xi32, #tpu.memory_space<vmem>> -> memref<128xi32, #tpu.memory_space<vmem>>
      %dma_start3A_59 = arith.constant 0 : i32
      %dma_start3A_60 = arith.constant 0 : i32
      %dma_start3A_61 = tpu.memref_slice %arg11[%dma_start3A_59, %dma_start3A_60] : memref<10000x64xf32, #tpu.memory_space<vmem_shared>> -> memref<10000x64xf32, #tpu.memory_space<vmem_shared>>
      tpu.enqueue_indirect_dma source(%dma_start3A_61 : memref<10000x64xf32, #tpu.memory_space<vmem_shared>>) target(%arg10 : memref<128x64xf32, #tpu.memory_space<vmem>>) offsets(%dma_start3A_58 : memref<128xi32, #tpu.memory_space<vmem>>) semaphore(%arg14 : memref<!tpu.dma_semaphore, #tpu.memory_space<semaphore_mem>>)
      %run_scoped3A_62 = arith.constant 0 : i32
      "tpu.region"() ({
        %run_scoped3A_281 = tpu.sem_alloc : memref<!tpu.dma_semaphore, #tpu.memory_space<semaphore_mem>>
        %dma_start3A_282 = arith.constant 0 : i32
        %dma_start3A_283 = tpu.memref_slice %arg8[%run_scoped3A_62, %dma_start3A_282] : memref<16x128xi32, #tpu.memory_space<vmem>> -> memref<1x128xi32, #tpu.memory_space<vmem>>
        %dma_start3A_284 = tpu.memref_squeeze %dma_start3A_283 : memref<1x128xi32, #tpu.memory_space<vmem>> -> memref<128xi32, #tpu.memory_space<vmem>>
        %dma_start3A_285 = arith.constant 0 : i32
        %dma_start3A_286 = arith.constant 0 : i32
        %dma_start3A_287 = tpu.memref_slice %arg12[%dma_start3A_285, %dma_start3A_286] : memref<10112x64xf32, #tpu.memory_space<vmem_shared>> -> memref<10112x64xf32, #tpu.memory_space<vmem_shared>>
        tpu.enqueue_indirect_dma source(%arg9 : memref<128x64xf32, #tpu.memory_space<vmem>>) target(%dma_start3A_287 : memref<10112x64xf32, #tpu.memory_space<vmem_shared>>) offsets(%dma_start3A_284 : memref<128xi32, #tpu.memory_space<vmem>>) semaphore(%run_scoped3A_281 : memref<!tpu.dma_semaphore, #tpu.memory_space<semaphore_mem>>) {add = true}
        %dma_wait3A_288 = arith.constant 0 : i32
        %dma_wait3A_289 = tpu.memref_slice %arg8[%run_scoped3A_62, %dma_wait3A_288] : memref<16x128xi32, #tpu.memory_space<vmem>> -> memref<1x128xi32, #tpu.memory_space<vmem>>
        %dma_wait3A_290 = tpu.memref_squeeze %dma_wait3A_289 : memref<1x128xi32, #tpu.memory_space<vmem>> -> memref<128xi32, #tpu.memory_space<vmem>>
        %dma_wait3A_291 = arith.constant 0 : i32
        %dma_wait3A_292 = arith.constant 0 : i32
        %dma_wait3A_293 = tpu.memref_slice %arg12[%dma_wait3A_291, %dma_wait3A_292] : memref<10112x64xf32, #tpu.memory_space<vmem_shared>> -> memref<10112x64xf32, #tpu.memory_space<vmem_shared>>
        tpu.wait_indirect_dma semaphore(%run_scoped3A_281 : memref<!tpu.dma_semaphore, #tpu.memory_space<semaphore_mem>>) src(%arg9 : memref<128x64xf32, #tpu.memory_space<vmem>>) dst(%dma_wait3A_293 : memref<10112x64xf32, #tpu.memory_space<vmem_shared>>)
        tpu.yield
      }) : () -> ()
      %dma_wait3A_63 = arith.constant 1 : i32
      %dma_wait3A_64 = arith.constant 0 : i32
      %dma_wait3A_65 = tpu.memref_slice %arg7[%dma_wait3A_63, %dma_wait3A_64] : memref<16x128xi32, #tpu.memory_space<vmem>> -> memref<1x128xi32, #tpu.memory_space<vmem>>
      %dma_wait3A_66 = tpu.memref_squeeze %dma_wait3A_65 : memref<1x128xi32, #tpu.memory_space<vmem>> -> memref<128xi32, #tpu.memory_space<vmem>>
      %dma_wait3A_67 = arith.constant 0 : i32
      %dma_wait3A_68 = arith.constant 0 : i32
      %dma_wait3A_69 = tpu.memref_slice %arg11[%dma_wait3A_67, %dma_wait3A_68] : memref<10000x64xf32, #tpu.memory_space<vmem_shared>> -> memref<10000x64xf32, #tpu.memory_space<vmem_shared>>
      tpu.wait_indirect_dma semaphore(%arg14 : memref<!tpu.dma_semaphore, #tpu.memory_space<semaphore_mem>>) src(%dma_wait3A_69 : memref<10000x64xf32, #tpu.memory_space<vmem_shared>>) dst(%arg10 : memref<128x64xf32, #tpu.memory_space<vmem>>)
      %dma_start3A_70 = arith.constant 2 : i32
      %dma_start3A_71 = arith.constant 0 : i32
      %dma_start3A_72 = tpu.memref_slice %arg7[%dma_start3A_70, %dma_start3A_71] : memref<16x128xi32, #tpu.memory_space<vmem>> -> memref<1x128xi32, #tpu.memory_space<vmem>>
      %dma_start3A_73 = tpu.memref_squeeze %dma_start3A_72 : memref<1x128xi32, #tpu.memory_space<vmem>> -> memref<128xi32, #tpu.memory_space<vmem>>
      %dma_start3A_74 = arith.constant 0 : i32
      %dma_start3A_75 = arith.constant 0 : i32
      %dma_start3A_76 = tpu.memref_slice %arg11[%dma_start3A_74, %dma_start3A_75] : memref<10000x64xf32, #tpu.memory_space<vmem_shared>> -> memref<10000x64xf32, #tpu.memory_space<vmem_shared>>
      tpu.enqueue_indirect_dma source(%dma_start3A_76 : memref<10000x64xf32, #tpu.memory_space<vmem_shared>>) target(%arg9 : memref<128x64xf32, #tpu.memory_space<vmem>>) offsets(%dma_start3A_73 : memref<128xi32, #tpu.memory_space<vmem>>) semaphore(%arg13 : memref<!tpu.dma_semaphore, #tpu.memory_space<semaphore_mem>>)
      %run_scoped3A_77 = arith.constant 1 : i32
      "tpu.region"() ({
        %run_scoped3A_281 = tpu.sem_alloc : memref<!tpu.dma_semaphore, #tpu.memory_space<semaphore_mem>>
        %dma_start3A_282 = arith.constant 0 : i32
        %dma_start3A_283 = tpu.memref_slice %arg8[%run_scoped3A_77, %dma_start3A_282] : memref<16x128xi32, #tpu.memory_space<vmem>> -> memref<1x128xi32, #tpu.memory_space<vmem>>
        %dma_start3A_284 = tpu.memref_squeeze %dma_start3A_283 : memref<1x128xi32, #tpu.memory_space<vmem>> -> memref<128xi32, #tpu.memory_space<vmem>>
        %dma_start3A_285 = arith.constant 0 : i32
        %dma_start3A_286 = arith.constant 0 : i32
        %dma_start3A_287 = tpu.memref_slice %arg12[%dma_start3A_285, %dma_start3A_286] : memref<10112x64xf32, #tpu.memory_space<vmem_shared>> -> memref<10112x64xf32, #tpu.memory_space<vmem_shared>>
        tpu.enqueue_indirect_dma source(%arg10 : memref<128x64xf32, #tpu.memory_space<vmem>>) target(%dma_start3A_287 : memref<10112x64xf32, #tpu.memory_space<vmem_shared>>) offsets(%dma_start3A_284 : memref<128xi32, #tpu.memory_space<vmem>>) semaphore(%run_scoped3A_281 : memref<!tpu.dma_semaphore, #tpu.memory_space<semaphore_mem>>) {add = true}
        %dma_wait3A_288 = arith.constant 0 : i32
        %dma_wait3A_289 = tpu.memref_slice %arg8[%run_scoped3A_77, %dma_wait3A_288] : memref<16x128xi32, #tpu.memory_space<vmem>> -> memref<1x128xi32, #tpu.memory_space<vmem>>
        %dma_wait3A_290 = tpu.memref_squeeze %dma_wait3A_289 : memref<1x128xi32, #tpu.memory_space<vmem>> -> memref<128xi32, #tpu.memory_space<vmem>>
        %dma_wait3A_291 = arith.constant 0 : i32
        %dma_wait3A_292 = arith.constant 0 : i32
        %dma_wait3A_293 = tpu.memref_slice %arg12[%dma_wait3A_291, %dma_wait3A_292] : memref<10112x64xf32, #tpu.memory_space<vmem_shared>> -> memref<10112x64xf32, #tpu.memory_space<vmem_shared>>
        tpu.wait_indirect_dma semaphore(%run_scoped3A_281 : memref<!tpu.dma_semaphore, #tpu.memory_space<semaphore_mem>>) src(%arg10 : memref<128x64xf32, #tpu.memory_space<vmem>>) dst(%dma_wait3A_293 : memref<10112x64xf32, #tpu.memory_space<vmem_shared>>)
        tpu.yield
      }) : () -> ()
      %dma_wait3A_78 = arith.constant 2 : i32
      %dma_wait3A_79 = arith.constant 0 : i32
      %dma_wait3A_80 = tpu.memref_slice %arg7[%dma_wait3A_78, %dma_wait3A_79] : memref<16x128xi32, #tpu.memory_space<vmem>> -> memref<1x128xi32, #tpu.memory_space<vmem>>
      %dma_wait3A_81 = tpu.memref_squeeze %dma_wait3A_80 : memref<1x128xi32, #tpu.memory_space<vmem>> -> memref<128xi32, #tpu.memory_space<vmem>>
      %dma_wait3A_82 = arith.constant 0 : i32
      %dma_wait3A_83 = arith.constant 0 : i32
      %dma_wait3A_84 = tpu.memref_slice %arg11[%dma_wait3A_82, %dma_wait3A_83] : memref<10000x64xf32, #tpu.memory_space<vmem_shared>> -> memref<10000x64xf32, #tpu.memory_space<vmem_shared>>
      tpu.wait_indirect_dma semaphore(%arg13 : memref<!tpu.dma_semaphore, #tpu.memory_space<semaphore_mem>>) src(%dma_wait3A_84 : memref<10000x64xf32, #tpu.memory_space<vmem_shared>>) dst(%arg9 : memref<128x64xf32, #tpu.memory_space<vmem>>)
      %dma_start3A_85 = arith.constant 3 : i32
      %dma_start3A_86 = arith.constant 0 : i32
      %dma_start3A_87 = tpu.memref_slice %arg7[%dma_start3A_85, %dma_start3A_86] : memref<16x128xi32, #tpu.memory_space<vmem>> -> memref<1x128xi32, #tpu.memory_space<vmem>>
      %dma_start3A_88 = tpu.memref_squeeze %dma_start3A_87 : memref<1x128xi32, #tpu.memory_space<vmem>> -> memref<128xi32, #tpu.memory_space<vmem>>
      %dma_start3A_89 = arith.constant 0 : i32
      %dma_start3A_90 = arith.constant 0 : i32
      %dma_start3A_91 = tpu.memref_slice %arg11[%dma_start3A_89, %dma_start3A_90] : memref<10000x64xf32, #tpu.memory_space<vmem_shared>> -> memref<10000x64xf32, #tpu.memory_space<vmem_shared>>
      tpu.enqueue_indirect_dma source(%dma_start3A_91 : memref<10000x64xf32, #tpu.memory_space<vmem_shared>>) target(%arg10 : memref<128x64xf32, #tpu.memory_space<vmem>>) offsets(%dma_start3A_88 : memref<128xi32, #tpu.memory_space<vmem>>) semaphore(%arg14 : memref<!tpu.dma_semaphore, #tpu.memory_space<semaphore_mem>>)
      %run_scoped3A_92 = arith.constant 2 : i32
      "tpu.region"() ({
        %run_scoped3A_281 = tpu.sem_alloc : memref<!tpu.dma_semaphore, #tpu.memory_space<semaphore_mem>>
        %dma_start3A_282 = arith.constant 0 : i32
        %dma_start3A_283 = tpu.memref_slice %arg8[%run_scoped3A_92, %dma_start3A_282] : memref<16x128xi32, #tpu.memory_space<vmem>> -> memref<1x128xi32, #tpu.memory_space<vmem>>
        %dma_start3A_284 = tpu.memref_squeeze %dma_start3A_283 : memref<1x128xi32, #tpu.memory_space<vmem>> -> memref<128xi32, #tpu.memory_space<vmem>>
        %dma_start3A_285 = arith.constant 0 : i32
        %dma_start3A_286 = arith.constant 0 : i32
        %dma_start3A_287 = tpu.memref_slice %arg12[%dma_start3A_285, %dma_start3A_286] : memref<10112x64xf32, #tpu.memory_space<vmem_shared>> -> memref<10112x64xf32, #tpu.memory_space<vmem_shared>>
        tpu.enqueue_indirect_dma source(%arg9 : memref<128x64xf32, #tpu.memory_space<vmem>>) target(%dma_start3A_287 : memref<10112x64xf32, #tpu.memory_space<vmem_shared>>) offsets(%dma_start3A_284 : memref<128xi32, #tpu.memory_space<vmem>>) semaphore(%run_scoped3A_281 : memref<!tpu.dma_semaphore, #tpu.memory_space<semaphore_mem>>) {add = true}
        %dma_wait3A_288 = arith.constant 0 : i32
        %dma_wait3A_289 = tpu.memref_slice %arg8[%run_scoped3A_92, %dma_wait3A_288] : memref<16x128xi32, #tpu.memory_space<vmem>> -> memref<1x128xi32, #tpu.memory_space<vmem>>
        %dma_wait3A_290 = tpu.memref_squeeze %dma_wait3A_289 : memref<1x128xi32, #tpu.memory_space<vmem>> -> memref<128xi32, #tpu.memory_space<vmem>>
        %dma_wait3A_291 = arith.constant 0 : i32
        %dma_wait3A_292 = arith.constant 0 : i32
        %dma_wait3A_293 = tpu.memref_slice %arg12[%dma_wait3A_291, %dma_wait3A_292] : memref<10112x64xf32, #tpu.memory_space<vmem_shared>> -> memref<10112x64xf32, #tpu.memory_space<vmem_shared>>
        tpu.wait_indirect_dma semaphore(%run_scoped3A_281 : memref<!tpu.dma_semaphore, #tpu.memory_space<semaphore_mem>>) src(%arg9 : memref<128x64xf32, #tpu.memory_space<vmem>>) dst(%dma_wait3A_293 : memref<10112x64xf32, #tpu.memory_space<vmem_shared>>)
        tpu.yield
      }) : () -> ()
      %dma_wait3A_93 = arith.constant 3 : i32
      %dma_wait3A_94 = arith.constant 0 : i32
      %dma_wait3A_95 = tpu.memref_slice %arg7[%dma_wait3A_93, %dma_wait3A_94] : memref<16x128xi32, #tpu.memory_space<vmem>> -> memref<1x128xi32, #tpu.memory_space<vmem>>
      %dma_wait3A_96 = tpu.memref_squeeze %dma_wait3A_95 : memref<1x128xi32, #tpu.memory_space<vmem>> -> memref<128xi32, #tpu.memory_space<vmem>>
      %dma_wait3A_97 = arith.constant 0 : i32
      %dma_wait3A_98 = arith.constant 0 : i32
      %dma_wait3A_99 = tpu.memref_slice %arg11[%dma_wait3A_97, %dma_wait3A_98] : memref<10000x64xf32, #tpu.memory_space<vmem_shared>> -> memref<10000x64xf32, #tpu.memory_space<vmem_shared>>
      tpu.wait_indirect_dma semaphore(%arg14 : memref<!tpu.dma_semaphore, #tpu.memory_space<semaphore_mem>>) src(%dma_wait3A_99 : memref<10000x64xf32, #tpu.memory_space<vmem_shared>>) dst(%arg10 : memref<128x64xf32, #tpu.memory_space<vmem>>)
      %dma_start3A_100 = arith.constant 4 : i32
      %dma_start3A_101 = arith.constant 0 : i32
      %dma_start3A_102 = tpu.memref_slice %arg7[%dma_start3A_100, %dma_start3A_101] : memref<16x128xi32, #tpu.memory_space<vmem>> -> memref<1x128xi32, #tpu.memory_space<vmem>>
      %dma_start3A_103 = tpu.memref_squeeze %dma_start3A_102 : memref<1x128xi32, #tpu.memory_space<vmem>> -> memref<128xi32, #tpu.memory_space<vmem>>
      %dma_start3A_104 = arith.constant 0 : i32
      %dma_start3A_105 = arith.constant 0 : i32
      %dma_start3A_106 = tpu.memref_slice %arg11[%dma_start3A_104, %dma_start3A_105] : memref<10000x64xf32, #tpu.memory_space<vmem_shared>> -> memref<10000x64xf32, #tpu.memory_space<vmem_shared>>
      tpu.enqueue_indirect_dma source(%dma_start3A_106 : memref<10000x64xf32, #tpu.memory_space<vmem_shared>>) target(%arg9 : memref<128x64xf32, #tpu.memory_space<vmem>>) offsets(%dma_start3A_103 : memref<128xi32, #tpu.memory_space<vmem>>) semaphore(%arg13 : memref<!tpu.dma_semaphore, #tpu.memory_space<semaphore_mem>>)
      %run_scoped3A_107 = arith.constant 3 : i32
      "tpu.region"() ({
        %run_scoped3A_281 = tpu.sem_alloc : memref<!tpu.dma_semaphore, #tpu.memory_space<semaphore_mem>>
        %dma_start3A_282 = arith.constant 0 : i32
        %dma_start3A_283 = tpu.memref_slice %arg8[%run_scoped3A_107, %dma_start3A_282] : memref<16x128xi32, #tpu.memory_space<vmem>> -> memref<1x128xi32, #tpu.memory_space<vmem>>
        %dma_start3A_284 = tpu.memref_squeeze %dma_start3A_283 : memref<1x128xi32, #tpu.memory_space<vmem>> -> memref<128xi32, #tpu.memory_space<vmem>>
        %dma_start3A_285 = arith.constant 0 : i32
        %dma_start3A_286 = arith.constant 0 : i32
        %dma_start3A_287 = tpu.memref_slice %arg12[%dma_start3A_285, %dma_start3A_286] : memref<10112x64xf32, #tpu.memory_space<vmem_shared>> -> memref<10112x64xf32, #tpu.memory_space<vmem_shared>>
        tpu.enqueue_indirect_dma source(%arg10 : memref<128x64xf32, #tpu.memory_space<vmem>>) target(%dma_start3A_287 : memref<10112x64xf32, #tpu.memory_space<vmem_shared>>) offsets(%dma_start3A_284 : memref<128xi32, #tpu.memory_space<vmem>>) semaphore(%run_scoped3A_281 : memref<!tpu.dma_semaphore, #tpu.memory_space<semaphore_mem>>) {add = true}
        %dma_wait3A_288 = arith.constant 0 : i32
        %dma_wait3A_289 = tpu.memref_slice %arg8[%run_scoped3A_107, %dma_wait3A_288] : memref<16x128xi32, #tpu.memory_space<vmem>> -> memref<1x128xi32, #tpu.memory_space<vmem>>
        %dma_wait3A_290 = tpu.memref_squeeze %dma_wait3A_289 : memref<1x128xi32, #tpu.memory_space<vmem>> -> memref<128xi32, #tpu.memory_space<vmem>>
        %dma_wait3A_291 = arith.constant 0 : i32
        %dma_wait3A_292 = arith.constant 0 : i32
        %dma_wait3A_293 = tpu.memref_slice %arg12[%dma_wait3A_291, %dma_wait3A_292] : memref<10112x64xf32, #tpu.memory_space<vmem_shared>> -> memref<10112x64xf32, #tpu.memory_space<vmem_shared>>
        tpu.wait_indirect_dma semaphore(%run_scoped3A_281 : memref<!tpu.dma_semaphore, #tpu.memory_space<semaphore_mem>>) src(%arg10 : memref<128x64xf32, #tpu.memory_space<vmem>>) dst(%dma_wait3A_293 : memref<10112x64xf32, #tpu.memory_space<vmem_shared>>)
        tpu.yield
      }) : () -> ()
      %dma_wait3A_108 = arith.constant 4 : i32
      %dma_wait3A_109 = arith.constant 0 : i32
      %dma_wait3A_110 = tpu.memref_slice %arg7[%dma_wait3A_108, %dma_wait3A_109] : memref<16x128xi32, #tpu.memory_space<vmem>> -> memref<1x128xi32, #tpu.memory_space<vmem>>
      %dma_wait3A_111 = tpu.memref_squeeze %dma_wait3A_110 : memref<1x128xi32, #tpu.memory_space<vmem>> -> memref<128xi32, #tpu.memory_space<vmem>>
      %dma_wait3A_112 = arith.constant 0 : i32
      %dma_wait3A_113 = arith.constant 0 : i32
      %dma_wait3A_114 = tpu.memref_slice %arg11[%dma_wait3A_112, %dma_wait3A_113] : memref<10000x64xf32, #tpu.memory_space<vmem_shared>> -> memref<10000x64xf32, #tpu.memory_space<vmem_shared>>
      tpu.wait_indirect_dma semaphore(%arg13 : memref<!tpu.dma_semaphore, #tpu.memory_space<semaphore_mem>>) src(%dma_wait3A_114 : memref<10000x64xf32, #tpu.memory_space<vmem_shared>>) dst(%arg9 : memref<128x64xf32, #tpu.memory_space<vmem>>)
      %dma_start3A_115 = arith.constant 5 : i32
      %dma_start3A_116 = arith.constant 0 : i32
      %dma_start3A_117 = tpu.memref_slice %arg7[%dma_start3A_115, %dma_start3A_116] : memref<16x128xi32, #tpu.memory_space<vmem>> -> memref<1x128xi32, #tpu.memory_space<vmem>>
      %dma_start3A_118 = tpu.memref_squeeze %dma_start3A_117 : memref<1x128xi32, #tpu.memory_space<vmem>> -> memref<128xi32, #tpu.memory_space<vmem>>
      %dma_start3A_119 = arith.constant 0 : i32
      %dma_start3A_120 = arith.constant 0 : i32
      %dma_start3A_121 = tpu.memref_slice %arg11[%dma_start3A_119, %dma_start3A_120] : memref<10000x64xf32, #tpu.memory_space<vmem_shared>> -> memref<10000x64xf32, #tpu.memory_space<vmem_shared>>
      tpu.enqueue_indirect_dma source(%dma_start3A_121 : memref<10000x64xf32, #tpu.memory_space<vmem_shared>>) target(%arg10 : memref<128x64xf32, #tpu.memory_space<vmem>>) offsets(%dma_start3A_118 : memref<128xi32, #tpu.memory_space<vmem>>) semaphore(%arg14 : memref<!tpu.dma_semaphore, #tpu.memory_space<semaphore_mem>>)
      %run_scoped3A_122 = arith.constant 4 : i32
      "tpu.region"() ({
        %run_scoped3A_281 = tpu.sem_alloc : memref<!tpu.dma_semaphore, #tpu.memory_space<semaphore_mem>>
        %dma_start3A_282 = arith.constant 0 : i32
        %dma_start3A_283 = tpu.memref_slice %arg8[%run_scoped3A_122, %dma_start3A_282] : memref<16x128xi32, #tpu.memory_space<vmem>> -> memref<1x128xi32, #tpu.memory_space<vmem>>
        %dma_start3A_284 = tpu.memref_squeeze %dma_start3A_283 : memref<1x128xi32, #tpu.memory_space<vmem>> -> memref<128xi32, #tpu.memory_space<vmem>>
        %dma_start3A_285 = arith.constant 0 : i32
        %dma_start3A_286 = arith.constant 0 : i32
        %dma_start3A_287 = tpu.memref_slice %arg12[%dma_start3A_285, %dma_start3A_286] : memref<10112x64xf32, #tpu.memory_space<vmem_shared>> -> memref<10112x64xf32, #tpu.memory_space<vmem_shared>>
        tpu.enqueue_indirect_dma source(%arg9 : memref<128x64xf32, #tpu.memory_space<vmem>>) target(%dma_start3A_287 : memref<10112x64xf32, #tpu.memory_space<vmem_shared>>) offsets(%dma_start3A_284 : memref<128xi32, #tpu.memory_space<vmem>>) semaphore(%run_scoped3A_281 : memref<!tpu.dma_semaphore, #tpu.memory_space<semaphore_mem>>) {add = true}
        %dma_wait3A_288 = arith.constant 0 : i32
        %dma_wait3A_289 = tpu.memref_slice %arg8[%run_scoped3A_122, %dma_wait3A_288] : memref<16x128xi32, #tpu.memory_space<vmem>> -> memref<1x128xi32, #tpu.memory_space<vmem>>
        %dma_wait3A_290 = tpu.memref_squeeze %dma_wait3A_289 : memref<1x128xi32, #tpu.memory_space<vmem>> -> memref<128xi32, #tpu.memory_space<vmem>>
        %dma_wait3A_291 = arith.constant 0 : i32
        %dma_wait3A_292 = arith.constant 0 : i32
        %dma_wait3A_293 = tpu.memref_slice %arg12[%dma_wait3A_291, %dma_wait3A_292] : memref<10112x64xf32, #tpu.memory_space<vmem_shared>> -> memref<10112x64xf32, #tpu.memory_space<vmem_shared>>
        tpu.wait_indirect_dma semaphore(%run_scoped3A_281 : memref<!tpu.dma_semaphore, #tpu.memory_space<semaphore_mem>>) src(%arg9 : memref<128x64xf32, #tpu.memory_space<vmem>>) dst(%dma_wait3A_293 : memref<10112x64xf32, #tpu.memory_space<vmem_shared>>)
        tpu.yield
      }) : () -> ()
      %dma_wait3A_123 = arith.constant 5 : i32
      %dma_wait3A_124 = arith.constant 0 : i32
      %dma_wait3A_125 = tpu.memref_slice %arg7[%dma_wait3A_123, %dma_wait3A_124] : memref<16x128xi32, #tpu.memory_space<vmem>> -> memref<1x128xi32, #tpu.memory_space<vmem>>
      %dma_wait3A_126 = tpu.memref_squeeze %dma_wait3A_125 : memref<1x128xi32, #tpu.memory_space<vmem>> -> memref<128xi32, #tpu.memory_space<vmem>>
      %dma_wait3A_127 = arith.constant 0 : i32
      %dma_wait3A_128 = arith.constant 0 : i32
      %dma_wait3A_129 = tpu.memref_slice %arg11[%dma_wait3A_127, %dma_wait3A_128] : memref<10000x64xf32, #tpu.memory_space<vmem_shared>> -> memref<10000x64xf32, #tpu.memory_space<vmem_shared>>
      tpu.wait_indirect_dma semaphore(%arg14 : memref<!tpu.dma_semaphore, #tpu.memory_space<semaphore_mem>>) src(%dma_wait3A_129 : memref<10000x64xf32, #tpu.memory_space<vmem_shared>>) dst(%arg10 : memref<128x64xf32, #tpu.memory_space<vmem>>)
      %dma_start3A_130 = arith.constant 6 : i32
      %dma_start3A_131 = arith.constant 0 : i32
      %dma_start3A_132 = tpu.memref_slice %arg7[%dma_start3A_130, %dma_start3A_131] : memref<16x128xi32, #tpu.memory_space<vmem>> -> memref<1x128xi32, #tpu.memory_space<vmem>>
      %dma_start3A_133 = tpu.memref_squeeze %dma_start3A_132 : memref<1x128xi32, #tpu.memory_space<vmem>> -> memref<128xi32, #tpu.memory_space<vmem>>
      %dma_start3A_134 = arith.constant 0 : i32
      %dma_start3A_135 = arith.constant 0 : i32
      %dma_start3A_136 = tpu.memref_slice %arg11[%dma_start3A_134, %dma_start3A_135] : memref<10000x64xf32, #tpu.memory_space<vmem_shared>> -> memref<10000x64xf32, #tpu.memory_space<vmem_shared>>
      tpu.enqueue_indirect_dma source(%dma_start3A_136 : memref<10000x64xf32, #tpu.memory_space<vmem_shared>>) target(%arg9 : memref<128x64xf32, #tpu.memory_space<vmem>>) offsets(%dma_start3A_133 : memref<128xi32, #tpu.memory_space<vmem>>) semaphore(%arg13 : memref<!tpu.dma_semaphore, #tpu.memory_space<semaphore_mem>>)
      %run_scoped3A_137 = arith.constant 5 : i32
      "tpu.region"() ({
        %run_scoped3A_281 = tpu.sem_alloc : memref<!tpu.dma_semaphore, #tpu.memory_space<semaphore_mem>>
        %dma_start3A_282 = arith.constant 0 : i32
        %dma_start3A_283 = tpu.memref_slice %arg8[%run_scoped3A_137, %dma_start3A_282] : memref<16x128xi32, #tpu.memory_space<vmem>> -> memref<1x128xi32, #tpu.memory_space<vmem>>
        %dma_start3A_284 = tpu.memref_squeeze %dma_start3A_283 : memref<1x128xi32, #tpu.memory_space<vmem>> -> memref<128xi32, #tpu.memory_space<vmem>>
        %dma_start3A_285 = arith.constant 0 : i32
        %dma_start3A_286 = arith.constant 0 : i32
        %dma_start3A_287 = tpu.memref_slice %arg12[%dma_start3A_285, %dma_start3A_286] : memref<10112x64xf32, #tpu.memory_space<vmem_shared>> -> memref<10112x64xf32, #tpu.memory_space<vmem_shared>>
        tpu.enqueue_indirect_dma source(%arg10 : memref<128x64xf32, #tpu.memory_space<vmem>>) target(%dma_start3A_287 : memref<10112x64xf32, #tpu.memory_space<vmem_shared>>) offsets(%dma_start3A_284 : memref<128xi32, #tpu.memory_space<vmem>>) semaphore(%run_scoped3A_281 : memref<!tpu.dma_semaphore, #tpu.memory_space<semaphore_mem>>) {add = true}
        %dma_wait3A_288 = arith.constant 0 : i32
        %dma_wait3A_289 = tpu.memref_slice %arg8[%run_scoped3A_137, %dma_wait3A_288] : memref<16x128xi32, #tpu.memory_space<vmem>> -> memref<1x128xi32, #tpu.memory_space<vmem>>
        %dma_wait3A_290 = tpu.memref_squeeze %dma_wait3A_289 : memref<1x128xi32, #tpu.memory_space<vmem>> -> memref<128xi32, #tpu.memory_space<vmem>>
        %dma_wait3A_291 = arith.constant 0 : i32
        %dma_wait3A_292 = arith.constant 0 : i32
        %dma_wait3A_293 = tpu.memref_slice %arg12[%dma_wait3A_291, %dma_wait3A_292] : memref<10112x64xf32, #tpu.memory_space<vmem_shared>> -> memref<10112x64xf32, #tpu.memory_space<vmem_shared>>
        tpu.wait_indirect_dma semaphore(%run_scoped3A_281 : memref<!tpu.dma_semaphore, #tpu.memory_space<semaphore_mem>>) src(%arg10 : memref<128x64xf32, #tpu.memory_space<vmem>>) dst(%dma_wait3A_293 : memref<10112x64xf32, #tpu.memory_space<vmem_shared>>)
        tpu.yield
      }) : () -> ()
      %dma_wait3A_138 = arith.constant 6 : i32
      %dma_wait3A_139 = arith.constant 0 : i32
      %dma_wait3A_140 = tpu.memref_slice %arg7[%dma_wait3A_138, %dma_wait3A_139] : memref<16x128xi32, #tpu.memory_space<vmem>> -> memref<1x128xi32, #tpu.memory_space<vmem>>
      %dma_wait3A_141 = tpu.memref_squeeze %dma_wait3A_140 : memref<1x128xi32, #tpu.memory_space<vmem>> -> memref<128xi32, #tpu.memory_space<vmem>>
      %dma_wait3A_142 = arith.constant 0 : i32
      %dma_wait3A_143 = arith.constant 0 : i32
      %dma_wait3A_144 = tpu.memref_slice %arg11[%dma_wait3A_142, %dma_wait3A_143] : memref<10000x64xf32, #tpu.memory_space<vmem_shared>> -> memref<10000x64xf32, #tpu.memory_space<vmem_shared>>
      tpu.wait_indirect_dma semaphore(%arg13 : memref<!tpu.dma_semaphore, #tpu.memory_space<semaphore_mem>>) src(%dma_wait3A_144 : memref<10000x64xf32, #tpu.memory_space<vmem_shared>>) dst(%arg9 : memref<128x64xf32, #tpu.memory_space<vmem>>)
      %dma_start3A_145 = arith.constant 7 : i32
      %dma_start3A_146 = arith.constant 0 : i32
      %dma_start3A_147 = tpu.memref_slice %arg7[%dma_start3A_145, %dma_start3A_146] : memref<16x128xi32, #tpu.memory_space<vmem>> -> memref<1x128xi32, #tpu.memory_space<vmem>>
      %dma_start3A_148 = tpu.memref_squeeze %dma_start3A_147 : memref<1x128xi32, #tpu.memory_space<vmem>> -> memref<128xi32, #tpu.memory_space<vmem>>
      %dma_start3A_149 = arith.constant 0 : i32
      %dma_start3A_150 = arith.constant 0 : i32
      %dma_start3A_151 = tpu.memref_slice %arg11[%dma_start3A_149, %dma_start3A_150] : memref<10000x64xf32, #tpu.memory_space<vmem_shared>> -> memref<10000x64xf32, #tpu.memory_space<vmem_shared>>
      tpu.enqueue_indirect_dma source(%dma_start3A_151 : memref<10000x64xf32, #tpu.memory_space<vmem_shared>>) target(%arg10 : memref<128x64xf32, #tpu.memory_space<vmem>>) offsets(%dma_start3A_148 : memref<128xi32, #tpu.memory_space<vmem>>) semaphore(%arg14 : memref<!tpu.dma_semaphore, #tpu.memory_space<semaphore_mem>>)
      %run_scoped3A_152 = arith.constant 6 : i32
      "tpu.region"() ({
        %run_scoped3A_281 = tpu.sem_alloc : memref<!tpu.dma_semaphore, #tpu.memory_space<semaphore_mem>>
        %dma_start3A_282 = arith.constant 0 : i32
        %dma_start3A_283 = tpu.memref_slice %arg8[%run_scoped3A_152, %dma_start3A_282] : memref<16x128xi32, #tpu.memory_space<vmem>> -> memref<1x128xi32, #tpu.memory_space<vmem>>
        %dma_start3A_284 = tpu.memref_squeeze %dma_start3A_283 : memref<1x128xi32, #tpu.memory_space<vmem>> -> memref<128xi32, #tpu.memory_space<vmem>>
        %dma_start3A_285 = arith.constant 0 : i32
        %dma_start3A_286 = arith.constant 0 : i32
        %dma_start3A_287 = tpu.memref_slice %arg12[%dma_start3A_285, %dma_start3A_286] : memref<10112x64xf32, #tpu.memory_space<vmem_shared>> -> memref<10112x64xf32, #tpu.memory_space<vmem_shared>>
        tpu.enqueue_indirect_dma source(%arg9 : memref<128x64xf32, #tpu.memory_space<vmem>>) target(%dma_start3A_287 : memref<10112x64xf32, #tpu.memory_space<vmem_shared>>) offsets(%dma_start3A_284 : memref<128xi32, #tpu.memory_space<vmem>>) semaphore(%run_scoped3A_281 : memref<!tpu.dma_semaphore, #tpu.memory_space<semaphore_mem>>) {add = true}
        %dma_wait3A_288 = arith.constant 0 : i32
        %dma_wait3A_289 = tpu.memref_slice %arg8[%run_scoped3A_152, %dma_wait3A_288] : memref<16x128xi32, #tpu.memory_space<vmem>> -> memref<1x128xi32, #tpu.memory_space<vmem>>
        %dma_wait3A_290 = tpu.memref_squeeze %dma_wait3A_289 : memref<1x128xi32, #tpu.memory_space<vmem>> -> memref<128xi32, #tpu.memory_space<vmem>>
        %dma_wait3A_291 = arith.constant 0 : i32
        %dma_wait3A_292 = arith.constant 0 : i32
        %dma_wait3A_293 = tpu.memref_slice %arg12[%dma_wait3A_291, %dma_wait3A_292] : memref<10112x64xf32, #tpu.memory_space<vmem_shared>> -> memref<10112x64xf32, #tpu.memory_space<vmem_shared>>
        tpu.wait_indirect_dma semaphore(%run_scoped3A_281 : memref<!tpu.dma_semaphore, #tpu.memory_space<semaphore_mem>>) src(%arg9 : memref<128x64xf32, #tpu.memory_space<vmem>>) dst(%dma_wait3A_293 : memref<10112x64xf32, #tpu.memory_space<vmem_shared>>)
        tpu.yield
      }) : () -> ()
      %dma_wait3A_153 = arith.constant 7 : i32
      %dma_wait3A_154 = arith.constant 0 : i32
      %dma_wait3A_155 = tpu.memref_slice %arg7[%dma_wait3A_153, %dma_wait3A_154] : memref<16x128xi32, #tpu.memory_space<vmem>> -> memref<1x128xi32, #tpu.memory_space<vmem>>
      %dma_wait3A_156 = tpu.memref_squeeze %dma_wait3A_155 : memref<1x128xi32, #tpu.memory_space<vmem>> -> memref<128xi32, #tpu.memory_space<vmem>>
      %dma_wait3A_157 = arith.constant 0 : i32
      %dma_wait3A_158 = arith.constant 0 : i32
      %dma_wait3A_159 = tpu.memref_slice %arg11[%dma_wait3A_157, %dma_wait3A_158] : memref<10000x64xf32, #tpu.memory_space<vmem_shared>> -> memref<10000x64xf32, #tpu.memory_space<vmem_shared>>
      tpu.wait_indirect_dma semaphore(%arg14 : memref<!tpu.dma_semaphore, #tpu.memory_space<semaphore_mem>>) src(%dma_wait3A_159 : memref<10000x64xf32, #tpu.memory_space<vmem_shared>>) dst(%arg10 : memref<128x64xf32, #tpu.memory_space<vmem>>)
      %dma_start3A_160 = arith.constant 8 : i32
      %dma_start3A_161 = arith.constant 0 : i32
      %dma_start3A_162 = tpu.memref_slice %arg7[%dma_start3A_160, %dma_start3A_161] : memref<16x128xi32, #tpu.memory_space<vmem>> -> memref<1x128xi32, #tpu.memory_space<vmem>>
      %dma_start3A_163 = tpu.memref_squeeze %dma_start3A_162 : memref<1x128xi32, #tpu.memory_space<vmem>> -> memref<128xi32, #tpu.memory_space<vmem>>
      %dma_start3A_164 = arith.constant 0 : i32
      %dma_start3A_165 = arith.constant 0 : i32
      %dma_start3A_166 = tpu.memref_slice %arg11[%dma_start3A_164, %dma_start3A_165] : memref<10000x64xf32, #tpu.memory_space<vmem_shared>> -> memref<10000x64xf32, #tpu.memory_space<vmem_shared>>
      tpu.enqueue_indirect_dma source(%dma_start3A_166 : memref<10000x64xf32, #tpu.memory_space<vmem_shared>>) target(%arg9 : memref<128x64xf32, #tpu.memory_space<vmem>>) offsets(%dma_start3A_163 : memref<128xi32, #tpu.memory_space<vmem>>) semaphore(%arg13 : memref<!tpu.dma_semaphore, #tpu.memory_space<semaphore_mem>>)
      %run_scoped3A_167 = arith.constant 7 : i32
      "tpu.region"() ({
        %run_scoped3A_281 = tpu.sem_alloc : memref<!tpu.dma_semaphore, #tpu.memory_space<semaphore_mem>>
        %dma_start3A_282 = arith.constant 0 : i32
        %dma_start3A_283 = tpu.memref_slice %arg8[%run_scoped3A_167, %dma_start3A_282] : memref<16x128xi32, #tpu.memory_space<vmem>> -> memref<1x128xi32, #tpu.memory_space<vmem>>
        %dma_start3A_284 = tpu.memref_squeeze %dma_start3A_283 : memref<1x128xi32, #tpu.memory_space<vmem>> -> memref<128xi32, #tpu.memory_space<vmem>>
        %dma_start3A_285 = arith.constant 0 : i32
        %dma_start3A_286 = arith.constant 0 : i32
        %dma_start3A_287 = tpu.memref_slice %arg12[%dma_start3A_285, %dma_start3A_286] : memref<10112x64xf32, #tpu.memory_space<vmem_shared>> -> memref<10112x64xf32, #tpu.memory_space<vmem_shared>>
        tpu.enqueue_indirect_dma source(%arg10 : memref<128x64xf32, #tpu.memory_space<vmem>>) target(%dma_start3A_287 : memref<10112x64xf32, #tpu.memory_space<vmem_shared>>) offsets(%dma_start3A_284 : memref<128xi32, #tpu.memory_space<vmem>>) semaphore(%run_scoped3A_281 : memref<!tpu.dma_semaphore, #tpu.memory_space<semaphore_mem>>) {add = true}
        %dma_wait3A_288 = arith.constant 0 : i32
        %dma_wait3A_289 = tpu.memref_slice %arg8[%run_scoped3A_167, %dma_wait3A_288] : memref<16x128xi32, #tpu.memory_space<vmem>> -> memref<1x128xi32, #tpu.memory_space<vmem>>
        %dma_wait3A_290 = tpu.memref_squeeze %dma_wait3A_289 : memref<1x128xi32, #tpu.memory_space<vmem>> -> memref<128xi32, #tpu.memory_space<vmem>>
        %dma_wait3A_291 = arith.constant 0 : i32
        %dma_wait3A_292 = arith.constant 0 : i32
        %dma_wait3A_293 = tpu.memref_slice %arg12[%dma_wait3A_291, %dma_wait3A_292] : memref<10112x64xf32, #tpu.memory_space<vmem_shared>> -> memref<10112x64xf32, #tpu.memory_space<vmem_shared>>
        tpu.wait_indirect_dma semaphore(%run_scoped3A_281 : memref<!tpu.dma_semaphore, #tpu.memory_space<semaphore_mem>>) src(%arg10 : memref<128x64xf32, #tpu.memory_space<vmem>>) dst(%dma_wait3A_293 : memref<10112x64xf32, #tpu.memory_space<vmem_shared>>)
        tpu.yield
      }) : () -> ()
      %dma_wait3A_168 = arith.constant 8 : i32
      %dma_wait3A_169 = arith.constant 0 : i32
      %dma_wait3A_170 = tpu.memref_slice %arg7[%dma_wait3A_168, %dma_wait3A_169] : memref<16x128xi32, #tpu.memory_space<vmem>> -> memref<1x128xi32, #tpu.memory_space<vmem>>
      %dma_wait3A_171 = tpu.memref_squeeze %dma_wait3A_170 : memref<1x128xi32, #tpu.memory_space<vmem>> -> memref<128xi32, #tpu.memory_space<vmem>>
      %dma_wait3A_172 = arith.constant 0 : i32
      %dma_wait3A_173 = arith.constant 0 : i32
      %dma_wait3A_174 = tpu.memref_slice %arg11[%dma_wait3A_172, %dma_wait3A_173] : memref<10000x64xf32, #tpu.memory_space<vmem_shared>> -> memref<10000x64xf32, #tpu.memory_space<vmem_shared>>
      tpu.wait_indirect_dma semaphore(%arg13 : memref<!tpu.dma_semaphore, #tpu.memory_space<semaphore_mem>>) src(%dma_wait3A_174 : memref<10000x64xf32, #tpu.memory_space<vmem_shared>>) dst(%arg9 : memref<128x64xf32, #tpu.memory_space<vmem>>)
      %dma_start3A_175 = arith.constant 9 : i32
      %dma_start3A_176 = arith.constant 0 : i32
      %dma_start3A_177 = tpu.memref_slice %arg7[%dma_start3A_175, %dma_start3A_176] : memref<16x128xi32, #tpu.memory_space<vmem>> -> memref<1x128xi32, #tpu.memory_space<vmem>>
      %dma_start3A_178 = tpu.memref_squeeze %dma_start3A_177 : memref<1x128xi32, #tpu.memory_space<vmem>> -> memref<128xi32, #tpu.memory_space<vmem>>
      %dma_start3A_179 = arith.constant 0 : i32
      %dma_start3A_180 = arith.constant 0 : i32
      %dma_start3A_181 = tpu.memref_slice %arg11[%dma_start3A_179, %dma_start3A_180] : memref<10000x64xf32, #tpu.memory_space<vmem_shared>> -> memref<10000x64xf32, #tpu.memory_space<vmem_shared>>
      tpu.enqueue_indirect_dma source(%dma_start3A_181 : memref<10000x64xf32, #tpu.memory_space<vmem_shared>>) target(%arg10 : memref<128x64xf32, #tpu.memory_space<vmem>>) offsets(%dma_start3A_178 : memref<128xi32, #tpu.memory_space<vmem>>) semaphore(%arg14 : memref<!tpu.dma_semaphore, #tpu.memory_space<semaphore_mem>>)
      %run_scoped3A_182 = arith.constant 8 : i32
      "tpu.region"() ({
        %run_scoped3A_281 = tpu.sem_alloc : memref<!tpu.dma_semaphore, #tpu.memory_space<semaphore_mem>>
        %dma_start3A_282 = arith.constant 0 : i32
        %dma_start3A_283 = tpu.memref_slice %arg8[%run_scoped3A_182, %dma_start3A_282] : memref<16x128xi32, #tpu.memory_space<vmem>> -> memref<1x128xi32, #tpu.memory_space<vmem>>
        %dma_start3A_284 = tpu.memref_squeeze %dma_start3A_283 : memref<1x128xi32, #tpu.memory_space<vmem>> -> memref<128xi32, #tpu.memory_space<vmem>>
        %dma_start3A_285 = arith.constant 0 : i32
        %dma_start3A_286 = arith.constant 0 : i32
        %dma_start3A_287 = tpu.memref_slice %arg12[%dma_start3A_285, %dma_start3A_286] : memref<10112x64xf32, #tpu.memory_space<vmem_shared>> -> memref<10112x64xf32, #tpu.memory_space<vmem_shared>>
        tpu.enqueue_indirect_dma source(%arg9 : memref<128x64xf32, #tpu.memory_space<vmem>>) target(%dma_start3A_287 : memref<10112x64xf32, #tpu.memory_space<vmem_shared>>) offsets(%dma_start3A_284 : memref<128xi32, #tpu.memory_space<vmem>>) semaphore(%run_scoped3A_281 : memref<!tpu.dma_semaphore, #tpu.memory_space<semaphore_mem>>) {add = true}
        %dma_wait3A_288 = arith.constant 0 : i32
        %dma_wait3A_289 = tpu.memref_slice %arg8[%run_scoped3A_182, %dma_wait3A_288] : memref<16x128xi32, #tpu.memory_space<vmem>> -> memref<1x128xi32, #tpu.memory_space<vmem>>
        %dma_wait3A_290 = tpu.memref_squeeze %dma_wait3A_289 : memref<1x128xi32, #tpu.memory_space<vmem>> -> memref<128xi32, #tpu.memory_space<vmem>>
        %dma_wait3A_291 = arith.constant 0 : i32
        %dma_wait3A_292 = arith.constant 0 : i32
        %dma_wait3A_293 = tpu.memref_slice %arg12[%dma_wait3A_291, %dma_wait3A_292] : memref<10112x64xf32, #tpu.memory_space<vmem_shared>> -> memref<10112x64xf32, #tpu.memory_space<vmem_shared>>
        tpu.wait_indirect_dma semaphore(%run_scoped3A_281 : memref<!tpu.dma_semaphore, #tpu.memory_space<semaphore_mem>>) src(%arg9 : memref<128x64xf32, #tpu.memory_space<vmem>>) dst(%dma_wait3A_293 : memref<10112x64xf32, #tpu.memory_space<vmem_shared>>)
        tpu.yield
      }) : () -> ()
      %dma_wait3A_183 = arith.constant 9 : i32
      %dma_wait3A_184 = arith.constant 0 : i32
      %dma_wait3A_185 = tpu.memref_slice %arg7[%dma_wait3A_183, %dma_wait3A_184] : memref<16x128xi32, #tpu.memory_space<vmem>> -> memref<1x128xi32, #tpu.memory_space<vmem>>
      %dma_wait3A_186 = tpu.memref_squeeze %dma_wait3A_185 : memref<1x128xi32, #tpu.memory_space<vmem>> -> memref<128xi32, #tpu.memory_space<vmem>>
      %dma_wait3A_187 = arith.constant 0 : i32
      %dma_wait3A_188 = arith.constant 0 : i32
      %dma_wait3A_189 = tpu.memref_slice %arg11[%dma_wait3A_187, %dma_wait3A_188] : memref<10000x64xf32, #tpu.memory_space<vmem_shared>> -> memref<10000x64xf32, #tpu.memory_space<vmem_shared>>
      tpu.wait_indirect_dma semaphore(%arg14 : memref<!tpu.dma_semaphore, #tpu.memory_space<semaphore_mem>>) src(%dma_wait3A_189 : memref<10000x64xf32, #tpu.memory_space<vmem_shared>>) dst(%arg10 : memref<128x64xf32, #tpu.memory_space<vmem>>)
      %dma_start3A_190 = arith.constant 10 : i32
      %dma_start3A_191 = arith.constant 0 : i32
      %dma_start3A_192 = tpu.memref_slice %arg7[%dma_start3A_190, %dma_start3A_191] : memref<16x128xi32, #tpu.memory_space<vmem>> -> memref<1x128xi32, #tpu.memory_space<vmem>>
      %dma_start3A_193 = tpu.memref_squeeze %dma_start3A_192 : memref<1x128xi32, #tpu.memory_space<vmem>> -> memref<128xi32, #tpu.memory_space<vmem>>
      %dma_start3A_194 = arith.constant 0 : i32
      %dma_start3A_195 = arith.constant 0 : i32
      %dma_start3A_196 = tpu.memref_slice %arg11[%dma_start3A_194, %dma_start3A_195] : memref<10000x64xf32, #tpu.memory_space<vmem_shared>> -> memref<10000x64xf32, #tpu.memory_space<vmem_shared>>
      tpu.enqueue_indirect_dma source(%dma_start3A_196 : memref<10000x64xf32, #tpu.memory_space<vmem_shared>>) target(%arg9 : memref<128x64xf32, #tpu.memory_space<vmem>>) offsets(%dma_start3A_193 : memref<128xi32, #tpu.memory_space<vmem>>) semaphore(%arg13 : memref<!tpu.dma_semaphore, #tpu.memory_space<semaphore_mem>>)
      %run_scoped3A_197 = arith.constant 9 : i32
      "tpu.region"() ({
        %run_scoped3A_281 = tpu.sem_alloc : memref<!tpu.dma_semaphore, #tpu.memory_space<semaphore_mem>>
        %dma_start3A_282 = arith.constant 0 : i32
        %dma_start3A_283 = tpu.memref_slice %arg8[%run_scoped3A_197, %dma_start3A_282] : memref<16x128xi32, #tpu.memory_space<vmem>> -> memref<1x128xi32, #tpu.memory_space<vmem>>
        %dma_start3A_284 = tpu.memref_squeeze %dma_start3A_283 : memref<1x128xi32, #tpu.memory_space<vmem>> -> memref<128xi32, #tpu.memory_space<vmem>>
        %dma_start3A_285 = arith.constant 0 : i32
        %dma_start3A_286 = arith.constant 0 : i32
        %dma_start3A_287 = tpu.memref_slice %arg12[%dma_start3A_285, %dma_start3A_286] : memref<10112x64xf32, #tpu.memory_space<vmem_shared>> -> memref<10112x64xf32, #tpu.memory_space<vmem_shared>>
        tpu.enqueue_indirect_dma source(%arg10 : memref<128x64xf32, #tpu.memory_space<vmem>>) target(%dma_start3A_287 : memref<10112x64xf32, #tpu.memory_space<vmem_shared>>) offsets(%dma_start3A_284 : memref<128xi32, #tpu.memory_space<vmem>>) semaphore(%run_scoped3A_281 : memref<!tpu.dma_semaphore, #tpu.memory_space<semaphore_mem>>) {add = true}
        %dma_wait3A_288 = arith.constant 0 : i32
        %dma_wait3A_289 = tpu.memref_slice %arg8[%run_scoped3A_197, %dma_wait3A_288] : memref<16x128xi32, #tpu.memory_space<vmem>> -> memref<1x128xi32, #tpu.memory_space<vmem>>
        %dma_wait3A_290 = tpu.memref_squeeze %dma_wait3A_289 : memref<1x128xi32, #tpu.memory_space<vmem>> -> memref<128xi32, #tpu.memory_space<vmem>>
        %dma_wait3A_291 = arith.constant 0 : i32
        %dma_wait3A_292 = arith.constant 0 : i32
        %dma_wait3A_293 = tpu.memref_slice %arg12[%dma_wait3A_291, %dma_wait3A_292] : memref<10112x64xf32, #tpu.memory_space<vmem_shared>> -> memref<10112x64xf32, #tpu.memory_space<vmem_shared>>
        tpu.wait_indirect_dma semaphore(%run_scoped3A_281 : memref<!tpu.dma_semaphore, #tpu.memory_space<semaphore_mem>>) src(%arg10 : memref<128x64xf32, #tpu.memory_space<vmem>>) dst(%dma_wait3A_293 : memref<10112x64xf32, #tpu.memory_space<vmem_shared>>)
        tpu.yield
      }) : () -> ()
      %dma_wait3A_198 = arith.constant 10 : i32
      %dma_wait3A_199 = arith.constant 0 : i32
      %dma_wait3A_200 = tpu.memref_slice %arg7[%dma_wait3A_198, %dma_wait3A_199] : memref<16x128xi32, #tpu.memory_space<vmem>> -> memref<1x128xi32, #tpu.memory_space<vmem>>
      %dma_wait3A_201 = tpu.memref_squeeze %dma_wait3A_200 : memref<1x128xi32, #tpu.memory_space<vmem>> -> memref<128xi32, #tpu.memory_space<vmem>>
      %dma_wait3A_202 = arith.constant 0 : i32
      %dma_wait3A_203 = arith.constant 0 : i32
      %dma_wait3A_204 = tpu.memref_slice %arg11[%dma_wait3A_202, %dma_wait3A_203] : memref<10000x64xf32, #tpu.memory_space<vmem_shared>> -> memref<10000x64xf32, #tpu.memory_space<vmem_shared>>
      tpu.wait_indirect_dma semaphore(%arg13 : memref<!tpu.dma_semaphore, #tpu.memory_space<semaphore_mem>>) src(%dma_wait3A_204 : memref<10000x64xf32, #tpu.memory_space<vmem_shared>>) dst(%arg9 : memref<128x64xf32, #tpu.memory_space<vmem>>)
      %dma_start3A_205 = arith.constant 11 : i32
      %dma_start3A_206 = arith.constant 0 : i32
      %dma_start3A_207 = tpu.memref_slice %arg7[%dma_start3A_205, %dma_start3A_206] : memref<16x128xi32, #tpu.memory_space<vmem>> -> memref<1x128xi32, #tpu.memory_space<vmem>>
      %dma_start3A_208 = tpu.memref_squeeze %dma_start3A_207 : memref<1x128xi32, #tpu.memory_space<vmem>> -> memref<128xi32, #tpu.memory_space<vmem>>
      %dma_start3A_209 = arith.constant 0 : i32
      %dma_start3A_210 = arith.constant 0 : i32
      %dma_start3A_211 = tpu.memref_slice %arg11[%dma_start3A_209, %dma_start3A_210] : memref<10000x64xf32, #tpu.memory_space<vmem_shared>> -> memref<10000x64xf32, #tpu.memory_space<vmem_shared>>
      tpu.enqueue_indirect_dma source(%dma_start3A_211 : memref<10000x64xf32, #tpu.memory_space<vmem_shared>>) target(%arg10 : memref<128x64xf32, #tpu.memory_space<vmem>>) offsets(%dma_start3A_208 : memref<128xi32, #tpu.memory_space<vmem>>) semaphore(%arg14 : memref<!tpu.dma_semaphore, #tpu.memory_space<semaphore_mem>>)
      %run_scoped3A_212 = arith.constant 10 : i32
      "tpu.region"() ({
        %run_scoped3A_281 = tpu.sem_alloc : memref<!tpu.dma_semaphore, #tpu.memory_space<semaphore_mem>>
        %dma_start3A_282 = arith.constant 0 : i32
        %dma_start3A_283 = tpu.memref_slice %arg8[%run_scoped3A_212, %dma_start3A_282] : memref<16x128xi32, #tpu.memory_space<vmem>> -> memref<1x128xi32, #tpu.memory_space<vmem>>
        %dma_start3A_284 = tpu.memref_squeeze %dma_start3A_283 : memref<1x128xi32, #tpu.memory_space<vmem>> -> memref<128xi32, #tpu.memory_space<vmem>>
        %dma_start3A_285 = arith.constant 0 : i32
        %dma_start3A_286 = arith.constant 0 : i32
        %dma_start3A_287 = tpu.memref_slice %arg12[%dma_start3A_285, %dma_start3A_286] : memref<10112x64xf32, #tpu.memory_space<vmem_shared>> -> memref<10112x64xf32, #tpu.memory_space<vmem_shared>>
        tpu.enqueue_indirect_dma source(%arg9 : memref<128x64xf32, #tpu.memory_space<vmem>>) target(%dma_start3A_287 : memref<10112x64xf32, #tpu.memory_space<vmem_shared>>) offsets(%dma_start3A_284 : memref<128xi32, #tpu.memory_space<vmem>>) semaphore(%run_scoped3A_281 : memref<!tpu.dma_semaphore, #tpu.memory_space<semaphore_mem>>) {add = true}
        %dma_wait3A_288 = arith.constant 0 : i32
        %dma_wait3A_289 = tpu.memref_slice %arg8[%run_scoped3A_212, %dma_wait3A_288] : memref<16x128xi32, #tpu.memory_space<vmem>> -> memref<1x128xi32, #tpu.memory_space<vmem>>
        %dma_wait3A_290 = tpu.memref_squeeze %dma_wait3A_289 : memref<1x128xi32, #tpu.memory_space<vmem>> -> memref<128xi32, #tpu.memory_space<vmem>>
        %dma_wait3A_291 = arith.constant 0 : i32
        %dma_wait3A_292 = arith.constant 0 : i32
        %dma_wait3A_293 = tpu.memref_slice %arg12[%dma_wait3A_291, %dma_wait3A_292] : memref<10112x64xf32, #tpu.memory_space<vmem_shared>> -> memref<10112x64xf32, #tpu.memory_space<vmem_shared>>
        tpu.wait_indirect_dma semaphore(%run_scoped3A_281 : memref<!tpu.dma_semaphore, #tpu.memory_space<semaphore_mem>>) src(%arg9 : memref<128x64xf32, #tpu.memory_space<vmem>>) dst(%dma_wait3A_293 : memref<10112x64xf32, #tpu.memory_space<vmem_shared>>)
        tpu.yield
      }) : () -> ()
      %dma_wait3A_213 = arith.constant 11 : i32
      %dma_wait3A_214 = arith.constant 0 : i32
      %dma_wait3A_215 = tpu.memref_slice %arg7[%dma_wait3A_213, %dma_wait3A_214] : memref<16x128xi32, #tpu.memory_space<vmem>> -> memref<1x128xi32, #tpu.memory_space<vmem>>
      %dma_wait3A_216 = tpu.memref_squeeze %dma_wait3A_215 : memref<1x128xi32, #tpu.memory_space<vmem>> -> memref<128xi32, #tpu.memory_space<vmem>>
      %dma_wait3A_217 = arith.constant 0 : i32
      %dma_wait3A_218 = arith.constant 0 : i32
      %dma_wait3A_219 = tpu.memref_slice %arg11[%dma_wait3A_217, %dma_wait3A_218] : memref<10000x64xf32, #tpu.memory_space<vmem_shared>> -> memref<10000x64xf32, #tpu.memory_space<vmem_shared>>
      tpu.wait_indirect_dma semaphore(%arg14 : memref<!tpu.dma_semaphore, #tpu.memory_space<semaphore_mem>>) src(%dma_wait3A_219 : memref<10000x64xf32, #tpu.memory_space<vmem_shared>>) dst(%arg10 : memref<128x64xf32, #tpu.memory_space<vmem>>)
      %dma_start3A_220 = arith.constant 12 : i32
      %dma_start3A_221 = arith.constant 0 : i32
      %dma_start3A_222 = tpu.memref_slice %arg7[%dma_start3A_220, %dma_start3A_221] : memref<16x128xi32, #tpu.memory_space<vmem>> -> memref<1x128xi32, #tpu.memory_space<vmem>>
      %dma_start3A_223 = tpu.memref_squeeze %dma_start3A_222 : memref<1x128xi32, #tpu.memory_space<vmem>> -> memref<128xi32, #tpu.memory_space<vmem>>
      %dma_start3A_224 = arith.constant 0 : i32
      %dma_start3A_225 = arith.constant 0 : i32
      %dma_start3A_226 = tpu.memref_slice %arg11[%dma_start3A_224, %dma_start3A_225] : memref<10000x64xf32, #tpu.memory_space<vmem_shared>> -> memref<10000x64xf32, #tpu.memory_space<vmem_shared>>
      tpu.enqueue_indirect_dma source(%dma_start3A_226 : memref<10000x64xf32, #tpu.memory_space<vmem_shared>>) target(%arg9 : memref<128x64xf32, #tpu.memory_space<vmem>>) offsets(%dma_start3A_223 : memref<128xi32, #tpu.memory_space<vmem>>) semaphore(%arg13 : memref<!tpu.dma_semaphore, #tpu.memory_space<semaphore_mem>>)
      %run_scoped3A_227 = arith.constant 11 : i32
      "tpu.region"() ({
        %run_scoped3A_281 = tpu.sem_alloc : memref<!tpu.dma_semaphore, #tpu.memory_space<semaphore_mem>>
        %dma_start3A_282 = arith.constant 0 : i32
        %dma_start3A_283 = tpu.memref_slice %arg8[%run_scoped3A_227, %dma_start3A_282] : memref<16x128xi32, #tpu.memory_space<vmem>> -> memref<1x128xi32, #tpu.memory_space<vmem>>
        %dma_start3A_284 = tpu.memref_squeeze %dma_start3A_283 : memref<1x128xi32, #tpu.memory_space<vmem>> -> memref<128xi32, #tpu.memory_space<vmem>>
        %dma_start3A_285 = arith.constant 0 : i32
        %dma_start3A_286 = arith.constant 0 : i32
        %dma_start3A_287 = tpu.memref_slice %arg12[%dma_start3A_285, %dma_start3A_286] : memref<10112x64xf32, #tpu.memory_space<vmem_shared>> -> memref<10112x64xf32, #tpu.memory_space<vmem_shared>>
        tpu.enqueue_indirect_dma source(%arg10 : memref<128x64xf32, #tpu.memory_space<vmem>>) target(%dma_start3A_287 : memref<10112x64xf32, #tpu.memory_space<vmem_shared>>) offsets(%dma_start3A_284 : memref<128xi32, #tpu.memory_space<vmem>>) semaphore(%run_scoped3A_281 : memref<!tpu.dma_semaphore, #tpu.memory_space<semaphore_mem>>) {add = true}
        %dma_wait3A_288 = arith.constant 0 : i32
        %dma_wait3A_289 = tpu.memref_slice %arg8[%run_scoped3A_227, %dma_wait3A_288] : memref<16x128xi32, #tpu.memory_space<vmem>> -> memref<1x128xi32, #tpu.memory_space<vmem>>
        %dma_wait3A_290 = tpu.memref_squeeze %dma_wait3A_289 : memref<1x128xi32, #tpu.memory_space<vmem>> -> memref<128xi32, #tpu.memory_space<vmem>>
        %dma_wait3A_291 = arith.constant 0 : i32
        %dma_wait3A_292 = arith.constant 0 : i32
        %dma_wait3A_293 = tpu.memref_slice %arg12[%dma_wait3A_291, %dma_wait3A_292] : memref<10112x64xf32, #tpu.memory_space<vmem_shared>> -> memref<10112x64xf32, #tpu.memory_space<vmem_shared>>
        tpu.wait_indirect_dma semaphore(%run_scoped3A_281 : memref<!tpu.dma_semaphore, #tpu.memory_space<semaphore_mem>>) src(%arg10 : memref<128x64xf32, #tpu.memory_space<vmem>>) dst(%dma_wait3A_293 : memref<10112x64xf32, #tpu.memory_space<vmem_shared>>)
        tpu.yield
      }) : () -> ()
      %dma_wait3A_228 = arith.constant 12 : i32
      %dma_wait3A_229 = arith.constant 0 : i32
      %dma_wait3A_230 = tpu.memref_slice %arg7[%dma_wait3A_228, %dma_wait3A_229] : memref<16x128xi32, #tpu.memory_space<vmem>> -> memref<1x128xi32, #tpu.memory_space<vmem>>
      %dma_wait3A_231 = tpu.memref_squeeze %dma_wait3A_230 : memref<1x128xi32, #tpu.memory_space<vmem>> -> memref<128xi32, #tpu.memory_space<vmem>>
      %dma_wait3A_232 = arith.constant 0 : i32
      %dma_wait3A_233 = arith.constant 0 : i32
      %dma_wait3A_234 = tpu.memref_slice %arg11[%dma_wait3A_232, %dma_wait3A_233] : memref<10000x64xf32, #tpu.memory_space<vmem_shared>> -> memref<10000x64xf32, #tpu.memory_space<vmem_shared>>
      tpu.wait_indirect_dma semaphore(%arg13 : memref<!tpu.dma_semaphore, #tpu.memory_space<semaphore_mem>>) src(%dma_wait3A_234 : memref<10000x64xf32, #tpu.memory_space<vmem_shared>>) dst(%arg9 : memref<128x64xf32, #tpu.memory_space<vmem>>)
      %dma_start3A_235 = arith.constant 13 : i32
      %dma_start3A_236 = arith.constant 0 : i32
      %dma_start3A_237 = tpu.memref_slice %arg7[%dma_start3A_235, %dma_start3A_236] : memref<16x128xi32, #tpu.memory_space<vmem>> -> memref<1x128xi32, #tpu.memory_space<vmem>>
      %dma_start3A_238 = tpu.memref_squeeze %dma_start3A_237 : memref<1x128xi32, #tpu.memory_space<vmem>> -> memref<128xi32, #tpu.memory_space<vmem>>
      %dma_start3A_239 = arith.constant 0 : i32
      %dma_start3A_240 = arith.constant 0 : i32
      %dma_start3A_241 = tpu.memref_slice %arg11[%dma_start3A_239, %dma_start3A_240] : memref<10000x64xf32, #tpu.memory_space<vmem_shared>> -> memref<10000x64xf32, #tpu.memory_space<vmem_shared>>
      tpu.enqueue_indirect_dma source(%dma_start3A_241 : memref<10000x64xf32, #tpu.memory_space<vmem_shared>>) target(%arg10 : memref<128x64xf32, #tpu.memory_space<vmem>>) offsets(%dma_start3A_238 : memref<128xi32, #tpu.memory_space<vmem>>) semaphore(%arg14 : memref<!tpu.dma_semaphore, #tpu.memory_space<semaphore_mem>>)
      %run_scoped3A_242 = arith.constant 12 : i32
      "tpu.region"() ({
        %run_scoped3A_281 = tpu.sem_alloc : memref<!tpu.dma_semaphore, #tpu.memory_space<semaphore_mem>>
        %dma_start3A_282 = arith.constant 0 : i32
        %dma_start3A_283 = tpu.memref_slice %arg8[%run_scoped3A_242, %dma_start3A_282] : memref<16x128xi32, #tpu.memory_space<vmem>> -> memref<1x128xi32, #tpu.memory_space<vmem>>
        %dma_start3A_284 = tpu.memref_squeeze %dma_start3A_283 : memref<1x128xi32, #tpu.memory_space<vmem>> -> memref<128xi32, #tpu.memory_space<vmem>>
        %dma_start3A_285 = arith.constant 0 : i32
        %dma_start3A_286 = arith.constant 0 : i32
        %dma_start3A_287 = tpu.memref_slice %arg12[%dma_start3A_285, %dma_start3A_286] : memref<10112x64xf32, #tpu.memory_space<vmem_shared>> -> memref<10112x64xf32, #tpu.memory_space<vmem_shared>>
        tpu.enqueue_indirect_dma source(%arg9 : memref<128x64xf32, #tpu.memory_space<vmem>>) target(%dma_start3A_287 : memref<10112x64xf32, #tpu.memory_space<vmem_shared>>) offsets(%dma_start3A_284 : memref<128xi32, #tpu.memory_space<vmem>>) semaphore(%run_scoped3A_281 : memref<!tpu.dma_semaphore, #tpu.memory_space<semaphore_mem>>) {add = true}
        %dma_wait3A_288 = arith.constant 0 : i32
        %dma_wait3A_289 = tpu.memref_slice %arg8[%run_scoped3A_242, %dma_wait3A_288] : memref<16x128xi32, #tpu.memory_space<vmem>> -> memref<1x128xi32, #tpu.memory_space<vmem>>
        %dma_wait3A_290 = tpu.memref_squeeze %dma_wait3A_289 : memref<1x128xi32, #tpu.memory_space<vmem>> -> memref<128xi32, #tpu.memory_space<vmem>>
        %dma_wait3A_291 = arith.constant 0 : i32
        %dma_wait3A_292 = arith.constant 0 : i32
        %dma_wait3A_293 = tpu.memref_slice %arg12[%dma_wait3A_291, %dma_wait3A_292] : memref<10112x64xf32, #tpu.memory_space<vmem_shared>> -> memref<10112x64xf32, #tpu.memory_space<vmem_shared>>
        tpu.wait_indirect_dma semaphore(%run_scoped3A_281 : memref<!tpu.dma_semaphore, #tpu.memory_space<semaphore_mem>>) src(%arg9 : memref<128x64xf32, #tpu.memory_space<vmem>>) dst(%dma_wait3A_293 : memref<10112x64xf32, #tpu.memory_space<vmem_shared>>)
        tpu.yield
      }) : () -> ()
      %dma_wait3A_243 = arith.constant 13 : i32
      %dma_wait3A_244 = arith.constant 0 : i32
      %dma_wait3A_245 = tpu.memref_slice %arg7[%dma_wait3A_243, %dma_wait3A_244] : memref<16x128xi32, #tpu.memory_space<vmem>> -> memref<1x128xi32, #tpu.memory_space<vmem>>
      %dma_wait3A_246 = tpu.memref_squeeze %dma_wait3A_245 : memref<1x128xi32, #tpu.memory_space<vmem>> -> memref<128xi32, #tpu.memory_space<vmem>>
      %dma_wait3A_247 = arith.constant 0 : i32
      %dma_wait3A_248 = arith.constant 0 : i32
      %dma_wait3A_249 = tpu.memref_slice %arg11[%dma_wait3A_247, %dma_wait3A_248] : memref<10000x64xf32, #tpu.memory_space<vmem_shared>> -> memref<10000x64xf32, #tpu.memory_space<vmem_shared>>
      tpu.wait_indirect_dma semaphore(%arg14 : memref<!tpu.dma_semaphore, #tpu.memory_space<semaphore_mem>>) src(%dma_wait3A_249 : memref<10000x64xf32, #tpu.memory_space<vmem_shared>>) dst(%arg10 : memref<128x64xf32, #tpu.memory_space<vmem>>)
      %dma_start3A_250 = arith.constant 14 : i32
      %dma_start3A_251 = arith.constant 0 : i32
      %dma_start3A_252 = tpu.memref_slice %arg7[%dma_start3A_250, %dma_start3A_251] : memref<16x128xi32, #tpu.memory_space<vmem>> -> memref<1x128xi32, #tpu.memory_space<vmem>>
      %dma_start3A_253 = tpu.memref_squeeze %dma_start3A_252 : memref<1x128xi32, #tpu.memory_space<vmem>> -> memref<128xi32, #tpu.memory_space<vmem>>
      %dma_start3A_254 = arith.constant 0 : i32
      %dma_start3A_255 = arith.constant 0 : i32
      %dma_start3A_256 = tpu.memref_slice %arg11[%dma_start3A_254, %dma_start3A_255] : memref<10000x64xf32, #tpu.memory_space<vmem_shared>> -> memref<10000x64xf32, #tpu.memory_space<vmem_shared>>
      tpu.enqueue_indirect_dma source(%dma_start3A_256 : memref<10000x64xf32, #tpu.memory_space<vmem_shared>>) target(%arg9 : memref<128x64xf32, #tpu.memory_space<vmem>>) offsets(%dma_start3A_253 : memref<128xi32, #tpu.memory_space<vmem>>) semaphore(%arg13 : memref<!tpu.dma_semaphore, #tpu.memory_space<semaphore_mem>>)
      %run_scoped3A_257 = arith.constant 13 : i32
      "tpu.region"() ({
        %run_scoped3A_281 = tpu.sem_alloc : memref<!tpu.dma_semaphore, #tpu.memory_space<semaphore_mem>>
        %dma_start3A_282 = arith.constant 0 : i32
        %dma_start3A_283 = tpu.memref_slice %arg8[%run_scoped3A_257, %dma_start3A_282] : memref<16x128xi32, #tpu.memory_space<vmem>> -> memref<1x128xi32, #tpu.memory_space<vmem>>
        %dma_start3A_284 = tpu.memref_squeeze %dma_start3A_283 : memref<1x128xi32, #tpu.memory_space<vmem>> -> memref<128xi32, #tpu.memory_space<vmem>>
        %dma_start3A_285 = arith.constant 0 : i32
        %dma_start3A_286 = arith.constant 0 : i32
        %dma_start3A_287 = tpu.memref_slice %arg12[%dma_start3A_285, %dma_start3A_286] : memref<10112x64xf32, #tpu.memory_space<vmem_shared>> -> memref<10112x64xf32, #tpu.memory_space<vmem_shared>>
        tpu.enqueue_indirect_dma source(%arg10 : memref<128x64xf32, #tpu.memory_space<vmem>>) target(%dma_start3A_287 : memref<10112x64xf32, #tpu.memory_space<vmem_shared>>) offsets(%dma_start3A_284 : memref<128xi32, #tpu.memory_space<vmem>>) semaphore(%run_scoped3A_281 : memref<!tpu.dma_semaphore, #tpu.memory_space<semaphore_mem>>) {add = true}
        %dma_wait3A_288 = arith.constant 0 : i32
        %dma_wait3A_289 = tpu.memref_slice %arg8[%run_scoped3A_257, %dma_wait3A_288] : memref<16x128xi32, #tpu.memory_space<vmem>> -> memref<1x128xi32, #tpu.memory_space<vmem>>
        %dma_wait3A_290 = tpu.memref_squeeze %dma_wait3A_289 : memref<1x128xi32, #tpu.memory_space<vmem>> -> memref<128xi32, #tpu.memory_space<vmem>>
        %dma_wait3A_291 = arith.constant 0 : i32
        %dma_wait3A_292 = arith.constant 0 : i32
        %dma_wait3A_293 = tpu.memref_slice %arg12[%dma_wait3A_291, %dma_wait3A_292] : memref<10112x64xf32, #tpu.memory_space<vmem_shared>> -> memref<10112x64xf32, #tpu.memory_space<vmem_shared>>
        tpu.wait_indirect_dma semaphore(%run_scoped3A_281 : memref<!tpu.dma_semaphore, #tpu.memory_space<semaphore_mem>>) src(%arg10 : memref<128x64xf32, #tpu.memory_space<vmem>>) dst(%dma_wait3A_293 : memref<10112x64xf32, #tpu.memory_space<vmem_shared>>)
        tpu.yield
      }) : () -> ()
      %dma_wait3A_258 = arith.constant 14 : i32
      %dma_wait3A_259 = arith.constant 0 : i32
      %dma_wait3A_260 = tpu.memref_slice %arg7[%dma_wait3A_258, %dma_wait3A_259] : memref<16x128xi32, #tpu.memory_space<vmem>> -> memref<1x128xi32, #tpu.memory_space<vmem>>
      %dma_wait3A_261 = tpu.memref_squeeze %dma_wait3A_260 : memref<1x128xi32, #tpu.memory_space<vmem>> -> memref<128xi32, #tpu.memory_space<vmem>>
      %dma_wait3A_262 = arith.constant 0 : i32
      %dma_wait3A_263 = arith.constant 0 : i32
      %dma_wait3A_264 = tpu.memref_slice %arg11[%dma_wait3A_262, %dma_wait3A_263] : memref<10000x64xf32, #tpu.memory_space<vmem_shared>> -> memref<10000x64xf32, #tpu.memory_space<vmem_shared>>
      tpu.wait_indirect_dma semaphore(%arg13 : memref<!tpu.dma_semaphore, #tpu.memory_space<semaphore_mem>>) src(%dma_wait3A_264 : memref<10000x64xf32, #tpu.memory_space<vmem_shared>>) dst(%arg9 : memref<128x64xf32, #tpu.memory_space<vmem>>)
      %dma_start3A_265 = arith.constant 15 : i32
      %dma_start3A_266 = arith.constant 0 : i32
      %dma_start3A_267 = tpu.memref_slice %arg7[%dma_start3A_265, %dma_start3A_266] : memref<16x128xi32, #tpu.memory_space<vmem>> -> memref<1x128xi32, #tpu.memory_space<vmem>>
      %dma_start3A_268 = tpu.memref_squeeze %dma_start3A_267 : memref<1x128xi32, #tpu.memory_space<vmem>> -> memref<128xi32, #tpu.memory_space<vmem>>
      %dma_start3A_269 = arith.constant 0 : i32
      %dma_start3A_270 = arith.constant 0 : i32
      %dma_start3A_271 = tpu.memref_slice %arg11[%dma_start3A_269, %dma_start3A_270] : memref<10000x64xf32, #tpu.memory_space<vmem_shared>> -> memref<10000x64xf32, #tpu.memory_space<vmem_shared>>
      tpu.enqueue_indirect_dma source(%dma_start3A_271 : memref<10000x64xf32, #tpu.memory_space<vmem_shared>>) target(%arg10 : memref<128x64xf32, #tpu.memory_space<vmem>>) offsets(%dma_start3A_268 : memref<128xi32, #tpu.memory_space<vmem>>) semaphore(%arg14 : memref<!tpu.dma_semaphore, #tpu.memory_space<semaphore_mem>>)
      %run_scoped3A_272 = arith.constant 14 : i32
      "tpu.region"() ({
        %run_scoped3A_281 = tpu.sem_alloc : memref<!tpu.dma_semaphore, #tpu.memory_space<semaphore_mem>>
        %dma_start3A_282 = arith.constant 0 : i32
        %dma_start3A_283 = tpu.memref_slice %arg8[%run_scoped3A_272, %dma_start3A_282] : memref<16x128xi32, #tpu.memory_space<vmem>> -> memref<1x128xi32, #tpu.memory_space<vmem>>
        %dma_start3A_284 = tpu.memref_squeeze %dma_start3A_283 : memref<1x128xi32, #tpu.memory_space<vmem>> -> memref<128xi32, #tpu.memory_space<vmem>>
        %dma_start3A_285 = arith.constant 0 : i32
        %dma_start3A_286 = arith.constant 0 : i32
        %dma_start3A_287 = tpu.memref_slice %arg12[%dma_start3A_285, %dma_start3A_286] : memref<10112x64xf32, #tpu.memory_space<vmem_shared>> -> memref<10112x64xf32, #tpu.memory_space<vmem_shared>>
        tpu.enqueue_indirect_dma source(%arg9 : memref<128x64xf32, #tpu.memory_space<vmem>>) target(%dma_start3A_287 : memref<10112x64xf32, #tpu.memory_space<vmem_shared>>) offsets(%dma_start3A_284 : memref<128xi32, #tpu.memory_space<vmem>>) semaphore(%run_scoped3A_281 : memref<!tpu.dma_semaphore, #tpu.memory_space<semaphore_mem>>) {add = true}
        %dma_wait3A_288 = arith.constant 0 : i32
        %dma_wait3A_289 = tpu.memref_slice %arg8[%run_scoped3A_272, %dma_wait3A_288] : memref<16x128xi32, #tpu.memory_space<vmem>> -> memref<1x128xi32, #tpu.memory_space<vmem>>
        %dma_wait3A_290 = tpu.memref_squeeze %dma_wait3A_289 : memref<1x128xi32, #tpu.memory_space<vmem>> -> memref<128xi32, #tpu.memory_space<vmem>>
        %dma_wait3A_291 = arith.constant 0 : i32
        %dma_wait3A_292 = arith.constant 0 : i32
        %dma_wait3A_293 = tpu.memref_slice %arg12[%dma_wait3A_291, %dma_wait3A_292] : memref<10112x64xf32, #tpu.memory_space<vmem_shared>> -> memref<10112x64xf32, #tpu.memory_space<vmem_shared>>
        tpu.wait_indirect_dma semaphore(%run_scoped3A_281 : memref<!tpu.dma_semaphore, #tpu.memory_space<semaphore_mem>>) src(%arg9 : memref<128x64xf32, #tpu.memory_space<vmem>>) dst(%dma_wait3A_293 : memref<10112x64xf32, #tpu.memory_space<vmem_shared>>)
        tpu.yield
      }) : () -> ()
      %dma_wait3A_273 = arith.constant 15 : i32
      %dma_wait3A_274 = arith.constant 0 : i32
      %dma_wait3A_275 = tpu.memref_slice %arg7[%dma_wait3A_273, %dma_wait3A_274] : memref<16x128xi32, #tpu.memory_space<vmem>> -> memref<1x128xi32, #tpu.memory_space<vmem>>
      %dma_wait3A_276 = tpu.memref_squeeze %dma_wait3A_275 : memref<1x128xi32, #tpu.memory_space<vmem>> -> memref<128xi32, #tpu.memory_space<vmem>>
      %dma_wait3A_277 = arith.constant 0 : i32
      %dma_wait3A_278 = arith.constant 0 : i32
      %dma_wait3A_279 = tpu.memref_slice %arg11[%dma_wait3A_277, %dma_wait3A_278] : memref<10000x64xf32, #tpu.memory_space<vmem_shared>> -> memref<10000x64xf32, #tpu.memory_space<vmem_shared>>
      tpu.wait_indirect_dma semaphore(%arg14 : memref<!tpu.dma_semaphore, #tpu.memory_space<semaphore_mem>>) src(%dma_wait3A_279 : memref<10000x64xf32, #tpu.memory_space<vmem_shared>>) dst(%arg10 : memref<128x64xf32, #tpu.memory_space<vmem>>)
      %run_scoped3A_280 = arith.constant 15 : i32
      "tpu.region"() ({
        %run_scoped3A_281 = tpu.sem_alloc : memref<!tpu.dma_semaphore, #tpu.memory_space<semaphore_mem>>
        %dma_start3A_282 = arith.constant 0 : i32
        %dma_start3A_283 = tpu.memref_slice %arg8[%run_scoped3A_280, %dma_start3A_282] : memref<16x128xi32, #tpu.memory_space<vmem>> -> memref<1x128xi32, #tpu.memory_space<vmem>>
        %dma_start3A_284 = tpu.memref_squeeze %dma_start3A_283 : memref<1x128xi32, #tpu.memory_space<vmem>> -> memref<128xi32, #tpu.memory_space<vmem>>
        %dma_start3A_285 = arith.constant 0 : i32
        %dma_start3A_286 = arith.constant 0 : i32
        %dma_start3A_287 = tpu.memref_slice %arg12[%dma_start3A_285, %dma_start3A_286] : memref<10112x64xf32, #tpu.memory_space<vmem_shared>> -> memref<10112x64xf32, #tpu.memory_space<vmem_shared>>
        tpu.enqueue_indirect_dma source(%arg10 : memref<128x64xf32, #tpu.memory_space<vmem>>) target(%dma_start3A_287 : memref<10112x64xf32, #tpu.memory_space<vmem_shared>>) offsets(%dma_start3A_284 : memref<128xi32, #tpu.memory_space<vmem>>) semaphore(%run_scoped3A_281 : memref<!tpu.dma_semaphore, #tpu.memory_space<semaphore_mem>>) {add = true}
        %dma_wait3A_288 = arith.constant 0 : i32
        %dma_wait3A_289 = tpu.memref_slice %arg8[%run_scoped3A_280, %dma_wait3A_288] : memref<16x128xi32, #tpu.memory_space<vmem>> -> memref<1x128xi32, #tpu.memory_space<vmem>>
        %dma_wait3A_290 = tpu.memref_squeeze %dma_wait3A_289 : memref<1x128xi32, #tpu.memory_space<vmem>> -> memref<128xi32, #tpu.memory_space<vmem>>
        %dma_wait3A_291 = arith.constant 0 : i32
        %dma_wait3A_292 = arith.constant 0 : i32
        %dma_wait3A_293 = tpu.memref_slice %arg12[%dma_wait3A_291, %dma_wait3A_292] : memref<10112x64xf32, #tpu.memory_space<vmem_shared>> -> memref<10112x64xf32, #tpu.memory_space<vmem_shared>>
        tpu.wait_indirect_dma semaphore(%run_scoped3A_281 : memref<!tpu.dma_semaphore, #tpu.memory_space<semaphore_mem>>) src(%arg10 : memref<128x64xf32, #tpu.memory_space<vmem>>) dst(%dma_wait3A_293 : memref<10112x64xf32, #tpu.memory_space<vmem_shared>>)
        tpu.yield
      }) : () -> ()
    }
    %scan3A_31 = arith.constant 5 : i32
    %barrier3A_32 = arith.constant 0 : index
    tpu.barrier barrier_id(%barrier3A_32)
    %mul3A_33 = arith.constant 632 : i32
    %mul3A_34 = arith.muli %arg1, %mul3A_33 : i32
    %mul3A_35 = arith.constant 632 : i32
    %mul3A_36 = arith.muli %arg1, %mul3A_35 : i32
    %run_scoped3A_37 = arith.constant 1 : i32
    "tpu.region"() ({
      %run_scoped3A_38 = tpu.sem_alloc : memref<!tpu.dma_semaphore, #tpu.memory_space<semaphore_mem>>
      %dma_start3A = arith.constant 0 : i32
      %dma_start3A_39 = arith.constant 0 : i32
      %dma_start3A_40 = arith.constant 0 : i32
      %dma_start3A_41 = tpu.memref_slice %arg6[%run_scoped3A_37, %dma_start3A, %dma_start3A_39, %dma_start3A_40] : memref<2x2x10112x64xf32, #tpu.memory_space<hbm>> -> memref<1x2x10112x64xf32, #tpu.memory_space<hbm>>
      %dma_start3A_42 = tpu.memref_squeeze %dma_start3A_41 : memref<1x2x10112x64xf32, #tpu.memory_space<hbm>> -> memref<2x10112x64xf32, #tpu.memory_space<hbm>>
      %dma_start3A_43 = arith.constant 0 : i32
      %dma_start3A_44 = arith.constant 0 : i32
      %dma_start3A_45 = tpu.memref_slice %dma_start3A_42[%arg0, %dma_start3A_43, %dma_start3A_44] : memref<2x10112x64xf32, #tpu.memory_space<hbm>> -> memref<1x10112x64xf32, #tpu.memory_space<hbm>>
      %dma_start3A_46 = tpu.memref_squeeze %dma_start3A_45 : memref<1x10112x64xf32, #tpu.memory_space<hbm>> -> memref<10112x64xf32, #tpu.memory_space<hbm>>
      %dma_start3A_47 = arith.constant 0 : i32
      %dma_start3A_48 = tpu.memref_slice %dma_start3A_46[%mul3A_36, %dma_start3A_47] : memref<10112x64xf32, #tpu.memory_space<hbm>> -> memref<632x64xf32, #tpu.memory_space<hbm>>
      %dma_start3A_49 = arith.constant 0 : i32
      %dma_start3A_50 = tpu.memref_slice %arg12[%mul3A_34, %dma_start3A_49] : memref<10112x64xf32, #tpu.memory_space<vmem_shared>> -> memref<632x64xf32, #tpu.memory_space<vmem_shared>>
      tpu.enqueue_dma source(%dma_start3A_50 : memref<632x64xf32, #tpu.memory_space<vmem_shared>>) target(%dma_start3A_48 : memref<632x64xf32, #tpu.memory_space<hbm>>) target_semaphore(%run_scoped3A_38 : memref<!tpu.dma_semaphore, #tpu.memory_space<semaphore_mem>>)
      %dma_wait3A = arith.constant 0 : i32
      %dma_wait3A_51 = arith.constant 0 : i32
      %dma_wait3A_52 = arith.constant 0 : i32
      %dma_wait3A_53 = tpu.memref_slice %arg6[%run_scoped3A_37, %dma_wait3A, %dma_wait3A_51, %dma_wait3A_52] : memref<2x2x10112x64xf32, #tpu.memory_space<hbm>> -> memref<1x2x10112x64xf32, #tpu.memory_space<hbm>>
      %dma_wait3A_54 = tpu.memref_squeeze %dma_wait3A_53 : memref<1x2x10112x64xf32, #tpu.memory_space<hbm>> -> memref<2x10112x64xf32, #tpu.memory_space<hbm>>
      %dma_wait3A_55 = arith.constant 0 : i32
      %dma_wait3A_56 = arith.constant 0 : i32
      %dma_wait3A_57 = tpu.memref_slice %dma_wait3A_54[%arg0, %dma_wait3A_55, %dma_wait3A_56] : memref<2x10112x64xf32, #tpu.memory_space<hbm>> -> memref<1x10112x64xf32, #tpu.memory_space<hbm>>
      %dma_wait3A_58 = tpu.memref_squeeze %dma_wait3A_57 : memref<1x10112x64xf32, #tpu.memory_space<hbm>> -> memref<10112x64xf32, #tpu.memory_space<hbm>>
      %dma_wait3A_59 = arith.constant 0 : i32
      %dma_wait3A_60 = tpu.memref_slice %dma_wait3A_58[%mul3A_36, %dma_wait3A_59] : memref<10112x64xf32, #tpu.memory_space<hbm>> -> memref<632x64xf32, #tpu.memory_space<hbm>>
      %dma_wait3A_61 = arith.constant 0 : i32
      %dma_wait3A_62 = tpu.memref_slice %arg12[%mul3A_34, %dma_wait3A_61] : memref<10112x64xf32, #tpu.memory_space<vmem_shared>> -> memref<632x64xf32, #tpu.memory_space<vmem_shared>>
      tpu.wait_dma2 semaphore(%run_scoped3A_38 : memref<!tpu.dma_semaphore, #tpu.memory_space<semaphore_mem>>) src(%dma_wait3A_62 : memref<632x64xf32, #tpu.memory_space<vmem_shared>>) dst(%dma_wait3A_60 : memref<632x64xf32, #tpu.memory_space<hbm>>)
      tpu.yield
    }) : () -> ()
    return
  }
}

module attributes {stable_mosaic.version = 14 : i64} {
  func.func @_dense1_body(%arg0: i32, %arg1: memref<2000x128xf32, #tpu.memory_space<vmem>>, %arg2: memref<1x1x2000x72xf32, #tpu.memory_space<vmem>>, %arg3: memref<1x1x2000x72xf32, #tpu.memory_space<vmem>>, %arg4: memref<1x1x2000x72xf32, #tpu.memory_space<vmem>>, %arg5: memref<1x1x2000x72xf32, #tpu.memory_space<vmem>>, %arg6: memref<128x256xf32, #tpu.memory_space<vmem>>, %arg7: memref<72x256xf32, #tpu.memory_space<vmem>>, %arg8: memref<72x256xf32, #tpu.memory_space<vmem>>, %arg9: memref<1x256xf32, #tpu.memory_space<vmem>>, %arg10: memref<256x128xf32, #tpu.memory_space<vmem>>, %arg11: memref<256x128xf32, #tpu.memory_space<vmem>>, %arg12: memref<1x128xf32, #tpu.memory_space<vmem>>, %arg13: memref<2x2000x64xf32, #tpu.memory_space<vmem>>, %arg14: memref<2000x128xf32, #tpu.memory_space<vmem>>, %arg15: memref<2000x8xf32, #tpu.memory_space<vmem>>) attributes {dimension_semantics = [#tpu.dimension_semantics<arbitrary>], iteration_bounds = array<i64: 5>, scalar_prefetch = 0 : i64, scratch_operands = 0 : i64, tpu.core_type = #tpu.core_type<tc>, window_params = [{transform_indices = @transform_0, window_bounds = array<i64: 2000, 128>}, {transform_indices = @transform_1, window_bounds = array<i64: 1, 1, 2000, 72>}, {transform_indices = @transform_2, window_bounds = array<i64: 1, 1, 2000, 72>}, {transform_indices = @transform_3, window_bounds = array<i64: 1, 1, 2000, 72>}, {transform_indices = @transform_4, window_bounds = array<i64: 1, 1, 2000, 72>}, {pipeline_mode = #tpu.pipeline_mode<synchronous>, transform_indices = @transform_5, window_bounds = array<i64: 128, 256>}, {pipeline_mode = #tpu.pipeline_mode<synchronous>, transform_indices = @transform_6, window_bounds = array<i64: 72, 256>}, {pipeline_mode = #tpu.pipeline_mode<synchronous>, transform_indices = @transform_7, window_bounds = array<i64: 72, 256>}, {pipeline_mode = #tpu.pipeline_mode<synchronous>, transform_indices = @transform_8, window_bounds = array<i64: 1, 256>}, {pipeline_mode = #tpu.pipeline_mode<synchronous>, transform_indices = @transform_9, window_bounds = array<i64: 256, 128>}, {pipeline_mode = #tpu.pipeline_mode<synchronous>, transform_indices = @transform_10, window_bounds = array<i64: 256, 128>}, {pipeline_mode = #tpu.pipeline_mode<synchronous>, transform_indices = @transform_11, window_bounds = array<i64: 1, 128>}, {transform_indices = @transform_12, window_bounds = array<i64: 2, 2000, 64>}, {transform_indices = @transform_13, window_bounds = array<i64: 2000, 128>}, {transform_indices = @transform_14, window_bounds = array<i64: 2000, 8>}]} {
    %get3A = arith.constant 0 : index
    %get3A_0 = arith.constant 0 : index
    %get3A_1 = vector.load %arg1[%get3A, %get3A_0] : memref<2000x128xf32, #tpu.memory_space<vmem>>, vector<2000x128xf32>
    %get3A_2 = arith.constant 0 : index
    %get3A_3 = arith.constant 0 : index
    %get3A_4 = arith.constant 0 : index
    %get3A_5 = arith.constant 0 : index
    %get3A_6 = vector.load %arg2[%get3A_2, %get3A_3, %get3A_4, %get3A_5] : memref<1x1x2000x72xf32, #tpu.memory_space<vmem>>, vector<1x1x2000x72xf32>
    %get3A_7 = vector.shape_cast %get3A_6 : vector<1x1x2000x72xf32> to vector<2000x72xf32>
    %get3A_8 = arith.constant 0 : index
    %get3A_9 = arith.constant 0 : index
    %get3A_10 = arith.constant 0 : index
    %get3A_11 = arith.constant 0 : index
    %get3A_12 = vector.load %arg3[%get3A_8, %get3A_9, %get3A_10, %get3A_11] : memref<1x1x2000x72xf32, #tpu.memory_space<vmem>>, vector<1x1x2000x72xf32>
    %get3A_13 = vector.shape_cast %get3A_12 : vector<1x1x2000x72xf32> to vector<2000x72xf32>
    %add3A = arith.addf %get3A_7, %get3A_13 : vector<2000x72xf32>
    %get3A_14 = arith.constant 0 : index
    %get3A_15 = arith.constant 0 : index
    %get3A_16 = arith.constant 0 : index
    %get3A_17 = arith.constant 0 : index
    %get3A_18 = vector.load %arg4[%get3A_14, %get3A_15, %get3A_16, %get3A_17] : memref<1x1x2000x72xf32, #tpu.memory_space<vmem>>, vector<1x1x2000x72xf32>
    %get3A_19 = vector.shape_cast %get3A_18 : vector<1x1x2000x72xf32> to vector<2000x72xf32>
    %get3A_20 = arith.constant 0 : index
    %get3A_21 = arith.constant 0 : index
    %get3A_22 = arith.constant 0 : index
    %get3A_23 = arith.constant 0 : index
    %get3A_24 = vector.load %arg5[%get3A_20, %get3A_21, %get3A_22, %get3A_23] : memref<1x1x2000x72xf32, #tpu.memory_space<vmem>>, vector<1x1x2000x72xf32>
    %get3A_25 = vector.shape_cast %get3A_24 : vector<1x1x2000x72xf32> to vector<2000x72xf32>
    %add3A_26 = arith.addf %get3A_19, %get3A_25 : vector<2000x72xf32>
    %iota3A = tpu.iota {dimensions = array<i32: 1>} : vector<2000x72xi32>
    %eq3A = arith.constant 56 : i32
    %eq3A_27 = vector.broadcast %eq3A : i32 to vector<2000x72xi32>
    %eq3A_28 = arith.cmpi eq, %iota3A, %eq3A_27 : vector<2000x72xi32>
    %jit3A = arith.constant 0.000000e+00 : f32
    %broadcast_in_dim3A = vector.broadcast %jit3A : f32 to vector<2000x72xf32>
    %select_n3A = arith.select %eq3A_28, %add3A_26, %broadcast_in_dim3A : vector<2000x72xi1>, vector<2000x72xf32>
    %reduce_sum3A = arith.constant dense<0.000000e+00> : vector<2000xf32>
    %reduce_sum3A_29 = vector.multi_reduction <add>, %select_n3A, %reduce_sum3A [1] : vector<2000x72xf32> to vector<2000xf32>
    %broadcast_in_dim3A_30 = vector.shape_cast %reduce_sum3A_29 : vector<2000xf32> to vector<2000x1xf32>
    %max3A = arith.constant 1.000000e+00 : f32
    %max3A_31 = vector.broadcast %max3A : f32 to vector<2000x1xf32>
    %max3A_32 = arith.maximumf %broadcast_in_dim3A_30, %max3A_31 : vector<2000x1xf32>
    %get3A_33 = arith.constant 0 : index
    %get3A_34 = arith.constant 0 : index
    %get3A_35 = vector.load %arg7[%get3A_33, %get3A_34] : memref<72x256xf32, #tpu.memory_space<vmem>>, vector<72x256xf32>
    %dot_general3A = arith.constant dense<0.000000e+00> : vector<2000x256xf32>
    %dot_general3A_36 = tpu.matmul %add3A, %get3A_35, %dot_general3A {dimension_numbers = #tpu.dot_dimension_numbers<[1], [0], [0], [1], [0, 0, 1, 1], [], []>, transpose_lhs_hint = false} : vector<2000x72xf32>, vector<72x256xf32>, vector<2000x256xf32> -> vector<2000x256xf32>
    %get3A_37 = arith.constant 0 : index
    %get3A_38 = arith.constant 0 : index
    %get3A_39 = vector.load %arg8[%get3A_37, %get3A_38] : memref<72x256xf32, #tpu.memory_space<vmem>>, vector<72x256xf32>
    %dot_general3A_40 = arith.constant dense<0.000000e+00> : vector<2000x256xf32>
    %dot_general3A_41 = tpu.matmul %add3A_26, %get3A_39, %dot_general3A_40 {dimension_numbers = #tpu.dot_dimension_numbers<[1], [0], [0], [1], [0, 0, 1, 1], [], []>, transpose_lhs_hint = false} : vector<2000x72xf32>, vector<72x256xf32>, vector<2000x256xf32> -> vector<2000x256xf32>
    %add3A_42 = arith.addf %dot_general3A_36, %dot_general3A_41 : vector<2000x256xf32>
    %get3A_43 = arith.constant 0 : index
    %get3A_44 = arith.constant 0 : index
    %get3A_45 = vector.load %arg6[%get3A_43, %get3A_44] : memref<128x256xf32, #tpu.memory_space<vmem>>, vector<128x256xf32>
    %dot_general3A_46 = arith.constant dense<0.000000e+00> : vector<2000x256xf32>
    %dot_general3A_47 = tpu.matmul %get3A_1, %get3A_45, %dot_general3A_46 {dimension_numbers = #tpu.dot_dimension_numbers<[1], [0], [0], [1], [0, 0, 1, 1], [], []>, transpose_lhs_hint = false} : vector<2000x128xf32>, vector<128x256xf32>, vector<2000x256xf32> -> vector<2000x256xf32>
    %div3A = vector.broadcast %max3A_32 : vector<2000x1xf32> to vector<2000x256xf32>
    %div3A_48 = arith.divf %add3A_42, %div3A : vector<2000x256xf32>
    %add3A_49 = arith.addf %dot_general3A_47, %div3A_48 : vector<2000x256xf32>
    %get3A_50 = arith.constant 0 : index
    %get3A_51 = arith.constant 0 : index
    %get3A_52 = vector.load %arg9[%get3A_50, %get3A_51] : memref<1x256xf32, #tpu.memory_space<vmem>>, vector<1x256xf32>
    %add3A_53 = vector.broadcast %get3A_52 : vector<1x256xf32> to vector<2000x256xf32>
    %add3A_54 = arith.addf %add3A_49, %add3A_53 : vector<2000x256xf32>
    %max3A_55 = arith.constant 0.000000e+00 : f32
    %max3A_56 = vector.broadcast %max3A_55 : f32 to vector<2000x256xf32>
    %max3A_57 = arith.maximumf %add3A_54, %max3A_56 : vector<2000x256xf32>
    %mul3A = arith.mulf %max3A_57, %max3A_57 : vector<2000x256xf32>
    %reduce_sum3A_58 = arith.constant dense<0.000000e+00> : vector<2000xf32>
    %reduce_sum3A_59 = vector.multi_reduction <add>, %mul3A, %reduce_sum3A_58 [1] : vector<2000x256xf32> to vector<2000xf32>
    %broadcast_in_dim3A_60 = vector.shape_cast %reduce_sum3A_59 : vector<2000xf32> to vector<2000x1xf32>
    %add3A_61 = arith.constant 1.000000e+00 : f32
    %add3A_62 = vector.broadcast %add3A_61 : f32 to vector<2000x1xf32>
    %add3A_63 = arith.addf %broadcast_in_dim3A_60, %add3A_62 : vector<2000x1xf32>
    %sqrt3A = math.sqrt %add3A_63 : vector<2000x1xf32>
    %add3A_64 = arith.constant 9.99999993E-9 : f32
    %add3A_65 = vector.broadcast %add3A_64 : f32 to vector<2000x1xf32>
    %add3A_66 = arith.addf %sqrt3A, %add3A_65 : vector<2000x1xf32>
    %div3A_67 = arith.constant 1.000000e+00 : f32
    %div3A_68 = vector.broadcast %div3A_67 : f32 to vector<2000x1xf32>
    %div3A_69 = arith.divf %div3A_68, %add3A_66 : vector<2000x1xf32>
    %mul3A_70 = vector.broadcast %div3A_69 : vector<2000x1xf32> to vector<2000x256xf32>
    %mul3A_71 = arith.mulf %max3A_57, %mul3A_70 : vector<2000x256xf32>
    %get3A_72 = arith.constant 0 : index
    %get3A_73 = arith.constant 0 : index
    %get3A_74 = vector.load %arg11[%get3A_72, %get3A_73] : memref<256x128xf32, #tpu.memory_space<vmem>>, vector<256x128xf32>
    %dot_general3A_75 = arith.constant dense<0.000000e+00> : vector<2000x128xf32>
    %dot_general3A_76 = tpu.matmul %mul3A_71, %get3A_74, %dot_general3A_75 {dimension_numbers = #tpu.dot_dimension_numbers<[1], [0], [0], [1], [0, 0, 1, 1], [], []>, transpose_lhs_hint = false} : vector<2000x256xf32>, vector<256x128xf32>, vector<2000x128xf32> -> vector<2000x128xf32>
    %slice3A = vector.extract_strided_slice %dot_general3A_76 {offsets = [0, 0], sizes = [2000, 64], strides = [1, 1]} : vector<2000x128xf32> to vector<2000x64xf32>
    %swap3A = arith.constant 0 : index
    %swap3A_77 = arith.constant 0 : index
    %swap3A_78 = arith.constant 0 : index
    %swap3A_79 = vector.load %arg13[%swap3A, %swap3A_77, %swap3A_78] : memref<2x2000x64xf32, #tpu.memory_space<vmem>>, vector<1x2000x64xf32>
    %swap3A_80 = vector.shape_cast %swap3A_79 : vector<1x2000x64xf32> to vector<2000x64xf32>
    %swap3A_81 = vector.shape_cast %slice3A : vector<2000x64xf32> to vector<1x2000x64xf32>
    tpu.vector_store %arg13[%swap3A, %swap3A_77, %swap3A_78], %swap3A_81 {strides = array<i32>} : memref<2x2000x64xf32, #tpu.memory_space<vmem>>, vector<1x2000x64xf32>,
    %slice3A_82 = vector.extract_strided_slice %dot_general3A_76 {offsets = [0, 64], sizes = [2000, 64], strides = [1, 1]} : vector<2000x128xf32> to vector<2000x64xf32>
    %swap3A_83 = arith.constant 1 : index
    %swap3A_84 = arith.constant 0 : index
    %swap3A_85 = arith.constant 0 : index
    %swap3A_86 = vector.load %arg13[%swap3A_83, %swap3A_84, %swap3A_85] : memref<2x2000x64xf32, #tpu.memory_space<vmem>>, vector<1x2000x64xf32>
    %swap3A_87 = vector.shape_cast %swap3A_86 : vector<1x2000x64xf32> to vector<2000x64xf32>
    %swap3A_88 = vector.shape_cast %slice3A_82 : vector<2000x64xf32> to vector<1x2000x64xf32>
    tpu.vector_store %arg13[%swap3A_83, %swap3A_84, %swap3A_85], %swap3A_88 {strides = array<i32>} : memref<2x2000x64xf32, #tpu.memory_space<vmem>>, vector<1x2000x64xf32>,
    %get3A_89 = arith.constant 0 : index
    %get3A_90 = arith.constant 0 : index
    %get3A_91 = vector.load %arg10[%get3A_89, %get3A_90] : memref<256x128xf32, #tpu.memory_space<vmem>>, vector<256x128xf32>
    %dot_general3A_92 = arith.constant dense<0.000000e+00> : vector<2000x128xf32>
    %dot_general3A_93 = tpu.matmul %mul3A_71, %get3A_91, %dot_general3A_92 {dimension_numbers = #tpu.dot_dimension_numbers<[1], [0], [0], [1], [0, 0, 1, 1], [], []>, transpose_lhs_hint = false} : vector<2000x256xf32>, vector<256x128xf32>, vector<2000x128xf32> -> vector<2000x128xf32>
    %get3A_94 = arith.constant 0 : index
    %get3A_95 = arith.constant 0 : index
    %get3A_96 = vector.load %arg12[%get3A_94, %get3A_95] : memref<1x128xf32, #tpu.memory_space<vmem>>, vector<1x128xf32>
    %add3A_97 = vector.broadcast %get3A_96 : vector<1x128xf32> to vector<2000x128xf32>
    %add3A_98 = arith.addf %dot_general3A_93, %add3A_97 : vector<2000x128xf32>
    %swap3A_99 = arith.constant 0 : index
    %swap3A_100 = arith.constant 0 : index
    %swap3A_101 = vector.load %arg14[%swap3A_99, %swap3A_100] : memref<2000x128xf32, #tpu.memory_space<vmem>>, vector<2000x128xf32>
    tpu.vector_store %arg14[%swap3A_99, %swap3A_100], %add3A_98 {strides = array<i32>} : memref<2000x128xf32, #tpu.memory_space<vmem>>, vector<2000x128xf32>,
    %div3A_102 = arith.constant 1.000000e+00 : f32
    %div3A_103 = vector.broadcast %div3A_102 : f32 to vector<2000x1xf32>
    %div3A_104 = arith.divf %div3A_103, %max3A_32 : vector<2000x1xf32>
    %broadcast_in_dim3A_105 = vector.shape_cast %div3A_104 : vector<2000x1xf32> to vector<2000x1xf32>
    %broadcast_in_dim3A_106 = vector.broadcast %broadcast_in_dim3A_105 : vector<2000x1xf32> to vector<2000x8xf32>
    %swap3A_107 = arith.constant 0 : index
    %swap3A_108 = arith.constant 0 : index
    %swap3A_109 = vector.load %arg15[%swap3A_107, %swap3A_108] : memref<2000x8xf32, #tpu.memory_space<vmem>>, vector<2000x8xf32>
    tpu.vector_store %arg15[%swap3A_107, %swap3A_108], %broadcast_in_dim3A_106 {strides = array<i32>} : memref<2000x8xf32, #tpu.memory_space<vmem>>, vector<2000x8xf32>,
    return
  }
  func.func @transform_0(%arg0: i32) -> (i32, i32) {
    %c0_i32 = arith.constant 0 : i32
    %c0_i32_0 = arith.constant 0 : i32
    return %arg0, %c0_i32 : i32, i32
  }
  func.func @transform_1(%arg0: i32) -> (i32, i32, i32, i32) {
    %c0_i32 = arith.constant 0 : i32
    %c0_i32_0 = arith.constant 0 : i32
    %c0_i32_1 = arith.constant 0 : i32
    %c0_i32_2 = arith.constant 0 : i32
    return %c0_i32, %c0_i32_0, %arg0, %c0_i32_1 : i32, i32, i32, i32
  }
  func.func @transform_2(%arg0: i32) -> (i32, i32, i32, i32) {
    %c0_i32 = arith.constant 0 : i32
    %c1_i32 = arith.constant 1 : i32
    %c0_i32_0 = arith.constant 0 : i32
    %c0_i32_1 = arith.constant 0 : i32
    return %c0_i32, %c1_i32, %arg0, %c0_i32_0 : i32, i32, i32, i32
  }
  func.func @transform_3(%arg0: i32) -> (i32, i32, i32, i32) {
    %c1_i32 = arith.constant 1 : i32
    %c0_i32 = arith.constant 0 : i32
    %c0_i32_0 = arith.constant 0 : i32
    %c0_i32_1 = arith.constant 0 : i32
    return %c1_i32, %c0_i32, %arg0, %c0_i32_0 : i32, i32, i32, i32
  }
  func.func @transform_4(%arg0: i32) -> (i32, i32, i32, i32) {
    %c1_i32 = arith.constant 1 : i32
    %c1_i32_0 = arith.constant 1 : i32
    %c0_i32 = arith.constant 0 : i32
    %c0_i32_1 = arith.constant 0 : i32
    return %c1_i32, %c1_i32_0, %arg0, %c0_i32 : i32, i32, i32, i32
  }
  func.func @transform_5(%arg0: i32) -> (i32, i32) {
    %c0_i32 = arith.constant 0 : i32
    %c0_i32_0 = arith.constant 0 : i32
    %c0_i32_1 = arith.constant 0 : i32
    return %c0_i32, %c0_i32_0 : i32, i32
  }
  func.func @transform_6(%arg0: i32) -> (i32, i32) {
    %c0_i32 = arith.constant 0 : i32
    %c0_i32_0 = arith.constant 0 : i32
    %c0_i32_1 = arith.constant 0 : i32
    return %c0_i32, %c0_i32_0 : i32, i32
  }
  func.func @transform_7(%arg0: i32) -> (i32, i32) {
    %c0_i32 = arith.constant 0 : i32
    %c0_i32_0 = arith.constant 0 : i32
    %c0_i32_1 = arith.constant 0 : i32
    return %c0_i32, %c0_i32_0 : i32, i32
  }
  func.func @transform_8(%arg0: i32) -> (i32, i32) {
    %c0_i32 = arith.constant 0 : i32
    %c0_i32_0 = arith.constant 0 : i32
    %c0_i32_1 = arith.constant 0 : i32
    return %c0_i32, %c0_i32_0 : i32, i32
  }
  func.func @transform_9(%arg0: i32) -> (i32, i32) {
    %c0_i32 = arith.constant 0 : i32
    %c0_i32_0 = arith.constant 0 : i32
    %c0_i32_1 = arith.constant 0 : i32
    return %c0_i32, %c0_i32_0 : i32, i32
  }
  func.func @transform_10(%arg0: i32) -> (i32, i32) {
    %c0_i32 = arith.constant 0 : i32
    %c0_i32_0 = arith.constant 0 : i32
    %c0_i32_1 = arith.constant 0 : i32
    return %c0_i32, %c0_i32_0 : i32, i32
  }
  func.func @transform_11(%arg0: i32) -> (i32, i32) {
    %c0_i32 = arith.constant 0 : i32
    %c0_i32_0 = arith.constant 0 : i32
    %c0_i32_1 = arith.constant 0 : i32
    return %c0_i32, %c0_i32_0 : i32, i32
  }
  func.func @transform_12(%arg0: i32) -> (i32, i32, i32) {
    %c0_i32 = arith.constant 0 : i32
    %c0_i32_0 = arith.constant 0 : i32
    %c0_i32_1 = arith.constant 0 : i32
    return %c0_i32, %arg0, %c0_i32_0 : i32, i32, i32
  }
  func.func @transform_13(%arg0: i32) -> (i32, i32) {
    %c0_i32 = arith.constant 0 : i32
    %c0_i32_0 = arith.constant 0 : i32
    return %arg0, %c0_i32 : i32, i32
  }
  func.func @transform_14(%arg0: i32) -> (i32, i32) {
    %c0_i32 = arith.constant 0 : i32
    %c0_i32_0 = arith.constant 0 : i32
    return %arg0, %c0_i32 : i32, i32
  }
}

module attributes {stable_mosaic.version = 14 : i64} {
  func.func @_dense2_body(%arg0: i32, %arg1: memref<2000x128xf32, #tpu.memory_space<vmem>>, %arg2: memref<1x1x2000x64xf32, #tpu.memory_space<vmem>>, %arg3: memref<1x1x2000x64xf32, #tpu.memory_space<vmem>>, %arg4: memref<1x1x2000x64xf32, #tpu.memory_space<vmem>>, %arg5: memref<1x1x2000x64xf32, #tpu.memory_space<vmem>>, %arg6: memref<2000x8xf32, #tpu.memory_space<vmem>>, %arg7: memref<2000x128xf32, #tpu.memory_space<vmem>>) attributes {dimension_semantics = [#tpu.dimension_semantics<arbitrary>], iteration_bounds = array<i64: 5>, scalar_prefetch = 0 : i64, scratch_operands = 0 : i64, tpu.core_type = #tpu.core_type<tc>, window_params = [{transform_indices = @transform_0, window_bounds = array<i64: 2000, 128>}, {transform_indices = @transform_1, window_bounds = array<i64: 1, 1, 2000, 64>}, {transform_indices = @transform_2, window_bounds = array<i64: 1, 1, 2000, 64>}, {transform_indices = @transform_3, window_bounds = array<i64: 1, 1, 2000, 64>}, {transform_indices = @transform_4, window_bounds = array<i64: 1, 1, 2000, 64>}, {transform_indices = @transform_5, window_bounds = array<i64: 2000, 8>}, {transform_indices = @transform_6, window_bounds = array<i64: 2000, 128>}]} {
    %get3A = arith.constant 0 : index
    %get3A_0 = arith.constant 0 : index
    %get3A_1 = vector.load %arg6[%get3A, %get3A_0] : memref<2000x8xf32, #tpu.memory_space<vmem>>, vector<2000x8xf32>
    %slice3A = vector.extract_strided_slice %get3A_1 {offsets = [0, 0], sizes = [2000, 1], strides = [1, 1]} : vector<2000x8xf32> to vector<2000x1xf32>
    %get3A_2 = arith.constant 0 : index
    %get3A_3 = arith.constant 0 : index
    %get3A_4 = arith.constant 0 : index
    %get3A_5 = arith.constant 0 : index
    %get3A_6 = vector.load %arg2[%get3A_2, %get3A_3, %get3A_4, %get3A_5] : memref<1x1x2000x64xf32, #tpu.memory_space<vmem>>, vector<1x1x2000x64xf32>
    %get3A_7 = vector.shape_cast %get3A_6 : vector<1x1x2000x64xf32> to vector<2000x64xf32>
    %get3A_8 = arith.constant 0 : index
    %get3A_9 = arith.constant 0 : index
    %get3A_10 = arith.constant 0 : index
    %get3A_11 = arith.constant 0 : index
    %get3A_12 = vector.load %arg3[%get3A_8, %get3A_9, %get3A_10, %get3A_11] : memref<1x1x2000x64xf32, #tpu.memory_space<vmem>>, vector<1x1x2000x64xf32>
    %get3A_13 = vector.shape_cast %get3A_12 : vector<1x1x2000x64xf32> to vector<2000x64xf32>
    %add3A = arith.addf %get3A_7, %get3A_13 : vector<2000x64xf32>
    %get3A_14 = arith.constant 0 : index
    %get3A_15 = arith.constant 0 : index
    %get3A_16 = arith.constant 0 : index
    %get3A_17 = arith.constant 0 : index
    %get3A_18 = vector.load %arg4[%get3A_14, %get3A_15, %get3A_16, %get3A_17] : memref<1x1x2000x64xf32, #tpu.memory_space<vmem>>, vector<1x1x2000x64xf32>
    %get3A_19 = vector.shape_cast %get3A_18 : vector<1x1x2000x64xf32> to vector<2000x64xf32>
    %get3A_20 = arith.constant 0 : index
    %get3A_21 = arith.constant 0 : index
    %get3A_22 = arith.constant 0 : index
    %get3A_23 = arith.constant 0 : index
    %get3A_24 = vector.load %arg5[%get3A_20, %get3A_21, %get3A_22, %get3A_23] : memref<1x1x2000x64xf32, #tpu.memory_space<vmem>>, vector<1x1x2000x64xf32>
    %get3A_25 = vector.shape_cast %get3A_24 : vector<1x1x2000x64xf32> to vector<2000x64xf32>
    %add3A_26 = arith.addf %get3A_19, %get3A_25 : vector<2000x64xf32>
    %concatenate3A = tpu.concatenate %add3A, %add3A_26 in 1 : vector<2000x64xf32>, vector<2000x64xf32> -> vector<2000x128xf32>
    %get3A_27 = arith.constant 0 : index
    %get3A_28 = arith.constant 0 : index
    %get3A_29 = vector.load %arg1[%get3A_27, %get3A_28] : memref<2000x128xf32, #tpu.memory_space<vmem>>, vector<2000x128xf32>
    %mul3A = vector.broadcast %slice3A : vector<2000x1xf32> to vector<2000x128xf32>
    %mul3A_30 = arith.mulf %concatenate3A, %mul3A : vector<2000x128xf32>
    %add3A_31 = arith.addf %get3A_29, %mul3A_30 : vector<2000x128xf32>
    %swap3A = arith.constant 0 : index
    %swap3A_32 = arith.constant 0 : index
    %swap3A_33 = vector.load %arg7[%swap3A, %swap3A_32] : memref<2000x128xf32, #tpu.memory_space<vmem>>, vector<2000x128xf32>
    tpu.vector_store %arg7[%swap3A, %swap3A_32], %add3A_31 {strides = array<i32>} : memref<2000x128xf32, #tpu.memory_space<vmem>>, vector<2000x128xf32>,
    return
  }
  func.func @transform_0(%arg0: i32) -> (i32, i32) {
    %c0_i32 = arith.constant 0 : i32
    %c0_i32_0 = arith.constant 0 : i32
    return %arg0, %c0_i32 : i32, i32
  }
  func.func @transform_1(%arg0: i32) -> (i32, i32, i32, i32) {
    %c0_i32 = arith.constant 0 : i32
    %c0_i32_0 = arith.constant 0 : i32
    %c0_i32_1 = arith.constant 0 : i32
    %c0_i32_2 = arith.constant 0 : i32
    return %c0_i32, %c0_i32_0, %arg0, %c0_i32_1 : i32, i32, i32, i32
  }
  func.func @transform_2(%arg0: i32) -> (i32, i32, i32, i32) {
    %c0_i32 = arith.constant 0 : i32
    %c1_i32 = arith.constant 1 : i32
    %c0_i32_0 = arith.constant 0 : i32
    %c0_i32_1 = arith.constant 0 : i32
    return %c0_i32, %c1_i32, %arg0, %c0_i32_0 : i32, i32, i32, i32
  }
  func.func @transform_3(%arg0: i32) -> (i32, i32, i32, i32) {
    %c1_i32 = arith.constant 1 : i32
    %c0_i32 = arith.constant 0 : i32
    %c0_i32_0 = arith.constant 0 : i32
    %c0_i32_1 = arith.constant 0 : i32
    return %c1_i32, %c0_i32, %arg0, %c0_i32_0 : i32, i32, i32, i32
  }
  func.func @transform_4(%arg0: i32) -> (i32, i32, i32, i32) {
    %c1_i32 = arith.constant 1 : i32
    %c1_i32_0 = arith.constant 1 : i32
    %c0_i32 = arith.constant 0 : i32
    %c0_i32_1 = arith.constant 0 : i32
    return %c1_i32, %c1_i32_0, %arg0, %c0_i32 : i32, i32, i32, i32
  }
  func.func @transform_5(%arg0: i32) -> (i32, i32) {
    %c0_i32 = arith.constant 0 : i32
    %c0_i32_0 = arith.constant 0 : i32
    return %arg0, %c0_i32 : i32, i32
  }
  func.func @transform_6(%arg0: i32) -> (i32, i32) {
    %c0_i32 = arith.constant 0 : i32
    %c0_i32_0 = arith.constant 0 : i32
    return %arg0, %c0_i32 : i32, i32
  }
}

</mosaic_0001>

<sc_bundles>
// kernel: kernel.6.cloned.1.call-start
scs
__scs_entry_jumppad:
0x0: {  	(pc) =	sbr.rel $0x88, $3  }
0x1: {  	(tag) =	ssettag $0x0;
	lr =	simm.s32 $0x1  }
0x2: {  	[smem:$0x3F99] =	sst lr;
	_ =	strace $0xD0000000  }
0x3: {  	_ = 	snop  }
0x4: {  	_ = 	snop  }
0x5: {  	_ = 	snop  }
0x6: {  	_ = 	snop  }
0x7: {  	_ = 	snop  }
__scs_overlays_trampoline_lowered:
0x8: {  	[smem:$0x3FA8] =	sst s0  }
0x9: {  	[smem:$0x3FA9] =	sst s1  }
0xa: {  	[smem:$0x3FAA] =	sst s2  }
0xb: {  	[smem:$0x3FAB] =	sst s3  }
0xc: {  	[smem:$0x3FAC] =	sst s4  }
0xd: {  	[smem:$0x3FAD] =	sst s5  }
0xe: {  	[smem:$0x3FAE] =	sst s6  }
0xf: {  	[smem:$0x3FAF] =	sst s7  }
0x10: {  	[smem:$0x3FB0] =	sst s8  }
0x11: {  	[smem:$0x3FB1] =	sst s9;
	s0 =	simm.s32 @!p0 $0x0  }
0x12: {  	s1 =	sld [smem:$0x3F97];
	s0 =	simm.s32 @p0 $0x1  }
0x13: {  	[smem:$0x3FB2] =	sst s0;
	s0 =	simm.s32 @!p1 $0x0  }
0x14: {  	s2 =	sld [smem:$0x3F96];
	s0 =	simm.s32 @p1 $0x1  }
0x15: {  	[smem:$0x3FB3] =	sst s0;
	s0 =	simm.s32 @!p2 $0x0  }
0x16: {  	s3 =	sld [smem:$0x3FDB];
	s0 =	simm.s32 @p2 $0x1  }
0x17: {  	s4 =	simm.s32 $0x1BF5;
	[smem:$0x3FB5] =	sst s0  }
0x18: {  	s0 =	sld [smem:$0x3F98];
	_ =	swait.ge [sflag:s4], $0x0  }
0x19: {  	s7 =	sld [smem:$0x3F99]  }
0x1a: {  	s8 =	sadd.s32 $0xFFFFE003, lr  }
0x1b: {  	s9 =	sadd.s32 $0xFFFFFEF7, lr;
	s5 =	simm.s32 $0xFFFFFFFF;
	p2 =	slt.u32 s8, $0xFFFFF086  }
0x1c: {  	p1 =	slt.u32 s9, $0xF7A;
	s5 =	simm.s32 @!p2 $0x0  }
0x1d: {  	s5 =	simm.s32 @p1 $0x1;
	p0 =	seq.s32 s7, s2  }
0x1e: {  	s7 =	smul.u32 @!p0 $0xF7A, s2;
	p2 =	seq.s32 @!p0 s5, $0x0  }
0x1f: {  	s9 =	smul.u32 $0xF7A, s1;
	s8 =	simm.s32 @!p0 $0x1BF5;
	p2 =	por !p2, p0  }
0x20: {  	[sflag:s8] =	ssyncset.s32 @!p0 $0xFFFFF086;
	s6 =	sadd.s32 @!p0 s3, s7;
	s7 =	simm.s32 @!p0 $0x108  }
0x21: {  	s3 =	sadd.s32 s3, s9;
	s6 =	sadd.s32 @!p0 $0x88, s6;
	s7 =	simm.s32 @p2 $0x1082  }
0x22: {  	[simem:s7], [sflag:s8] =	dma.local @!p0 [hbm:s6], $0xF7A  }
0x23: {  	s9 =	sor.u32 $0xD0000000, s2;
	s6 =	simm.s32 $0x108;
	_ =	swait.ge @!p0 [sflag:s8], $0x0  }
0x24: {  	s3 =	sadd.s32 $0x88, s3;
	s6 =	simm.s32 @!p1 $0x1082;
	[sflag:s4] =	ssyncset.s32 $0xFFFFF086  }
0x25: {  	[simem:s6], [sflag:s4] =	dma.local [hbm:s3], $0xF7A  }
0x26: {  	[smem:$0x3F99] =	sst s1;
	(tag) =	ssettag s2;
	_ =	strace s9  }
0x27: {  	s1 =	sld [smem:$0x3FA9]  }
0x28: {  	s2 =	sld [smem:$0x3FAA]  }
0x29: {  	s4 =	sld [smem:$0x3FAC]  }
0x2a: {  	p0 =	seq.s32 s5, $0x0;
	s5 =	sld [smem:$0x3FAD]  }
0x2b: {  	s6 =	sld [smem:$0x3FAE]  }
0x2c: {  	s7 =	sld [smem:$0x3FAF]  }
0x2d: {  	s3 =	simm.s32 $0x108;
	s8 =	sld [smem:$0x3FB0]  }
0x2e: {  	s3 =	simm.s32 @!p0 $0x1082;
	s9 =	sld [smem:$0x3FB1]  }
0x2f: {  	lr =	sadd.s32 s0, s3;
	s0 =	sld [smem:$0x3FA8]  }
0x30: {  	s3 =	sld [smem:$0x3FAB]  }
0x31: {  	[smem:$0x3FB4] =	sst s10  }
0x32: {  	s10 =	sld [smem:$0x3FB2];
	_ =	sdelay $0x3  }
0x33: {  	p0 =	seq.s32 s10, $0x1;
	s10 =	sld [smem:$0x3FB4];
	_ =	sdelay $0x3  }
0x34: {  	[smem:$0x3FB4] =	sst s10  }
0x35: {  	s10 =	sld [smem:$0x3FB3];
	_ =	sdelay $0x3  }
0x36: {  	p1 =	seq.s32 s10, $0x1;
	s10 =	sld [smem:$0x3FB4];
	_ =	sdelay $0x3  }
0x37: {  	[smem:$0x3FB4] =	sst s10  }
0x38: {  	s10 =	sld [smem:$0x3FB5]  }
0x39: {  	_ = 	snop;
	(pc) =	sbr.ind lr, $3  }
0x3a: {  	_ = 	snop  }
0x3b: {  	_ = 	snop  }
0x3c: {  	p2 =	seq.s32 s10, $0x1;
	s10 =	sld [smem:$0x3FB4]  }
0x3d: {  	_ =	shalt  }
0x3e: {  	_ =	shalt  }
0x3f: {  	_ =	shalt  }
0x40: {  	_ =	shalt  }
0x41: {  	_ =	shalt  }
0x42: {  	_ =	shalt  }
0x43: {  	_ =	shalt  }
0x44: {  	_ =	shalt  }
0x45: {  	_ =	shalt  }
0x46: {  	_ =	shalt  }
0x47: {  	_ =	shalt  }
0x48: {  	_ =	shalt  }
0x49: {  	_ =	shalt  }
0x4a: {  	_ =	shalt  }
0x4b: {  	_ =	shalt  }
0x4c: {  	_ =	shalt  }
0x4d: {  	_ =	shalt  }
0x4e: {  	_ =	shalt  }
0x4f: {  	_ =	shalt  }
0x50: {  	_ =	shalt  }
0x51: {  	_ =	shalt  }
0x52: {  	_ =	shalt  }
0x53: {  	_ =	shalt  }
0x54: {  	_ =	shalt  }
0x55: {  	_ =	shalt  }
0x56: {  	_ =	shalt  }
0x57: {  	_ =	shalt  }
0x58: {  	_ =	shalt  }
0x59: {  	_ =	shalt  }
0x5a: {  	_ =	shalt  }
0x5b: {  	_ =	shalt  }
0x5c: {  	_ =	shalt  }
0x5d: {  	_ =	shalt  }
0x5e: {  	_ =	shalt  }
0x5f: {  	_ =	shalt  }
0x60: {  	_ =	shalt  }
0x61: {  	_ =	shalt  }
0x62: {  	_ =	shalt  }
0x63: {  	_ =	shalt  }
0x64: {  	_ =	shalt  }
0x65: {  	_ =	shalt  }
0x66: {  	_ =	shalt  }
0x67: {  	_ =	shalt  }
0x68: {  	_ =	shalt  }
0x69: {  	_ =	shalt  }
0x6a: {  	_ =	shalt  }
0x6b: {  	_ =	shalt  }
0x6c: {  	_ =	shalt  }
0x6d: {  	_ =	shalt  }
0x6e: {  	_ =	shalt  }
0x6f: {  	_ =	shalt  }
0x70: {  	_ =	shalt  }
0x71: {  	_ =	shalt  }
0x72: {  	_ =	shalt  }
0x73: {  	_ =	shalt  }
0x74: {  	_ =	shalt  }
0x75: {  	_ =	shalt  }
0x76: {  	_ =	shalt  }
0x77: {  	_ =	shalt  }
0x78: {  	_ =	shalt  }
0x79: {  	_ =	shalt  }
0x7a: {  	_ =	shalt  }
0x7b: {  	_ =	shalt  }
0x7c: {  	_ =	shalt  }
0x7d: {  	_ =	shalt  }
0x7e: {  	_ =	shalt  }
0x7f: {  	_ =	shalt  }
0x80: {  	_ =	shalt  }
0x81: {  	_ =	shalt  }
0x82: {  	_ =	shalt  }
0x83: {  	_ =	shalt  }
0x84: {  	_ =	shalt  }
0x85: {  	_ =	shalt  }
0x86: {  	_ =	shalt  }
0x87: {  	_ =	shalt  }
.Lfunc_end0:
.L_simem_size_0:
called_computation_lowered:
.L_overlay_start_0:
0x88: {  	s2 =	sld [smem:$0x3FD9]  }
0x89: {  	s3 =	sld [smem:$0x3FFE];
	_ =	sdelay $0x1  }
0x8a: {  	s1 =	srdreg.scid  }
0x8b: {  	s0 =	sand.u32 $0x1, s1  }
0x8c: {  	s17 =	sshll.u32 s0, $0xA;
	s2 =	sadd.s32 s3, s2  }
0x8d: {  	s2 =	sadd.s32 s2, s17  }
0x8e: {  	[smem:$0x3FC0] =	sst s2  }
0x8f: {  	_ = 	snop  }
0x90: {  	s2 =	sld [smem:$0x3FD0];
	(tm) =	ssettm $0x1  }
0x91: {  	s18 =	sld [smem:$0x3FFB];
	_ =	sdelay $0x3  }
0x92: {  	_ =	strace s18  }
0x93: {  	s3 =	sld [smem:$0x3FFC];
	_ =	sdelay $0x3  }
0x94: {  	_ =	strace s3  }
0x95: {  	s3 =	sld [smem:$0x3FFD];
	_ =	sdelay $0x3  }
0x96: {  	_ =	strace s3  }
0x97: {  	_ =	strace $0x8FFFFFFF  }
0x98: {  	s19 =	sld [smem:$0x3FDB];
	_ =	sdelay $0x1  }
0x99: {  	s4 =	simm.s32 $_scs_section_size  }
0x9a: {  	s5 =	simm.s32 $_size__tile_overlayer_lowered;
	s6 =	simm.s32 $_tile_overlayer_lowered  }
0x9b: {  	s22 =	simm.s32 $0x1BFF;
	s21 =	sshll.u32 s6, $0x1;
	s3 =	sadd.s32 s4, s19  }
0x9c: {  	s7 =	simm.s32 $0x0;
	s20 =	sshll.u32 s5, $0x1;
	s5 =	sadd.s32 s21, s3  }
0x9d: {  	[timem:s7], [sflag:s22] =	dma.local [hbm:s5], s20  }
0x9e: {  	_ =	swait.ge [sflag:s22], s20  }
0x9f: {  	s4 =	ssub.s32 $0x0, s20;
	[sflag:s22] =	ssyncset.done $0x0  }
0xa0: {  	[sflag:s22] =	ssyncadd.s32 s4;
	_ =	sdelay $0x1  }
0xa1: {  	s23 =	simm.s32 $0x1B8B  }
0xa2: {  	_ =	swait.ge [sflag:s23], $0x1  }
0xa3: {  	[sflag:s23] =	ssyncset.done $0x0  }
0xa4: {  	s25 =	simm.s32 $0x1B8E;
	s24 =	sld [smem:$0x3FFE];
	[sflag:s23] =	ssyncadd.s32 $0xFFFFFFFF  }
0xa5: {  	s26 =	simm.s32 $execute0_lowered;
	[smem:$0x3FD2] =	sst s25  }
0xa6: {  	s5 =	sshll.u32 s26, $0x1;
	_ =	strace $0x80000046;
	[dreg:$0x1] =	wrdreg $0xFFFFFFFF  }
0xa7: {  	s28 =	simm.s32 $_size_execute0_lowered;
	s3 =	sadd.s32 s3, s5;
	[dreg:$0x0] =	wrdreg $0x0  }
0xa8: {  	s5 =	sshll.u32 s28, $0x1;
	[dreg:$0x2] =	wrdreg s3  }
0xa9: {  	[dreg:$0x3] =	wrdreg s5  }
0xaa: {  	[dreg:$0x4] =	wrdreg $0xC0  }
0xab: {  	_ =	task [dreg:s7], $0x5FFFF  }
0xac: {  	[dreg:$0x1] =	wrdreg $0xFFFFFFFF  }
0xad: {  	[dreg:$0x0] =	wrdreg $0x60  }
0xae: {  	[dreg:$0x2] =	wrdreg s24  }
0xaf: {  	[dreg:$0x3] =	wrdreg s2  }
0xb0: {  	[dreg:$0x4] =	wrdreg $0x58000  }
0xb1: {  	[dreg:$0x5] =	wrdreg $0x107C80  }
0xb2: {  	[dreg:$0x6] =	wrdreg $0x9  }
0xb3: {  	_ =	task.clear_ibuf [dreg:s7], $0x7FFFF;
	_ =	strace $0x90000046  }
0xb4: {  	s29 =	simm.s32 $0x9;
	_ =	strace $0x80000048  }
0xb5: {  	_ =	swait.ge [sflag:s29], $0x1  }
0xb6: {  	[sflag:s29] =	ssyncadd.s32 $0xFFFFFFFF  }
0xb7: {  	_ =	strace $0x90000048  }
0xb8: {  	_ =	sfence  }
0xb9: {  	s30 =	sld [smem:$0x0];
	_ =	sdelay $0x2  }
0xba: {  	s31 =	sshll.u32 s1, $0xD;
	s1 =	sshrl.u32 s1, $0x2  }
0xbb: {  	s3 =	sand.u32 $0x4000, s31;
	s1 =	sadd.s32 s1, s30  }
0xbc: {  	s0 =	sor.u32 s3, s0;
	s1 =	sshll.u32 s1, $0x11  }
0xbd: {  	s0 =	sor.u32 s1, s0  }
0xbe: {  	s0 =	sadd.s32 $0x8F2B, s0  }
0xbf: {  	[sflag:s0] =	ssyncadd.remote.s32 $0x1  }
0xc0: {  	_ =	sfence.sel $0xFFFF  }
0xc1: {  	[dreg:$0x0] =	wrdreg $0xFFFFFFFF;
	(pc) =	sbr.abs _section_cstart, $3  }
0xc2: {  	[dreg:$0x1] =	wrdreg $0xFFFFFFFF  }
0xc3: {  	_ =	task.clear_ibuf [dreg:s7], $0x2FFFF;
	_ =	strace $0x9FFFFFFF  }
0xc4: {  	(tm) =	ssettm $0x7FFFFFFF  }
0xc5: {  	_ =	shalt  }
tec
execute0_lowered:
.L_overlay_start_1:
0x0: {  	(tag) =	ssettag $0x1  }
0x1: {  	s0 =	rddreg [dreg:$0x0]  }
0x2: {  	s11 =	stileid.u32;
	s3 =	rddreg [dreg:$0x2]  }
0x3: {  	s1 =	srdreg.scid;
	s4 =	rddreg [dreg:$0x3]  }
0x4: {  	s5 =	simm.s32 $0x0;
	s13 =	simm.s32 $0x3;
	s16 =	simm.s32 $0x80  }
0x5: {  	s17 =	simm.s32 $0x1000;
	s18 =	simm.s32 $0x1;
	s19 =	simm.s32 $0x3400  }
0x6: {  	s28 =	simm.s32 $0xE80;
	s29 =	simm.s32 $0x780;
	s2 =	smul.u32 $0xAFC8, s11  }
0x7: {  	s30 =	simm.s32 $0xF00;
	s31 =	simm.s32 $0xF80;
	s7 =	smul.u32 $0x2800, s11  }
0x8: {  	s1 =	sand.u32 $0x1, s1;
	[smem:$0x7FF] =	sst s5;
	s20 =	smul.u32 $0xB1C0, s11  }
0x9: {  	s11 =	sshll.u32 s11, $0x6;
	s6 =	smul.u32 $0x28000, s1;
	_ =	strace $0x80000047  }
0xa: {  	s15 =	smul.u32 $0x16380, s1;
	s1 =	ssub.s32 $0x2, s1;
	s23 =	sor.u32 $0x1C03, s11  }
0xb: {  	s11 =	simm.s32 $0xC00;
	s8 =	sshrl.u32 s2, $0x3;
	s9 =	sshrl.u32 s1, $0x1  }
0xc: {  	s2 =	sadd.s32 s2, s3;
	s21 =	sadd.s32 s20, s4;
	[dreg:$0x8] =	wrdreg s23  }
0xd: {  	s6 =	sadd.s32 s7, s6;
	s8 =	sadd.s32 s8, s0;
	s10 =	sadd.s32 s15, s0  }
0xe: {  	s1 =	ssub.s32 s1, s9;
	s9 =	sshrl.u32 s20, $0x3;
	s25 =	sshrl.u32 s2, $0x3  }
0xf: {  	s20 =	simm.s32 $0x2;
	s2 =	simm.s32 $0x400;
	s7 =	simm.s32 $0x600  }
0x10: {  	s6 =	sshrl.u32 s6, $0x3;
	s12 =	sadd.s32 $0x1400, s8;
	s14 =	sadd.s32 $0x41400, s10  }
0x11: {  	s8 =	sadd.s32 $0x17390, s8;
	s1 =	smax.u32 s1, $0x1;
	[dreg:$0xb] =	wrdreg s25  }
0x12: {  	s10 =	simm.s32 $0x480;
	s25 =	simm.s32 $0xE00;
	[dreg:$0x7] =	wrdreg s12  }
0x13: {  	s6 =	sadd.s32 s6, s0;
	[dreg:$0x9] =	wrdreg s8;
	s0 =	sadd.s32 $0x6DB00, s0  }
0x14: {  	[dreg:$0xa] =	wrdreg s1;
	s8 =	sshrl.u32 s21, $0x3;
	s26 =	sadd.s32 s9, s14  }
0x15: {  	s12 =	simm.s32 $0x580;
	s14 =	simm.s32 $0xD00;
	s21 =	simm.s32 $0xD80  }
0x16: {  	s22 =	sadd.s32 $0x2D400, s6;
	s24 =	sadd.s32 $0x37400, s6;
	[dreg:$0xd] =	wrdreg s26  }
0x17: {  	s0 =	sadd.s32 s15, s0;
	s15 =	simm.s32 $0x500;
	[dreg:$0xc] =	wrdreg s8  }
0x18: {  	s26 =	simm.s32 $0x700;
	s6 =	simm.s32 $0x0;
	[dreg:$0x5] =	wrdreg s22  }
0x19: {  	[dreg:$0x6] =	wrdreg s24;
	s0 =	sadd.s32 s9, s0;
	s24 =	simm.s32 $0xC80  }
0x1a: {  	s22 =	simm.s32 $0x680;
	[dreg:$0xe] =	wrdreg s0;
	s0 =	simm.s32 $0xB80  }
.LBB2_1:
0x1b: {  	[dreg:$0xf] =	wrdreg s6  }
0x1c: {  	s1 =	rddreg [dreg:$0x7]  }
0x1d: {  	s9 =	rddreg [dreg:$0xb]  }
0x1e: {  	[spmem:s9], [sflag:s23] =	dma.local [hbm:s1], $0x15F9  }
0x1f: {  	_ =	swait.ge [sflag:s13], $0x15F9  }
0x20: {  	[sflag:s13] =	ssyncset.done $0x0  }
0x21: {  	[sflag:s13] =	ssyncadd.s32 $0xFFFFEA07  }
0x22: {  	s6 =	rddreg [dreg:$0x1]  }
0x23: {  	[spmem:s8], [sflag:s23] =	dma.local [hbm:s6], $0x1638  }
0x24: {  	_ =	swait.ge [sflag:s13], $0x1638  }
0x25: {  	[sflag:s13] =	ssyncset.done $0x0  }
0x26: {  	[sflag:s13] =	ssyncadd.s32 $0xFFFFE9C8  }
0x27: {  	[bflag:$0x0] =	sbarrier.arrive $0xFFFF  }
0x28: {  	s8 =	rddreg [dreg:$0x6]  }
0x29: {  	s1 =	sadd.s32 $0x0, s8  }
0x2a: {  	[tilespmem:s5], [sflag:$0x3] =	stream.linear.gather [hbm4b:s1+s5], $0x800, $0x38;
	[tilespmem:$0x1B988] =	vst v63  }
0x2b: {  	_ =	swait.ge [sflag:s13], $0x800  }
0x2c: {  	[sflag:s13] =	ssyncset.done $0x0;
	s9 =	rddreg [dreg:$0x5]  }
0x2d: {  	s23 =	simm.s32 $0x800;
	[sflag:s13] =	ssyncadd.s32 $0xFFFFF800;
	s1 =	sadd.s32 $0x0, s9  }
0x2e: {  	[tilespmem:s23], [sflag:$0x3] =	stream.linear.gather [hbm4b:s1+s5], $0x800, $0x38;
	[tilespmem:$0x1B988] =	vst v63  }
0x2f: {  	_ =	swait.ge [sflag:s13], $0x800  }
0x30: {  	[sflag:s13] =	ssyncset.done $0x0  }
0x31: {  	[sflag:s13] =	ssyncadd.s32 $0xFFFFF800  }
0x32: {  	[tilespmem:s17], [sflag:$0x1] =	stream.indirect.gather [spmem:s3], $0x48, s5, s16, $0xb8;
	[tilespmem:$0x1B988] =	vst v63  }
0x33: {  	_ =	swait.ge [sflag:s18], $0x2400  }
0x34: {  	[sflag:s18] =	ssyncset.done $0x0  }
0x35: {  	[sflag:s18] =	ssyncadd.s32 $0xFFFFDC00  }
0x36: {  	[tilespmem:s19], [sflag:$0x2] =	stream.indirect.gather [spmem:s3], $0x48, s16, s16, $0xb8;
	[tilespmem:$0x1B988] =	vst v63  }
0x37: {  	_ = 	snop  }
0x38: {  	[spmem:s4] =	stream.indirect.scatter.add.f32 [tilespmem:s17], [sflag:$0x3], $0x48, s23, s16, $0xb8;
	[tilespmem:$0x1B988] =	vst v63  }
0x39: {  	_ =	swait.ge [sflag:s13], $0x2400  }
0x3a: {  	[sflag:s13] =	ssyncset.done $0x0  }
0x3b: {  	[sflag:s13] =	ssyncadd.s32 $0xFFFFDC00  }
0x3c: {  	_ =	swait.ge [sflag:s20], $0x2400  }
0x3d: {  	[sflag:s20] =	ssyncset.done $0x0  }
0x3e: {  	s6 =	simm.s32 $0x100;
	[sflag:s20] =	ssyncadd.s32 $0xFFFFDC00  }
0x3f: {  	[tilespmem:s17], [sflag:$0x1] =	stream.indirect.gather [spmem:s3], $0x48, s6, s16, $0xb8;
	[tilespmem:$0x1B988] =	vst v63  }
0x40: {  	s8 =	simm.s32 $0x880  }
0x41: {  	[spmem:s4] =	stream.indirect.scatter.add.f32 [tilespmem:s19], [sflag:$0x3], $0x48, s8, s16, $0xb8;
	[tilespmem:$0x1B988] =	vst v63  }
0x42: {  	_ =	swait.ge [sflag:s13], $0x2400  }
0x43: {  	[sflag:s13] =	ssyncset.done $0x0  }
0x44: {  	[sflag:s13] =	ssyncadd.s32 $0xFFFFDC00  }
0x45: {  	_ =	swait.ge [sflag:s18], $0x2400  }
0x46: {  	[sflag:s18] =	ssyncset.done $0x0  }
0x47: {  	s9 =	simm.s32 $0x180;
	[sflag:s18] =	ssyncadd.s32 $0xFFFFDC00  }
0x48: {  	[tilespmem:s19], [sflag:$0x2] =	stream.indirect.gather [spmem:s3], $0x48, s9, s16, $0xb8;
	[tilespmem:$0x1B988] =	vst v63  }
0x49: {  	s23 =	simm.s32 $0x900  }
0x4a: {  	[spmem:s4] =	stream.indirect.scatter.add.f32 [tilespmem:s17], [sflag:$0x3], $0x48, s23, s16, $0xb8;
	[tilespmem:$0x1B988] =	vst v63  }
0x4b: {  	_ =	swait.ge [sflag:s13], $0x2400  }
0x4c: {  	[sflag:s13] =	ssyncset.done $0x0  }
0x4d: {  	[sflag:s13] =	ssyncadd.s32 $0xFFFFDC00  }
0x4e: {  	_ =	swait.ge [sflag:s20], $0x2400  }
0x4f: {  	[sflag:s20] =	ssyncset.done $0x0  }
0x50: {  	s6 =	simm.s32 $0x200;
	[sflag:s20] =	ssyncadd.s32 $0xFFFFDC00  }
0x51: {  	[tilespmem:s17], [sflag:$0x1] =	stream.indirect.gather [spmem:s3], $0x48, s6, s16, $0xb8;
	[tilespmem:$0x1B988] =	vst v63  }
0x52: {  	s8 =	simm.s32 $0x980  }
0x53: {  	[spmem:s4] =	stream.indirect.scatter.add.f32 [tilespmem:s19], [sflag:$0x3], $0x48, s8, s16, $0xb8;
	[tilespmem:$0x1B988] =	vst v63  }
0x54: {  	_ =	swait.ge [sflag:s13], $0x2400  }
0x55: {  	[sflag:s13] =	ssyncset.done $0x0  }
0x56: {  	[sflag:s13] =	ssyncadd.s32 $0xFFFFDC00  }
0x57: {  	_ =	swait.ge [sflag:s18], $0x2400  }
0x58: {  	[sflag:s18] =	ssyncset.done $0x0  }
0x59: {  	s9 =	simm.s32 $0x280;
	[sflag:s18] =	ssyncadd.s32 $0xFFFFDC00  }
0x5a: {  	[tilespmem:s19], [sflag:$0x2] =	stream.indirect.gather [spmem:s3], $0x48, s9, s16, $0xb8;
	[tilespmem:$0x1B988] =	vst v63  }
0x5b: {  	s23 =	simm.s32 $0xA00  }
0x5c: {  	[spmem:s4] =	stream.indirect.scatter.add.f32 [tilespmem:s17], [sflag:$0x3], $0x48, s23, s16, $0xb8;
	[tilespmem:$0x1B988] =	vst v63  }
0x5d: {  	_ =	swait.ge [sflag:s13], $0x2400  }
0x5e: {  	[sflag:s13] =	ssyncset.done $0x0  }
0x5f: {  	[sflag:s13] =	ssyncadd.s32 $0xFFFFDC00  }
0x60: {  	_ =	swait.ge [sflag:s20], $0x2400  }
0x61: {  	[sflag:s20] =	ssyncset.done $0x0  }
0x62: {  	s6 =	simm.s32 $0x300;
	[sflag:s20] =	ssyncadd.s32 $0xFFFFDC00  }
0x63: {  	[tilespmem:s17], [sflag:$0x1] =	stream.indirect.gather [spmem:s3], $0x48, s6, s16, $0xb8;
	[tilespmem:$0x1B988] =	vst v63  }
0x64: {  	s8 =	simm.s32 $0xA80  }
0x65: {  	[spmem:s4] =	stream.indirect.scatter.add.f32 [tilespmem:s19], [sflag:$0x3], $0x48, s8, s16, $0xb8;
	[tilespmem:$0x1B988] =	vst v63  }
0x66: {  	_ =	swait.ge [sflag:s13], $0x2400  }
0x67: {  	[sflag:s13] =	ssyncset.done $0x0  }
0x68: {  	[sflag:s13] =	ssyncadd.s32 $0xFFFFDC00  }
0x69: {  	_ =	swait.ge [sflag:s18], $0x2400  }
0x6a: {  	[sflag:s18] =	ssyncset.done $0x0  }
0x6b: {  	s9 =	simm.s32 $0x380;
	[sflag:s18] =	ssyncadd.s32 $0xFFFFDC00  }
0x6c: {  	[tilespmem:s19], [sflag:$0x2] =	stream.indirect.gather [spmem:s3], $0x48, s9, s16, $0xb8;
	[tilespmem:$0x1B988] =	vst v63  }
0x6d: {  	s23 =	simm.s32 $0xB00  }
0x6e: {  	[spmem:s4] =	stream.indirect.scatter.add.f32 [tilespmem:s17], [sflag:$0x3], $0x48, s23, s16, $0xb8;
	[tilespmem:$0x1B988] =	vst v63  }
0x6f: {  	_ =	swait.ge [sflag:s13], $0x2400  }
0x70: {  	[sflag:s13] =	ssyncset.done $0x0  }
0x71: {  	[sflag:s13] =	ssyncadd.s32 $0xFFFFDC00  }
0x72: {  	_ =	swait.ge [sflag:s20], $0x2400  }
0x73: {  	[sflag:s20] =	ssyncset.done $0x0  }
0x74: {  	[sflag:s20] =	ssyncadd.s32 $0xFFFFDC00  }
0x75: {  	[tilespmem:s17], [sflag:$0x1] =	stream.indirect.gather [spmem:s3], $0x48, s2, s16, $0xb8;
	[tilespmem:$0x1B988] =	vst v63  }
0x76: {  	_ = 	snop  }
0x77: {  	[spmem:s4] =	stream.indirect.scatter.add.f32 [tilespmem:s19], [sflag:$0x3], $0x48, s0, s16, $0xb8;
	[tilespmem:$0x1B988] =	vst v63  }
0x78: {  	_ =	swait.ge [sflag:s13], $0x2400  }
0x79: {  	[sflag:s13] =	ssyncset.done $0x0  }
0x7a: {  	[sflag:s13] =	ssyncadd.s32 $0xFFFFDC00  }
0x7b: {  	_ =	swait.ge [sflag:s18], $0x2400  }
0x7c: {  	[sflag:s18] =	ssyncset.done $0x0  }
0x7d: {  	[sflag:s18] =	ssyncadd.s32 $0xFFFFDC00  }
0x7e: {  	[tilespmem:s19], [sflag:$0x2] =	stream.indirect.gather [spmem:s3], $0x48, s10, s16, $0xb8;
	[tilespmem:$0x1B988] =	vst v63  }
0x7f: {  	_ = 	snop  }
0x80: {  	[spmem:s4] =	stream.indirect.scatter.add.f32 [tilespmem:s17], [sflag:$0x3], $0x48, s11, s16, $0xb8;
	[tilespmem:$0x1B988] =	vst v63  }
0x81: {  	_ =	swait.ge [sflag:s13], $0x2400  }
0x82: {  	[sflag:s13] =	ssyncset.done $0x0  }
0x83: {  	[sflag:s13] =	ssyncadd.s32 $0xFFFFDC00  }
0x84: {  	_ =	swait.ge [sflag:s20], $0x2400  }
0x85: {  	[sflag:s20] =	ssyncset.done $0x0  }
0x86: {  	[sflag:s20] =	ssyncadd.s32 $0xFFFFDC00  }
0x87: {  	[tilespmem:s17], [sflag:$0x1] =	stream.indirect.gather [spmem:s3], $0x48, s15, s16, $0xb8;
	[tilespmem:$0x1B988] =	vst v63  }
0x88: {  	_ = 	snop  }
0x89: {  	[spmem:s4] =	stream.indirect.scatter.add.f32 [tilespmem:s19], [sflag:$0x3], $0x48, s24, s16, $0xb8;
	[tilespmem:$0x1B988] =	vst v63  }
0x8a: {  	_ =	swait.ge [sflag:s13], $0x2400  }
0x8b: {  	[sflag:s13] =	ssyncset.done $0x0  }
0x8c: {  	[sflag:s13] =	ssyncadd.s32 $0xFFFFDC00  }
0x8d: {  	_ =	swait.ge [sflag:s18], $0x2400  }
0x8e: {  	[sflag:s18] =	ssyncset.done $0x0  }
0x8f: {  	[sflag:s18] =	ssyncadd.s32 $0xFFFFDC00  }
0x90: {  	[tilespmem:s19], [sflag:$0x2] =	stream.indirect.gather [spmem:s3], $0x48, s12, s16, $0xb8;
	[tilespmem:$0x1B988] =	vst v63  }
0x91: {  	_ = 	snop  }
0x92: {  	[spmem:s4] =	stream.indirect.scatter.add.f32 [tilespmem:s17], [sflag:$0x3], $0x48, s14, s16, $0xb8;
	[tilespmem:$0x1B988] =	vst v63  }
0x93: {  	_ =	swait.ge [sflag:s13], $0x2400  }
0x94: {  	[sflag:s13] =	ssyncset.done $0x0  }
0x95: {  	[sflag:s13] =	ssyncadd.s32 $0xFFFFDC00  }
0x96: {  	_ =	swait.ge [sflag:s20], $0x2400  }
0x97: {  	[sflag:s20] =	ssyncset.done $0x0  }
0x98: {  	[sflag:s20] =	ssyncadd.s32 $0xFFFFDC00  }
0x99: {  	[tilespmem:s17], [sflag:$0x1] =	stream.indirect.gather [spmem:s3], $0x48, s7, s16, $0xb8;
	[tilespmem:$0x1B988] =	vst v63  }
0x9a: {  	_ = 	snop  }
0x9b: {  	[spmem:s4] =	stream.indirect.scatter.add.f32 [tilespmem:s19], [sflag:$0x3], $0x48, s21, s16, $0xb8;
	[tilespmem:$0x1B988] =	vst v63  }
0x9c: {  	_ =	swait.ge [sflag:s13], $0x2400  }
0x9d: {  	[sflag:s13] =	ssyncset.done $0x0  }
0x9e: {  	[sflag:s13] =	ssyncadd.s32 $0xFFFFDC00  }
0x9f: {  	_ =	swait.ge [sflag:s18], $0x2400  }
0xa0: {  	[sflag:s18] =	ssyncset.done $0x0  }
0xa1: {  	[sflag:s18] =	ssyncadd.s32 $0xFFFFDC00  }
0xa2: {  	[tilespmem:s19], [sflag:$0x2] =	stream.indirect.gather [spmem:s3], $0x48, s22, s16, $0xb8;
	[tilespmem:$0x1B988] =	vst v63  }
0xa3: {  	_ = 	snop  }
0xa4: {  	[spmem:s4] =	stream.indirect.scatter.add.f32 [tilespmem:s17], [sflag:$0x3], $0x48, s25, s16, $0xb8;
	[tilespmem:$0x1B988] =	vst v63  }
0xa5: {  	_ =	swait.ge [sflag:s13], $0x2400  }
0xa6: {  	[sflag:s13] =	ssyncset.done $0x0  }
0xa7: {  	[sflag:s13] =	ssyncadd.s32 $0xFFFFDC00  }
0xa8: {  	_ =	swait.ge [sflag:s20], $0x2400  }
0xa9: {  	[sflag:s20] =	ssyncset.done $0x0  }
0xaa: {  	[sflag:s20] =	ssyncadd.s32 $0xFFFFDC00  }
0xab: {  	[tilespmem:s17], [sflag:$0x1] =	stream.indirect.gather [spmem:s3], $0x48, s26, s16, $0xb8;
	[tilespmem:$0x1B988] =	vst v63  }
0xac: {  	_ = 	snop  }
0xad: {  	[spmem:s4] =	stream.indirect.scatter.add.f32 [tilespmem:s19], [sflag:$0x3], $0x48, s28, s16, $0xb8;
	[tilespmem:$0x1B988] =	vst v63  }
0xae: {  	_ =	swait.ge [sflag:s13], $0x2400  }
0xaf: {  	[sflag:s13] =	ssyncset.done $0x0  }
0xb0: {  	[sflag:s13] =	ssyncadd.s32 $0xFFFFDC00  }
0xb1: {  	_ =	swait.ge [sflag:s18], $0x2400  }
0xb2: {  	[sflag:s18] =	ssyncset.done $0x0  }
0xb3: {  	[sflag:s18] =	ssyncadd.s32 $0xFFFFDC00  }
0xb4: {  	[tilespmem:s19], [sflag:$0x2] =	stream.indirect.gather [spmem:s3], $0x48, s29, s16, $0xb8;
	[tilespmem:$0x1B988] =	vst v63  }
0xb5: {  	_ = 	snop  }
0xb6: {  	[spmem:s4] =	stream.indirect.scatter.add.f32 [tilespmem:s17], [sflag:$0x3], $0x48, s30, s16, $0xb8;
	[tilespmem:$0x1B988] =	vst v63  }
0xb7: {  	_ =	swait.ge [sflag:s13], $0x2400  }
0xb8: {  	[sflag:s13] =	ssyncset.done $0x0  }
0xb9: {  	[sflag:s13] =	ssyncadd.s32 $0xFFFFDC00  }
0xba: {  	_ =	swait.ge [sflag:s20], $0x2400  }
0xbb: {  	[sflag:s20] =	ssyncset.done $0x0  }
0xbc: {  	[sflag:s20] =	ssyncadd.s32 $0xFFFFDC00  }
0xbd: {  	[spmem:s4] =	stream.indirect.scatter.add.f32 [tilespmem:s19], [sflag:$0x3], $0x48, s31, s16, $0xb8;
	[tilespmem:$0x1B988] =	vst v63  }
0xbe: {  	_ =	swait.ge [sflag:s13], $0x2400  }
0xbf: {  	s1 =	simm.s32 $0x100;
	s6 =	simm.s32 $0x200;
	[sflag:s13] =	ssyncset.done $0x0  }
.LBB2_2:
0xc0: {  	s8 =	rddreg [dreg:$0x6]  }
0xc1: {  	[sflag:s13] =	ssyncadd.s32 $0xFFFFDC00;
	s9 =	sadd.s32 s1, s8  }
0xc2: {  	[tilespmem:s5], [sflag:$0x3] =	stream.linear.gather [hbm4b:s9+s5], $0x800, $0x38;
	[tilespmem:$0x1B988] =	vst v63  }
0xc3: {  	_ =	swait.ge [sflag:s13], $0x800  }
0xc4: {  	s23 =	smov.u32 s6;
	p0 =	sne.s32 s6, $0x400;
	[sflag:s13] =	ssyncset.done $0x0  }
0xc5: {  	s8 =	sadd.s32 $0x100, s6;
	s9 =	rddreg [dreg:$0x5];
	[sflag:s13] =	ssyncadd.s32 $0xFFFFF800  }
0xc6: {  	s6 =	sadd.s32 s1, s9;
	s1 =	smov.u32 s23;
	s23 =	simm.s32 $0x800  }
0xc7: {  	[tilespmem:s23], [sflag:$0x3] =	stream.linear.gather [hbm4b:s6+s5], $0x800, $0x38;
	[tilespmem:$0x1B988] =	vst v63  }
0xc8: {  	_ =	swait.ge [sflag:s13], $0x800  }
0xc9: {  	[sflag:s13] =	ssyncset.done $0x0  }
0xca: {  	[sflag:s13] =	ssyncadd.s32 $0xFFFFF800  }
0xcb: {  	[tilespmem:s17], [sflag:$0x1] =	stream.indirect.gather [spmem:s3], $0x48, s5, s16, $0xb8;
	[tilespmem:$0x1B988] =	vst v63  }
0xcc: {  	_ =	swait.ge [sflag:s18], $0x2400  }
0xcd: {  	[sflag:s18] =	ssyncset.done $0x0  }
0xce: {  	[sflag:s18] =	ssyncadd.s32 $0xFFFFDC00  }
0xcf: {  	[tilespmem:s19], [sflag:$0x2] =	stream.indirect.gather [spmem:s3], $0x48, s16, s16, $0xb8;
	[tilespmem:$0x1B988] =	vst v63  }
0xd0: {  	_ = 	snop  }
0xd1: {  	[spmem:s4] =	stream.indirect.scatter.add.f32 [tilespmem:s17], [sflag:$0x3], $0x48, s23, s16, $0xb8;
	[tilespmem:$0x1B988] =	vst v63  }
0xd2: {  	_ =	swait.ge [sflag:s13], $0x2400  }
0xd3: {  	[sflag:s13] =	ssyncset.done $0x0  }
0xd4: {  	[sflag:s13] =	ssyncadd.s32 $0xFFFFDC00  }
0xd5: {  	_ =	swait.ge [sflag:s20], $0x2400  }
0xd6: {  	[sflag:s20] =	ssyncset.done $0x0  }
0xd7: {  	s9 =	simm.s32 $0x100;
	[sflag:s20] =	ssyncadd.s32 $0xFFFFDC00  }
0xd8: {  	[tilespmem:s17], [sflag:$0x1] =	stream.indirect.gather [spmem:s3], $0x48, s9, s16, $0xb8;
	[tilespmem:$0x1B988] =	vst v63  }
0xd9: {  	s23 =	simm.s32 $0x880  }
0xda: {  	[spmem:s4] =	stream.indirect.scatter.add.f32 [tilespmem:s19], [sflag:$0x3], $0x48, s23, s16, $0xb8;
	[tilespmem:$0x1B988] =	vst v63  }
0xdb: {  	_ =	swait.ge [sflag:s13], $0x2400  }
0xdc: {  	[sflag:s13] =	ssyncset.done $0x0  }
0xdd: {  	[sflag:s13] =	ssyncadd.s32 $0xFFFFDC00  }
0xde: {  	_ =	swait.ge [sflag:s18], $0x2400  }
0xdf: {  	[sflag:s18] =	ssyncset.done $0x0  }
0xe0: {  	s9 =	simm.s32 $0x180;
	[sflag:s18] =	ssyncadd.s32 $0xFFFFDC00  }
0xe1: {  	[tilespmem:s19], [sflag:$0x2] =	stream.indirect.gather [spmem:s3], $0x48, s9, s16, $0xb8;
	[tilespmem:$0x1B988] =	vst v63  }
0xe2: {  	s23 =	simm.s32 $0x900  }
0xe3: {  	[spmem:s4] =	stream.indirect.scatter.add.f32 [tilespmem:s17], [sflag:$0x3], $0x48, s23, s16, $0xb8;
	[tilespmem:$0x1B988] =	vst v63  }
0xe4: {  	_ =	swait.ge [sflag:s13], $0x2400  }
0xe5: {  	[sflag:s13] =	ssyncset.done $0x0  }
0xe6: {  	[sflag:s13] =	ssyncadd.s32 $0xFFFFDC00  }
0xe7: {  	_ =	swait.ge [sflag:s20], $0x2400  }
0xe8: {  	[sflag:s20] =	ssyncset.done $0x0  }
0xe9: {  	s9 =	simm.s32 $0x200;
	[sflag:s20] =	ssyncadd.s32 $0xFFFFDC00  }
0xea: {  	[tilespmem:s17], [sflag:$0x1] =	stream.indirect.gather [spmem:s3], $0x48, s9, s16, $0xb8;
	[tilespmem:$0x1B988] =	vst v63  }
0xeb: {  	s23 =	simm.s32 $0x980  }
0xec: {  	[spmem:s4] =	stream.indirect.scatter.add.f32 [tilespmem:s19], [sflag:$0x3], $0x48, s23, s16, $0xb8;
	[tilespmem:$0x1B988] =	vst v63  }
0xed: {  	_ =	swait.ge [sflag:s13], $0x2400  }
0xee: {  	[sflag:s13] =	ssyncset.done $0x0  }
0xef: {  	[sflag:s13] =	ssyncadd.s32 $0xFFFFDC00  }
0xf0: {  	_ =	swait.ge [sflag:s18], $0x2400  }
0xf1: {  	[sflag:s18] =	ssyncset.done $0x0  }
0xf2: {  	s9 =	simm.s32 $0x280;
	[sflag:s18] =	ssyncadd.s32 $0xFFFFDC00  }
0xf3: {  	[tilespmem:s19], [sflag:$0x2] =	stream.indirect.gather [spmem:s3], $0x48, s9, s16, $0xb8;
	[tilespmem:$0x1B988] =	vst v63  }
0xf4: {  	s23 =	simm.s32 $0xA00  }
0xf5: {  	[spmem:s4] =	stream.indirect.scatter.add.f32 [tilespmem:s17], [sflag:$0x3], $0x48, s23, s16, $0xb8;
	[tilespmem:$0x1B988] =	vst v63  }
0xf6: {  	_ =	swait.ge [sflag:s13], $0x2400  }
0xf7: {  	[sflag:s13] =	ssyncset.done $0x0  }
0xf8: {  	[sflag:s13] =	ssyncadd.s32 $0xFFFFDC00  }
0xf9: {  	_ =	swait.ge [sflag:s20], $0x2400  }
0xfa: {  	[sflag:s20] =	ssyncset.done $0x0  }
0xfb: {  	s9 =	simm.s32 $0x300;
	[sflag:s20] =	ssyncadd.s32 $0xFFFFDC00  }
0xfc: {  	[tilespmem:s17], [sflag:$0x1] =	stream.indirect.gather [spmem:s3], $0x48, s9, s16, $0xb8;
	[tilespmem:$0x1B988] =	vst v63  }
0xfd: {  	s23 =	simm.s32 $0xA80  }
0xfe: {  	[spmem:s4] =	stream.indirect.scatter.add.f32 [tilespmem:s19], [sflag:$0x3], $0x48, s23, s16, $0xb8;
	[tilespmem:$0x1B988] =	vst v63  }
0xff: {  	_ =	swait.ge [sflag:s13], $0x2400  }
0x100: {  	[sflag:s13] =	ssyncset.done $0x0  }
0x101: {  	[sflag:s13] =	ssyncadd.s32 $0xFFFFDC00  }
0x102: {  	_ =	swait.ge [sflag:s18], $0x2400  }
0x103: {  	[sflag:s18] =	ssyncset.done $0x0  }
0x104: {  	s9 =	simm.s32 $0x380;
	[sflag:s18] =	ssyncadd.s32 $0xFFFFDC00  }
0x105: {  	[tilespmem:s19], [sflag:$0x2] =	stream.indirect.gather [spmem:s3], $0x48, s9, s16, $0xb8;
	[tilespmem:$0x1B988] =	vst v63  }
0x106: {  	s23 =	simm.s32 $0xB00  }
0x107: {  	[spmem:s4] =	stream.indirect.scatter.add.f32 [tilespmem:s17], [sflag:$0x3], $0x48, s23, s16, $0xb8;
	[tilespmem:$0x1B988] =	vst v63  }
0x108: {  	_ =	swait.ge [sflag:s13], $0x2400  }
0x109: {  	[sflag:s13] =	ssyncset.done $0x0  }
0x10a: {  	[sflag:s13] =	ssyncadd.s32 $0xFFFFDC00  }
0x10b: {  	_ =	swait.ge [sflag:s20], $0x2400  }
0x10c: {  	[sflag:s20] =	ssyncset.done $0x0  }
0x10d: {  	[sflag:s20] =	ssyncadd.s32 $0xFFFFDC00  }
0x10e: {  	[tilespmem:s17], [sflag:$0x1] =	stream.indirect.gather [spmem:s3], $0x48, s2, s16, $0xb8;
	[tilespmem:$0x1B988] =	vst v63  }
0x10f: {  	_ = 	snop  }
0x110: {  	[spmem:s4] =	stream.indirect.scatter.add.f32 [tilespmem:s19], [sflag:$0x3], $0x48, s0, s16, $0xb8;
	[tilespmem:$0x1B988] =	vst v63  }
0x111: {  	_ =	swait.ge [sflag:s13], $0x2400  }
0x112: {  	[sflag:s13] =	ssyncset.done $0x0  }
0x113: {  	[sflag:s13] =	ssyncadd.s32 $0xFFFFDC00  }
0x114: {  	_ =	swait.ge [sflag:s18], $0x2400  }
0x115: {  	[sflag:s18] =	ssyncset.done $0x0  }
0x116: {  	[sflag:s18] =	ssyncadd.s32 $0xFFFFDC00  }
0x117: {  	[tilespmem:s19], [sflag:$0x2] =	stream.indirect.gather [spmem:s3], $0x48, s10, s16, $0xb8;
	[tilespmem:$0x1B988] =	vst v63  }
0x118: {  	_ = 	snop  }
0x119: {  	[spmem:s4] =	stream.indirect.scatter.add.f32 [tilespmem:s17], [sflag:$0x3], $0x48, s11, s16, $0xb8;
	[tilespmem:$0x1B988] =	vst v63  }
0x11a: {  	_ =	swait.ge [sflag:s13], $0x2400  }
0x11b: {  	[sflag:s13] =	ssyncset.done $0x0  }
0x11c: {  	[sflag:s13] =	ssyncadd.s32 $0xFFFFDC00  }
0x11d: {  	_ =	swait.ge [sflag:s20], $0x2400  }
0x11e: {  	[sflag:s20] =	ssyncset.done $0x0  }
0x11f: {  	[sflag:s20] =	ssyncadd.s32 $0xFFFFDC00  }
0x120: {  	[tilespmem:s17], [sflag:$0x1] =	stream.indirect.gather [spmem:s3], $0x48, s15, s16, $0xb8;
	[tilespmem:$0x1B988] =	vst v63  }
0x121: {  	_ = 	snop  }
0x122: {  	[spmem:s4] =	stream.indirect.scatter.add.f32 [tilespmem:s19], [sflag:$0x3], $0x48, s24, s16, $0xb8;
	[tilespmem:$0x1B988] =	vst v63  }
0x123: {  	_ =	swait.ge [sflag:s13], $0x2400  }
0x124: {  	[sflag:s13] =	ssyncset.done $0x0  }
0x125: {  	[sflag:s13] =	ssyncadd.s32 $0xFFFFDC00  }
0x126: {  	_ =	swait.ge [sflag:s18], $0x2400  }
0x127: {  	[sflag:s18] =	ssyncset.done $0x0  }
0x128: {  	[sflag:s18] =	ssyncadd.s32 $0xFFFFDC00  }
0x129: {  	[tilespmem:s19], [sflag:$0x2] =	stream.indirect.gather [spmem:s3], $0x48, s12, s16, $0xb8;
	[tilespmem:$0x1B988] =	vst v63  }
0x12a: {  	_ = 	snop  }
0x12b: {  	[spmem:s4] =	stream.indirect.scatter.add.f32 [tilespmem:s17], [sflag:$0x3], $0x48, s14, s16, $0xb8;
	[tilespmem:$0x1B988] =	vst v63  }
0x12c: {  	_ =	swait.ge [sflag:s13], $0x2400  }
0x12d: {  	[sflag:s13] =	ssyncset.done $0x0  }
0x12e: {  	[sflag:s13] =	ssyncadd.s32 $0xFFFFDC00  }
0x12f: {  	_ =	swait.ge [sflag:s20], $0x2400  }
0x130: {  	[sflag:s20] =	ssyncset.done $0x0  }
0x131: {  	[sflag:s20] =	ssyncadd.s32 $0xFFFFDC00  }
0x132: {  	[tilespmem:s17], [sflag:$0x1] =	stream.indirect.gather [spmem:s3], $0x48, s7, s16, $0xb8;
	[tilespmem:$0x1B988] =	vst v63  }
0x133: {  	_ = 	snop  }
0x134: {  	[spmem:s4] =	stream.indirect.scatter.add.f32 [tilespmem:s19], [sflag:$0x3], $0x48, s21, s16, $0xb8;
	[tilespmem:$0x1B988] =	vst v63  }
0x135: {  	_ =	swait.ge [sflag:s13], $0x2400  }
0x136: {  	[sflag:s13] =	ssyncset.done $0x0  }
0x137: {  	[sflag:s13] =	ssyncadd.s32 $0xFFFFDC00  }
0x138: {  	_ =	swait.ge [sflag:s18], $0x2400  }
0x139: {  	[sflag:s18] =	ssyncset.done $0x0  }
0x13a: {  	[sflag:s18] =	ssyncadd.s32 $0xFFFFDC00  }
0x13b: {  	[tilespmem:s19], [sflag:$0x2] =	stream.indirect.gather [spmem:s3], $0x48, s22, s16, $0xb8;
	[tilespmem:$0x1B988] =	vst v63  }
0x13c: {  	_ = 	snop  }
0x13d: {  	[spmem:s4] =	stream.indirect.scatter.add.f32 [tilespmem:s17], [sflag:$0x3], $0x48, s25, s16, $0xb8;
	[tilespmem:$0x1B988] =	vst v63  }
0x13e: {  	_ =	swait.ge [sflag:s13], $0x2400  }
0x13f: {  	[sflag:s13] =	ssyncset.done $0x0  }
0x140: {  	[sflag:s13] =	ssyncadd.s32 $0xFFFFDC00  }
0x141: {  	_ =	swait.ge [sflag:s20], $0x2400  }
0x142: {  	[sflag:s20] =	ssyncset.done $0x0  }
0x143: {  	[sflag:s20] =	ssyncadd.s32 $0xFFFFDC00  }
0x144: {  	[tilespmem:s17], [sflag:$0x1] =	stream.indirect.gather [spmem:s3], $0x48, s26, s16, $0xb8;
	[tilespmem:$0x1B988] =	vst v63  }
0x145: {  	_ = 	snop  }
0x146: {  	[spmem:s4] =	stream.indirect.scatter.add.f32 [tilespmem:s19], [sflag:$0x3], $0x48, s28, s16, $0xb8;
	[tilespmem:$0x1B988] =	vst v63  }
0x147: {  	_ =	swait.ge [sflag:s13], $0x2400  }
0x148: {  	[sflag:s13] =	ssyncset.done $0x0  }
0x149: {  	[sflag:s13] =	ssyncadd.s32 $0xFFFFDC00  }
0x14a: {  	_ =	swait.ge [sflag:s18], $0x2400  }
0x14b: {  	[sflag:s18] =	ssyncset.done $0x0  }
0x14c: {  	[sflag:s18] =	ssyncadd.s32 $0xFFFFDC00  }
0x14d: {  	[tilespmem:s19], [sflag:$0x2] =	stream.indirect.gather [spmem:s3], $0x48, s29, s16, $0xb8;
	[tilespmem:$0x1B988] =	vst v63  }
0x14e: {  	_ = 	snop  }
0x14f: {  	[spmem:s4] =	stream.indirect.scatter.add.f32 [tilespmem:s17], [sflag:$0x3], $0x48, s30, s16, $0xb8;
	[tilespmem:$0x1B988] =	vst v63  }
0x150: {  	_ =	swait.ge [sflag:s13], $0x2400  }
0x151: {  	[sflag:s13] =	ssyncset.done $0x0  }
0x152: {  	[sflag:s13] =	ssyncadd.s32 $0xFFFFDC00  }
0x153: {  	_ =	swait.ge [sflag:s20], $0x2400  }
.Ltmp0:
0x154: {  	[sflag:s20] =	ssyncset.done $0x0;
	(pc) =	sbr.rel @p0 .LBB2_2-.Ltmp0, $4  }
0x155: {  	[sflag:s20] =	ssyncadd.s32 $0xFFFFDC00  }
0x156: {  	[spmem:s4] =	stream.indirect.scatter.add.f32 [tilespmem:s19], [sflag:$0x3], $0x48, s31, s16, $0xb8;
	[tilespmem:$0x1B988] =	vst v63  }
0x157: {  	_ =	swait.ge [sflag:s13], $0x2400  }
0x158: {  	s6 =	smov.u32 s8;
	[sflag:s13] =	ssyncset.done $0x0  }
0x159: {  	s2 =	rddreg [dreg:$0x6]  }
0x15a: {  	[sflag:s13] =	ssyncadd.s32 $0xFFFFDC00;
	s6 =	sadd.s32 s1, s2  }
0x15b: {  	[tilespmem:s5], [sflag:$0x3] =	stream.linear.gather [hbm4b:s6+s5], $0x800, $0x38;
	[tilespmem:$0x1B988] =	vst v63  }
0x15c: {  	_ =	swait.ge [sflag:s13], $0x800  }
0x15d: {  	[sflag:s13] =	ssyncset.done $0x0;
	s0 =	rddreg [dreg:$0x5]  }
0x15e: {  	s7 =	simm.s32 $0x800;
	[sflag:s13] =	ssyncadd.s32 $0xFFFFF800;
	s8 =	sadd.s32 s1, s0  }
0x15f: {  	[tilespmem:s7], [sflag:$0x3] =	stream.linear.gather [hbm4b:s8+s5], $0x800, $0x38;
	[tilespmem:$0x1B988] =	vst v63  }
0x160: {  	_ =	swait.ge [sflag:s13], $0x800  }
0x161: {  	[sflag:s13] =	ssyncset.done $0x0  }
0x162: {  	[sflag:s13] =	ssyncadd.s32 $0xFFFFF800  }
0x163: {  	[tilespmem:s17], [sflag:$0x1] =	stream.indirect.gather [spmem:s3], $0x48, s5, s16, $0xb8;
	[tilespmem:$0x1B988] =	vst v63  }
0x164: {  	_ =	swait.ge [sflag:s18], $0x2400  }
0x165: {  	[sflag:s18] =	ssyncset.done $0x0  }
0x166: {  	[sflag:s18] =	ssyncadd.s32 $0xFFFFDC00  }
0x167: {  	[tilespmem:s19], [sflag:$0x2] =	stream.indirect.gather [spmem:s3], $0x48, s16, s16, $0xb8;
	[tilespmem:$0x1B988] =	vst v63  }
0x168: {  	_ = 	snop  }
0x169: {  	[spmem:s4] =	stream.indirect.scatter.add.f32 [tilespmem:s17], [sflag:$0x3], $0x48, s7, s16, $0xb8;
	[tilespmem:$0x1B988] =	vst v63  }
0x16a: {  	_ =	swait.ge [sflag:s13], $0x2400  }
0x16b: {  	[sflag:s13] =	ssyncset.done $0x0  }
0x16c: {  	[sflag:s13] =	ssyncadd.s32 $0xFFFFDC00  }
0x16d: {  	_ =	swait.ge [sflag:s20], $0x2400  }
0x16e: {  	[sflag:s20] =	ssyncset.done $0x0  }
0x16f: {  	s23 =	simm.s32 $0x100;
	[sflag:s20] =	ssyncadd.s32 $0xFFFFDC00  }
0x170: {  	[tilespmem:s17], [sflag:$0x1] =	stream.indirect.gather [spmem:s3], $0x48, s23, s16, $0xb8;
	[tilespmem:$0x1B988] =	vst v63  }
0x171: {  	s10 =	simm.s32 $0x880  }
0x172: {  	[spmem:s4] =	stream.indirect.scatter.add.f32 [tilespmem:s19], [sflag:$0x3], $0x48, s10, s16, $0xb8;
	[tilespmem:$0x1B988] =	vst v63  }
0x173: {  	_ =	swait.ge [sflag:s13], $0x2400  }
0x174: {  	[sflag:s13] =	ssyncset.done $0x0  }
0x175: {  	[sflag:s13] =	ssyncadd.s32 $0xFFFFDC00  }
0x176: {  	_ =	swait.ge [sflag:s18], $0x2400  }
0x177: {  	[sflag:s18] =	ssyncset.done $0x0  }
0x178: {  	s11 =	simm.s32 $0x180;
	[sflag:s18] =	ssyncadd.s32 $0xFFFFDC00  }
0x179: {  	[tilespmem:s19], [sflag:$0x2] =	stream.indirect.gather [spmem:s3], $0x48, s11, s16, $0xb8;
	[tilespmem:$0x1B988] =	vst v63  }
0x17a: {  	s12 =	simm.s32 $0x900  }
0x17b: {  	[spmem:s4] =	stream.indirect.scatter.add.f32 [tilespmem:s17], [sflag:$0x3], $0x48, s12, s16, $0xb8;
	[tilespmem:$0x1B988] =	vst v63  }
0x17c: {  	_ =	swait.ge [sflag:s13], $0x2400  }
0x17d: {  	[sflag:s13] =	ssyncset.done $0x0  }
0x17e: {  	[sflag:s13] =	ssyncadd.s32 $0xFFFFDC00  }
0x17f: {  	_ =	swait.ge [sflag:s20], $0x2400  }
0x180: {  	[sflag:s20] =	ssyncset.done $0x0  }
0x181: {  	s14 =	simm.s32 $0x200;
	[sflag:s20] =	ssyncadd.s32 $0xFFFFDC00  }
0x182: {  	[tilespmem:s17], [sflag:$0x1] =	stream.indirect.gather [spmem:s3], $0x48, s14, s16, $0xb8;
	[tilespmem:$0x1B988] =	vst v63  }
0x183: {  	s15 =	simm.s32 $0x980  }
0x184: {  	[spmem:s4] =	stream.indirect.scatter.add.f32 [tilespmem:s19], [sflag:$0x3], $0x48, s15, s16, $0xb8;
	[tilespmem:$0x1B988] =	vst v63  }
0x185: {  	_ =	swait.ge [sflag:s13], $0x2400  }
0x186: {  	[sflag:s13] =	ssyncset.done $0x0  }
0x187: {  	[sflag:s13] =	ssyncadd.s32 $0xFFFFDC00  }
0x188: {  	_ =	swait.ge [sflag:s18], $0x2400  }
0x189: {  	[sflag:s18] =	ssyncset.done $0x0  }
0x18a: {  	s21 =	simm.s32 $0x280;
	[sflag:s18] =	ssyncadd.s32 $0xFFFFDC00  }
0x18b: {  	[tilespmem:s19], [sflag:$0x2] =	stream.indirect.gather [spmem:s3], $0x48, s21, s16, $0xb8;
	[tilespmem:$0x1B988] =	vst v63  }
0x18c: {  	s22 =	simm.s32 $0xA00  }
0x18d: {  	[spmem:s4] =	stream.indirect.scatter.add.f32 [tilespmem:s17], [sflag:$0x3], $0x48, s22, s16, $0xb8;
	[tilespmem:$0x1B988] =	vst v63  }
0x18e: {  	_ =	swait.ge [sflag:s13], $0x2400  }
0x18f: {  	[sflag:s13] =	ssyncset.done $0x0  }
0x190: {  	[sflag:s13] =	ssyncadd.s32 $0xFFFFDC00  }
0x191: {  	_ =	swait.ge [sflag:s20], $0x2400  }
0x192: {  	[sflag:s20] =	ssyncset.done $0x0  }
0x193: {  	s24 =	simm.s32 $0x300;
	[sflag:s20] =	ssyncadd.s32 $0xFFFFDC00  }
0x194: {  	[tilespmem:s17], [sflag:$0x1] =	stream.indirect.gather [spmem:s3], $0x48, s24, s16, $0xb8;
	[tilespmem:$0x1B988] =	vst v63  }
0x195: {  	s25 =	simm.s32 $0xA80  }
0x196: {  	[spmem:s4] =	stream.indirect.scatter.add.f32 [tilespmem:s19], [sflag:$0x3], $0x48, s25, s16, $0xb8;
	[tilespmem:$0x1B988] =	vst v63  }
0x197: {  	_ =	swait.ge [sflag:s13], $0x2400  }
0x198: {  	[sflag:s13] =	ssyncset.done $0x0  }
0x199: {  	[sflag:s13] =	ssyncadd.s32 $0xFFFFDC00  }
0x19a: {  	_ =	swait.ge [sflag:s18], $0x2400  }
0x19b: {  	[sflag:s18] =	ssyncset.done $0x0  }
0x19c: {  	s26 =	simm.s32 $0x380;
	[sflag:s18] =	ssyncadd.s32 $0xFFFFDC00  }
0x19d: {  	[tilespmem:s19], [sflag:$0x2] =	stream.indirect.gather [spmem:s3], $0x48, s26, s16, $0xb8;
	[tilespmem:$0x1B988] =	vst v63  }
0x19e: {  	s28 =	simm.s32 $0xB00  }
0x19f: {  	[spmem:s4] =	stream.indirect.scatter.add.f32 [tilespmem:s17], [sflag:$0x3], $0x48, s28, s16, $0xb8;
	[tilespmem:$0x1B988] =	vst v63  }
0x1a0: {  	_ =	swait.ge [sflag:s13], $0x2400  }
0x1a1: {  	[sflag:s13] =	ssyncset.done $0x0  }
0x1a2: {  	[sflag:s13] =	ssyncadd.s32 $0xFFFFDC00  }
0x1a3: {  	_ =	swait.ge [sflag:s20], $0x2400  }
0x1a4: {  	[sflag:s20] =	ssyncset.done $0x0  }
0x1a5: {  	s29 =	simm.s32 $0x400;
	[sflag:s20] =	ssyncadd.s32 $0xFFFFDC00  }
0x1a6: {  	[tilespmem:s17], [sflag:$0x1] =	stream.indirect.gather [spmem:s3], $0x48, s29, s16, $0xb8;
	[tilespmem:$0x1B988] =	vst v63  }
0x1a7: {  	s30 =	simm.s32 $0xB80  }
0x1a8: {  	[spmem:s4] =	stream.indirect.scatter.add.f32 [tilespmem:s19], [sflag:$0x3], $0x48, s30, s16, $0xb8;
	[tilespmem:$0x1B988] =	vst v63  }
0x1a9: {  	_ =	swait.ge [sflag:s13], $0x2400  }
0x1aa: {  	[sflag:s13] =	ssyncset.done $0x0  }
0x1ab: {  	[sflag:s13] =	ssyncadd.s32 $0xFFFFDC00  }
0x1ac: {  	_ =	swait.ge [sflag:s18], $0x2400  }
0x1ad: {  	[sflag:s18] =	ssyncset.done $0x0  }
0x1ae: {  	s31 =	simm.s32 $0x480;
	[sflag:s18] =	ssyncadd.s32 $0xFFFFDC00  }
0x1af: {  	[tilespmem:s19], [sflag:$0x2] =	stream.indirect.gather [spmem:s3], $0x48, s31, s16, $0xb8;
	[tilespmem:$0x1B988] =	vst v63  }
0x1b0: {  	s9 =	simm.s32 $0xC00  }
0x1b1: {  	[spmem:s4] =	stream.indirect.scatter.add.f32 [tilespmem:s17], [sflag:$0x3], $0x48, s9, s16, $0xb8;
	[tilespmem:$0x1B988] =	vst v63  }
0x1b2: {  	_ =	swait.ge [sflag:s13], $0x2400  }
0x1b3: {  	[sflag:s13] =	ssyncset.done $0x0  }
0x1b4: {  	[sflag:s13] =	ssyncadd.s32 $0xFFFFDC00  }
0x1b5: {  	_ =	swait.ge [sflag:s20], $0x2400  }
0x1b6: {  	[sflag:s20] =	ssyncset.done $0x0  }
0x1b7: {  	s6 =	simm.s32 $0x500;
	[sflag:s20] =	ssyncadd.s32 $0xFFFFDC00  }
0x1b8: {  	[tilespmem:s17], [sflag:$0x1] =	stream.indirect.gather [spmem:s3], $0x48, s6, s16, $0xb8;
	[tilespmem:$0x1B988] =	vst v63  }
0x1b9: {  	s8 =	simm.s32 $0xC80  }
0x1ba: {  	[spmem:s4] =	stream.indirect.scatter.add.f32 [tilespmem:s19], [sflag:$0x3], $0x48, s8, s16, $0xb8;
	[tilespmem:$0x1B988] =	vst v63  }
0x1bb: {  	_ =	swait.ge [sflag:s13], $0x2400  }
0x1bc: {  	[sflag:s13] =	ssyncset.done $0x0  }
0x1bd: {  	[sflag:s13] =	ssyncadd.s32 $0xFFFFDC00  }
0x1be: {  	_ =	swait.ge [sflag:s18], $0x2400  }
0x1bf: {  	[sflag:s18] =	ssyncset.done $0x0  }
0x1c0: {  	s9 =	simm.s32 $0x580;
	[sflag:s18] =	ssyncadd.s32 $0xFFFFDC00  }
0x1c1: {  	[tilespmem:s19], [sflag:$0x2] =	stream.indirect.gather [spmem:s3], $0x48, s9, s16, $0xb8;
	[tilespmem:$0x1B988] =	vst v63  }
0x1c2: {  	s6 =	simm.s32 $0xD00  }
0x1c3: {  	[spmem:s4] =	stream.indirect.scatter.add.f32 [tilespmem:s17], [sflag:$0x3], $0x48, s6, s16, $0xb8;
	[tilespmem:$0x1B988] =	vst v63  }
0x1c4: {  	_ =	swait.ge [sflag:s13], $0x2400  }
0x1c5: {  	[sflag:s13] =	ssyncset.done $0x0  }
0x1c6: {  	[sflag:s13] =	ssyncadd.s32 $0xFFFFDC00  }
0x1c7: {  	_ =	swait.ge [sflag:s20], $0x2400  }
0x1c8: {  	[sflag:s20] =	ssyncset.done $0x0  }
0x1c9: {  	s8 =	simm.s32 $0x600;
	[sflag:s20] =	ssyncadd.s32 $0xFFFFDC00  }
0x1ca: {  	[tilespmem:s17], [sflag:$0x1] =	stream.indirect.gather [spmem:s3], $0x48, s8, s16, $0xb8;
	[tilespmem:$0x1B988] =	vst v63  }
0x1cb: {  	s9 =	simm.s32 $0xD80  }
0x1cc: {  	[spmem:s4] =	stream.indirect.scatter.add.f32 [tilespmem:s19], [sflag:$0x3], $0x48, s9, s16, $0xb8;
	[tilespmem:$0x1B988] =	vst v63  }
0x1cd: {  	_ =	swait.ge [sflag:s13], $0x2400  }
0x1ce: {  	[sflag:s13] =	ssyncset.done $0x0  }
0x1cf: {  	[sflag:s13] =	ssyncadd.s32 $0xFFFFDC00  }
0x1d0: {  	_ =	swait.ge [sflag:s18], $0x2400  }
0x1d1: {  	[sflag:s18] =	ssyncset.done $0x0  }
0x1d2: {  	s6 =	simm.s32 $0x680;
	[sflag:s18] =	ssyncadd.s32 $0xFFFFDC00  }
0x1d3: {  	[tilespmem:s19], [sflag:$0x2] =	stream.indirect.gather [spmem:s3], $0x48, s6, s16, $0xb8;
	[tilespmem:$0x1B988] =	vst v63  }
0x1d4: {  	s8 =	simm.s32 $0xE00  }
0x1d5: {  	[spmem:s4] =	stream.indirect.scatter.add.f32 [tilespmem:s17], [sflag:$0x3], $0x48, s8, s16, $0xb8;
	[tilespmem:$0x1B988] =	vst v63  }
0x1d6: {  	_ =	swait.ge [sflag:s13], $0x2400  }
0x1d7: {  	[sflag:s13] =	ssyncset.done $0x0  }
0x1d8: {  	[sflag:s13] =	ssyncadd.s32 $0xFFFFDC00  }
0x1d9: {  	_ =	swait.ge [sflag:s20], $0x2400  }
0x1da: {  	[sflag:s20] =	ssyncset.done $0x0  }
0x1db: {  	s9 =	simm.s32 $0x700;
	[sflag:s20] =	ssyncadd.s32 $0xFFFFDC00  }
0x1dc: {  	[tilespmem:s17], [sflag:$0x1] =	stream.indirect.gather [spmem:s3], $0x48, s9, s16, $0xb8;
	[tilespmem:$0x1B988] =	vst v63  }
0x1dd: {  	s6 =	simm.s32 $0xE80  }
0x1de: {  	[spmem:s4] =	stream.indirect.scatter.add.f32 [tilespmem:s19], [sflag:$0x3], $0x48, s6, s16, $0xb8;
	[tilespmem:$0x1B988] =	vst v63  }
0x1df: {  	_ =	swait.ge [sflag:s13], $0x2400  }
0x1e0: {  	[sflag:s13] =	ssyncset.done $0x0  }
0x1e1: {  	[sflag:s13] =	ssyncadd.s32 $0xFFFFDC00  }
0x1e2: {  	_ =	swait.ge [sflag:s18], $0x2400  }
0x1e3: {  	[sflag:s18] =	ssyncset.done $0x0  }
0x1e4: {  	s8 =	simm.s32 $0x780;
	[sflag:s18] =	ssyncadd.s32 $0xFFFFDC00  }
0x1e5: {  	[tilespmem:s19], [sflag:$0x2] =	stream.indirect.gather [spmem:s3], $0x48, s8, s16, $0xb8;
	[tilespmem:$0x1B988] =	vst v63  }
0x1e6: {  	s9 =	simm.s32 $0xF00  }
0x1e7: {  	[spmem:s4] =	stream.indirect.scatter.add.f32 [tilespmem:s17], [sflag:$0x3], $0x48, s9, s16, $0xb8;
	[tilespmem:$0x1B988] =	vst v63  }
0x1e8: {  	_ =	swait.ge [sflag:s13], $0x2400  }
0x1e9: {  	[sflag:s13] =	ssyncset.done $0x0  }
0x1ea: {  	[sflag:s13] =	ssyncadd.s32 $0xFFFFDC00  }
0x1eb: {  	_ =	swait.ge [sflag:s20], $0x2400  }
0x1ec: {  	[sflag:s20] =	ssyncset.done $0x0  }
0x1ed: {  	s6 =	simm.s32 $0xF80;
	[sflag:s20] =	ssyncadd.s32 $0xFFFFDC00  }
0x1ee: {  	[spmem:s4] =	stream.indirect.scatter.add.f32 [tilespmem:s19], [sflag:$0x3], $0x48, s6, s16, $0xb8;
	[tilespmem:$0x1B988] =	vst v63  }
0x1ef: {  	_ =	swait.ge [sflag:s13], $0x2400  }
0x1f0: {  	[sflag:s13] =	ssyncset.done $0x0  }
0x1f1: {  	[sflag:s13] =	ssyncadd.s32 $0xFFFFDC00  }
0x1f2: {  	[bflag:$0x0] =	sbarrier.arrive $0xFFFF  }
0x1f3: {  	s6 =	rddreg [dreg:$0x8]  }
0x1f4: {  	s9 =	rddreg [dreg:$0xc]  }
0x1f5: {  	s8 =	rddreg [dreg:$0xd]  }
0x1f6: {  	[hbm:s8], [sflag:s6] =	dma.local [spmem:s9], $0x1638  }
0x1f7: {  	_ =	swait.ge [sflag:s13], $0x1638  }
0x1f8: {  	[sflag:s13] =	ssyncset.done $0x0;
	s1 =	rddreg [dreg:$0x9]  }
0x1f9: {  	s8 =	rddreg [dreg:$0xb];
	[sflag:s13] =	ssyncadd.s32 $0xFFFFE9C8  }
0x1fa: {  	[spmem:s8], [sflag:s6] =	dma.local [hbm:s1], $0x15F9  }
0x1fb: {  	_ =	swait.ge [sflag:s13], $0x15F9  }
0x1fc: {  	[sflag:s13] =	ssyncset.done $0x0  }
0x1fd: {  	[sflag:s13] =	ssyncadd.s32 $0xFFFFEA07  }
0x1fe: {  	s8 =	rddreg [dreg:$0x1]  }
0x1ff: {  	[spmem:s9], [sflag:s6] =	dma.local [hbm:s8], $0x1638  }
0x200: {  	_ =	swait.ge [sflag:s13], $0x1638  }
0x201: {  	[sflag:s13] =	ssyncset.done $0x0  }
0x202: {  	[sflag:s13] =	ssyncadd.s32 $0xFFFFE9C8  }
0x203: {  	s8 =	sadd.s32 $0x0, s2;
	[bflag:$0x0] =	sbarrier.arrive $0xFFFF  }
0x204: {  	[tilespmem:s5], [sflag:$0x3] =	stream.linear.gather [hbm4b:s8+s5], $0x800, $0x38;
	[tilespmem:$0x1B988] =	vst v63  }
0x205: {  	_ =	swait.ge [sflag:s13], $0x800  }
0x206: {  	[sflag:s13] =	ssyncset.done $0x0  }
0x207: {  	s9 =	sadd.s32 $0x0, s0;
	[sflag:s13] =	ssyncadd.s32 $0xFFFFF800  }
0x208: {  	[tilespmem:s7], [sflag:$0x3] =	stream.linear.gather [hbm4b:s9+s5], $0x800, $0x38;
	[tilespmem:$0x1B988] =	vst v63  }
0x209: {  	_ =	swait.ge [sflag:s13], $0x800  }
0x20a: {  	[sflag:s13] =	ssyncset.done $0x0  }
0x20b: {  	[sflag:s13] =	ssyncadd.s32 $0xFFFFF800  }
0x20c: {  	[tilespmem:s17], [sflag:$0x1] =	stream.indirect.gather [spmem:s3], $0x48, s5, s16, $0xb8;
	[tilespmem:$0x1B988] =	vst v63  }
0x20d: {  	_ =	swait.ge [sflag:s18], $0x2400  }
0x20e: {  	[sflag:s18] =	ssyncset.done $0x0  }
0x20f: {  	[sflag:s18] =	ssyncadd.s32 $0xFFFFDC00  }
0x210: {  	[tilespmem:s19], [sflag:$0x2] =	stream.indirect.gather [spmem:s3], $0x48, s16, s16, $0xb8;
	[tilespmem:$0x1B988] =	vst v63  }
0x211: {  	_ = 	snop  }
0x212: {  	[spmem:s4] =	stream.indirect.scatter.add.f32 [tilespmem:s17], [sflag:$0x3], $0x48, s7, s16, $0xb8;
	[tilespmem:$0x1B988] =	vst v63  }
0x213: {  	_ =	swait.ge [sflag:s13], $0x2400  }
0x214: {  	[sflag:s13] =	ssyncset.done $0x0  }
0x215: {  	[sflag:s13] =	ssyncadd.s32 $0xFFFFDC00  }
0x216: {  	_ =	swait.ge [sflag:s20], $0x2400  }
0x217: {  	[sflag:s20] =	ssyncset.done $0x0  }
0x218: {  	[sflag:s20] =	ssyncadd.s32 $0xFFFFDC00  }
0x219: {  	[tilespmem:s17], [sflag:$0x1] =	stream.indirect.gather [spmem:s3], $0x48, s23, s16, $0xb8;
	[tilespmem:$0x1B988] =	vst v63  }
0x21a: {  	_ = 	snop  }
0x21b: {  	[spmem:s4] =	stream.indirect.scatter.add.f32 [tilespmem:s19], [sflag:$0x3], $0x48, s10, s16, $0xb8;
	[tilespmem:$0x1B988] =	vst v63  }
0x21c: {  	_ =	swait.ge [sflag:s13], $0x2400  }
0x21d: {  	[sflag:s13] =	ssyncset.done $0x0  }
0x21e: {  	[sflag:s13] =	ssyncadd.s32 $0xFFFFDC00  }
0x21f: {  	_ =	swait.ge [sflag:s18], $0x2400  }
0x220: {  	[sflag:s18] =	ssyncset.done $0x0  }
0x221: {  	[sflag:s18] =	ssyncadd.s32 $0xFFFFDC00  }
0x222: {  	[tilespmem:s19], [sflag:$0x2] =	stream.indirect.gather [spmem:s3], $0x48, s11, s16, $0xb8;
	[tilespmem:$0x1B988] =	vst v63  }
0x223: {  	_ = 	snop  }
0x224: {  	[spmem:s4] =	stream.indirect.scatter.add.f32 [tilespmem:s17], [sflag:$0x3], $0x48, s12, s16, $0xb8;
	[tilespmem:$0x1B988] =	vst v63  }
0x225: {  	_ =	swait.ge [sflag:s13], $0x2400  }
0x226: {  	[sflag:s13] =	ssyncset.done $0x0  }
0x227: {  	[sflag:s13] =	ssyncadd.s32 $0xFFFFDC00  }
0x228: {  	_ =	swait.ge [sflag:s20], $0x2400  }
0x229: {  	[sflag:s20] =	ssyncset.done $0x0  }
0x22a: {  	[sflag:s20] =	ssyncadd.s32 $0xFFFFDC00  }
0x22b: {  	[tilespmem:s17], [sflag:$0x1] =	stream.indirect.gather [spmem:s3], $0x48, s14, s16, $0xb8;
	[tilespmem:$0x1B988] =	vst v63  }
0x22c: {  	_ = 	snop  }
0x22d: {  	[spmem:s4] =	stream.indirect.scatter.add.f32 [tilespmem:s19], [sflag:$0x3], $0x48, s15, s16, $0xb8;
	[tilespmem:$0x1B988] =	vst v63  }
0x22e: {  	_ =	swait.ge [sflag:s13], $0x2400  }
0x22f: {  	[sflag:s13] =	ssyncset.done $0x0  }
0x230: {  	[sflag:s13] =	ssyncadd.s32 $0xFFFFDC00  }
0x231: {  	_ =	swait.ge [sflag:s18], $0x2400  }
0x232: {  	[sflag:s18] =	ssyncset.done $0x0  }
0x233: {  	[sflag:s18] =	ssyncadd.s32 $0xFFFFDC00  }
0x234: {  	[tilespmem:s19], [sflag:$0x2] =	stream.indirect.gather [spmem:s3], $0x48, s21, s16, $0xb8;
	[tilespmem:$0x1B988] =	vst v63  }
0x235: {  	_ = 	snop  }
0x236: {  	[spmem:s4] =	stream.indirect.scatter.add.f32 [tilespmem:s17], [sflag:$0x3], $0x48, s22, s16, $0xb8;
	[tilespmem:$0x1B988] =	vst v63  }
0x237: {  	_ =	swait.ge [sflag:s13], $0x2400  }
0x238: {  	[sflag:s13] =	ssyncset.done $0x0  }
0x239: {  	[sflag:s13] =	ssyncadd.s32 $0xFFFFDC00  }
0x23a: {  	_ =	swait.ge [sflag:s20], $0x2400  }
0x23b: {  	[sflag:s20] =	ssyncset.done $0x0  }
0x23c: {  	[sflag:s20] =	ssyncadd.s32 $0xFFFFDC00  }
0x23d: {  	[tilespmem:s17], [sflag:$0x1] =	stream.indirect.gather [spmem:s3], $0x48, s24, s16, $0xb8;
	[tilespmem:$0x1B988] =	vst v63  }
0x23e: {  	_ = 	snop  }
0x23f: {  	[spmem:s4] =	stream.indirect.scatter.add.f32 [tilespmem:s19], [sflag:$0x3], $0x48, s25, s16, $0xb8;
	[tilespmem:$0x1B988] =	vst v63  }
0x240: {  	_ =	swait.ge [sflag:s13], $0x2400  }
0x241: {  	[sflag:s13] =	ssyncset.done $0x0  }
0x242: {  	[sflag:s13] =	ssyncadd.s32 $0xFFFFDC00  }
0x243: {  	_ =	swait.ge [sflag:s18], $0x2400  }
0x244: {  	[sflag:s18] =	ssyncset.done $0x0  }
0x245: {  	[sflag:s18] =	ssyncadd.s32 $0xFFFFDC00  }
0x246: {  	[tilespmem:s19], [sflag:$0x2] =	stream.indirect.gather [spmem:s3], $0x48, s26, s16, $0xb8;
	[tilespmem:$0x1B988] =	vst v63  }
0x247: {  	_ = 	snop  }
0x248: {  	[spmem:s4] =	stream.indirect.scatter.add.f32 [tilespmem:s17], [sflag:$0x3], $0x48, s28, s16, $0xb8;
	[tilespmem:$0x1B988] =	vst v63  }
0x249: {  	_ =	swait.ge [sflag:s13], $0x2400  }
0x24a: {  	[sflag:s13] =	ssyncset.done $0x0  }
0x24b: {  	[sflag:s13] =	ssyncadd.s32 $0xFFFFDC00  }
0x24c: {  	_ =	swait.ge [sflag:s20], $0x2400  }
0x24d: {  	[sflag:s20] =	ssyncset.done $0x0  }
0x24e: {  	[sflag:s20] =	ssyncadd.s32 $0xFFFFDC00  }
0x24f: {  	[tilespmem:s17], [sflag:$0x1] =	stream.indirect.gather [spmem:s3], $0x48, s29, s16, $0xb8;
	[tilespmem:$0x1B988] =	vst v63  }
0x250: {  	_ = 	snop  }
0x251: {  	[spmem:s4] =	stream.indirect.scatter.add.f32 [tilespmem:s19], [sflag:$0x3], $0x48, s30, s16, $0xb8;
	[tilespmem:$0x1B988] =	vst v63  }
0x252: {  	_ =	swait.ge [sflag:s13], $0x2400  }
0x253: {  	[sflag:s13] =	ssyncset.done $0x0  }
0x254: {  	[sflag:s13] =	ssyncadd.s32 $0xFFFFDC00  }
0x255: {  	_ =	swait.ge [sflag:s18], $0x2400  }
0x256: {  	[sflag:s18] =	ssyncset.done $0x0  }
0x257: {  	[sflag:s18] =	ssyncadd.s32 $0xFFFFDC00  }
0x258: {  	[tilespmem:s19], [sflag:$0x2] =	stream.indirect.gather [spmem:s3], $0x48, s31, s16, $0xb8;
	[tilespmem:$0x1B988] =	vst v63  }
0x259: {  	s15 =	simm.s32 $0xC00  }
0x25a: {  	[spmem:s4] =	stream.indirect.scatter.add.f32 [tilespmem:s17], [sflag:$0x3], $0x48, s15, s16, $0xb8;
	[tilespmem:$0x1B988] =	vst v63  }
0x25b: {  	_ =	swait.ge [sflag:s13], $0x2400  }
0x25c: {  	[sflag:s13] =	ssyncset.done $0x0  }
0x25d: {  	[sflag:s13] =	ssyncadd.s32 $0xFFFFDC00  }
0x25e: {  	_ =	swait.ge [sflag:s20], $0x2400  }
0x25f: {  	[sflag:s20] =	ssyncset.done $0x0  }
0x260: {  	s21 =	simm.s32 $0x500;
	[sflag:s20] =	ssyncadd.s32 $0xFFFFDC00  }
0x261: {  	[tilespmem:s17], [sflag:$0x1] =	stream.indirect.gather [spmem:s3], $0x48, s21, s16, $0xb8;
	[tilespmem:$0x1B988] =	vst v63  }
0x262: {  	s22 =	simm.s32 $0xC80  }
0x263: {  	[spmem:s4] =	stream.indirect.scatter.add.f32 [tilespmem:s19], [sflag:$0x3], $0x48, s22, s16, $0xb8;
	[tilespmem:$0x1B988] =	vst v63  }
0x264: {  	_ =	swait.ge [sflag:s13], $0x2400  }
0x265: {  	[sflag:s13] =	ssyncset.done $0x0  }
0x266: {  	[sflag:s13] =	ssyncadd.s32 $0xFFFFDC00  }
0x267: {  	_ =	swait.ge [sflag:s18], $0x2400  }
0x268: {  	[sflag:s18] =	ssyncset.done $0x0  }
0x269: {  	s23 =	simm.s32 $0x580;
	[sflag:s18] =	ssyncadd.s32 $0xFFFFDC00  }
0x26a: {  	[tilespmem:s19], [sflag:$0x2] =	stream.indirect.gather [spmem:s3], $0x48, s23, s16, $0xb8;
	[tilespmem:$0x1B988] =	vst v63  }
0x26b: {  	s25 =	simm.s32 $0xD00  }
0x26c: {  	[spmem:s4] =	stream.indirect.scatter.add.f32 [tilespmem:s17], [sflag:$0x3], $0x48, s25, s16, $0xb8;
	[tilespmem:$0x1B988] =	vst v63  }
0x26d: {  	_ =	swait.ge [sflag:s13], $0x2400  }
0x26e: {  	[sflag:s13] =	ssyncset.done $0x0  }
0x26f: {  	[sflag:s13] =	ssyncadd.s32 $0xFFFFDC00  }
0x270: {  	_ =	swait.ge [sflag:s20], $0x2400  }
0x271: {  	[sflag:s20] =	ssyncset.done $0x0  }
0x272: {  	s26 =	simm.s32 $0x600;
	[sflag:s20] =	ssyncadd.s32 $0xFFFFDC00  }
0x273: {  	[tilespmem:s17], [sflag:$0x1] =	stream.indirect.gather [spmem:s3], $0x48, s26, s16, $0xb8;
	[tilespmem:$0x1B988] =	vst v63  }
0x274: {  	s6 =	simm.s32 $0xD80  }
0x275: {  	[spmem:s4] =	stream.indirect.scatter.add.f32 [tilespmem:s19], [sflag:$0x3], $0x48, s6, s16, $0xb8;
	[tilespmem:$0x1B988] =	vst v63  }
0x276: {  	_ =	swait.ge [sflag:s13], $0x2400  }
0x277: {  	[sflag:s13] =	ssyncset.done $0x0  }
0x278: {  	[sflag:s13] =	ssyncadd.s32 $0xFFFFDC00  }
0x279: {  	_ =	swait.ge [sflag:s18], $0x2400  }
0x27a: {  	[sflag:s18] =	ssyncset.done $0x0  }
0x27b: {  	s8 =	simm.s32 $0x680;
	[sflag:s18] =	ssyncadd.s32 $0xFFFFDC00  }
0x27c: {  	[tilespmem:s19], [sflag:$0x2] =	stream.indirect.gather [spmem:s3], $0x48, s8, s16, $0xb8;
	[tilespmem:$0x1B988] =	vst v63  }
0x27d: {  	s9 =	simm.s32 $0xE00  }
0x27e: {  	[spmem:s4] =	stream.indirect.scatter.add.f32 [tilespmem:s17], [sflag:$0x3], $0x48, s9, s16, $0xb8;
	[tilespmem:$0x1B988] =	vst v63  }
0x27f: {  	_ =	swait.ge [sflag:s13], $0x2400  }
0x280: {  	[sflag:s13] =	ssyncset.done $0x0  }
0x281: {  	[sflag:s13] =	ssyncadd.s32 $0xFFFFDC00  }
0x282: {  	_ =	swait.ge [sflag:s20], $0x2400  }
0x283: {  	[sflag:s20] =	ssyncset.done $0x0  }
0x284: {  	s23 =	simm.s32 $0x700;
	[sflag:s20] =	ssyncadd.s32 $0xFFFFDC00  }
0x285: {  	[tilespmem:s17], [sflag:$0x1] =	stream.indirect.gather [spmem:s3], $0x48, s23, s16, $0xb8;
	[tilespmem:$0x1B988] =	vst v63  }
0x286: {  	s6 =	simm.s32 $0xE80  }
0x287: {  	[spmem:s4] =	stream.indirect.scatter.add.f32 [tilespmem:s19], [sflag:$0x3], $0x48, s6, s16, $0xb8;
	[tilespmem:$0x1B988] =	vst v63  }
0x288: {  	_ =	swait.ge [sflag:s13], $0x2400  }
0x289: {  	[sflag:s13] =	ssyncset.done $0x0  }
0x28a: {  	[sflag:s13] =	ssyncadd.s32 $0xFFFFDC00  }
0x28b: {  	_ =	swait.ge [sflag:s18], $0x2400  }
0x28c: {  	s1 =	simm.s32 $0x100;
	[sflag:s18] =	ssyncset.done $0x0  }
0x28d: {  	s2 =	simm.s32 $0x400;
	s8 =	simm.s32 $0x780;
	[sflag:s18] =	ssyncadd.s32 $0xFFFFDC00  }
0x28e: {  	[tilespmem:s19], [sflag:$0x2] =	stream.indirect.gather [spmem:s3], $0x48, s8, s16, $0xb8;
	[tilespmem:$0x1B988] =	vst v63  }
0x28f: {  	s0 =	simm.s32 $0xB80;
	s7 =	simm.s32 $0x600;
	s9 =	simm.s32 $0xF00  }
0x290: {  	[spmem:s4] =	stream.indirect.scatter.add.f32 [tilespmem:s17], [sflag:$0x3], $0x48, s9, s16, $0xb8;
	[tilespmem:$0x1B988] =	vst v63  }
0x291: {  	s10 =	simm.s32 $0x480;
	s11 =	simm.s32 $0xC00;
	_ =	swait.ge [sflag:s13], $0x2400  }
0x292: {  	s12 =	simm.s32 $0x580;
	s14 =	simm.s32 $0xD00;
	[sflag:s13] =	ssyncset.done $0x0  }
0x293: {  	s24 =	simm.s32 $0xC80;
	s28 =	simm.s32 $0xE80;
	[sflag:s13] =	ssyncadd.s32 $0xFFFFDC00  }
0x294: {  	s29 =	simm.s32 $0x780;
	s30 =	simm.s32 $0xF00;
	_ =	swait.ge [sflag:s20], $0x2400  }
0x295: {  	s31 =	simm.s32 $0xF80;
	s15 =	simm.s32 $0x500;
	[sflag:s20] =	ssyncset.done $0x0  }
0x296: {  	s21 =	simm.s32 $0xD80;
	s23 =	simm.s32 $0xF80;
	[sflag:s20] =	ssyncadd.s32 $0xFFFFDC00  }
0x297: {  	[spmem:s4] =	stream.indirect.scatter.add.f32 [tilespmem:s19], [sflag:$0x3], $0x48, s23, s16, $0xb8;
	[tilespmem:$0x1B988] =	vst v63  }
0x298: {  	s22 =	simm.s32 $0x680;
	s25 =	simm.s32 $0xE00;
	_ =	swait.ge [sflag:s13], $0x2400  }
0x299: {  	s26 =	simm.s32 $0x700;
	s8 =	simm.s32 $0x200;
	[sflag:s13] =	ssyncset.done $0x0  }
.LBB2_4:
0x29a: {  	s6 =	rddreg [dreg:$0x6]  }
0x29b: {  	[sflag:s13] =	ssyncadd.s32 $0xFFFFDC00;
	s9 =	sadd.s32 s1, s6  }
0x29c: {  	[tilespmem:s5], [sflag:$0x3] =	stream.linear.gather [hbm4b:s9+s5], $0x800, $0x38;
	[tilespmem:$0x1B988] =	vst v63  }
0x29d: {  	_ =	swait.ge [sflag:s13], $0x800  }
0x29e: {  	s23 =	smov.u32 s8;
	p0 =	sne.s32 s8, $0x400;
	[sflag:s13] =	ssyncset.done $0x0  }
0x29f: {  	s6 =	sadd.s32 $0x100, s8;
	s9 =	rddreg [dreg:$0x5];
	[sflag:s13] =	ssyncadd.s32 $0xFFFFF800  }
0x2a0: {  	s8 =	sadd.s32 s1, s9;
	s1 =	smov.u32 s23;
	s23 =	simm.s32 $0x800  }
0x2a1: {  	[tilespmem:s23], [sflag:$0x3] =	stream.linear.gather [hbm4b:s8+s5], $0x800, $0x38;
	[tilespmem:$0x1B988] =	vst v63  }
0x2a2: {  	_ =	swait.ge [sflag:s13], $0x800  }
0x2a3: {  	[sflag:s13] =	ssyncset.done $0x0  }
0x2a4: {  	[sflag:s13] =	ssyncadd.s32 $0xFFFFF800  }
0x2a5: {  	[tilespmem:s17], [sflag:$0x1] =	stream.indirect.gather [spmem:s3], $0x48, s5, s16, $0xb8;
	[tilespmem:$0x1B988] =	vst v63  }
0x2a6: {  	_ =	swait.ge [sflag:s18], $0x2400  }
0x2a7: {  	[sflag:s18] =	ssyncset.done $0x0  }
0x2a8: {  	[sflag:s18] =	ssyncadd.s32 $0xFFFFDC00  }
0x2a9: {  	[tilespmem:s19], [sflag:$0x2] =	stream.indirect.gather [spmem:s3], $0x48, s16, s16, $0xb8;
	[tilespmem:$0x1B988] =	vst v63  }
0x2aa: {  	_ = 	snop  }
0x2ab: {  	[spmem:s4] =	stream.indirect.scatter.add.f32 [tilespmem:s17], [sflag:$0x3], $0x48, s23, s16, $0xb8;
	[tilespmem:$0x1B988] =	vst v63  }
0x2ac: {  	_ =	swait.ge [sflag:s13], $0x2400  }
0x2ad: {  	[sflag:s13] =	ssyncset.done $0x0  }
0x2ae: {  	[sflag:s13] =	ssyncadd.s32 $0xFFFFDC00  }
0x2af: {  	_ =	swait.ge [sflag:s20], $0x2400  }
0x2b0: {  	[sflag:s20] =	ssyncset.done $0x0  }
0x2b1: {  	s9 =	simm.s32 $0x100;
	[sflag:s20] =	ssyncadd.s32 $0xFFFFDC00  }
0x2b2: {  	[tilespmem:s17], [sflag:$0x1] =	stream.indirect.gather [spmem:s3], $0x48, s9, s16, $0xb8;
	[tilespmem:$0x1B988] =	vst v63  }
0x2b3: {  	s23 =	simm.s32 $0x880  }
0x2b4: {  	[spmem:s4] =	stream.indirect.scatter.add.f32 [tilespmem:s19], [sflag:$0x3], $0x48, s23, s16, $0xb8;
	[tilespmem:$0x1B988] =	vst v63  }
0x2b5: {  	_ =	swait.ge [sflag:s13], $0x2400  }
0x2b6: {  	[sflag:s13] =	ssyncset.done $0x0  }
0x2b7: {  	[sflag:s13] =	ssyncadd.s32 $0xFFFFDC00  }
0x2b8: {  	_ =	swait.ge [sflag:s18], $0x2400  }
0x2b9: {  	[sflag:s18] =	ssyncset.done $0x0  }
0x2ba: {  	s9 =	simm.s32 $0x180;
	[sflag:s18] =	ssyncadd.s32 $0xFFFFDC00  }
0x2bb: {  	[tilespmem:s19], [sflag:$0x2] =	stream.indirect.gather [spmem:s3], $0x48, s9, s16, $0xb8;
	[tilespmem:$0x1B988] =	vst v63  }
0x2bc: {  	s23 =	simm.s32 $0x900  }
0x2bd: {  	[spmem:s4] =	stream.indirect.scatter.add.f32 [tilespmem:s17], [sflag:$0x3], $0x48, s23, s16, $0xb8;
	[tilespmem:$0x1B988] =	vst v63  }
0x2be: {  	_ =	swait.ge [sflag:s13], $0x2400  }
0x2bf: {  	[sflag:s13] =	ssyncset.done $0x0  }
0x2c0: {  	[sflag:s13] =	ssyncadd.s32 $0xFFFFDC00  }
0x2c1: {  	_ =	swait.ge [sflag:s20], $0x2400  }
0x2c2: {  	[sflag:s20] =	ssyncset.done $0x0  }
0x2c3: {  	s9 =	simm.s32 $0x200;
	[sflag:s20] =	ssyncadd.s32 $0xFFFFDC00  }
0x2c4: {  	[tilespmem:s17], [sflag:$0x1] =	stream.indirect.gather [spmem:s3], $0x48, s9, s16, $0xb8;
	[tilespmem:$0x1B988] =	vst v63  }
0x2c5: {  	s23 =	simm.s32 $0x980  }
0x2c6: {  	[spmem:s4] =	stream.indirect.scatter.add.f32 [tilespmem:s19], [sflag:$0x3], $0x48, s23, s16, $0xb8;
	[tilespmem:$0x1B988] =	vst v63  }
0x2c7: {  	_ =	swait.ge [sflag:s13], $0x2400  }
0x2c8: {  	[sflag:s13] =	ssyncset.done $0x0  }
0x2c9: {  	[sflag:s13] =	ssyncadd.s32 $0xFFFFDC00  }
0x2ca: {  	_ =	swait.ge [sflag:s18], $0x2400  }
0x2cb: {  	[sflag:s18] =	ssyncset.done $0x0  }
0x2cc: {  	s9 =	simm.s32 $0x280;
	[sflag:s18] =	ssyncadd.s32 $0xFFFFDC00  }
0x2cd: {  	[tilespmem:s19], [sflag:$0x2] =	stream.indirect.gather [spmem:s3], $0x48, s9, s16, $0xb8;
	[tilespmem:$0x1B988] =	vst v63  }
0x2ce: {  	s23 =	simm.s32 $0xA00  }
0x2cf: {  	[spmem:s4] =	stream.indirect.scatter.add.f32 [tilespmem:s17], [sflag:$0x3], $0x48, s23, s16, $0xb8;
	[tilespmem:$0x1B988] =	vst v63  }
0x2d0: {  	_ =	swait.ge [sflag:s13], $0x2400  }
0x2d1: {  	[sflag:s13] =	ssyncset.done $0x0  }
0x2d2: {  	[sflag:s13] =	ssyncadd.s32 $0xFFFFDC00  }
0x2d3: {  	_ =	swait.ge [sflag:s20], $0x2400  }
0x2d4: {  	[sflag:s20] =	ssyncset.done $0x0  }
0x2d5: {  	s9 =	simm.s32 $0x300;
	[sflag:s20] =	ssyncadd.s32 $0xFFFFDC00  }
0x2d6: {  	[tilespmem:s17], [sflag:$0x1] =	stream.indirect.gather [spmem:s3], $0x48, s9, s16, $0xb8;
	[tilespmem:$0x1B988] =	vst v63  }
0x2d7: {  	s23 =	simm.s32 $0xA80  }
0x2d8: {  	[spmem:s4] =	stream.indirect.scatter.add.f32 [tilespmem:s19], [sflag:$0x3], $0x48, s23, s16, $0xb8;
	[tilespmem:$0x1B988] =	vst v63  }
0x2d9: {  	_ =	swait.ge [sflag:s13], $0x2400  }
0x2da: {  	[sflag:s13] =	ssyncset.done $0x0  }
0x2db: {  	[sflag:s13] =	ssyncadd.s32 $0xFFFFDC00  }
0x2dc: {  	_ =	swait.ge [sflag:s18], $0x2400  }
0x2dd: {  	[sflag:s18] =	ssyncset.done $0x0  }
0x2de: {  	s9 =	simm.s32 $0x380;
	[sflag:s18] =	ssyncadd.s32 $0xFFFFDC00  }
0x2df: {  	[tilespmem:s19], [sflag:$0x2] =	stream.indirect.gather [spmem:s3], $0x48, s9, s16, $0xb8;
	[tilespmem:$0x1B988] =	vst v63  }
0x2e0: {  	s23 =	simm.s32 $0xB00  }
0x2e1: {  	[spmem:s4] =	stream.indirect.scatter.add.f32 [tilespmem:s17], [sflag:$0x3], $0x48, s23, s16, $0xb8;
	[tilespmem:$0x1B988] =	vst v63  }
0x2e2: {  	_ =	swait.ge [sflag:s13], $0x2400  }
0x2e3: {  	[sflag:s13] =	ssyncset.done $0x0  }
0x2e4: {  	[sflag:s13] =	ssyncadd.s32 $0xFFFFDC00  }
0x2e5: {  	_ =	swait.ge [sflag:s20], $0x2400  }
0x2e6: {  	[sflag:s20] =	ssyncset.done $0x0  }
0x2e7: {  	[sflag:s20] =	ssyncadd.s32 $0xFFFFDC00  }
0x2e8: {  	[tilespmem:s17], [sflag:$0x1] =	stream.indirect.gather [spmem:s3], $0x48, s2, s16, $0xb8;
	[tilespmem:$0x1B988] =	vst v63  }
0x2e9: {  	_ = 	snop  }
0x2ea: {  	[spmem:s4] =	stream.indirect.scatter.add.f32 [tilespmem:s19], [sflag:$0x3], $0x48, s0, s16, $0xb8;
	[tilespmem:$0x1B988] =	vst v63  }
0x2eb: {  	_ =	swait.ge [sflag:s13], $0x2400  }
0x2ec: {  	[sflag:s13] =	ssyncset.done $0x0  }
0x2ed: {  	[sflag:s13] =	ssyncadd.s32 $0xFFFFDC00  }
0x2ee: {  	_ =	swait.ge [sflag:s18], $0x2400  }
0x2ef: {  	[sflag:s18] =	ssyncset.done $0x0  }
0x2f0: {  	[sflag:s18] =	ssyncadd.s32 $0xFFFFDC00  }
0x2f1: {  	[tilespmem:s19], [sflag:$0x2] =	stream.indirect.gather [spmem:s3], $0x48, s10, s16, $0xb8;
	[tilespmem:$0x1B988] =	vst v63  }
0x2f2: {  	_ = 	snop  }
0x2f3: {  	[spmem:s4] =	stream.indirect.scatter.add.f32 [tilespmem:s17], [sflag:$0x3], $0x48, s11, s16, $0xb8;
	[tilespmem:$0x1B988] =	vst v63  }
0x2f4: {  	_ =	swait.ge [sflag:s13], $0x2400  }
0x2f5: {  	[sflag:s13] =	ssyncset.done $0x0  }
0x2f6: {  	[sflag:s13] =	ssyncadd.s32 $0xFFFFDC00  }
0x2f7: {  	_ =	swait.ge [sflag:s20], $0x2400  }
0x2f8: {  	[sflag:s20] =	ssyncset.done $0x0  }
0x2f9: {  	[sflag:s20] =	ssyncadd.s32 $0xFFFFDC00  }
0x2fa: {  	[tilespmem:s17], [sflag:$0x1] =	stream.indirect.gather [spmem:s3], $0x48, s15, s16, $0xb8;
	[tilespmem:$0x1B988] =	vst v63  }
0x2fb: {  	_ = 	snop  }
0x2fc: {  	[spmem:s4] =	stream.indirect.scatter.add.f32 [tilespmem:s19], [sflag:$0x3], $0x48, s24, s16, $0xb8;
	[tilespmem:$0x1B988] =	vst v63  }
0x2fd: {  	_ =	swait.ge [sflag:s13], $0x2400  }
0x2fe: {  	[sflag:s13] =	ssyncset.done $0x0  }
0x2ff: {  	[sflag:s13] =	ssyncadd.s32 $0xFFFFDC00  }
0x300: {  	_ =	swait.ge [sflag:s18], $0x2400  }
0x301: {  	[sflag:s18] =	ssyncset.done $0x0  }
0x302: {  	[sflag:s18] =	ssyncadd.s32 $0xFFFFDC00  }
0x303: {  	[tilespmem:s19], [sflag:$0x2] =	stream.indirect.gather [spmem:s3], $0x48, s12, s16, $0xb8;
	[tilespmem:$0x1B988] =	vst v63  }
0x304: {  	_ = 	snop  }
0x305: {  	[spmem:s4] =	stream.indirect.scatter.add.f32 [tilespmem:s17], [sflag:$0x3], $0x48, s14, s16, $0xb8;
	[tilespmem:$0x1B988] =	vst v63  }
0x306: {  	_ =	swait.ge [sflag:s13], $0x2400  }
0x307: {  	[sflag:s13] =	ssyncset.done $0x0  }
0x308: {  	[sflag:s13] =	ssyncadd.s32 $0xFFFFDC00  }
0x309: {  	_ =	swait.ge [sflag:s20], $0x2400  }
0x30a: {  	[sflag:s20] =	ssyncset.done $0x0  }
0x30b: {  	[sflag:s20] =	ssyncadd.s32 $0xFFFFDC00  }
0x30c: {  	[tilespmem:s17], [sflag:$0x1] =	stream.indirect.gather [spmem:s3], $0x48, s7, s16, $0xb8;
	[tilespmem:$0x1B988] =	vst v63  }
0x30d: {  	_ = 	snop  }
0x30e: {  	[spmem:s4] =	stream.indirect.scatter.add.f32 [tilespmem:s19], [sflag:$0x3], $0x48, s21, s16, $0xb8;
	[tilespmem:$0x1B988] =	vst v63  }
0x30f: {  	_ =	swait.ge [sflag:s13], $0x2400  }
0x310: {  	[sflag:s13] =	ssyncset.done $0x0  }
0x311: {  	[sflag:s13] =	ssyncadd.s32 $0xFFFFDC00  }
0x312: {  	_ =	swait.ge [sflag:s18], $0x2400  }
0x313: {  	[sflag:s18] =	ssyncset.done $0x0  }
0x314: {  	[sflag:s18] =	ssyncadd.s32 $0xFFFFDC00  }
0x315: {  	[tilespmem:s19], [sflag:$0x2] =	stream.indirect.gather [spmem:s3], $0x48, s22, s16, $0xb8;
	[tilespmem:$0x1B988] =	vst v63  }
0x316: {  	_ = 	snop  }
0x317: {  	[spmem:s4] =	stream.indirect.scatter.add.f32 [tilespmem:s17], [sflag:$0x3], $0x48, s25, s16, $0xb8;
	[tilespmem:$0x1B988] =	vst v63  }
0x318: {  	_ =	swait.ge [sflag:s13], $0x2400  }
0x319: {  	[sflag:s13] =	ssyncset.done $0x0  }
0x31a: {  	[sflag:s13] =	ssyncadd.s32 $0xFFFFDC00  }
0x31b: {  	_ =	swait.ge [sflag:s20], $0x2400  }
0x31c: {  	[sflag:s20] =	ssyncset.done $0x0  }
0x31d: {  	[sflag:s20] =	ssyncadd.s32 $0xFFFFDC00  }
0x31e: {  	[tilespmem:s17], [sflag:$0x1] =	stream.indirect.gather [spmem:s3], $0x48, s26, s16, $0xb8;
	[tilespmem:$0x1B988] =	vst v63  }
0x31f: {  	_ = 	snop  }
0x320: {  	[spmem:s4] =	stream.indirect.scatter.add.f32 [tilespmem:s19], [sflag:$0x3], $0x48, s28, s16, $0xb8;
	[tilespmem:$0x1B988] =	vst v63  }
0x321: {  	_ =	swait.ge [sflag:s13], $0x2400  }
0x322: {  	[sflag:s13] =	ssyncset.done $0x0  }
0x323: {  	[sflag:s13] =	ssyncadd.s32 $0xFFFFDC00  }
0x324: {  	_ =	swait.ge [sflag:s18], $0x2400  }
0x325: {  	[sflag:s18] =	ssyncset.done $0x0  }
0x326: {  	[sflag:s18] =	ssyncadd.s32 $0xFFFFDC00  }
0x327: {  	[tilespmem:s19], [sflag:$0x2] =	stream.indirect.gather [spmem:s3], $0x48, s29, s16, $0xb8;
	[tilespmem:$0x1B988] =	vst v63  }
0x328: {  	_ = 	snop  }
0x329: {  	[spmem:s4] =	stream.indirect.scatter.add.f32 [tilespmem:s17], [sflag:$0x3], $0x48, s30, s16, $0xb8;
	[tilespmem:$0x1B988] =	vst v63  }
0x32a: {  	_ =	swait.ge [sflag:s13], $0x2400  }
0x32b: {  	[sflag:s13] =	ssyncset.done $0x0  }
0x32c: {  	[sflag:s13] =	ssyncadd.s32 $0xFFFFDC00  }
0x32d: {  	_ =	swait.ge [sflag:s20], $0x2400  }
.Ltmp1:
0x32e: {  	[sflag:s20] =	ssyncset.done $0x0;
	(pc) =	sbr.rel @p0 .LBB2_4-.Ltmp1, $4  }
0x32f: {  	[sflag:s20] =	ssyncadd.s32 $0xFFFFDC00  }
0x330: {  	[spmem:s4] =	stream.indirect.scatter.add.f32 [tilespmem:s19], [sflag:$0x3], $0x48, s31, s16, $0xb8;
	[tilespmem:$0x1B988] =	vst v63  }
0x331: {  	_ =	swait.ge [sflag:s13], $0x2400  }
0x332: {  	s8 =	smov.u32 s6;
	[sflag:s13] =	ssyncset.done $0x0  }
0x333: {  	s6 =	rddreg [dreg:$0x6]  }
0x334: {  	[sflag:s13] =	ssyncadd.s32 $0xFFFFDC00;
	s6 =	sadd.s32 s1, s6  }
0x335: {  	[tilespmem:s5], [sflag:$0x3] =	stream.linear.gather [hbm4b:s6+s5], $0x800, $0x38;
	[tilespmem:$0x1B988] =	vst v63  }
0x336: {  	_ =	swait.ge [sflag:s13], $0x800  }
0x337: {  	[sflag:s13] =	ssyncset.done $0x0;
	s23 =	rddreg [dreg:$0x5]  }
0x338: {  	s8 =	simm.s32 $0x800;
	[sflag:s13] =	ssyncadd.s32 $0xFFFFF800;
	s6 =	sadd.s32 s1, s23  }
0x339: {  	[tilespmem:s8], [sflag:$0x3] =	stream.linear.gather [hbm4b:s6+s5], $0x800, $0x38;
	[tilespmem:$0x1B988] =	vst v63  }
0x33a: {  	_ =	swait.ge [sflag:s13], $0x800  }
0x33b: {  	[sflag:s13] =	ssyncset.done $0x0  }
0x33c: {  	[sflag:s13] =	ssyncadd.s32 $0xFFFFF800  }
0x33d: {  	[tilespmem:s17], [sflag:$0x1] =	stream.indirect.gather [spmem:s3], $0x48, s5, s16, $0xb8;
	[tilespmem:$0x1B988] =	vst v63  }
0x33e: {  	_ =	swait.ge [sflag:s18], $0x2400  }
0x33f: {  	[sflag:s18] =	ssyncset.done $0x0  }
0x340: {  	[sflag:s18] =	ssyncadd.s32 $0xFFFFDC00  }
0x341: {  	[tilespmem:s19], [sflag:$0x2] =	stream.indirect.gather [spmem:s3], $0x48, s16, s16, $0xb8;
	[tilespmem:$0x1B988] =	vst v63  }
0x342: {  	_ = 	snop  }
0x343: {  	[spmem:s4] =	stream.indirect.scatter.add.f32 [tilespmem:s17], [sflag:$0x3], $0x48, s8, s16, $0xb8;
	[tilespmem:$0x1B988] =	vst v63  }
0x344: {  	_ =	swait.ge [sflag:s13], $0x2400  }
0x345: {  	[sflag:s13] =	ssyncset.done $0x0  }
0x346: {  	[sflag:s13] =	ssyncadd.s32 $0xFFFFDC00  }
0x347: {  	_ =	swait.ge [sflag:s20], $0x2400  }
0x348: {  	[sflag:s20] =	ssyncset.done $0x0  }
0x349: {  	s9 =	simm.s32 $0x100;
	[sflag:s20] =	ssyncadd.s32 $0xFFFFDC00  }
0x34a: {  	[tilespmem:s17], [sflag:$0x1] =	stream.indirect.gather [spmem:s3], $0x48, s9, s16, $0xb8;
	[tilespmem:$0x1B988] =	vst v63  }
0x34b: {  	s23 =	simm.s32 $0x880  }
0x34c: {  	[spmem:s4] =	stream.indirect.scatter.add.f32 [tilespmem:s19], [sflag:$0x3], $0x48, s23, s16, $0xb8;
	[tilespmem:$0x1B988] =	vst v63  }
0x34d: {  	_ =	swait.ge [sflag:s13], $0x2400  }
0x34e: {  	[sflag:s13] =	ssyncset.done $0x0  }
0x34f: {  	[sflag:s13] =	ssyncadd.s32 $0xFFFFDC00  }
0x350: {  	_ =	swait.ge [sflag:s18], $0x2400  }
0x351: {  	[sflag:s18] =	ssyncset.done $0x0  }
0x352: {  	s6 =	simm.s32 $0x180;
	[sflag:s18] =	ssyncadd.s32 $0xFFFFDC00  }
0x353: {  	[tilespmem:s19], [sflag:$0x2] =	stream.indirect.gather [spmem:s3], $0x48, s6, s16, $0xb8;
	[tilespmem:$0x1B988] =	vst v63  }
0x354: {  	s8 =	simm.s32 $0x900  }
0x355: {  	[spmem:s4] =	stream.indirect.scatter.add.f32 [tilespmem:s17], [sflag:$0x3], $0x48, s8, s16, $0xb8;
	[tilespmem:$0x1B988] =	vst v63  }
0x356: {  	_ =	swait.ge [sflag:s13], $0x2400  }
0x357: {  	[sflag:s13] =	ssyncset.done $0x0  }
0x358: {  	[sflag:s13] =	ssyncadd.s32 $0xFFFFDC00  }
0x359: {  	_ =	swait.ge [sflag:s20], $0x2400  }
0x35a: {  	[sflag:s20] =	ssyncset.done $0x0  }
0x35b: {  	s9 =	simm.s32 $0x200;
	[sflag:s20] =	ssyncadd.s32 $0xFFFFDC00  }
0x35c: {  	[tilespmem:s17], [sflag:$0x1] =	stream.indirect.gather [spmem:s3], $0x48, s9, s16, $0xb8;
	[tilespmem:$0x1B988] =	vst v63  }
0x35d: {  	s23 =	simm.s32 $0x980  }
0x35e: {  	[spmem:s4] =	stream.indirect.scatter.add.f32 [tilespmem:s19], [sflag:$0x3], $0x48, s23, s16, $0xb8;
	[tilespmem:$0x1B988] =	vst v63  }
0x35f: {  	_ =	swait.ge [sflag:s13], $0x2400  }
0x360: {  	[sflag:s13] =	ssyncset.done $0x0  }
0x361: {  	[sflag:s13] =	ssyncadd.s32 $0xFFFFDC00  }
0x362: {  	_ =	swait.ge [sflag:s18], $0x2400  }
0x363: {  	[sflag:s18] =	ssyncset.done $0x0  }
0x364: {  	s6 =	simm.s32 $0x280;
	[sflag:s18] =	ssyncadd.s32 $0xFFFFDC00  }
0x365: {  	[tilespmem:s19], [sflag:$0x2] =	stream.indirect.gather [spmem:s3], $0x48, s6, s16, $0xb8;
	[tilespmem:$0x1B988] =	vst v63  }
0x366: {  	s8 =	simm.s32 $0xA00  }
0x367: {  	[spmem:s4] =	stream.indirect.scatter.add.f32 [tilespmem:s17], [sflag:$0x3], $0x48, s8, s16, $0xb8;
	[tilespmem:$0x1B988] =	vst v63  }
0x368: {  	_ =	swait.ge [sflag:s13], $0x2400  }
0x369: {  	[sflag:s13] =	ssyncset.done $0x0  }
0x36a: {  	[sflag:s13] =	ssyncadd.s32 $0xFFFFDC00  }
0x36b: {  	_ =	swait.ge [sflag:s20], $0x2400  }
0x36c: {  	[sflag:s20] =	ssyncset.done $0x0  }
0x36d: {  	s9 =	simm.s32 $0x300;
	[sflag:s20] =	ssyncadd.s32 $0xFFFFDC00  }
0x36e: {  	[tilespmem:s17], [sflag:$0x1] =	stream.indirect.gather [spmem:s3], $0x48, s9, s16, $0xb8;
	[tilespmem:$0x1B988] =	vst v63  }
0x36f: {  	s23 =	simm.s32 $0xA80  }
0x370: {  	[spmem:s4] =	stream.indirect.scatter.add.f32 [tilespmem:s19], [sflag:$0x3], $0x48, s23, s16, $0xb8;
	[tilespmem:$0x1B988] =	vst v63  }
0x371: {  	_ =	swait.ge [sflag:s13], $0x2400  }
0x372: {  	[sflag:s13] =	ssyncset.done $0x0  }
0x373: {  	[sflag:s13] =	ssyncadd.s32 $0xFFFFDC00  }
0x374: {  	_ =	swait.ge [sflag:s18], $0x2400  }
0x375: {  	[sflag:s18] =	ssyncset.done $0x0  }
0x376: {  	s6 =	simm.s32 $0x380;
	[sflag:s18] =	ssyncadd.s32 $0xFFFFDC00  }
0x377: {  	[tilespmem:s19], [sflag:$0x2] =	stream.indirect.gather [spmem:s3], $0x48, s6, s16, $0xb8;
	[tilespmem:$0x1B988] =	vst v63  }
0x378: {  	s8 =	simm.s32 $0xB00  }
0x379: {  	[spmem:s4] =	stream.indirect.scatter.add.f32 [tilespmem:s17], [sflag:$0x3], $0x48, s8, s16, $0xb8;
	[tilespmem:$0x1B988] =	vst v63  }
0x37a: {  	_ =	swait.ge [sflag:s13], $0x2400  }
0x37b: {  	[sflag:s13] =	ssyncset.done $0x0  }
0x37c: {  	[sflag:s13] =	ssyncadd.s32 $0xFFFFDC00  }
0x37d: {  	_ =	swait.ge [sflag:s20], $0x2400  }
0x37e: {  	[sflag:s20] =	ssyncset.done $0x0  }
0x37f: {  	[sflag:s20] =	ssyncadd.s32 $0xFFFFDC00  }
0x380: {  	[tilespmem:s17], [sflag:$0x1] =	stream.indirect.gather [spmem:s3], $0x48, s2, s16, $0xb8;
	[tilespmem:$0x1B988] =	vst v63  }
0x381: {  	_ = 	snop  }
0x382: {  	[spmem:s4] =	stream.indirect.scatter.add.f32 [tilespmem:s19], [sflag:$0x3], $0x48, s0, s16, $0xb8;
	[tilespmem:$0x1B988] =	vst v63  }
0x383: {  	_ =	swait.ge [sflag:s13], $0x2400  }
0x384: {  	[sflag:s13] =	ssyncset.done $0x0  }
0x385: {  	[sflag:s13] =	ssyncadd.s32 $0xFFFFDC00  }
0x386: {  	_ =	swait.ge [sflag:s18], $0x2400  }
0x387: {  	[sflag:s18] =	ssyncset.done $0x0  }
0x388: {  	[sflag:s18] =	ssyncadd.s32 $0xFFFFDC00  }
0x389: {  	[tilespmem:s19], [sflag:$0x2] =	stream.indirect.gather [spmem:s3], $0x48, s10, s16, $0xb8;
	[tilespmem:$0x1B988] =	vst v63  }
0x38a: {  	_ = 	snop  }
0x38b: {  	[spmem:s4] =	stream.indirect.scatter.add.f32 [tilespmem:s17], [sflag:$0x3], $0x48, s11, s16, $0xb8;
	[tilespmem:$0x1B988] =	vst v63  }
0x38c: {  	_ =	swait.ge [sflag:s13], $0x2400  }
0x38d: {  	[sflag:s13] =	ssyncset.done $0x0  }
0x38e: {  	[sflag:s13] =	ssyncadd.s32 $0xFFFFDC00  }
0x38f: {  	_ =	swait.ge [sflag:s20], $0x2400  }
0x390: {  	[sflag:s20] =	ssyncset.done $0x0  }
0x391: {  	[sflag:s20] =	ssyncadd.s32 $0xFFFFDC00  }
0x392: {  	[tilespmem:s17], [sflag:$0x1] =	stream.indirect.gather [spmem:s3], $0x48, s15, s16, $0xb8;
	[tilespmem:$0x1B988] =	vst v63  }
0x393: {  	_ = 	snop  }
0x394: {  	[spmem:s4] =	stream.indirect.scatter.add.f32 [tilespmem:s19], [sflag:$0x3], $0x48, s24, s16, $0xb8;
	[tilespmem:$0x1B988] =	vst v63  }
0x395: {  	_ =	swait.ge [sflag:s13], $0x2400  }
0x396: {  	[sflag:s13] =	ssyncset.done $0x0  }
0x397: {  	[sflag:s13] =	ssyncadd.s32 $0xFFFFDC00  }
0x398: {  	_ =	swait.ge [sflag:s18], $0x2400  }
0x399: {  	[sflag:s18] =	ssyncset.done $0x0  }
0x39a: {  	[sflag:s18] =	ssyncadd.s32 $0xFFFFDC00  }
0x39b: {  	[tilespmem:s19], [sflag:$0x2] =	stream.indirect.gather [spmem:s3], $0x48, s12, s16, $0xb8;
	[tilespmem:$0x1B988] =	vst v63  }
0x39c: {  	_ = 	snop  }
0x39d: {  	[spmem:s4] =	stream.indirect.scatter.add.f32 [tilespmem:s17], [sflag:$0x3], $0x48, s14, s16, $0xb8;
	[tilespmem:$0x1B988] =	vst v63  }
0x39e: {  	_ =	swait.ge [sflag:s13], $0x2400  }
0x39f: {  	[sflag:s13] =	ssyncset.done $0x0  }
0x3a0: {  	[sflag:s13] =	ssyncadd.s32 $0xFFFFDC00  }
0x3a1: {  	_ =	swait.ge [sflag:s20], $0x2400  }
0x3a2: {  	[sflag:s20] =	ssyncset.done $0x0  }
0x3a3: {  	[sflag:s20] =	ssyncadd.s32 $0xFFFFDC00  }
0x3a4: {  	[tilespmem:s17], [sflag:$0x1] =	stream.indirect.gather [spmem:s3], $0x48, s7, s16, $0xb8;
	[tilespmem:$0x1B988] =	vst v63  }
0x3a5: {  	_ = 	snop  }
0x3a6: {  	[spmem:s4] =	stream.indirect.scatter.add.f32 [tilespmem:s19], [sflag:$0x3], $0x48, s21, s16, $0xb8;
	[tilespmem:$0x1B988] =	vst v63  }
0x3a7: {  	_ =	swait.ge [sflag:s13], $0x2400  }
0x3a8: {  	[sflag:s13] =	ssyncset.done $0x0  }
0x3a9: {  	[sflag:s13] =	ssyncadd.s32 $0xFFFFDC00  }
0x3aa: {  	_ =	swait.ge [sflag:s18], $0x2400  }
0x3ab: {  	[sflag:s18] =	ssyncset.done $0x0  }
0x3ac: {  	[sflag:s18] =	ssyncadd.s32 $0xFFFFDC00  }
0x3ad: {  	[tilespmem:s19], [sflag:$0x2] =	stream.indirect.gather [spmem:s3], $0x48, s22, s16, $0xb8;
	[tilespmem:$0x1B988] =	vst v63  }
0x3ae: {  	_ = 	snop  }
0x3af: {  	[spmem:s4] =	stream.indirect.scatter.add.f32 [tilespmem:s17], [sflag:$0x3], $0x48, s25, s16, $0xb8;
	[tilespmem:$0x1B988] =	vst v63  }
0x3b0: {  	_ =	swait.ge [sflag:s13], $0x2400  }
0x3b1: {  	[sflag:s13] =	ssyncset.done $0x0  }
0x3b2: {  	[sflag:s13] =	ssyncadd.s32 $0xFFFFDC00  }
0x3b3: {  	_ =	swait.ge [sflag:s20], $0x2400  }
0x3b4: {  	[sflag:s20] =	ssyncset.done $0x0  }
0x3b5: {  	[sflag:s20] =	ssyncadd.s32 $0xFFFFDC00  }
0x3b6: {  	[tilespmem:s17], [sflag:$0x1] =	stream.indirect.gather [spmem:s3], $0x48, s26, s16, $0xb8;
	[tilespmem:$0x1B988] =	vst v63  }
0x3b7: {  	_ = 	snop  }
0x3b8: {  	[spmem:s4] =	stream.indirect.scatter.add.f32 [tilespmem:s19], [sflag:$0x3], $0x48, s28, s16, $0xb8;
	[tilespmem:$0x1B988] =	vst v63  }
0x3b9: {  	_ =	swait.ge [sflag:s13], $0x2400  }
0x3ba: {  	[sflag:s13] =	ssyncset.done $0x0  }
0x3bb: {  	[sflag:s13] =	ssyncadd.s32 $0xFFFFDC00  }
0x3bc: {  	_ =	swait.ge [sflag:s18], $0x2400  }
0x3bd: {  	[sflag:s18] =	ssyncset.done $0x0  }
0x3be: {  	[sflag:s18] =	ssyncadd.s32 $0xFFFFDC00  }
0x3bf: {  	[tilespmem:s19], [sflag:$0x2] =	stream.indirect.gather [spmem:s3], $0x48, s29, s16, $0xb8;
	[tilespmem:$0x1B988] =	vst v63  }
0x3c0: {  	_ = 	snop  }
0x3c1: {  	[spmem:s4] =	stream.indirect.scatter.add.f32 [tilespmem:s17], [sflag:$0x3], $0x48, s30, s16, $0xb8;
	[tilespmem:$0x1B988] =	vst v63  }
0x3c2: {  	_ =	swait.ge [sflag:s13], $0x2400  }
0x3c3: {  	[sflag:s13] =	ssyncset.done $0x0  }
0x3c4: {  	[sflag:s13] =	ssyncadd.s32 $0xFFFFDC00  }
0x3c5: {  	_ =	swait.ge [sflag:s20], $0x2400  }
0x3c6: {  	[sflag:s20] =	ssyncset.done $0x0  }
0x3c7: {  	[sflag:s20] =	ssyncadd.s32 $0xFFFFDC00  }
0x3c8: {  	[spmem:s4] =	stream.indirect.scatter.add.f32 [tilespmem:s19], [sflag:$0x3], $0x48, s31, s16, $0xb8;
	[tilespmem:$0x1B988] =	vst v63  }
0x3c9: {  	_ =	swait.ge [sflag:s13], $0x2400  }
0x3ca: {  	[sflag:s13] =	ssyncset.done $0x0  }
0x3cb: {  	[sflag:s13] =	ssyncadd.s32 $0xFFFFDC00  }
0x3cc: {  	[bflag:$0x0] =	sbarrier.arrive $0xFFFF  }
0x3cd: {  	s23 =	rddreg [dreg:$0x8]  }
0x3ce: {  	s8 =	rddreg [dreg:$0xc]  }
0x3cf: {  	s9 =	rddreg [dreg:$0xe]  }
0x3d0: {  	[hbm:s9], [sflag:s23] =	dma.local [spmem:s8], $0x1638  }
0x3d1: {  	_ =	swait.ge [sflag:s13], $0x1638  }
0x3d2: {  	s1 =	rddreg [dreg:$0xf]  }
0x3d3: {  	s9 =	rddreg [dreg:$0xa];
	s6 =	sadd.s32 $0x1, s1  }
0x3d4: {  	p0 =	sne.s32 s6, s9  }
.Ltmp2:
0x3d5: {  	_ = 	snop;
	(pc) =	sbr.rel @p0 .LBB2_1-.Ltmp2, $3  }
0x3d6: {  	_ =	sdelay $0x1  }
0x3d7: {  	[sflag:s13] =	ssyncset.done $0x0  }
0x3d8: {  	[sflag:s13] =	ssyncadd.s32 $0xFFFFE9C8  }
0x3d9: {  	_ =	sfence.sel $0x180000  }
0x3da: {  	[bflag:$0x0] =	sbarrier.arrive $0xFFFF  }
0x3db: {  	_ =	strace $0x90000047  }
0x3dc: {  	s0 =	stileid.u32;
	[bflag:$0x2] =	sbarrier.arrive $0xFFFF  }
0x3dd: {  	p0 =	sne.s32 s0, $0x0;
	s0 =	rddreg [dreg:$0x4]  }
0x3de: {  	s0 =	sadd.s32 @!p0 $0x100000, s0  }
0x3df: {  	[sflag:s0] =	ssyncadd.tile.s32 @!p0 $0x1;
	_ =	shalt  }
.Lfunc_end2:
_tile_overlayer_lowered:
.L_overlay_start_2:
0x3e0: {  	(tag) =	ssettag $0x2  }
0x3e1: {  	s0 =	rddreg [dreg:$0x0];
	s2 =	stileid.u32  }
0x3e2: {  	s1 =	rddreg [dreg:$0x1];
	p0 =	sne.s32 s2, $0x0  }
0x3e3: {  	s3 =	rddreg [dreg:$0x2];
	[bflag:$0x3] =	sbarrier.arrive $0xFFFF;
	s2 =	simm.s32 @!p0 $0x1C03  }
0x3e4: {  	[timem:s3], [sflag:s2] =	dma.local @!p0 [hbm:s0], s1  }
0x3e5: {  	s0 =	simm.s32 @!p0 $0x3  }
0x3e6: {  	_ =	swait.ge @!p0 [sflag:s0], s1  }
0x3e7: {  	s1 =	ssub.s32 @!p0 $0x0, s1;
	[sflag:s0] =	ssyncset.done @!p0 $0x0  }
0x3e8: {  	[sflag:s0] =	ssyncadd.s32 @!p0 s1  }
0x3e9: {  	[bflag:$0x3] =	sbarrier.arrive $0xFFFF  }
0x3ea: {  	_ =	shalt  }

// kernel: kernel.9.cloned.1.call-start
scs
__scs_entry_jumppad:
0x0: {  	(pc) =	sbr.rel $0x88, $3  }
0x1: {  	(tag) =	ssettag $0x0;
	lr =	simm.s32 $0x1  }
0x2: {  	[smem:$0x3F99] =	sst lr;
	_ =	strace $0xD0000000  }
0x3: {  	_ = 	snop  }
0x4: {  	_ = 	snop  }
0x5: {  	_ = 	snop  }
0x6: {  	_ = 	snop  }
0x7: {  	_ = 	snop  }
__scs_overlays_trampoline_lowered:
0x8: {  	[smem:$0x3FA8] =	sst s0  }
0x9: {  	[smem:$0x3FA9] =	sst s1  }
0xa: {  	[smem:$0x3FAA] =	sst s2  }
0xb: {  	[smem:$0x3FAB] =	sst s3  }
0xc: {  	[smem:$0x3FAC] =	sst s4  }
0xd: {  	[smem:$0x3FAD] =	sst s5  }
0xe: {  	[smem:$0x3FAE] =	sst s6  }
0xf: {  	[smem:$0x3FAF] =	sst s7  }
0x10: {  	[smem:$0x3FB0] =	sst s8  }
0x11: {  	[smem:$0x3FB1] =	sst s9;
	s0 =	simm.s32 @!p0 $0x0  }
0x12: {  	s1 =	sld [smem:$0x3F97];
	s0 =	simm.s32 @p0 $0x1  }
0x13: {  	[smem:$0x3FB2] =	sst s0;
	s0 =	simm.s32 @!p1 $0x0  }
0x14: {  	s2 =	sld [smem:$0x3F96];
	s0 =	simm.s32 @p1 $0x1  }
0x15: {  	[smem:$0x3FB3] =	sst s0;
	s0 =	simm.s32 @!p2 $0x0  }
0x16: {  	s3 =	sld [smem:$0x3FDB];
	s0 =	simm.s32 @p2 $0x1  }
0x17: {  	s4 =	simm.s32 $0x1BF5;
	[smem:$0x3FB5] =	sst s0  }
0x18: {  	s0 =	sld [smem:$0x3F98];
	_ =	swait.ge [sflag:s4], $0x0  }
0x19: {  	s7 =	sld [smem:$0x3F99]  }
0x1a: {  	s8 =	sadd.s32 $0xFFFFE003, lr  }
0x1b: {  	s9 =	sadd.s32 $0xFFFFFEF7, lr;
	s5 =	simm.s32 $0xFFFFFFFF;
	p2 =	slt.u32 s8, $0xFFFFF086  }
0x1c: {  	p1 =	slt.u32 s9, $0xF7A;
	s5 =	simm.s32 @!p2 $0x0  }
0x1d: {  	s5 =	simm.s32 @p1 $0x1;
	p0 =	seq.s32 s7, s2  }
0x1e: {  	s7 =	smul.u32 @!p0 $0xF7A, s2;
	p2 =	seq.s32 @!p0 s5, $0x0  }
0x1f: {  	s9 =	smul.u32 $0xF7A, s1;
	s8 =	simm.s32 @!p0 $0x1BF5;
	p2 =	por !p2, p0  }
0x20: {  	[sflag:s8] =	ssyncset.s32 @!p0 $0xFFFFF086;
	s6 =	sadd.s32 @!p0 s3, s7;
	s7 =	simm.s32 @!p0 $0x108  }
0x21: {  	s3 =	sadd.s32 s3, s9;
	s6 =	sadd.s32 @!p0 $0x88, s6;
	s7 =	simm.s32 @p2 $0x1082  }
0x22: {  	[simem:s7], [sflag:s8] =	dma.local @!p0 [hbm:s6], $0xF7A  }
0x23: {  	s9 =	sor.u32 $0xD0000000, s2;
	s6 =	simm.s32 $0x108;
	_ =	swait.ge @!p0 [sflag:s8], $0x0  }
0x24: {  	s3 =	sadd.s32 $0x88, s3;
	s6 =	simm.s32 @!p1 $0x1082;
	[sflag:s4] =	ssyncset.s32 $0xFFFFF086  }
0x25: {  	[simem:s6], [sflag:s4] =	dma.local [hbm:s3], $0xF7A  }
0x26: {  	[smem:$0x3F99] =	sst s1;
	(tag) =	ssettag s2;
	_ =	strace s9  }
0x27: {  	s1 =	sld [smem:$0x3FA9]  }
0x28: {  	s2 =	sld [smem:$0x3FAA]  }
0x29: {  	s4 =	sld [smem:$0x3FAC]  }
0x2a: {  	p0 =	seq.s32 s5, $0x0;
	s5 =	sld [smem:$0x3FAD]  }
0x2b: {  	s6 =	sld [smem:$0x3FAE]  }
0x2c: {  	s7 =	sld [smem:$0x3FAF]  }
0x2d: {  	s3 =	simm.s32 $0x108;
	s8 =	sld [smem:$0x3FB0]  }
0x2e: {  	s3 =	simm.s32 @!p0 $0x1082;
	s9 =	sld [smem:$0x3FB1]  }
0x2f: {  	lr =	sadd.s32 s0, s3;
	s0 =	sld [smem:$0x3FA8]  }
0x30: {  	s3 =	sld [smem:$0x3FAB]  }
0x31: {  	[smem:$0x3FB4] =	sst s10  }
0x32: {  	s10 =	sld [smem:$0x3FB2];
	_ =	sdelay $0x3  }
0x33: {  	p0 =	seq.s32 s10, $0x1;
	s10 =	sld [smem:$0x3FB4];
	_ =	sdelay $0x3  }
0x34: {  	[smem:$0x3FB4] =	sst s10  }
0x35: {  	s10 =	sld [smem:$0x3FB3];
	_ =	sdelay $0x3  }
0x36: {  	p1 =	seq.s32 s10, $0x1;
	s10 =	sld [smem:$0x3FB4];
	_ =	sdelay $0x3  }
0x37: {  	[smem:$0x3FB4] =	sst s10  }
0x38: {  	s10 =	sld [smem:$0x3FB5]  }
0x39: {  	_ = 	snop;
	(pc) =	sbr.ind lr, $3  }
0x3a: {  	_ = 	snop  }
0x3b: {  	_ = 	snop  }
0x3c: {  	p2 =	seq.s32 s10, $0x1;
	s10 =	sld [smem:$0x3FB4]  }
0x3d: {  	_ =	shalt  }
0x3e: {  	_ =	shalt  }
0x3f: {  	_ =	shalt  }
0x40: {  	_ =	shalt  }
0x41: {  	_ =	shalt  }
0x42: {  	_ =	shalt  }
0x43: {  	_ =	shalt  }
0x44: {  	_ =	shalt  }
0x45: {  	_ =	shalt  }
0x46: {  	_ =	shalt  }
0x47: {  	_ =	shalt  }
0x48: {  	_ =	shalt  }
0x49: {  	_ =	shalt  }
0x4a: {  	_ =	shalt  }
0x4b: {  	_ =	shalt  }
0x4c: {  	_ =	shalt  }
0x4d: {  	_ =	shalt  }
0x4e: {  	_ =	shalt  }
0x4f: {  	_ =	shalt  }
0x50: {  	_ =	shalt  }
0x51: {  	_ =	shalt  }
0x52: {  	_ =	shalt  }
0x53: {  	_ =	shalt  }
0x54: {  	_ =	shalt  }
0x55: {  	_ =	shalt  }
0x56: {  	_ =	shalt  }
0x57: {  	_ =	shalt  }
0x58: {  	_ =	shalt  }
0x59: {  	_ =	shalt  }
0x5a: {  	_ =	shalt  }
0x5b: {  	_ =	shalt  }
0x5c: {  	_ =	shalt  }
0x5d: {  	_ =	shalt  }
0x5e: {  	_ =	shalt  }
0x5f: {  	_ =	shalt  }
0x60: {  	_ =	shalt  }
0x61: {  	_ =	shalt  }
0x62: {  	_ =	shalt  }
0x63: {  	_ =	shalt  }
0x64: {  	_ =	shalt  }
0x65: {  	_ =	shalt  }
0x66: {  	_ =	shalt  }
0x67: {  	_ =	shalt  }
0x68: {  	_ =	shalt  }
0x69: {  	_ =	shalt  }
0x6a: {  	_ =	shalt  }
0x6b: {  	_ =	shalt  }
0x6c: {  	_ =	shalt  }
0x6d: {  	_ =	shalt  }
0x6e: {  	_ =	shalt  }
0x6f: {  	_ =	shalt  }
0x70: {  	_ =	shalt  }
0x71: {  	_ =	shalt  }
0x72: {  	_ =	shalt  }
0x73: {  	_ =	shalt  }
0x74: {  	_ =	shalt  }
0x75: {  	_ =	shalt  }
0x76: {  	_ =	shalt  }
0x77: {  	_ =	shalt  }
0x78: {  	_ =	shalt  }
0x79: {  	_ =	shalt  }
0x7a: {  	_ =	shalt  }
0x7b: {  	_ =	shalt  }
0x7c: {  	_ =	shalt  }
0x7d: {  	_ =	shalt  }
0x7e: {  	_ =	shalt  }
0x7f: {  	_ =	shalt  }
0x80: {  	_ =	shalt  }
0x81: {  	_ =	shalt  }
0x82: {  	_ =	shalt  }
0x83: {  	_ =	shalt  }
0x84: {  	_ =	shalt  }
0x85: {  	_ =	shalt  }
0x86: {  	_ =	shalt  }
0x87: {  	_ =	shalt  }
.Lfunc_end0:
.L_simem_size_0:
called_computation.1_lowered:
.L_overlay_start_0:
0x88: {  	s2 =	sld [smem:$0x3FD9]  }
0x89: {  	s3 =	sld [smem:$0x3FFE];
	_ =	sdelay $0x1  }
0x8a: {  	s1 =	srdreg.scid  }
0x8b: {  	s0 =	sand.u32 $0x1, s1  }
0x8c: {  	s17 =	sshll.u32 s0, $0xA;
	s2 =	sadd.s32 s3, s2  }
0x8d: {  	s2 =	sadd.s32 s2, s17  }
0x8e: {  	[smem:$0x3FC0] =	sst s2  }
0x8f: {  	_ = 	snop  }
0x90: {  	s2 =	sld [smem:$0x3FD0];
	(tm) =	ssettm $0x1  }
0x91: {  	s18 =	sld [smem:$0x3FFB];
	_ =	sdelay $0x3  }
0x92: {  	_ =	strace s18  }
0x93: {  	s3 =	sld [smem:$0x3FFC];
	_ =	sdelay $0x3  }
0x94: {  	_ =	strace s3  }
0x95: {  	s3 =	sld [smem:$0x3FFD];
	_ =	sdelay $0x3  }
0x96: {  	_ =	strace s3  }
0x97: {  	_ =	strace $0x8FFFFFFF  }
0x98: {  	s19 =	sld [smem:$0x3FDB];
	_ =	sdelay $0x1  }
0x99: {  	s4 =	simm.s32 $_scs_section_size  }
0x9a: {  	s5 =	simm.s32 $_size__tile_overlayer_lowered;
	s6 =	simm.s32 $_tile_overlayer_lowered  }
0x9b: {  	s22 =	simm.s32 $0x1BFF;
	s21 =	sshll.u32 s6, $0x1;
	s3 =	sadd.s32 s4, s19  }
0x9c: {  	s7 =	simm.s32 $0x0;
	s20 =	sshll.u32 s5, $0x1;
	s5 =	sadd.s32 s21, s3  }
0x9d: {  	[timem:s7], [sflag:s22] =	dma.local [hbm:s5], s20  }
0x9e: {  	_ =	swait.ge [sflag:s22], s20  }
0x9f: {  	s4 =	ssub.s32 $0x0, s20;
	[sflag:s22] =	ssyncset.done $0x0  }
0xa0: {  	[sflag:s22] =	ssyncadd.s32 s4;
	_ =	sdelay $0x1  }
0xa1: {  	s23 =	simm.s32 $0x1B8B  }
0xa2: {  	_ =	swait.ge [sflag:s23], $0x1  }
0xa3: {  	[sflag:s23] =	ssyncset.done $0x0  }
0xa4: {  	s25 =	simm.s32 $0x1B8E;
	s24 =	sld [smem:$0x3FFE];
	[sflag:s23] =	ssyncadd.s32 $0xFFFFFFFF  }
0xa5: {  	s26 =	simm.s32 $execute0_lowered;
	[smem:$0x3FD2] =	sst s25  }
0xa6: {  	s5 =	sshll.u32 s26, $0x1;
	_ =	strace $0x80000049;
	[dreg:$0x1] =	wrdreg $0xFFFFFFFF  }
0xa7: {  	s28 =	simm.s32 $_size_execute0_lowered;
	s3 =	sadd.s32 s3, s5;
	[dreg:$0x0] =	wrdreg $0x0  }
0xa8: {  	s5 =	sshll.u32 s28, $0x1;
	[dreg:$0x2] =	wrdreg s3  }
0xa9: {  	[dreg:$0x3] =	wrdreg s5  }
0xaa: {  	[dreg:$0x4] =	wrdreg $0xC0  }
0xab: {  	_ =	task [dreg:s7], $0x5FFFF  }
0xac: {  	[dreg:$0x1] =	wrdreg $0xFFFFFFFF  }
0xad: {  	[dreg:$0x0] =	wrdreg $0x60  }
0xae: {  	[dreg:$0x2] =	wrdreg s2  }
0xaf: {  	[dreg:$0x3] =	wrdreg s24  }
0xb0: {  	[dreg:$0x4] =	wrdreg $0x50000  }
0xb1: {  	[dreg:$0x5] =	wrdreg $0xEC400  }
0xb2: {  	[dreg:$0x6] =	wrdreg $0x9  }
0xb3: {  	_ =	task.clear_ibuf [dreg:s7], $0x7FFFF;
	_ =	strace $0x90000049  }
0xb4: {  	s29 =	simm.s32 $0x9;
	_ =	strace $0x8000004B  }
0xb5: {  	_ =	swait.ge [sflag:s29], $0x1  }
0xb6: {  	[sflag:s29] =	ssyncadd.s32 $0xFFFFFFFF  }
0xb7: {  	_ =	strace $0x9000004B  }
0xb8: {  	_ =	sfence  }
0xb9: {  	s30 =	sld [smem:$0x0];
	_ =	sdelay $0x2  }
0xba: {  	s31 =	sshll.u32 s1, $0xD;
	s1 =	sshrl.u32 s1, $0x2  }
0xbb: {  	s3 =	sand.u32 $0x4000, s31;
	s1 =	sadd.s32 s1, s30  }
0xbc: {  	s0 =	sor.u32 s3, s0;
	s1 =	sshll.u32 s1, $0x11  }
0xbd: {  	s0 =	sor.u32 s1, s0  }
0xbe: {  	s0 =	sadd.s32 $0x8F2B, s0  }
0xbf: {  	[sflag:s0] =	ssyncadd.remote.s32 $0x1  }
0xc0: {  	_ =	sfence.sel $0xFFFF  }
0xc1: {  	[dreg:$0x0] =	wrdreg $0xFFFFFFFF;
	(pc) =	sbr.abs _section_cstart, $3  }
0xc2: {  	[dreg:$0x1] =	wrdreg $0xFFFFFFFF  }
0xc3: {  	_ =	task.clear_ibuf [dreg:s7], $0x2FFFF;
	_ =	strace $0x9FFFFFFF  }
0xc4: {  	(tm) =	ssettm $0x7FFFFFFF  }
0xc5: {  	_ =	shalt  }
tec
execute0_lowered:
.L_overlay_start_1:
0x0: {  	(tag) =	ssettag $0x1  }
0x1: {  	s0 =	rddreg [dreg:$0x0]  }
0x2: {  	s1 =	rddreg [dreg:$0x1]  }
0x3: {  	s3 =	srdreg.scid;
	s2 =	rddreg [dreg:$0x2]  }
0x4: {  	s12 =	stileid.u32;
	s4 =	simm.s32 $0x0;
	s13 =	simm.s32 $0x3  }
0x5: {  	s16 =	simm.s32 $0x80;
	s28 =	simm.s32 $0xE80;
	s29 =	simm.s32 $0x780  }
0x6: {  	s30 =	simm.s32 $0xF00;
	s31 =	simm.s32 $0xF80;
	s7 =	smul.u32 $0x2800, s12  }
0x7: {  	s5 =	sand.u32 $0x1, s3;
	s3 =	rddreg [dreg:$0x3];
	s8 =	smul.u32 $0x9C40, s12  }
0x8: {  	[smem:$0x7FF] =	sst s4;
	s9 =	sadd.s32 $0x1400, s1;
	s11 =	smul.u32 $0x9E00, s12  }
0x9: {  	s19 =	sshll.u32 s12, $0x6;
	s12 =	simm.s32 $0x580;
	s6 =	smul.u32 $0x28000, s5  }
0xa: {  	_ =	strace $0x8000004A;
	s15 =	smul.u32 $0x13C00, s5;
	s5 =	ssub.s32 $0x2, s5  }
0xb: {  	[dreg:$0x7] =	wrdreg s9;
	s23 =	sor.u32 $0x1C03, s19;
	s19 =	simm.s32 $0x3000  }
0xc: {  	s10 =	sshrl.u32 s5, $0x1;
	s18 =	sshrl.u32 s8, $0x3;
	s8 =	sadd.s32 s8, s2  }
0xd: {  	s20 =	sadd.s32 s11, s3;
	s14 =	sshrl.u32 s11, $0x3;
	s11 =	simm.s32 $0xC00  }
0xe: {  	[dreg:$0x9] =	wrdreg s23;
	s6 =	sadd.s32 s7, s6;
	s17 =	sadd.s32 s15, s1  }
0xf: {  	s5 =	ssub.s32 s5, s10;
	s10 =	sadd.s32 s0, s18;
	s24 =	sshrl.u32 s8, $0x3  }
0x10: {  	s18 =	simm.s32 $0x1;
	s7 =	simm.s32 $0x600;
	s8 =	simm.s32 $0x0  }
0x11: {  	s6 =	sshrl.u32 s6, $0x3;
	s9 =	sadd.s32 $0x41400, s17;
	[dreg:$0x8] =	wrdreg s10  }
0x12: {  	s10 =	sadd.s32 $0x13880, s10;
	s5 =	smax.u32 s5, $0x1;
	[dreg:$0xc] =	wrdreg s24  }
0x13: {  	s24 =	sshrl.u32 s20, $0x3;
	s17 =	simm.s32 $0x1000;
	s20 =	simm.s32 $0x2  }
0x14: {  	s6 =	sadd.s32 s6, s1;
	[dreg:$0xa] =	wrdreg s10;
	s1 =	sadd.s32 $0x68C00, s1  }
0x15: {  	[dreg:$0xb] =	wrdreg s5;
	s26 =	sadd.s32 s14, s9;
	s10 =	simm.s32 $0x480  }
0x16: {  	s5 =	simm.s32 $0xC80;
	[dreg:$0xd] =	wrdreg s24;
	s21 =	sadd.s32 $0x2D400, s6  }
0x17: {  	s22 =	sadd.s32 $0x37400, s6;
	s25 =	sadd.s32 s15, s1;
	[dreg:$0xe] =	wrdreg s26  }
0x18: {  	s1 =	simm.s32 $0x400;
	s15 =	simm.s32 $0x500;
	[dreg:$0x5] =	wrdreg s21  }
0x19: {  	s26 =	simm.s32 $0x700;
	[dreg:$0x6] =	wrdreg s22;
	s0 =	sadd.s32 s14, s25  }
0x1a: {  	s14 =	simm.s32 $0xD00;
	s21 =	simm.s32 $0xD80;
	s22 =	simm.s32 $0x680  }
0x1b: {  	s25 =	simm.s32 $0xE00;
	[dreg:$0xf] =	wrdreg s0;
	s0 =	simm.s32 $0xB80  }
.LBB2_1:
0x1c: {  	[dreg:$0x10] =	wrdreg s8  }
0x1d: {  	s6 =	rddreg [dreg:$0x8]  }
0x1e: {  	s9 =	rddreg [dreg:$0xc]  }
0x1f: {  	[spmem:s9], [sflag:s23] =	dma.local [hbm:s6], $0x1388  }
0x20: {  	_ =	swait.ge [sflag:s13], $0x1388  }
0x21: {  	[sflag:s13] =	ssyncset.done $0x0  }
0x22: {  	s9 =	rddreg [dreg:$0x7];
	[sflag:s13] =	ssyncadd.s32 $0xFFFFEC78  }
0x23: {  	[spmem:s24], [sflag:s23] =	dma.local [hbm:s9], $0x13C0  }
0x24: {  	_ =	swait.ge [sflag:s13], $0x13C0  }
0x25: {  	[sflag:s13] =	ssyncset.done $0x0  }
0x26: {  	[sflag:s13] =	ssyncadd.s32 $0xFFFFEC40  }
0x27: {  	[bflag:$0x0] =	sbarrier.arrive $0xFFFF  }
0x28: {  	s24 =	rddreg [dreg:$0x6]  }
0x29: {  	s6 =	sadd.s32 $0x0, s24  }
0x2a: {  	[tilespmem:s4], [sflag:$0x3] =	stream.linear.gather [hbm4b:s6+s4], $0x800, $0x38;
	[tilespmem:$0x18A40] =	vst v63  }
0x2b: {  	_ =	swait.ge [sflag:s13], $0x800  }
0x2c: {  	[sflag:s13] =	ssyncset.done $0x0;
	s9 =	rddreg [dreg:$0x5]  }
0x2d: {  	s24 =	simm.s32 $0x800;
	[sflag:s13] =	ssyncadd.s32 $0xFFFFF800;
	s23 =	sadd.s32 $0x0, s9  }
0x2e: {  	[tilespmem:s24], [sflag:$0x3] =	stream.linear.gather [hbm4b:s23+s4], $0x800, $0x38;
	[tilespmem:$0x18A40] =	vst v63  }
0x2f: {  	_ =	swait.ge [sflag:s13], $0x800  }
0x30: {  	[sflag:s13] =	ssyncset.done $0x0  }
0x31: {  	[sflag:s13] =	ssyncadd.s32 $0xFFFFF800  }
0x32: {  	[tilespmem:s17], [sflag:$0x1] =	stream.indirect.gather [spmem:s2], $0x40, s4, s16, $0xb8;
	[tilespmem:$0x18A40] =	vst v63  }
0x33: {  	_ =	swait.ge [sflag:s18], $0x2000  }
0x34: {  	[sflag:s18] =	ssyncset.done $0x0  }
0x35: {  	[sflag:s18] =	ssyncadd.s32 $0xFFFFE000  }
0x36: {  	[tilespmem:s19], [sflag:$0x2] =	stream.indirect.gather [spmem:s2], $0x40, s16, s16, $0xb8;
	[tilespmem:$0x18A40] =	vst v63  }
0x37: {  	_ = 	snop  }
0x38: {  	[spmem:s3] =	stream.indirect.scatter.add.f32 [tilespmem:s17], [sflag:$0x3], $0x40, s24, s16, $0xb8;
	[tilespmem:$0x18A40] =	vst v63  }
0x39: {  	_ =	swait.ge [sflag:s13], $0x2000  }
0x3a: {  	[sflag:s13] =	ssyncset.done $0x0  }
0x3b: {  	[sflag:s13] =	ssyncadd.s32 $0xFFFFE000  }
0x3c: {  	_ =	swait.ge [sflag:s20], $0x2000  }
0x3d: {  	[sflag:s20] =	ssyncset.done $0x0  }
0x3e: {  	s8 =	simm.s32 $0x100;
	[sflag:s20] =	ssyncadd.s32 $0xFFFFE000  }
0x3f: {  	[tilespmem:s17], [sflag:$0x1] =	stream.indirect.gather [spmem:s2], $0x40, s8, s16, $0xb8;
	[tilespmem:$0x18A40] =	vst v63  }
0x40: {  	s9 =	simm.s32 $0x880  }
0x41: {  	[spmem:s3] =	stream.indirect.scatter.add.f32 [tilespmem:s19], [sflag:$0x3], $0x40, s9, s16, $0xb8;
	[tilespmem:$0x18A40] =	vst v63  }
0x42: {  	_ =	swait.ge [sflag:s13], $0x2000  }
0x43: {  	[sflag:s13] =	ssyncset.done $0x0  }
0x44: {  	[sflag:s13] =	ssyncadd.s32 $0xFFFFE000  }
0x45: {  	_ =	swait.ge [sflag:s18], $0x2000  }
0x46: {  	[sflag:s18] =	ssyncset.done $0x0  }
0x47: {  	s23 =	simm.s32 $0x180;
	[sflag:s18] =	ssyncadd.s32 $0xFFFFE000  }
0x48: {  	[tilespmem:s19], [sflag:$0x2] =	stream.indirect.gather [spmem:s2], $0x40, s23, s16, $0xb8;
	[tilespmem:$0x18A40] =	vst v63  }
0x49: {  	s24 =	simm.s32 $0x900  }
0x4a: {  	[spmem:s3] =	stream.indirect.scatter.add.f32 [tilespmem:s17], [sflag:$0x3], $0x40, s24, s16, $0xb8;
	[tilespmem:$0x18A40] =	vst v63  }
0x4b: {  	_ =	swait.ge [sflag:s13], $0x2000  }
0x4c: {  	[sflag:s13] =	ssyncset.done $0x0  }
0x4d: {  	[sflag:s13] =	ssyncadd.s32 $0xFFFFE000  }
0x4e: {  	_ =	swait.ge [sflag:s20], $0x2000  }
0x4f: {  	[sflag:s20] =	ssyncset.done $0x0  }
0x50: {  	s8 =	simm.s32 $0x200;
	[sflag:s20] =	ssyncadd.s32 $0xFFFFE000  }
0x51: {  	[tilespmem:s17], [sflag:$0x1] =	stream.indirect.gather [spmem:s2], $0x40, s8, s16, $0xb8;
	[tilespmem:$0x18A40] =	vst v63  }
0x52: {  	s9 =	simm.s32 $0x980  }
0x53: {  	[spmem:s3] =	stream.indirect.scatter.add.f32 [tilespmem:s19], [sflag:$0x3], $0x40, s9, s16, $0xb8;
	[tilespmem:$0x18A40] =	vst v63  }
0x54: {  	_ =	swait.ge [sflag:s13], $0x2000  }
0x55: {  	[sflag:s13] =	ssyncset.done $0x0  }
0x56: {  	[sflag:s13] =	ssyncadd.s32 $0xFFFFE000  }
0x57: {  	_ =	swait.ge [sflag:s18], $0x2000  }
0x58: {  	[sflag:s18] =	ssyncset.done $0x0  }
0x59: {  	s23 =	simm.s32 $0x280;
	[sflag:s18] =	ssyncadd.s32 $0xFFFFE000  }
0x5a: {  	[tilespmem:s19], [sflag:$0x2] =	stream.indirect.gather [spmem:s2], $0x40, s23, s16, $0xb8;
	[tilespmem:$0x18A40] =	vst v63  }
0x5b: {  	s24 =	simm.s32 $0xA00  }
0x5c: {  	[spmem:s3] =	stream.indirect.scatter.add.f32 [tilespmem:s17], [sflag:$0x3], $0x40, s24, s16, $0xb8;
	[tilespmem:$0x18A40] =	vst v63  }
0x5d: {  	_ =	swait.ge [sflag:s13], $0x2000  }
0x5e: {  	[sflag:s13] =	ssyncset.done $0x0  }
0x5f: {  	[sflag:s13] =	ssyncadd.s32 $0xFFFFE000  }
0x60: {  	_ =	swait.ge [sflag:s20], $0x2000  }
0x61: {  	[sflag:s20] =	ssyncset.done $0x0  }
0x62: {  	s8 =	simm.s32 $0x300;
	[sflag:s20] =	ssyncadd.s32 $0xFFFFE000  }
0x63: {  	[tilespmem:s17], [sflag:$0x1] =	stream.indirect.gather [spmem:s2], $0x40, s8, s16, $0xb8;
	[tilespmem:$0x18A40] =	vst v63  }
0x64: {  	s9 =	simm.s32 $0xA80  }
0x65: {  	[spmem:s3] =	stream.indirect.scatter.add.f32 [tilespmem:s19], [sflag:$0x3], $0x40, s9, s16, $0xb8;
	[tilespmem:$0x18A40] =	vst v63  }
0x66: {  	_ =	swait.ge [sflag:s13], $0x2000  }
0x67: {  	[sflag:s13] =	ssyncset.done $0x0  }
0x68: {  	[sflag:s13] =	ssyncadd.s32 $0xFFFFE000  }
0x69: {  	_ =	swait.ge [sflag:s18], $0x2000  }
0x6a: {  	[sflag:s18] =	ssyncset.done $0x0  }
0x6b: {  	s23 =	simm.s32 $0x380;
	[sflag:s18] =	ssyncadd.s32 $0xFFFFE000  }
0x6c: {  	[tilespmem:s19], [sflag:$0x2] =	stream.indirect.gather [spmem:s2], $0x40, s23, s16, $0xb8;
	[tilespmem:$0x18A40] =	vst v63  }
0x6d: {  	s24 =	simm.s32 $0xB00  }
0x6e: {  	[spmem:s3] =	stream.indirect.scatter.add.f32 [tilespmem:s17], [sflag:$0x3], $0x40, s24, s16, $0xb8;
	[tilespmem:$0x18A40] =	vst v63  }
0x6f: {  	_ =	swait.ge [sflag:s13], $0x2000  }
0x70: {  	[sflag:s13] =	ssyncset.done $0x0  }
0x71: {  	[sflag:s13] =	ssyncadd.s32 $0xFFFFE000  }
0x72: {  	_ =	swait.ge [sflag:s20], $0x2000  }
0x73: {  	[sflag:s20] =	ssyncset.done $0x0  }
0x74: {  	[sflag:s20] =	ssyncadd.s32 $0xFFFFE000  }
0x75: {  	[tilespmem:s17], [sflag:$0x1] =	stream.indirect.gather [spmem:s2], $0x40, s1, s16, $0xb8;
	[tilespmem:$0x18A40] =	vst v63  }
0x76: {  	_ = 	snop  }
0x77: {  	[spmem:s3] =	stream.indirect.scatter.add.f32 [tilespmem:s19], [sflag:$0x3], $0x40, s0, s16, $0xb8;
	[tilespmem:$0x18A40] =	vst v63  }
0x78: {  	_ =	swait.ge [sflag:s13], $0x2000  }
0x79: {  	[sflag:s13] =	ssyncset.done $0x0  }
0x7a: {  	[sflag:s13] =	ssyncadd.s32 $0xFFFFE000  }
0x7b: {  	_ =	swait.ge [sflag:s18], $0x2000  }
0x7c: {  	[sflag:s18] =	ssyncset.done $0x0  }
0x7d: {  	[sflag:s18] =	ssyncadd.s32 $0xFFFFE000  }
0x7e: {  	[tilespmem:s19], [sflag:$0x2] =	stream.indirect.gather [spmem:s2], $0x40, s10, s16, $0xb8;
	[tilespmem:$0x18A40] =	vst v63  }
0x7f: {  	_ = 	snop  }
0x80: {  	[spmem:s3] =	stream.indirect.scatter.add.f32 [tilespmem:s17], [sflag:$0x3], $0x40, s11, s16, $0xb8;
	[tilespmem:$0x18A40] =	vst v63  }
0x81: {  	_ =	swait.ge [sflag:s13], $0x2000  }
0x82: {  	[sflag:s13] =	ssyncset.done $0x0  }
0x83: {  	[sflag:s13] =	ssyncadd.s32 $0xFFFFE000  }
0x84: {  	_ =	swait.ge [sflag:s20], $0x2000  }
0x85: {  	[sflag:s20] =	ssyncset.done $0x0  }
0x86: {  	[sflag:s20] =	ssyncadd.s32 $0xFFFFE000  }
0x87: {  	[tilespmem:s17], [sflag:$0x1] =	stream.indirect.gather [spmem:s2], $0x40, s15, s16, $0xb8;
	[tilespmem:$0x18A40] =	vst v63  }
0x88: {  	_ = 	snop  }
0x89: {  	[spmem:s3] =	stream.indirect.scatter.add.f32 [tilespmem:s19], [sflag:$0x3], $0x40, s5, s16, $0xb8;
	[tilespmem:$0x18A40] =	vst v63  }
0x8a: {  	_ =	swait.ge [sflag:s13], $0x2000  }
0x8b: {  	[sflag:s13] =	ssyncset.done $0x0  }
0x8c: {  	[sflag:s13] =	ssyncadd.s32 $0xFFFFE000  }
0x8d: {  	_ =	swait.ge [sflag:s18], $0x2000  }
0x8e: {  	[sflag:s18] =	ssyncset.done $0x0  }
0x8f: {  	[sflag:s18] =	ssyncadd.s32 $0xFFFFE000  }
0x90: {  	[tilespmem:s19], [sflag:$0x2] =	stream.indirect.gather [spmem:s2], $0x40, s12, s16, $0xb8;
	[tilespmem:$0x18A40] =	vst v63  }
0x91: {  	_ = 	snop  }
0x92: {  	[spmem:s3] =	stream.indirect.scatter.add.f32 [tilespmem:s17], [sflag:$0x3], $0x40, s14, s16, $0xb8;
	[tilespmem:$0x18A40] =	vst v63  }
0x93: {  	_ =	swait.ge [sflag:s13], $0x2000  }
0x94: {  	[sflag:s13] =	ssyncset.done $0x0  }
0x95: {  	[sflag:s13] =	ssyncadd.s32 $0xFFFFE000  }
0x96: {  	_ =	swait.ge [sflag:s20], $0x2000  }
0x97: {  	[sflag:s20] =	ssyncset.done $0x0  }
0x98: {  	[sflag:s20] =	ssyncadd.s32 $0xFFFFE000  }
0x99: {  	[tilespmem:s17], [sflag:$0x1] =	stream.indirect.gather [spmem:s2], $0x40, s7, s16, $0xb8;
	[tilespmem:$0x18A40] =	vst v63  }
0x9a: {  	_ = 	snop  }
0x9b: {  	[spmem:s3] =	stream.indirect.scatter.add.f32 [tilespmem:s19], [sflag:$0x3], $0x40, s21, s16, $0xb8;
	[tilespmem:$0x18A40] =	vst v63  }
0x9c: {  	_ =	swait.ge [sflag:s13], $0x2000  }
0x9d: {  	[sflag:s13] =	ssyncset.done $0x0  }
0x9e: {  	[sflag:s13] =	ssyncadd.s32 $0xFFFFE000  }
0x9f: {  	_ =	swait.ge [sflag:s18], $0x2000  }
0xa0: {  	[sflag:s18] =	ssyncset.done $0x0  }
0xa1: {  	[sflag:s18] =	ssyncadd.s32 $0xFFFFE000  }
0xa2: {  	[tilespmem:s19], [sflag:$0x2] =	stream.indirect.gather [spmem:s2], $0x40, s22, s16, $0xb8;
	[tilespmem:$0x18A40] =	vst v63  }
0xa3: {  	_ = 	snop  }
0xa4: {  	[spmem:s3] =	stream.indirect.scatter.add.f32 [tilespmem:s17], [sflag:$0x3], $0x40, s25, s16, $0xb8;
	[tilespmem:$0x18A40] =	vst v63  }
0xa5: {  	_ =	swait.ge [sflag:s13], $0x2000  }
0xa6: {  	[sflag:s13] =	ssyncset.done $0x0  }
0xa7: {  	[sflag:s13] =	ssyncadd.s32 $0xFFFFE000  }
0xa8: {  	_ =	swait.ge [sflag:s20], $0x2000  }
0xa9: {  	[sflag:s20] =	ssyncset.done $0x0  }
0xaa: {  	[sflag:s20] =	ssyncadd.s32 $0xFFFFE000  }
0xab: {  	[tilespmem:s17], [sflag:$0x1] =	stream.indirect.gather [spmem:s2], $0x40, s26, s16, $0xb8;
	[tilespmem:$0x18A40] =	vst v63  }
0xac: {  	_ = 	snop  }
0xad: {  	[spmem:s3] =	stream.indirect.scatter.add.f32 [tilespmem:s19], [sflag:$0x3], $0x40, s28, s16, $0xb8;
	[tilespmem:$0x18A40] =	vst v63  }
0xae: {  	_ =	swait.ge [sflag:s13], $0x2000  }
0xaf: {  	[sflag:s13] =	ssyncset.done $0x0  }
0xb0: {  	[sflag:s13] =	ssyncadd.s32 $0xFFFFE000  }
0xb1: {  	_ =	swait.ge [sflag:s18], $0x2000  }
0xb2: {  	[sflag:s18] =	ssyncset.done $0x0  }
0xb3: {  	[sflag:s18] =	ssyncadd.s32 $0xFFFFE000  }
0xb4: {  	[tilespmem:s19], [sflag:$0x2] =	stream.indirect.gather [spmem:s2], $0x40, s29, s16, $0xb8;
	[tilespmem:$0x18A40] =	vst v63  }
0xb5: {  	_ = 	snop  }
0xb6: {  	[spmem:s3] =	stream.indirect.scatter.add.f32 [tilespmem:s17], [sflag:$0x3], $0x40, s30, s16, $0xb8;
	[tilespmem:$0x18A40] =	vst v63  }
0xb7: {  	_ =	swait.ge [sflag:s13], $0x2000  }
0xb8: {  	[sflag:s13] =	ssyncset.done $0x0  }
0xb9: {  	[sflag:s13] =	ssyncadd.s32 $0xFFFFE000  }
0xba: {  	_ =	swait.ge [sflag:s20], $0x2000  }
0xbb: {  	[sflag:s20] =	ssyncset.done $0x0  }
0xbc: {  	[sflag:s20] =	ssyncadd.s32 $0xFFFFE000  }
0xbd: {  	[spmem:s3] =	stream.indirect.scatter.add.f32 [tilespmem:s19], [sflag:$0x3], $0x40, s31, s16, $0xb8;
	[tilespmem:$0x18A40] =	vst v63  }
0xbe: {  	_ =	swait.ge [sflag:s13], $0x2000  }
0xbf: {  	s8 =	simm.s32 $0x100;
	s9 =	simm.s32 $0x200;
	[sflag:s13] =	ssyncset.done $0x0  }
.LBB2_2:
0xc0: {  	s6 =	rddreg [dreg:$0x6]  }
0xc1: {  	[sflag:s13] =	ssyncadd.s32 $0xFFFFE000;
	s24 =	sadd.s32 s8, s6  }
0xc2: {  	[tilespmem:s4], [sflag:$0x3] =	stream.linear.gather [hbm4b:s24+s4], $0x800, $0x38;
	[tilespmem:$0x18A40] =	vst v63  }
0xc3: {  	s23 =	sadd.s32 $0x100, s9;
	p0 =	sne.s32 s9, $0x400;
	_ =	swait.ge [sflag:s13], $0x800  }
0xc4: {  	s6 =	smov.u32 s9;
	[sflag:s13] =	ssyncset.done $0x0;
	s24 =	rddreg [dreg:$0x5]  }
0xc5: {  	[sflag:s13] =	ssyncadd.s32 $0xFFFFF800;
	s9 =	sadd.s32 s8, s24;
	s24 =	simm.s32 $0x800  }
0xc6: {  	[tilespmem:s24], [sflag:$0x3] =	stream.linear.gather [hbm4b:s9+s4], $0x800, $0x38;
	[tilespmem:$0x18A40] =	vst v63  }
0xc7: {  	_ =	swait.ge [sflag:s13], $0x800  }
0xc8: {  	[sflag:s13] =	ssyncset.done $0x0  }
0xc9: {  	[sflag:s13] =	ssyncadd.s32 $0xFFFFF800  }
0xca: {  	[tilespmem:s17], [sflag:$0x1] =	stream.indirect.gather [spmem:s2], $0x40, s4, s16, $0xb8;
	[tilespmem:$0x18A40] =	vst v63  }
0xcb: {  	_ =	swait.ge [sflag:s18], $0x2000  }
0xcc: {  	[sflag:s18] =	ssyncset.done $0x0  }
0xcd: {  	[sflag:s18] =	ssyncadd.s32 $0xFFFFE000  }
0xce: {  	[tilespmem:s19], [sflag:$0x2] =	stream.indirect.gather [spmem:s2], $0x40, s16, s16, $0xb8;
	[tilespmem:$0x18A40] =	vst v63  }
0xcf: {  	_ = 	snop  }
0xd0: {  	[spmem:s3] =	stream.indirect.scatter.add.f32 [tilespmem:s17], [sflag:$0x3], $0x40, s24, s16, $0xb8;
	[tilespmem:$0x18A40] =	vst v63  }
0xd1: {  	_ =	swait.ge [sflag:s13], $0x2000  }
0xd2: {  	[sflag:s13] =	ssyncset.done $0x0  }
0xd3: {  	[sflag:s13] =	ssyncadd.s32 $0xFFFFE000  }
0xd4: {  	_ =	swait.ge [sflag:s20], $0x2000  }
0xd5: {  	[sflag:s20] =	ssyncset.done $0x0  }
0xd6: {  	s9 =	simm.s32 $0x100;
	[sflag:s20] =	ssyncadd.s32 $0xFFFFE000  }
0xd7: {  	[tilespmem:s17], [sflag:$0x1] =	stream.indirect.gather [spmem:s2], $0x40, s9, s16, $0xb8;
	[tilespmem:$0x18A40] =	vst v63  }
0xd8: {  	s24 =	simm.s32 $0x880  }
0xd9: {  	[spmem:s3] =	stream.indirect.scatter.add.f32 [tilespmem:s19], [sflag:$0x3], $0x40, s24, s16, $0xb8;
	[tilespmem:$0x18A40] =	vst v63  }
0xda: {  	_ =	swait.ge [sflag:s13], $0x2000  }
0xdb: {  	[sflag:s13] =	ssyncset.done $0x0  }
0xdc: {  	[sflag:s13] =	ssyncadd.s32 $0xFFFFE000  }
0xdd: {  	_ =	swait.ge [sflag:s18], $0x2000  }
0xde: {  	[sflag:s18] =	ssyncset.done $0x0  }
0xdf: {  	s9 =	simm.s32 $0x180;
	[sflag:s18] =	ssyncadd.s32 $0xFFFFE000  }
0xe0: {  	[tilespmem:s19], [sflag:$0x2] =	stream.indirect.gather [spmem:s2], $0x40, s9, s16, $0xb8;
	[tilespmem:$0x18A40] =	vst v63  }
0xe1: {  	s24 =	simm.s32 $0x900  }
0xe2: {  	[spmem:s3] =	stream.indirect.scatter.add.f32 [tilespmem:s17], [sflag:$0x3], $0x40, s24, s16, $0xb8;
	[tilespmem:$0x18A40] =	vst v63  }
0xe3: {  	_ =	swait.ge [sflag:s13], $0x2000  }
0xe4: {  	[sflag:s13] =	ssyncset.done $0x0  }
0xe5: {  	[sflag:s13] =	ssyncadd.s32 $0xFFFFE000  }
0xe6: {  	_ =	swait.ge [sflag:s20], $0x2000  }
0xe7: {  	[sflag:s20] =	ssyncset.done $0x0  }
0xe8: {  	s9 =	simm.s32 $0x200;
	[sflag:s20] =	ssyncadd.s32 $0xFFFFE000  }
0xe9: {  	[tilespmem:s17], [sflag:$0x1] =	stream.indirect.gather [spmem:s2], $0x40, s9, s16, $0xb8;
	[tilespmem:$0x18A40] =	vst v63  }
0xea: {  	s24 =	simm.s32 $0x980  }
0xeb: {  	[spmem:s3] =	stream.indirect.scatter.add.f32 [tilespmem:s19], [sflag:$0x3], $0x40, s24, s16, $0xb8;
	[tilespmem:$0x18A40] =	vst v63  }
0xec: {  	_ =	swait.ge [sflag:s13], $0x2000  }
0xed: {  	[sflag:s13] =	ssyncset.done $0x0  }
0xee: {  	[sflag:s13] =	ssyncadd.s32 $0xFFFFE000  }
0xef: {  	_ =	swait.ge [sflag:s18], $0x2000  }
0xf0: {  	[sflag:s18] =	ssyncset.done $0x0  }
0xf1: {  	s9 =	simm.s32 $0x280;
	[sflag:s18] =	ssyncadd.s32 $0xFFFFE000  }
0xf2: {  	[tilespmem:s19], [sflag:$0x2] =	stream.indirect.gather [spmem:s2], $0x40, s9, s16, $0xb8;
	[tilespmem:$0x18A40] =	vst v63  }
0xf3: {  	s24 =	simm.s32 $0xA00  }
0xf4: {  	[spmem:s3] =	stream.indirect.scatter.add.f32 [tilespmem:s17], [sflag:$0x3], $0x40, s24, s16, $0xb8;
	[tilespmem:$0x18A40] =	vst v63  }
0xf5: {  	_ =	swait.ge [sflag:s13], $0x2000  }
0xf6: {  	[sflag:s13] =	ssyncset.done $0x0  }
0xf7: {  	[sflag:s13] =	ssyncadd.s32 $0xFFFFE000  }
0xf8: {  	_ =	swait.ge [sflag:s20], $0x2000  }
0xf9: {  	[sflag:s20] =	ssyncset.done $0x0  }
0xfa: {  	s9 =	simm.s32 $0x300;
	[sflag:s20] =	ssyncadd.s32 $0xFFFFE000  }
0xfb: {  	[tilespmem:s17], [sflag:$0x1] =	stream.indirect.gather [spmem:s2], $0x40, s9, s16, $0xb8;
	[tilespmem:$0x18A40] =	vst v63  }
0xfc: {  	s24 =	simm.s32 $0xA80  }
0xfd: {  	[spmem:s3] =	stream.indirect.scatter.add.f32 [tilespmem:s19], [sflag:$0x3], $0x40, s24, s16, $0xb8;
	[tilespmem:$0x18A40] =	vst v63  }
0xfe: {  	_ =	swait.ge [sflag:s13], $0x2000  }
0xff: {  	[sflag:s13] =	ssyncset.done $0x0  }
0x100: {  	[sflag:s13] =	ssyncadd.s32 $0xFFFFE000  }
0x101: {  	_ =	swait.ge [sflag:s18], $0x2000  }
0x102: {  	[sflag:s18] =	ssyncset.done $0x0  }
0x103: {  	s9 =	simm.s32 $0x380;
	[sflag:s18] =	ssyncadd.s32 $0xFFFFE000  }
0x104: {  	[tilespmem:s19], [sflag:$0x2] =	stream.indirect.gather [spmem:s2], $0x40, s9, s16, $0xb8;
	[tilespmem:$0x18A40] =	vst v63  }
0x105: {  	s24 =	simm.s32 $0xB00  }
0x106: {  	[spmem:s3] =	stream.indirect.scatter.add.f32 [tilespmem:s17], [sflag:$0x3], $0x40, s24, s16, $0xb8;
	[tilespmem:$0x18A40] =	vst v63  }
0x107: {  	_ =	swait.ge [sflag:s13], $0x2000  }
0x108: {  	[sflag:s13] =	ssyncset.done $0x0  }
0x109: {  	[sflag:s13] =	ssyncadd.s32 $0xFFFFE000  }
0x10a: {  	_ =	swait.ge [sflag:s20], $0x2000  }
0x10b: {  	[sflag:s20] =	ssyncset.done $0x0  }
0x10c: {  	[sflag:s20] =	ssyncadd.s32 $0xFFFFE000  }
0x10d: {  	[tilespmem:s17], [sflag:$0x1] =	stream.indirect.gather [spmem:s2], $0x40, s1, s16, $0xb8;
	[tilespmem:$0x18A40] =	vst v63  }
0x10e: {  	_ = 	snop  }
0x10f: {  	[spmem:s3] =	stream.indirect.scatter.add.f32 [tilespmem:s19], [sflag:$0x3], $0x40, s0, s16, $0xb8;
	[tilespmem:$0x18A40] =	vst v63  }
0x110: {  	_ =	swait.ge [sflag:s13], $0x2000  }
0x111: {  	[sflag:s13] =	ssyncset.done $0x0  }
0x112: {  	[sflag:s13] =	ssyncadd.s32 $0xFFFFE000  }
0x113: {  	_ =	swait.ge [sflag:s18], $0x2000  }
0x114: {  	[sflag:s18] =	ssyncset.done $0x0  }
0x115: {  	[sflag:s18] =	ssyncadd.s32 $0xFFFFE000  }
0x116: {  	[tilespmem:s19], [sflag:$0x2] =	stream.indirect.gather [spmem:s2], $0x40, s10, s16, $0xb8;
	[tilespmem:$0x18A40] =	vst v63  }
0x117: {  	_ = 	snop  }
0x118: {  	[spmem:s3] =	stream.indirect.scatter.add.f32 [tilespmem:s17], [sflag:$0x3], $0x40, s11, s16, $0xb8;
	[tilespmem:$0x18A40] =	vst v63  }
0x119: {  	_ =	swait.ge [sflag:s13], $0x2000  }
0x11a: {  	[sflag:s13] =	ssyncset.done $0x0  }
0x11b: {  	[sflag:s13] =	ssyncadd.s32 $0xFFFFE000  }
0x11c: {  	_ =	swait.ge [sflag:s20], $0x2000  }
0x11d: {  	[sflag:s20] =	ssyncset.done $0x0  }
0x11e: {  	[sflag:s20] =	ssyncadd.s32 $0xFFFFE000  }
0x11f: {  	[tilespmem:s17], [sflag:$0x1] =	stream.indirect.gather [spmem:s2], $0x40, s15, s16, $0xb8;
	[tilespmem:$0x18A40] =	vst v63  }
0x120: {  	_ = 	snop  }
0x121: {  	[spmem:s3] =	stream.indirect.scatter.add.f32 [tilespmem:s19], [sflag:$0x3], $0x40, s5, s16, $0xb8;
	[tilespmem:$0x18A40] =	vst v63  }
0x122: {  	_ =	swait.ge [sflag:s13], $0x2000  }
0x123: {  	[sflag:s13] =	ssyncset.done $0x0  }
0x124: {  	[sflag:s13] =	ssyncadd.s32 $0xFFFFE000  }
0x125: {  	_ =	swait.ge [sflag:s18], $0x2000  }
0x126: {  	[sflag:s18] =	ssyncset.done $0x0  }
0x127: {  	[sflag:s18] =	ssyncadd.s32 $0xFFFFE000  }
0x128: {  	[tilespmem:s19], [sflag:$0x2] =	stream.indirect.gather [spmem:s2], $0x40, s12, s16, $0xb8;
	[tilespmem:$0x18A40] =	vst v63  }
0x129: {  	_ = 	snop  }
0x12a: {  	[spmem:s3] =	stream.indirect.scatter.add.f32 [tilespmem:s17], [sflag:$0x3], $0x40, s14, s16, $0xb8;
	[tilespmem:$0x18A40] =	vst v63  }
0x12b: {  	_ =	swait.ge [sflag:s13], $0x2000  }
0x12c: {  	[sflag:s13] =	ssyncset.done $0x0  }
0x12d: {  	[sflag:s13] =	ssyncadd.s32 $0xFFFFE000  }
0x12e: {  	_ =	swait.ge [sflag:s20], $0x2000  }
0x12f: {  	[sflag:s20] =	ssyncset.done $0x0  }
0x130: {  	[sflag:s20] =	ssyncadd.s32 $0xFFFFE000  }
0x131: {  	[tilespmem:s17], [sflag:$0x1] =	stream.indirect.gather [spmem:s2], $0x40, s7, s16, $0xb8;
	[tilespmem:$0x18A40] =	vst v63  }
0x132: {  	_ = 	snop  }
0x133: {  	[spmem:s3] =	stream.indirect.scatter.add.f32 [tilespmem:s19], [sflag:$0x3], $0x40, s21, s16, $0xb8;
	[tilespmem:$0x18A40] =	vst v63  }
0x134: {  	_ =	swait.ge [sflag:s13], $0x2000  }
0x135: {  	[sflag:s13] =	ssyncset.done $0x0  }
0x136: {  	[sflag:s13] =	ssyncadd.s32 $0xFFFFE000  }
0x137: {  	_ =	swait.ge [sflag:s18], $0x2000  }
0x138: {  	[sflag:s18] =	ssyncset.done $0x0  }
0x139: {  	[sflag:s18] =	ssyncadd.s32 $0xFFFFE000  }
0x13a: {  	[tilespmem:s19], [sflag:$0x2] =	stream.indirect.gather [spmem:s2], $0x40, s22, s16, $0xb8;
	[tilespmem:$0x18A40] =	vst v63  }
0x13b: {  	_ = 	snop  }
0x13c: {  	[spmem:s3] =	stream.indirect.scatter.add.f32 [tilespmem:s17], [sflag:$0x3], $0x40, s25, s16, $0xb8;
	[tilespmem:$0x18A40] =	vst v63  }
0x13d: {  	_ =	swait.ge [sflag:s13], $0x2000  }
0x13e: {  	[sflag:s13] =	ssyncset.done $0x0  }
0x13f: {  	[sflag:s13] =	ssyncadd.s32 $0xFFFFE000  }
0x140: {  	_ =	swait.ge [sflag:s20], $0x2000  }
0x141: {  	[sflag:s20] =	ssyncset.done $0x0  }
0x142: {  	[sflag:s20] =	ssyncadd.s32 $0xFFFFE000  }
0x143: {  	[tilespmem:s17], [sflag:$0x1] =	stream.indirect.gather [spmem:s2], $0x40, s26, s16, $0xb8;
	[tilespmem:$0x18A40] =	vst v63  }
0x144: {  	_ = 	snop  }
0x145: {  	[spmem:s3] =	stream.indirect.scatter.add.f32 [tilespmem:s19], [sflag:$0x3], $0x40, s28, s16, $0xb8;
	[tilespmem:$0x18A40] =	vst v63  }
0x146: {  	_ =	swait.ge [sflag:s13], $0x2000  }
0x147: {  	[sflag:s13] =	ssyncset.done $0x0  }
0x148: {  	[sflag:s13] =	ssyncadd.s32 $0xFFFFE000  }
0x149: {  	_ =	swait.ge [sflag:s18], $0x2000  }
0x14a: {  	[sflag:s18] =	ssyncset.done $0x0  }
0x14b: {  	[sflag:s18] =	ssyncadd.s32 $0xFFFFE000  }
0x14c: {  	[tilespmem:s19], [sflag:$0x2] =	stream.indirect.gather [spmem:s2], $0x40, s29, s16, $0xb8;
	[tilespmem:$0x18A40] =	vst v63  }
0x14d: {  	_ = 	snop  }
0x14e: {  	[spmem:s3] =	stream.indirect.scatter.add.f32 [tilespmem:s17], [sflag:$0x3], $0x40, s30, s16, $0xb8;
	[tilespmem:$0x18A40] =	vst v63  }
0x14f: {  	_ =	swait.ge [sflag:s13], $0x2000  }
0x150: {  	[sflag:s13] =	ssyncset.done $0x0  }
0x151: {  	[sflag:s13] =	ssyncadd.s32 $0xFFFFE000  }
0x152: {  	_ =	swait.ge [sflag:s20], $0x2000  }
.Ltmp0:
0x153: {  	[sflag:s20] =	ssyncset.done $0x0;
	(pc) =	sbr.rel @p0 .LBB2_2-.Ltmp0, $4  }
0x154: {  	[sflag:s20] =	ssyncadd.s32 $0xFFFFE000  }
0x155: {  	[spmem:s3] =	stream.indirect.scatter.add.f32 [tilespmem:s19], [sflag:$0x3], $0x40, s31, s16, $0xb8;
	[tilespmem:$0x18A40] =	vst v63  }
0x156: {  	_ =	swait.ge [sflag:s13], $0x2000  }
0x157: {  	s8 =	smov.u32 s6;
	s9 =	smov.u32 s23;
	[sflag:s13] =	ssyncset.done $0x0  }
0x158: {  	s1 =	rddreg [dreg:$0x6]  }
0x159: {  	[sflag:s13] =	ssyncadd.s32 $0xFFFFE000;
	s6 =	sadd.s32 s8, s1  }
0x15a: {  	[tilespmem:s4], [sflag:$0x3] =	stream.linear.gather [hbm4b:s6+s4], $0x800, $0x38;
	[tilespmem:$0x18A40] =	vst v63  }
0x15b: {  	_ =	swait.ge [sflag:s13], $0x800  }
0x15c: {  	[sflag:s13] =	ssyncset.done $0x0;
	s0 =	rddreg [dreg:$0x5]  }
0x15d: {  	s7 =	simm.s32 $0x800;
	[sflag:s13] =	ssyncadd.s32 $0xFFFFF800;
	s5 =	sadd.s32 s8, s0  }
0x15e: {  	[tilespmem:s7], [sflag:$0x3] =	stream.linear.gather [hbm4b:s5+s4], $0x800, $0x38;
	[tilespmem:$0x18A40] =	vst v63  }
0x15f: {  	_ =	swait.ge [sflag:s13], $0x800  }
0x160: {  	[sflag:s13] =	ssyncset.done $0x0  }
0x161: {  	[sflag:s13] =	ssyncadd.s32 $0xFFFFF800  }
0x162: {  	[tilespmem:s17], [sflag:$0x1] =	stream.indirect.gather [spmem:s2], $0x40, s4, s16, $0xb8;
	[tilespmem:$0x18A40] =	vst v63  }
0x163: {  	_ =	swait.ge [sflag:s18], $0x2000  }
0x164: {  	[sflag:s18] =	ssyncset.done $0x0  }
0x165: {  	[sflag:s18] =	ssyncadd.s32 $0xFFFFE000  }
0x166: {  	[tilespmem:s19], [sflag:$0x2] =	stream.indirect.gather [spmem:s2], $0x40, s16, s16, $0xb8;
	[tilespmem:$0x18A40] =	vst v63  }
0x167: {  	_ = 	snop  }
0x168: {  	[spmem:s3] =	stream.indirect.scatter.add.f32 [tilespmem:s17], [sflag:$0x3], $0x40, s7, s16, $0xb8;
	[tilespmem:$0x18A40] =	vst v63  }
0x169: {  	_ =	swait.ge [sflag:s13], $0x2000  }
0x16a: {  	[sflag:s13] =	ssyncset.done $0x0  }
0x16b: {  	[sflag:s13] =	ssyncadd.s32 $0xFFFFE000  }
0x16c: {  	_ =	swait.ge [sflag:s20], $0x2000  }
0x16d: {  	[sflag:s20] =	ssyncset.done $0x0  }
0x16e: {  	s24 =	simm.s32 $0x100;
	[sflag:s20] =	ssyncadd.s32 $0xFFFFE000  }
0x16f: {  	[tilespmem:s17], [sflag:$0x1] =	stream.indirect.gather [spmem:s2], $0x40, s24, s16, $0xb8;
	[tilespmem:$0x18A40] =	vst v63  }
0x170: {  	s10 =	simm.s32 $0x880  }
0x171: {  	[spmem:s3] =	stream.indirect.scatter.add.f32 [tilespmem:s19], [sflag:$0x3], $0x40, s10, s16, $0xb8;
	[tilespmem:$0x18A40] =	vst v63  }
0x172: {  	_ =	swait.ge [sflag:s13], $0x2000  }
0x173: {  	[sflag:s13] =	ssyncset.done $0x0  }
0x174: {  	[sflag:s13] =	ssyncadd.s32 $0xFFFFE000  }
0x175: {  	_ =	swait.ge [sflag:s18], $0x2000  }
0x176: {  	[sflag:s18] =	ssyncset.done $0x0  }
0x177: {  	s11 =	simm.s32 $0x180;
	[sflag:s18] =	ssyncadd.s32 $0xFFFFE000  }
0x178: {  	[tilespmem:s19], [sflag:$0x2] =	stream.indirect.gather [spmem:s2], $0x40, s11, s16, $0xb8;
	[tilespmem:$0x18A40] =	vst v63  }
0x179: {  	s12 =	simm.s32 $0x900  }
0x17a: {  	[spmem:s3] =	stream.indirect.scatter.add.f32 [tilespmem:s17], [sflag:$0x3], $0x40, s12, s16, $0xb8;
	[tilespmem:$0x18A40] =	vst v63  }
0x17b: {  	_ =	swait.ge [sflag:s13], $0x2000  }
0x17c: {  	[sflag:s13] =	ssyncset.done $0x0  }
0x17d: {  	[sflag:s13] =	ssyncadd.s32 $0xFFFFE000  }
0x17e: {  	_ =	swait.ge [sflag:s20], $0x2000  }
0x17f: {  	[sflag:s20] =	ssyncset.done $0x0  }
0x180: {  	s14 =	simm.s32 $0x200;
	[sflag:s20] =	ssyncadd.s32 $0xFFFFE000  }
0x181: {  	[tilespmem:s17], [sflag:$0x1] =	stream.indirect.gather [spmem:s2], $0x40, s14, s16, $0xb8;
	[tilespmem:$0x18A40] =	vst v63  }
0x182: {  	s15 =	simm.s32 $0x980  }
0x183: {  	[spmem:s3] =	stream.indirect.scatter.add.f32 [tilespmem:s19], [sflag:$0x3], $0x40, s15, s16, $0xb8;
	[tilespmem:$0x18A40] =	vst v63  }
0x184: {  	_ =	swait.ge [sflag:s13], $0x2000  }
0x185: {  	[sflag:s13] =	ssyncset.done $0x0  }
0x186: {  	[sflag:s13] =	ssyncadd.s32 $0xFFFFE000  }
0x187: {  	_ =	swait.ge [sflag:s18], $0x2000  }
0x188: {  	[sflag:s18] =	ssyncset.done $0x0  }
0x189: {  	s21 =	simm.s32 $0x280;
	[sflag:s18] =	ssyncadd.s32 $0xFFFFE000  }
0x18a: {  	[tilespmem:s19], [sflag:$0x2] =	stream.indirect.gather [spmem:s2], $0x40, s21, s16, $0xb8;
	[tilespmem:$0x18A40] =	vst v63  }
0x18b: {  	s22 =	simm.s32 $0xA00  }
0x18c: {  	[spmem:s3] =	stream.indirect.scatter.add.f32 [tilespmem:s17], [sflag:$0x3], $0x40, s22, s16, $0xb8;
	[tilespmem:$0x18A40] =	vst v63  }
0x18d: {  	_ =	swait.ge [sflag:s13], $0x2000  }
0x18e: {  	[sflag:s13] =	ssyncset.done $0x0  }
0x18f: {  	[sflag:s13] =	ssyncadd.s32 $0xFFFFE000  }
0x190: {  	_ =	swait.ge [sflag:s20], $0x2000  }
0x191: {  	[sflag:s20] =	ssyncset.done $0x0  }
0x192: {  	s25 =	simm.s32 $0x300;
	[sflag:s20] =	ssyncadd.s32 $0xFFFFE000  }
0x193: {  	[tilespmem:s17], [sflag:$0x1] =	stream.indirect.gather [spmem:s2], $0x40, s25, s16, $0xb8;
	[tilespmem:$0x18A40] =	vst v63  }
0x194: {  	s26 =	simm.s32 $0xA80  }
0x195: {  	[spmem:s3] =	stream.indirect.scatter.add.f32 [tilespmem:s19], [sflag:$0x3], $0x40, s26, s16, $0xb8;
	[tilespmem:$0x18A40] =	vst v63  }
0x196: {  	_ =	swait.ge [sflag:s13], $0x2000  }
0x197: {  	[sflag:s13] =	ssyncset.done $0x0  }
0x198: {  	[sflag:s13] =	ssyncadd.s32 $0xFFFFE000  }
0x199: {  	_ =	swait.ge [sflag:s18], $0x2000  }
0x19a: {  	[sflag:s18] =	ssyncset.done $0x0  }
0x19b: {  	s28 =	simm.s32 $0x380;
	[sflag:s18] =	ssyncadd.s32 $0xFFFFE000  }
0x19c: {  	[tilespmem:s19], [sflag:$0x2] =	stream.indirect.gather [spmem:s2], $0x40, s28, s16, $0xb8;
	[tilespmem:$0x18A40] =	vst v63  }
0x19d: {  	s29 =	simm.s32 $0xB00  }
0x19e: {  	[spmem:s3] =	stream.indirect.scatter.add.f32 [tilespmem:s17], [sflag:$0x3], $0x40, s29, s16, $0xb8;
	[tilespmem:$0x18A40] =	vst v63  }
0x19f: {  	_ =	swait.ge [sflag:s13], $0x2000  }
0x1a0: {  	[sflag:s13] =	ssyncset.done $0x0  }
0x1a1: {  	[sflag:s13] =	ssyncadd.s32 $0xFFFFE000  }
0x1a2: {  	_ =	swait.ge [sflag:s20], $0x2000  }
0x1a3: {  	[sflag:s20] =	ssyncset.done $0x0  }
0x1a4: {  	s30 =	simm.s32 $0x400;
	[sflag:s20] =	ssyncadd.s32 $0xFFFFE000  }
0x1a5: {  	[tilespmem:s17], [sflag:$0x1] =	stream.indirect.gather [spmem:s2], $0x40, s30, s16, $0xb8;
	[tilespmem:$0x18A40] =	vst v63  }
0x1a6: {  	s31 =	simm.s32 $0xB80  }
0x1a7: {  	[spmem:s3] =	stream.indirect.scatter.add.f32 [tilespmem:s19], [sflag:$0x3], $0x40, s31, s16, $0xb8;
	[tilespmem:$0x18A40] =	vst v63  }
0x1a8: {  	_ =	swait.ge [sflag:s13], $0x2000  }
0x1a9: {  	[sflag:s13] =	ssyncset.done $0x0  }
0x1aa: {  	[sflag:s13] =	ssyncadd.s32 $0xFFFFE000  }
0x1ab: {  	_ =	swait.ge [sflag:s18], $0x2000  }
0x1ac: {  	[sflag:s18] =	ssyncset.done $0x0  }
0x1ad: {  	s5 =	simm.s32 $0x480;
	[sflag:s18] =	ssyncadd.s32 $0xFFFFE000  }
0x1ae: {  	[tilespmem:s19], [sflag:$0x2] =	stream.indirect.gather [spmem:s2], $0x40, s5, s16, $0xb8;
	[tilespmem:$0x18A40] =	vst v63  }
0x1af: {  	s6 =	simm.s32 $0xC00  }
0x1b0: {  	[spmem:s3] =	stream.indirect.scatter.add.f32 [tilespmem:s17], [sflag:$0x3], $0x40, s6, s16, $0xb8;
	[tilespmem:$0x18A40] =	vst v63  }
0x1b1: {  	_ =	swait.ge [sflag:s13], $0x2000  }
0x1b2: {  	[sflag:s13] =	ssyncset.done $0x0  }
0x1b3: {  	[sflag:s13] =	ssyncadd.s32 $0xFFFFE000  }
0x1b4: {  	_ =	swait.ge [sflag:s20], $0x2000  }
0x1b5: {  	[sflag:s20] =	ssyncset.done $0x0  }
0x1b6: {  	s8 =	simm.s32 $0x500;
	[sflag:s20] =	ssyncadd.s32 $0xFFFFE000  }
0x1b7: {  	[tilespmem:s17], [sflag:$0x1] =	stream.indirect.gather [spmem:s2], $0x40, s8, s16, $0xb8;
	[tilespmem:$0x18A40] =	vst v63  }
0x1b8: {  	s9 =	simm.s32 $0xC80  }
0x1b9: {  	[spmem:s3] =	stream.indirect.scatter.add.f32 [tilespmem:s19], [sflag:$0x3], $0x40, s9, s16, $0xb8;
	[tilespmem:$0x18A40] =	vst v63  }
0x1ba: {  	_ =	swait.ge [sflag:s13], $0x2000  }
0x1bb: {  	[sflag:s13] =	ssyncset.done $0x0  }
0x1bc: {  	[sflag:s13] =	ssyncadd.s32 $0xFFFFE000  }
0x1bd: {  	_ =	swait.ge [sflag:s18], $0x2000  }
0x1be: {  	[sflag:s18] =	ssyncset.done $0x0  }
0x1bf: {  	s23 =	simm.s32 $0x580;
	[sflag:s18] =	ssyncadd.s32 $0xFFFFE000  }
0x1c0: {  	[tilespmem:s19], [sflag:$0x2] =	stream.indirect.gather [spmem:s2], $0x40, s23, s16, $0xb8;
	[tilespmem:$0x18A40] =	vst v63  }
0x1c1: {  	s6 =	simm.s32 $0xD00  }
0x1c2: {  	[spmem:s3] =	stream.indirect.scatter.add.f32 [tilespmem:s17], [sflag:$0x3], $0x40, s6, s16, $0xb8;
	[tilespmem:$0x18A40] =	vst v63  }
0x1c3: {  	_ =	swait.ge [sflag:s13], $0x2000  }
0x1c4: {  	[sflag:s13] =	ssyncset.done $0x0  }
0x1c5: {  	[sflag:s13] =	ssyncadd.s32 $0xFFFFE000  }
0x1c6: {  	_ =	swait.ge [sflag:s20], $0x2000  }
0x1c7: {  	[sflag:s20] =	ssyncset.done $0x0  }
0x1c8: {  	s8 =	simm.s32 $0x600;
	[sflag:s20] =	ssyncadd.s32 $0xFFFFE000  }
0x1c9: {  	[tilespmem:s17], [sflag:$0x1] =	stream.indirect.gather [spmem:s2], $0x40, s8, s16, $0xb8;
	[tilespmem:$0x18A40] =	vst v63  }
0x1ca: {  	s9 =	simm.s32 $0xD80  }
0x1cb: {  	[spmem:s3] =	stream.indirect.scatter.add.f32 [tilespmem:s19], [sflag:$0x3], $0x40, s9, s16, $0xb8;
	[tilespmem:$0x18A40] =	vst v63  }
0x1cc: {  	_ =	swait.ge [sflag:s13], $0x2000  }
0x1cd: {  	[sflag:s13] =	ssyncset.done $0x0  }
0x1ce: {  	[sflag:s13] =	ssyncadd.s32 $0xFFFFE000  }
0x1cf: {  	_ =	swait.ge [sflag:s18], $0x2000  }
0x1d0: {  	[sflag:s18] =	ssyncset.done $0x0  }
0x1d1: {  	s23 =	simm.s32 $0x680;
	[sflag:s18] =	ssyncadd.s32 $0xFFFFE000  }
0x1d2: {  	[tilespmem:s19], [sflag:$0x2] =	stream.indirect.gather [spmem:s2], $0x40, s23, s16, $0xb8;
	[tilespmem:$0x18A40] =	vst v63  }
0x1d3: {  	s6 =	simm.s32 $0xE00  }
0x1d4: {  	[spmem:s3] =	stream.indirect.scatter.add.f32 [tilespmem:s17], [sflag:$0x3], $0x40, s6, s16, $0xb8;
	[tilespmem:$0x18A40] =	vst v63  }
0x1d5: {  	_ =	swait.ge [sflag:s13], $0x2000  }
0x1d6: {  	[sflag:s13] =	ssyncset.done $0x0  }
0x1d7: {  	[sflag:s13] =	ssyncadd.s32 $0xFFFFE000  }
0x1d8: {  	_ =	swait.ge [sflag:s20], $0x2000  }
0x1d9: {  	[sflag:s20] =	ssyncset.done $0x0  }
0x1da: {  	s8 =	simm.s32 $0x700;
	[sflag:s20] =	ssyncadd.s32 $0xFFFFE000  }
0x1db: {  	[tilespmem:s17], [sflag:$0x1] =	stream.indirect.gather [spmem:s2], $0x40, s8, s16, $0xb8;
	[tilespmem:$0x18A40] =	vst v63  }
0x1dc: {  	s9 =	simm.s32 $0xE80  }
0x1dd: {  	[spmem:s3] =	stream.indirect.scatter.add.f32 [tilespmem:s19], [sflag:$0x3], $0x40, s9, s16, $0xb8;
	[tilespmem:$0x18A40] =	vst v63  }
0x1de: {  	_ =	swait.ge [sflag:s13], $0x2000  }
0x1df: {  	[sflag:s13] =	ssyncset.done $0x0  }
0x1e0: {  	[sflag:s13] =	ssyncadd.s32 $0xFFFFE000  }
0x1e1: {  	_ =	swait.ge [sflag:s18], $0x2000  }
0x1e2: {  	[sflag:s18] =	ssyncset.done $0x0  }
0x1e3: {  	s23 =	simm.s32 $0x780;
	[sflag:s18] =	ssyncadd.s32 $0xFFFFE000  }
0x1e4: {  	[tilespmem:s19], [sflag:$0x2] =	stream.indirect.gather [spmem:s2], $0x40, s23, s16, $0xb8;
	[tilespmem:$0x18A40] =	vst v63  }
0x1e5: {  	s6 =	simm.s32 $0xF00  }
0x1e6: {  	[spmem:s3] =	stream.indirect.scatter.add.f32 [tilespmem:s17], [sflag:$0x3], $0x40, s6, s16, $0xb8;
	[tilespmem:$0x18A40] =	vst v63  }
0x1e7: {  	_ =	swait.ge [sflag:s13], $0x2000  }
0x1e8: {  	[sflag:s13] =	ssyncset.done $0x0  }
0x1e9: {  	[sflag:s13] =	ssyncadd.s32 $0xFFFFE000  }
0x1ea: {  	_ =	swait.ge [sflag:s20], $0x2000  }
0x1eb: {  	[sflag:s20] =	ssyncset.done $0x0  }
0x1ec: {  	s8 =	simm.s32 $0xF80;
	[sflag:s20] =	ssyncadd.s32 $0xFFFFE000  }
0x1ed: {  	[spmem:s3] =	stream.indirect.scatter.add.f32 [tilespmem:s19], [sflag:$0x3], $0x40, s8, s16, $0xb8;
	[tilespmem:$0x18A40] =	vst v63  }
0x1ee: {  	_ =	swait.ge [sflag:s13], $0x2000  }
0x1ef: {  	[sflag:s13] =	ssyncset.done $0x0  }
0x1f0: {  	[sflag:s13] =	ssyncadd.s32 $0xFFFFE000  }
0x1f1: {  	[bflag:$0x0] =	sbarrier.arrive $0xFFFF  }
0x1f2: {  	s8 =	rddreg [dreg:$0x9]  }
0x1f3: {  	s23 =	rddreg [dreg:$0xd]  }
0x1f4: {  	s9 =	rddreg [dreg:$0xe]  }
0x1f5: {  	[hbm:s9], [sflag:s8] =	dma.local [spmem:s23], $0x13C0  }
0x1f6: {  	_ =	swait.ge [sflag:s13], $0x13C0  }
0x1f7: {  	[sflag:s13] =	ssyncset.done $0x0;
	s5 =	rddreg [dreg:$0xa]  }
0x1f8: {  	s9 =	rddreg [dreg:$0xc];
	[sflag:s13] =	ssyncadd.s32 $0xFFFFEC40  }
0x1f9: {  	[spmem:s9], [sflag:s8] =	dma.local [hbm:s5], $0x1388  }
0x1fa: {  	_ =	swait.ge [sflag:s13], $0x1388  }
0x1fb: {  	[sflag:s13] =	ssyncset.done $0x0  }
0x1fc: {  	s5 =	rddreg [dreg:$0x7];
	[sflag:s13] =	ssyncadd.s32 $0xFFFFEC78  }
0x1fd: {  	[spmem:s23], [sflag:s8] =	dma.local [hbm:s5], $0x13C0  }
0x1fe: {  	_ =	swait.ge [sflag:s13], $0x13C0  }
0x1ff: {  	[sflag:s13] =	ssyncset.done $0x0  }
0x200: {  	[sflag:s13] =	ssyncadd.s32 $0xFFFFEC40  }
0x201: {  	s8 =	sadd.s32 $0x0, s1;
	[bflag:$0x0] =	sbarrier.arrive $0xFFFF  }
0x202: {  	[tilespmem:s4], [sflag:$0x3] =	stream.linear.gather [hbm4b:s8+s4], $0x800, $0x38;
	[tilespmem:$0x18A40] =	vst v63  }
0x203: {  	_ =	swait.ge [sflag:s13], $0x800  }
0x204: {  	[sflag:s13] =	ssyncset.done $0x0  }
0x205: {  	s9 =	sadd.s32 $0x0, s0;
	[sflag:s13] =	ssyncadd.s32 $0xFFFFF800  }
0x206: {  	[tilespmem:s7], [sflag:$0x3] =	stream.linear.gather [hbm4b:s9+s4], $0x800, $0x38;
	[tilespmem:$0x18A40] =	vst v63  }
0x207: {  	_ =	swait.ge [sflag:s13], $0x800  }
0x208: {  	[sflag:s13] =	ssyncset.done $0x0  }
0x209: {  	[sflag:s13] =	ssyncadd.s32 $0xFFFFF800  }
0x20a: {  	[tilespmem:s17], [sflag:$0x1] =	stream.indirect.gather [spmem:s2], $0x40, s4, s16, $0xb8;
	[tilespmem:$0x18A40] =	vst v63  }
0x20b: {  	_ =	swait.ge [sflag:s18], $0x2000  }
0x20c: {  	[sflag:s18] =	ssyncset.done $0x0  }
0x20d: {  	[sflag:s18] =	ssyncadd.s32 $0xFFFFE000  }
0x20e: {  	[tilespmem:s19], [sflag:$0x2] =	stream.indirect.gather [spmem:s2], $0x40, s16, s16, $0xb8;
	[tilespmem:$0x18A40] =	vst v63  }
0x20f: {  	_ = 	snop  }
0x210: {  	[spmem:s3] =	stream.indirect.scatter.add.f32 [tilespmem:s17], [sflag:$0x3], $0x40, s7, s16, $0xb8;
	[tilespmem:$0x18A40] =	vst v63  }
0x211: {  	_ =	swait.ge [sflag:s13], $0x2000  }
0x212: {  	[sflag:s13] =	ssyncset.done $0x0  }
0x213: {  	[sflag:s13] =	ssyncadd.s32 $0xFFFFE000  }
0x214: {  	_ =	swait.ge [sflag:s20], $0x2000  }
0x215: {  	[sflag:s20] =	ssyncset.done $0x0  }
0x216: {  	[sflag:s20] =	ssyncadd.s32 $0xFFFFE000  }
0x217: {  	[tilespmem:s17], [sflag:$0x1] =	stream.indirect.gather [spmem:s2], $0x40, s24, s16, $0xb8;
	[tilespmem:$0x18A40] =	vst v63  }
0x218: {  	_ = 	snop  }
0x219: {  	[spmem:s3] =	stream.indirect.scatter.add.f32 [tilespmem:s19], [sflag:$0x3], $0x40, s10, s16, $0xb8;
	[tilespmem:$0x18A40] =	vst v63  }
0x21a: {  	_ =	swait.ge [sflag:s13], $0x2000  }
0x21b: {  	[sflag:s13] =	ssyncset.done $0x0  }
0x21c: {  	[sflag:s13] =	ssyncadd.s32 $0xFFFFE000  }
0x21d: {  	_ =	swait.ge [sflag:s18], $0x2000  }
0x21e: {  	[sflag:s18] =	ssyncset.done $0x0  }
0x21f: {  	[sflag:s18] =	ssyncadd.s32 $0xFFFFE000  }
0x220: {  	[tilespmem:s19], [sflag:$0x2] =	stream.indirect.gather [spmem:s2], $0x40, s11, s16, $0xb8;
	[tilespmem:$0x18A40] =	vst v63  }
0x221: {  	_ = 	snop  }
0x222: {  	[spmem:s3] =	stream.indirect.scatter.add.f32 [tilespmem:s17], [sflag:$0x3], $0x40, s12, s16, $0xb8;
	[tilespmem:$0x18A40] =	vst v63  }
0x223: {  	_ =	swait.ge [sflag:s13], $0x2000  }
0x224: {  	[sflag:s13] =	ssyncset.done $0x0  }
0x225: {  	[sflag:s13] =	ssyncadd.s32 $0xFFFFE000  }
0x226: {  	_ =	swait.ge [sflag:s20], $0x2000  }
0x227: {  	[sflag:s20] =	ssyncset.done $0x0  }
0x228: {  	[sflag:s20] =	ssyncadd.s32 $0xFFFFE000  }
0x229: {  	[tilespmem:s17], [sflag:$0x1] =	stream.indirect.gather [spmem:s2], $0x40, s14, s16, $0xb8;
	[tilespmem:$0x18A40] =	vst v63  }
0x22a: {  	_ = 	snop  }
0x22b: {  	[spmem:s3] =	stream.indirect.scatter.add.f32 [tilespmem:s19], [sflag:$0x3], $0x40, s15, s16, $0xb8;
	[tilespmem:$0x18A40] =	vst v63  }
0x22c: {  	_ =	swait.ge [sflag:s13], $0x2000  }
0x22d: {  	[sflag:s13] =	ssyncset.done $0x0  }
0x22e: {  	[sflag:s13] =	ssyncadd.s32 $0xFFFFE000  }
0x22f: {  	_ =	swait.ge [sflag:s18], $0x2000  }
0x230: {  	[sflag:s18] =	ssyncset.done $0x0  }
0x231: {  	[sflag:s18] =	ssyncadd.s32 $0xFFFFE000  }
0x232: {  	[tilespmem:s19], [sflag:$0x2] =	stream.indirect.gather [spmem:s2], $0x40, s21, s16, $0xb8;
	[tilespmem:$0x18A40] =	vst v63  }
0x233: {  	_ = 	snop  }
0x234: {  	[spmem:s3] =	stream.indirect.scatter.add.f32 [tilespmem:s17], [sflag:$0x3], $0x40, s22, s16, $0xb8;
	[tilespmem:$0x18A40] =	vst v63  }
0x235: {  	_ =	swait.ge [sflag:s13], $0x2000  }
0x236: {  	[sflag:s13] =	ssyncset.done $0x0  }
0x237: {  	[sflag:s13] =	ssyncadd.s32 $0xFFFFE000  }
0x238: {  	_ =	swait.ge [sflag:s20], $0x2000  }
0x239: {  	[sflag:s20] =	ssyncset.done $0x0  }
0x23a: {  	[sflag:s20] =	ssyncadd.s32 $0xFFFFE000  }
0x23b: {  	[tilespmem:s17], [sflag:$0x1] =	stream.indirect.gather [spmem:s2], $0x40, s25, s16, $0xb8;
	[tilespmem:$0x18A40] =	vst v63  }
0x23c: {  	_ = 	snop  }
0x23d: {  	[spmem:s3] =	stream.indirect.scatter.add.f32 [tilespmem:s19], [sflag:$0x3], $0x40, s26, s16, $0xb8;
	[tilespmem:$0x18A40] =	vst v63  }
0x23e: {  	_ =	swait.ge [sflag:s13], $0x2000  }
0x23f: {  	[sflag:s13] =	ssyncset.done $0x0  }
0x240: {  	[sflag:s13] =	ssyncadd.s32 $0xFFFFE000  }
0x241: {  	_ =	swait.ge [sflag:s18], $0x2000  }
0x242: {  	[sflag:s18] =	ssyncset.done $0x0  }
0x243: {  	[sflag:s18] =	ssyncadd.s32 $0xFFFFE000  }
0x244: {  	[tilespmem:s19], [sflag:$0x2] =	stream.indirect.gather [spmem:s2], $0x40, s28, s16, $0xb8;
	[tilespmem:$0x18A40] =	vst v63  }
0x245: {  	_ = 	snop  }
0x246: {  	[spmem:s3] =	stream.indirect.scatter.add.f32 [tilespmem:s17], [sflag:$0x3], $0x40, s29, s16, $0xb8;
	[tilespmem:$0x18A40] =	vst v63  }
0x247: {  	_ =	swait.ge [sflag:s13], $0x2000  }
0x248: {  	[sflag:s13] =	ssyncset.done $0x0  }
0x249: {  	[sflag:s13] =	ssyncadd.s32 $0xFFFFE000  }
0x24a: {  	_ =	swait.ge [sflag:s20], $0x2000  }
0x24b: {  	[sflag:s20] =	ssyncset.done $0x0  }
0x24c: {  	[sflag:s20] =	ssyncadd.s32 $0xFFFFE000  }
0x24d: {  	[tilespmem:s17], [sflag:$0x1] =	stream.indirect.gather [spmem:s2], $0x40, s30, s16, $0xb8;
	[tilespmem:$0x18A40] =	vst v63  }
0x24e: {  	_ = 	snop  }
0x24f: {  	[spmem:s3] =	stream.indirect.scatter.add.f32 [tilespmem:s19], [sflag:$0x3], $0x40, s31, s16, $0xb8;
	[tilespmem:$0x18A40] =	vst v63  }
0x250: {  	_ =	swait.ge [sflag:s13], $0x2000  }
0x251: {  	[sflag:s13] =	ssyncset.done $0x0  }
0x252: {  	[sflag:s13] =	ssyncadd.s32 $0xFFFFE000  }
0x253: {  	_ =	swait.ge [sflag:s18], $0x2000  }
0x254: {  	[sflag:s18] =	ssyncset.done $0x0  }
0x255: {  	s15 =	simm.s32 $0x480;
	[sflag:s18] =	ssyncadd.s32 $0xFFFFE000  }
0x256: {  	[tilespmem:s19], [sflag:$0x2] =	stream.indirect.gather [spmem:s2], $0x40, s15, s16, $0xb8;
	[tilespmem:$0x18A40] =	vst v63  }
0x257: {  	s21 =	simm.s32 $0xC00  }
0x258: {  	[spmem:s3] =	stream.indirect.scatter.add.f32 [tilespmem:s17], [sflag:$0x3], $0x40, s21, s16, $0xb8;
	[tilespmem:$0x18A40] =	vst v63  }
0x259: {  	_ =	swait.ge [sflag:s13], $0x2000  }
0x25a: {  	[sflag:s13] =	ssyncset.done $0x0  }
0x25b: {  	[sflag:s13] =	ssyncadd.s32 $0xFFFFE000  }
0x25c: {  	_ =	swait.ge [sflag:s20], $0x2000  }
0x25d: {  	[sflag:s20] =	ssyncset.done $0x0  }
0x25e: {  	s22 =	simm.s32 $0x500;
	[sflag:s20] =	ssyncadd.s32 $0xFFFFE000  }
0x25f: {  	[tilespmem:s17], [sflag:$0x1] =	stream.indirect.gather [spmem:s2], $0x40, s22, s16, $0xb8;
	[tilespmem:$0x18A40] =	vst v63  }
0x260: {  	s23 =	simm.s32 $0xC80  }
0x261: {  	[spmem:s3] =	stream.indirect.scatter.add.f32 [tilespmem:s19], [sflag:$0x3], $0x40, s23, s16, $0xb8;
	[tilespmem:$0x18A40] =	vst v63  }
0x262: {  	_ =	swait.ge [sflag:s13], $0x2000  }
0x263: {  	[sflag:s13] =	ssyncset.done $0x0  }
0x264: {  	[sflag:s13] =	ssyncadd.s32 $0xFFFFE000  }
0x265: {  	_ =	swait.ge [sflag:s18], $0x2000  }
0x266: {  	[sflag:s18] =	ssyncset.done $0x0  }
0x267: {  	s24 =	simm.s32 $0x580;
	[sflag:s18] =	ssyncadd.s32 $0xFFFFE000  }
0x268: {  	[tilespmem:s19], [sflag:$0x2] =	stream.indirect.gather [spmem:s2], $0x40, s24, s16, $0xb8;
	[tilespmem:$0x18A40] =	vst v63  }
0x269: {  	s25 =	simm.s32 $0xD00  }
0x26a: {  	[spmem:s3] =	stream.indirect.scatter.add.f32 [tilespmem:s17], [sflag:$0x3], $0x40, s25, s16, $0xb8;
	[tilespmem:$0x18A40] =	vst v63  }
0x26b: {  	_ =	swait.ge [sflag:s13], $0x2000  }
0x26c: {  	[sflag:s13] =	ssyncset.done $0x0  }
0x26d: {  	[sflag:s13] =	ssyncadd.s32 $0xFFFFE000  }
0x26e: {  	_ =	swait.ge [sflag:s20], $0x2000  }
0x26f: {  	[sflag:s20] =	ssyncset.done $0x0  }
0x270: {  	s26 =	simm.s32 $0x600;
	[sflag:s20] =	ssyncadd.s32 $0xFFFFE000  }
0x271: {  	[tilespmem:s17], [sflag:$0x1] =	stream.indirect.gather [spmem:s2], $0x40, s26, s16, $0xb8;
	[tilespmem:$0x18A40] =	vst v63  }
0x272: {  	s8 =	simm.s32 $0xD80  }
0x273: {  	[spmem:s3] =	stream.indirect.scatter.add.f32 [tilespmem:s19], [sflag:$0x3], $0x40, s8, s16, $0xb8;
	[tilespmem:$0x18A40] =	vst v63  }
0x274: {  	_ =	swait.ge [sflag:s13], $0x2000  }
0x275: {  	[sflag:s13] =	ssyncset.done $0x0  }
0x276: {  	[sflag:s13] =	ssyncadd.s32 $0xFFFFE000  }
0x277: {  	_ =	swait.ge [sflag:s18], $0x2000  }
0x278: {  	[sflag:s18] =	ssyncset.done $0x0  }
0x279: {  	s9 =	simm.s32 $0x680;
	[sflag:s18] =	ssyncadd.s32 $0xFFFFE000  }
0x27a: {  	[tilespmem:s19], [sflag:$0x2] =	stream.indirect.gather [spmem:s2], $0x40, s9, s16, $0xb8;
	[tilespmem:$0x18A40] =	vst v63  }
0x27b: {  	s23 =	simm.s32 $0xE00  }
0x27c: {  	[spmem:s3] =	stream.indirect.scatter.add.f32 [tilespmem:s17], [sflag:$0x3], $0x40, s23, s16, $0xb8;
	[tilespmem:$0x18A40] =	vst v63  }
0x27d: {  	_ =	swait.ge [sflag:s13], $0x2000  }
0x27e: {  	[sflag:s13] =	ssyncset.done $0x0  }
0x27f: {  	[sflag:s13] =	ssyncadd.s32 $0xFFFFE000  }
0x280: {  	_ =	swait.ge [sflag:s20], $0x2000  }
0x281: {  	[sflag:s20] =	ssyncset.done $0x0  }
0x282: {  	s24 =	simm.s32 $0x700;
	[sflag:s20] =	ssyncadd.s32 $0xFFFFE000  }
0x283: {  	[tilespmem:s17], [sflag:$0x1] =	stream.indirect.gather [spmem:s2], $0x40, s24, s16, $0xb8;
	[tilespmem:$0x18A40] =	vst v63  }
0x284: {  	s8 =	simm.s32 $0xE80  }
0x285: {  	[spmem:s3] =	stream.indirect.scatter.add.f32 [tilespmem:s19], [sflag:$0x3], $0x40, s8, s16, $0xb8;
	[tilespmem:$0x18A40] =	vst v63  }
0x286: {  	_ =	swait.ge [sflag:s13], $0x2000  }
0x287: {  	[sflag:s13] =	ssyncset.done $0x0  }
0x288: {  	[sflag:s13] =	ssyncadd.s32 $0xFFFFE000  }
0x289: {  	_ =	swait.ge [sflag:s18], $0x2000  }
0x28a: {  	s0 =	simm.s32 $0xB80;
	[sflag:s18] =	ssyncset.done $0x0  }
0x28b: {  	s1 =	simm.s32 $0x400;
	s9 =	simm.s32 $0x780;
	[sflag:s18] =	ssyncadd.s32 $0xFFFFE000  }
0x28c: {  	[tilespmem:s19], [sflag:$0x2] =	stream.indirect.gather [spmem:s2], $0x40, s9, s16, $0xb8;
	[tilespmem:$0x18A40] =	vst v63  }
0x28d: {  	s5 =	simm.s32 $0xC80;
	s7 =	simm.s32 $0x600;
	s23 =	simm.s32 $0xF00  }
0x28e: {  	[spmem:s3] =	stream.indirect.scatter.add.f32 [tilespmem:s17], [sflag:$0x3], $0x40, s23, s16, $0xb8;
	[tilespmem:$0x18A40] =	vst v63  }
0x28f: {  	s10 =	simm.s32 $0x480;
	s11 =	simm.s32 $0xC00;
	_ =	swait.ge [sflag:s13], $0x2000  }
0x290: {  	s12 =	simm.s32 $0x580;
	s14 =	simm.s32 $0xD00;
	[sflag:s13] =	ssyncset.done $0x0  }
0x291: {  	s28 =	simm.s32 $0xE80;
	s29 =	simm.s32 $0x780;
	[sflag:s13] =	ssyncadd.s32 $0xFFFFE000  }
0x292: {  	s30 =	simm.s32 $0xF00;
	s31 =	simm.s32 $0xF80;
	_ =	swait.ge [sflag:s20], $0x2000  }
0x293: {  	s15 =	simm.s32 $0x500;
	s21 =	simm.s32 $0xD80;
	[sflag:s20] =	ssyncset.done $0x0  }
0x294: {  	s22 =	simm.s32 $0x680;
	s24 =	simm.s32 $0xF80;
	[sflag:s20] =	ssyncadd.s32 $0xFFFFE000  }
0x295: {  	[spmem:s3] =	stream.indirect.scatter.add.f32 [tilespmem:s19], [sflag:$0x3], $0x40, s24, s16, $0xb8;
	[tilespmem:$0x18A40] =	vst v63  }
0x296: {  	s25 =	simm.s32 $0xE00;
	s26 =	simm.s32 $0x700;
	_ =	swait.ge [sflag:s13], $0x2000  }
0x297: {  	s8 =	simm.s32 $0x100;
	s23 =	simm.s32 $0x200;
	[sflag:s13] =	ssyncset.done $0x0  }
.LBB2_4:
0x298: {  	s6 =	rddreg [dreg:$0x6]  }
0x299: {  	[sflag:s13] =	ssyncadd.s32 $0xFFFFE000;
	s6 =	sadd.s32 s8, s6  }
0x29a: {  	[tilespmem:s4], [sflag:$0x3] =	stream.linear.gather [hbm4b:s6+s4], $0x800, $0x38;
	[tilespmem:$0x18A40] =	vst v63  }
0x29b: {  	_ =	swait.ge [sflag:s13], $0x800  }
0x29c: {  	s24 =	smov.u32 s23;
	s9 =	sadd.s32 $0x100, s23;
	[sflag:s13] =	ssyncset.done $0x0  }
0x29d: {  	p0 =	sne.s32 s23, $0x400;
	s23 =	rddreg [dreg:$0x5];
	[sflag:s13] =	ssyncadd.s32 $0xFFFFF800  }
0x29e: {  	s6 =	sadd.s32 s8, s23;
	s8 =	smov.u32 s24;
	s24 =	simm.s32 $0x800  }
0x29f: {  	[tilespmem:s24], [sflag:$0x3] =	stream.linear.gather [hbm4b:s6+s4], $0x800, $0x38;
	[tilespmem:$0x18A40] =	vst v63  }
0x2a0: {  	_ =	swait.ge [sflag:s13], $0x800  }
0x2a1: {  	[sflag:s13] =	ssyncset.done $0x0  }
0x2a2: {  	[sflag:s13] =	ssyncadd.s32 $0xFFFFF800  }
0x2a3: {  	[tilespmem:s17], [sflag:$0x1] =	stream.indirect.gather [spmem:s2], $0x40, s4, s16, $0xb8;
	[tilespmem:$0x18A40] =	vst v63  }
0x2a4: {  	_ =	swait.ge [sflag:s18], $0x2000  }
0x2a5: {  	[sflag:s18] =	ssyncset.done $0x0  }
0x2a6: {  	[sflag:s18] =	ssyncadd.s32 $0xFFFFE000  }
0x2a7: {  	[tilespmem:s19], [sflag:$0x2] =	stream.indirect.gather [spmem:s2], $0x40, s16, s16, $0xb8;
	[tilespmem:$0x18A40] =	vst v63  }
0x2a8: {  	_ = 	snop  }
0x2a9: {  	[spmem:s3] =	stream.indirect.scatter.add.f32 [tilespmem:s17], [sflag:$0x3], $0x40, s24, s16, $0xb8;
	[tilespmem:$0x18A40] =	vst v63  }
0x2aa: {  	_ =	swait.ge [sflag:s13], $0x2000  }
0x2ab: {  	[sflag:s13] =	ssyncset.done $0x0  }
0x2ac: {  	[sflag:s13] =	ssyncadd.s32 $0xFFFFE000  }
0x2ad: {  	_ =	swait.ge [sflag:s20], $0x2000  }
0x2ae: {  	[sflag:s20] =	ssyncset.done $0x0  }
0x2af: {  	s23 =	simm.s32 $0x100;
	[sflag:s20] =	ssyncadd.s32 $0xFFFFE000  }
0x2b0: {  	[tilespmem:s17], [sflag:$0x1] =	stream.indirect.gather [spmem:s2], $0x40, s23, s16, $0xb8;
	[tilespmem:$0x18A40] =	vst v63  }
0x2b1: {  	s24 =	simm.s32 $0x880  }
0x2b2: {  	[spmem:s3] =	stream.indirect.scatter.add.f32 [tilespmem:s19], [sflag:$0x3], $0x40, s24, s16, $0xb8;
	[tilespmem:$0x18A40] =	vst v63  }
0x2b3: {  	_ =	swait.ge [sflag:s13], $0x2000  }
0x2b4: {  	[sflag:s13] =	ssyncset.done $0x0  }
0x2b5: {  	[sflag:s13] =	ssyncadd.s32 $0xFFFFE000  }
0x2b6: {  	_ =	swait.ge [sflag:s18], $0x2000  }
0x2b7: {  	[sflag:s18] =	ssyncset.done $0x0  }
0x2b8: {  	s23 =	simm.s32 $0x180;
	[sflag:s18] =	ssyncadd.s32 $0xFFFFE000  }
0x2b9: {  	[tilespmem:s19], [sflag:$0x2] =	stream.indirect.gather [spmem:s2], $0x40, s23, s16, $0xb8;
	[tilespmem:$0x18A40] =	vst v63  }
0x2ba: {  	s24 =	simm.s32 $0x900  }
0x2bb: {  	[spmem:s3] =	stream.indirect.scatter.add.f32 [tilespmem:s17], [sflag:$0x3], $0x40, s24, s16, $0xb8;
	[tilespmem:$0x18A40] =	vst v63  }
0x2bc: {  	_ =	swait.ge [sflag:s13], $0x2000  }
0x2bd: {  	[sflag:s13] =	ssyncset.done $0x0  }
0x2be: {  	[sflag:s13] =	ssyncadd.s32 $0xFFFFE000  }
0x2bf: {  	_ =	swait.ge [sflag:s20], $0x2000  }
0x2c0: {  	[sflag:s20] =	ssyncset.done $0x0  }
0x2c1: {  	s23 =	simm.s32 $0x200;
	[sflag:s20] =	ssyncadd.s32 $0xFFFFE000  }
0x2c2: {  	[tilespmem:s17], [sflag:$0x1] =	stream.indirect.gather [spmem:s2], $0x40, s23, s16, $0xb8;
	[tilespmem:$0x18A40] =	vst v63  }
0x2c3: {  	s24 =	simm.s32 $0x980  }
0x2c4: {  	[spmem:s3] =	stream.indirect.scatter.add.f32 [tilespmem:s19], [sflag:$0x3], $0x40, s24, s16, $0xb8;
	[tilespmem:$0x18A40] =	vst v63  }
0x2c5: {  	_ =	swait.ge [sflag:s13], $0x2000  }
0x2c6: {  	[sflag:s13] =	ssyncset.done $0x0  }
0x2c7: {  	[sflag:s13] =	ssyncadd.s32 $0xFFFFE000  }
0x2c8: {  	_ =	swait.ge [sflag:s18], $0x2000  }
0x2c9: {  	[sflag:s18] =	ssyncset.done $0x0  }
0x2ca: {  	s23 =	simm.s32 $0x280;
	[sflag:s18] =	ssyncadd.s32 $0xFFFFE000  }
0x2cb: {  	[tilespmem:s19], [sflag:$0x2] =	stream.indirect.gather [spmem:s2], $0x40, s23, s16, $0xb8;
	[tilespmem:$0x18A40] =	vst v63  }
0x2cc: {  	s24 =	simm.s32 $0xA00  }
0x2cd: {  	[spmem:s3] =	stream.indirect.scatter.add.f32 [tilespmem:s17], [sflag:$0x3], $0x40, s24, s16, $0xb8;
	[tilespmem:$0x18A40] =	vst v63  }
0x2ce: {  	_ =	swait.ge [sflag:s13], $0x2000  }
0x2cf: {  	[sflag:s13] =	ssyncset.done $0x0  }
0x2d0: {  	[sflag:s13] =	ssyncadd.s32 $0xFFFFE000  }
0x2d1: {  	_ =	swait.ge [sflag:s20], $0x2000  }
0x2d2: {  	[sflag:s20] =	ssyncset.done $0x0  }
0x2d3: {  	s23 =	simm.s32 $0x300;
	[sflag:s20] =	ssyncadd.s32 $0xFFFFE000  }
0x2d4: {  	[tilespmem:s17], [sflag:$0x1] =	stream.indirect.gather [spmem:s2], $0x40, s23, s16, $0xb8;
	[tilespmem:$0x18A40] =	vst v63  }
0x2d5: {  	s24 =	simm.s32 $0xA80  }
0x2d6: {  	[spmem:s3] =	stream.indirect.scatter.add.f32 [tilespmem:s19], [sflag:$0x3], $0x40, s24, s16, $0xb8;
	[tilespmem:$0x18A40] =	vst v63  }
0x2d7: {  	_ =	swait.ge [sflag:s13], $0x2000  }
0x2d8: {  	[sflag:s13] =	ssyncset.done $0x0  }
0x2d9: {  	[sflag:s13] =	ssyncadd.s32 $0xFFFFE000  }
0x2da: {  	_ =	swait.ge [sflag:s18], $0x2000  }
0x2db: {  	[sflag:s18] =	ssyncset.done $0x0  }
0x2dc: {  	s23 =	simm.s32 $0x380;
	[sflag:s18] =	ssyncadd.s32 $0xFFFFE000  }
0x2dd: {  	[tilespmem:s19], [sflag:$0x2] =	stream.indirect.gather [spmem:s2], $0x40, s23, s16, $0xb8;
	[tilespmem:$0x18A40] =	vst v63  }
0x2de: {  	s24 =	simm.s32 $0xB00  }
0x2df: {  	[spmem:s3] =	stream.indirect.scatter.add.f32 [tilespmem:s17], [sflag:$0x3], $0x40, s24, s16, $0xb8;
	[tilespmem:$0x18A40] =	vst v63  }
0x2e0: {  	_ =	swait.ge [sflag:s13], $0x2000  }
0x2e1: {  	[sflag:s13] =	ssyncset.done $0x0  }
0x2e2: {  	[sflag:s13] =	ssyncadd.s32 $0xFFFFE000  }
0x2e3: {  	_ =	swait.ge [sflag:s20], $0x2000  }
0x2e4: {  	[sflag:s20] =	ssyncset.done $0x0  }
0x2e5: {  	[sflag:s20] =	ssyncadd.s32 $0xFFFFE000  }
0x2e6: {  	[tilespmem:s17], [sflag:$0x1] =	stream.indirect.gather [spmem:s2], $0x40, s1, s16, $0xb8;
	[tilespmem:$0x18A40] =	vst v63  }
0x2e7: {  	_ = 	snop  }
0x2e8: {  	[spmem:s3] =	stream.indirect.scatter.add.f32 [tilespmem:s19], [sflag:$0x3], $0x40, s0, s16, $0xb8;
	[tilespmem:$0x18A40] =	vst v63  }
0x2e9: {  	_ =	swait.ge [sflag:s13], $0x2000  }
0x2ea: {  	[sflag:s13] =	ssyncset.done $0x0  }
0x2eb: {  	[sflag:s13] =	ssyncadd.s32 $0xFFFFE000  }
0x2ec: {  	_ =	swait.ge [sflag:s18], $0x2000  }
0x2ed: {  	[sflag:s18] =	ssyncset.done $0x0  }
0x2ee: {  	[sflag:s18] =	ssyncadd.s32 $0xFFFFE000  }
0x2ef: {  	[tilespmem:s19], [sflag:$0x2] =	stream.indirect.gather [spmem:s2], $0x40, s10, s16, $0xb8;
	[tilespmem:$0x18A40] =	vst v63  }
0x2f0: {  	_ = 	snop  }
0x2f1: {  	[spmem:s3] =	stream.indirect.scatter.add.f32 [tilespmem:s17], [sflag:$0x3], $0x40, s11, s16, $0xb8;
	[tilespmem:$0x18A40] =	vst v63  }
0x2f2: {  	_ =	swait.ge [sflag:s13], $0x2000  }
0x2f3: {  	[sflag:s13] =	ssyncset.done $0x0  }
0x2f4: {  	[sflag:s13] =	ssyncadd.s32 $0xFFFFE000  }
0x2f5: {  	_ =	swait.ge [sflag:s20], $0x2000  }
0x2f6: {  	[sflag:s20] =	ssyncset.done $0x0  }
0x2f7: {  	[sflag:s20] =	ssyncadd.s32 $0xFFFFE000  }
0x2f8: {  	[tilespmem:s17], [sflag:$0x1] =	stream.indirect.gather [spmem:s2], $0x40, s15, s16, $0xb8;
	[tilespmem:$0x18A40] =	vst v63  }
0x2f9: {  	_ = 	snop  }
0x2fa: {  	[spmem:s3] =	stream.indirect.scatter.add.f32 [tilespmem:s19], [sflag:$0x3], $0x40, s5, s16, $0xb8;
	[tilespmem:$0x18A40] =	vst v63  }
0x2fb: {  	_ =	swait.ge [sflag:s13], $0x2000  }
0x2fc: {  	[sflag:s13] =	ssyncset.done $0x0  }
0x2fd: {  	[sflag:s13] =	ssyncadd.s32 $0xFFFFE000  }
0x2fe: {  	_ =	swait.ge [sflag:s18], $0x2000  }
0x2ff: {  	[sflag:s18] =	ssyncset.done $0x0  }
0x300: {  	[sflag:s18] =	ssyncadd.s32 $0xFFFFE000  }
0x301: {  	[tilespmem:s19], [sflag:$0x2] =	stream.indirect.gather [spmem:s2], $0x40, s12, s16, $0xb8;
	[tilespmem:$0x18A40] =	vst v63  }
0x302: {  	_ = 	snop  }
0x303: {  	[spmem:s3] =	stream.indirect.scatter.add.f32 [tilespmem:s17], [sflag:$0x3], $0x40, s14, s16, $0xb8;
	[tilespmem:$0x18A40] =	vst v63  }
0x304: {  	_ =	swait.ge [sflag:s13], $0x2000  }
0x305: {  	[sflag:s13] =	ssyncset.done $0x0  }
0x306: {  	[sflag:s13] =	ssyncadd.s32 $0xFFFFE000  }
0x307: {  	_ =	swait.ge [sflag:s20], $0x2000  }
0x308: {  	[sflag:s20] =	ssyncset.done $0x0  }
0x309: {  	[sflag:s20] =	ssyncadd.s32 $0xFFFFE000  }
0x30a: {  	[tilespmem:s17], [sflag:$0x1] =	stream.indirect.gather [spmem:s2], $0x40, s7, s16, $0xb8;
	[tilespmem:$0x18A40] =	vst v63  }
0x30b: {  	_ = 	snop  }
0x30c: {  	[spmem:s3] =	stream.indirect.scatter.add.f32 [tilespmem:s19], [sflag:$0x3], $0x40, s21, s16, $0xb8;
	[tilespmem:$0x18A40] =	vst v63  }
0x30d: {  	_ =	swait.ge [sflag:s13], $0x2000  }
0x30e: {  	[sflag:s13] =	ssyncset.done $0x0  }
0x30f: {  	[sflag:s13] =	ssyncadd.s32 $0xFFFFE000  }
0x310: {  	_ =	swait.ge [sflag:s18], $0x2000  }
0x311: {  	[sflag:s18] =	ssyncset.done $0x0  }
0x312: {  	[sflag:s18] =	ssyncadd.s32 $0xFFFFE000  }
0x313: {  	[tilespmem:s19], [sflag:$0x2] =	stream.indirect.gather [spmem:s2], $0x40, s22, s16, $0xb8;
	[tilespmem:$0x18A40] =	vst v63  }
0x314: {  	_ = 	snop  }
0x315: {  	[spmem:s3] =	stream.indirect.scatter.add.f32 [tilespmem:s17], [sflag:$0x3], $0x40, s25, s16, $0xb8;
	[tilespmem:$0x18A40] =	vst v63  }
0x316: {  	_ =	swait.ge [sflag:s13], $0x2000  }
0x317: {  	[sflag:s13] =	ssyncset.done $0x0  }
0x318: {  	[sflag:s13] =	ssyncadd.s32 $0xFFFFE000  }
0x319: {  	_ =	swait.ge [sflag:s20], $0x2000  }
0x31a: {  	[sflag:s20] =	ssyncset.done $0x0  }
0x31b: {  	[sflag:s20] =	ssyncadd.s32 $0xFFFFE000  }
0x31c: {  	[tilespmem:s17], [sflag:$0x1] =	stream.indirect.gather [spmem:s2], $0x40, s26, s16, $0xb8;
	[tilespmem:$0x18A40] =	vst v63  }
0x31d: {  	_ = 	snop  }
0x31e: {  	[spmem:s3] =	stream.indirect.scatter.add.f32 [tilespmem:s19], [sflag:$0x3], $0x40, s28, s16, $0xb8;
	[tilespmem:$0x18A40] =	vst v63  }
0x31f: {  	_ =	swait.ge [sflag:s13], $0x2000  }
0x320: {  	[sflag:s13] =	ssyncset.done $0x0  }
0x321: {  	[sflag:s13] =	ssyncadd.s32 $0xFFFFE000  }
0x322: {  	_ =	swait.ge [sflag:s18], $0x2000  }
0x323: {  	[sflag:s18] =	ssyncset.done $0x0  }
0x324: {  	[sflag:s18] =	ssyncadd.s32 $0xFFFFE000  }
0x325: {  	[tilespmem:s19], [sflag:$0x2] =	stream.indirect.gather [spmem:s2], $0x40, s29, s16, $0xb8;
	[tilespmem:$0x18A40] =	vst v63  }
0x326: {  	_ = 	snop  }
0x327: {  	[spmem:s3] =	stream.indirect.scatter.add.f32 [tilespmem:s17], [sflag:$0x3], $0x40, s30, s16, $0xb8;
	[tilespmem:$0x18A40] =	vst v63  }
0x328: {  	_ =	swait.ge [sflag:s13], $0x2000  }
0x329: {  	[sflag:s13] =	ssyncset.done $0x0  }
0x32a: {  	[sflag:s13] =	ssyncadd.s32 $0xFFFFE000  }
0x32b: {  	_ =	swait.ge [sflag:s20], $0x2000  }
.Ltmp1:
0x32c: {  	[sflag:s20] =	ssyncset.done $0x0;
	(pc) =	sbr.rel @p0 .LBB2_4-.Ltmp1, $4  }
0x32d: {  	[sflag:s20] =	ssyncadd.s32 $0xFFFFE000  }
0x32e: {  	[spmem:s3] =	stream.indirect.scatter.add.f32 [tilespmem:s19], [sflag:$0x3], $0x40, s31, s16, $0xb8;
	[tilespmem:$0x18A40] =	vst v63  }
0x32f: {  	_ =	swait.ge [sflag:s13], $0x2000  }
0x330: {  	s23 =	smov.u32 s9;
	[sflag:s13] =	ssyncset.done $0x0  }
0x331: {  	s6 =	rddreg [dreg:$0x6]  }
0x332: {  	[sflag:s13] =	ssyncadd.s32 $0xFFFFE000;
	s6 =	sadd.s32 s8, s6  }
0x333: {  	[tilespmem:s4], [sflag:$0x3] =	stream.linear.gather [hbm4b:s6+s4], $0x800, $0x38;
	[tilespmem:$0x18A40] =	vst v63  }
0x334: {  	_ =	swait.ge [sflag:s13], $0x800  }
0x335: {  	[sflag:s13] =	ssyncset.done $0x0;
	s23 =	rddreg [dreg:$0x5]  }
0x336: {  	s24 =	simm.s32 $0x800;
	[sflag:s13] =	ssyncadd.s32 $0xFFFFF800;
	s6 =	sadd.s32 s8, s23  }
0x337: {  	[tilespmem:s24], [sflag:$0x3] =	stream.linear.gather [hbm4b:s6+s4], $0x800, $0x38;
	[tilespmem:$0x18A40] =	vst v63  }
0x338: {  	_ =	swait.ge [sflag:s13], $0x800  }
0x339: {  	[sflag:s13] =	ssyncset.done $0x0  }
0x33a: {  	[sflag:s13] =	ssyncadd.s32 $0xFFFFF800  }
0x33b: {  	[tilespmem:s17], [sflag:$0x1] =	stream.indirect.gather [spmem:s2], $0x40, s4, s16, $0xb8;
	[tilespmem:$0x18A40] =	vst v63  }
0x33c: {  	_ =	swait.ge [sflag:s18], $0x2000  }
0x33d: {  	[sflag:s18] =	ssyncset.done $0x0  }
0x33e: {  	[sflag:s18] =	ssyncadd.s32 $0xFFFFE000  }
0x33f: {  	[tilespmem:s19], [sflag:$0x2] =	stream.indirect.gather [spmem:s2], $0x40, s16, s16, $0xb8;
	[tilespmem:$0x18A40] =	vst v63  }
0x340: {  	_ = 	snop  }
0x341: {  	[spmem:s3] =	stream.indirect.scatter.add.f32 [tilespmem:s17], [sflag:$0x3], $0x40, s24, s16, $0xb8;
	[tilespmem:$0x18A40] =	vst v63  }
0x342: {  	_ =	swait.ge [sflag:s13], $0x2000  }
0x343: {  	[sflag:s13] =	ssyncset.done $0x0  }
0x344: {  	[sflag:s13] =	ssyncadd.s32 $0xFFFFE000  }
0x345: {  	_ =	swait.ge [sflag:s20], $0x2000  }
0x346: {  	[sflag:s20] =	ssyncset.done $0x0  }
0x347: {  	s9 =	simm.s32 $0x100;
	[sflag:s20] =	ssyncadd.s32 $0xFFFFE000  }
0x348: {  	[tilespmem:s17], [sflag:$0x1] =	stream.indirect.gather [spmem:s2], $0x40, s9, s16, $0xb8;
	[tilespmem:$0x18A40] =	vst v63  }
0x349: {  	s23 =	simm.s32 $0x880  }
0x34a: {  	[spmem:s3] =	stream.indirect.scatter.add.f32 [tilespmem:s19], [sflag:$0x3], $0x40, s23, s16, $0xb8;
	[tilespmem:$0x18A40] =	vst v63  }
0x34b: {  	_ =	swait.ge [sflag:s13], $0x2000  }
0x34c: {  	[sflag:s13] =	ssyncset.done $0x0  }
0x34d: {  	[sflag:s13] =	ssyncadd.s32 $0xFFFFE000  }
0x34e: {  	_ =	swait.ge [sflag:s18], $0x2000  }
0x34f: {  	[sflag:s18] =	ssyncset.done $0x0  }
0x350: {  	s24 =	simm.s32 $0x180;
	[sflag:s18] =	ssyncadd.s32 $0xFFFFE000  }
0x351: {  	[tilespmem:s19], [sflag:$0x2] =	stream.indirect.gather [spmem:s2], $0x40, s24, s16, $0xb8;
	[tilespmem:$0x18A40] =	vst v63  }
0x352: {  	s8 =	simm.s32 $0x900  }
0x353: {  	[spmem:s3] =	stream.indirect.scatter.add.f32 [tilespmem:s17], [sflag:$0x3], $0x40, s8, s16, $0xb8;
	[tilespmem:$0x18A40] =	vst v63  }
0x354: {  	_ =	swait.ge [sflag:s13], $0x2000  }
0x355: {  	[sflag:s13] =	ssyncset.done $0x0  }
0x356: {  	[sflag:s13] =	ssyncadd.s32 $0xFFFFE000  }
0x357: {  	_ =	swait.ge [sflag:s20], $0x2000  }
0x358: {  	[sflag:s20] =	ssyncset.done $0x0  }
0x359: {  	s9 =	simm.s32 $0x200;
	[sflag:s20] =	ssyncadd.s32 $0xFFFFE000  }
0x35a: {  	[tilespmem:s17], [sflag:$0x1] =	stream.indirect.gather [spmem:s2], $0x40, s9, s16, $0xb8;
	[tilespmem:$0x18A40] =	vst v63  }
0x35b: {  	s23 =	simm.s32 $0x980  }
0x35c: {  	[spmem:s3] =	stream.indirect.scatter.add.f32 [tilespmem:s19], [sflag:$0x3], $0x40, s23, s16, $0xb8;
	[tilespmem:$0x18A40] =	vst v63  }
0x35d: {  	_ =	swait.ge [sflag:s13], $0x2000  }
0x35e: {  	[sflag:s13] =	ssyncset.done $0x0  }
0x35f: {  	[sflag:s13] =	ssyncadd.s32 $0xFFFFE000  }
0x360: {  	_ =	swait.ge [sflag:s18], $0x2000  }
0x361: {  	[sflag:s18] =	ssyncset.done $0x0  }
0x362: {  	s24 =	simm.s32 $0x280;
	[sflag:s18] =	ssyncadd.s32 $0xFFFFE000  }
0x363: {  	[tilespmem:s19], [sflag:$0x2] =	stream.indirect.gather [spmem:s2], $0x40, s24, s16, $0xb8;
	[tilespmem:$0x18A40] =	vst v63  }
0x364: {  	s8 =	simm.s32 $0xA00  }
0x365: {  	[spmem:s3] =	stream.indirect.scatter.add.f32 [tilespmem:s17], [sflag:$0x3], $0x40, s8, s16, $0xb8;
	[tilespmem:$0x18A40] =	vst v63  }
0x366: {  	_ =	swait.ge [sflag:s13], $0x2000  }
0x367: {  	[sflag:s13] =	ssyncset.done $0x0  }
0x368: {  	[sflag:s13] =	ssyncadd.s32 $0xFFFFE000  }
0x369: {  	_ =	swait.ge [sflag:s20], $0x2000  }
0x36a: {  	[sflag:s20] =	ssyncset.done $0x0  }
0x36b: {  	s9 =	simm.s32 $0x300;
	[sflag:s20] =	ssyncadd.s32 $0xFFFFE000  }
0x36c: {  	[tilespmem:s17], [sflag:$0x1] =	stream.indirect.gather [spmem:s2], $0x40, s9, s16, $0xb8;
	[tilespmem:$0x18A40] =	vst v63  }
0x36d: {  	s23 =	simm.s32 $0xA80  }
0x36e: {  	[spmem:s3] =	stream.indirect.scatter.add.f32 [tilespmem:s19], [sflag:$0x3], $0x40, s23, s16, $0xb8;
	[tilespmem:$0x18A40] =	vst v63  }
0x36f: {  	_ =	swait.ge [sflag:s13], $0x2000  }
0x370: {  	[sflag:s13] =	ssyncset.done $0x0  }
0x371: {  	[sflag:s13] =	ssyncadd.s32 $0xFFFFE000  }
0x372: {  	_ =	swait.ge [sflag:s18], $0x2000  }
0x373: {  	[sflag:s18] =	ssyncset.done $0x0  }
0x374: {  	s24 =	simm.s32 $0x380;
	[sflag:s18] =	ssyncadd.s32 $0xFFFFE000  }
0x375: {  	[tilespmem:s19], [sflag:$0x2] =	stream.indirect.gather [spmem:s2], $0x40, s24, s16, $0xb8;
	[tilespmem:$0x18A40] =	vst v63  }
0x376: {  	s8 =	simm.s32 $0xB00  }
0x377: {  	[spmem:s3] =	stream.indirect.scatter.add.f32 [tilespmem:s17], [sflag:$0x3], $0x40, s8, s16, $0xb8;
	[tilespmem:$0x18A40] =	vst v63  }
0x378: {  	_ =	swait.ge [sflag:s13], $0x2000  }
0x379: {  	[sflag:s13] =	ssyncset.done $0x0  }
0x37a: {  	[sflag:s13] =	ssyncadd.s32 $0xFFFFE000  }
0x37b: {  	_ =	swait.ge [sflag:s20], $0x2000  }
0x37c: {  	[sflag:s20] =	ssyncset.done $0x0  }
0x37d: {  	[sflag:s20] =	ssyncadd.s32 $0xFFFFE000  }
0x37e: {  	[tilespmem:s17], [sflag:$0x1] =	stream.indirect.gather [spmem:s2], $0x40, s1, s16, $0xb8;
	[tilespmem:$0x18A40] =	vst v63  }
0x37f: {  	_ = 	snop  }
0x380: {  	[spmem:s3] =	stream.indirect.scatter.add.f32 [tilespmem:s19], [sflag:$0x3], $0x40, s0, s16, $0xb8;
	[tilespmem:$0x18A40] =	vst v63  }
0x381: {  	_ =	swait.ge [sflag:s13], $0x2000  }
0x382: {  	[sflag:s13] =	ssyncset.done $0x0  }
0x383: {  	[sflag:s13] =	ssyncadd.s32 $0xFFFFE000  }
0x384: {  	_ =	swait.ge [sflag:s18], $0x2000  }
0x385: {  	[sflag:s18] =	ssyncset.done $0x0  }
0x386: {  	[sflag:s18] =	ssyncadd.s32 $0xFFFFE000  }
0x387: {  	[tilespmem:s19], [sflag:$0x2] =	stream.indirect.gather [spmem:s2], $0x40, s10, s16, $0xb8;
	[tilespmem:$0x18A40] =	vst v63  }
0x388: {  	_ = 	snop  }
0x389: {  	[spmem:s3] =	stream.indirect.scatter.add.f32 [tilespmem:s17], [sflag:$0x3], $0x40, s11, s16, $0xb8;
	[tilespmem:$0x18A40] =	vst v63  }
0x38a: {  	_ =	swait.ge [sflag:s13], $0x2000  }
0x38b: {  	[sflag:s13] =	ssyncset.done $0x0  }
0x38c: {  	[sflag:s13] =	ssyncadd.s32 $0xFFFFE000  }
0x38d: {  	_ =	swait.ge [sflag:s20], $0x2000  }
0x38e: {  	[sflag:s20] =	ssyncset.done $0x0  }
0x38f: {  	[sflag:s20] =	ssyncadd.s32 $0xFFFFE000  }
0x390: {  	[tilespmem:s17], [sflag:$0x1] =	stream.indirect.gather [spmem:s2], $0x40, s15, s16, $0xb8;
	[tilespmem:$0x18A40] =	vst v63  }
0x391: {  	_ = 	snop  }
0x392: {  	[spmem:s3] =	stream.indirect.scatter.add.f32 [tilespmem:s19], [sflag:$0x3], $0x40, s5, s16, $0xb8;
	[tilespmem:$0x18A40] =	vst v63  }
0x393: {  	_ =	swait.ge [sflag:s13], $0x2000  }
0x394: {  	[sflag:s13] =	ssyncset.done $0x0  }
0x395: {  	[sflag:s13] =	ssyncadd.s32 $0xFFFFE000  }
0x396: {  	_ =	swait.ge [sflag:s18], $0x2000  }
0x397: {  	[sflag:s18] =	ssyncset.done $0x0  }
0x398: {  	[sflag:s18] =	ssyncadd.s32 $0xFFFFE000  }
0x399: {  	[tilespmem:s19], [sflag:$0x2] =	stream.indirect.gather [spmem:s2], $0x40, s12, s16, $0xb8;
	[tilespmem:$0x18A40] =	vst v63  }
0x39a: {  	_ = 	snop  }
0x39b: {  	[spmem:s3] =	stream.indirect.scatter.add.f32 [tilespmem:s17], [sflag:$0x3], $0x40, s14, s16, $0xb8;
	[tilespmem:$0x18A40] =	vst v63  }
0x39c: {  	_ =	swait.ge [sflag:s13], $0x2000  }
0x39d: {  	[sflag:s13] =	ssyncset.done $0x0  }
0x39e: {  	[sflag:s13] =	ssyncadd.s32 $0xFFFFE000  }
0x39f: {  	_ =	swait.ge [sflag:s20], $0x2000  }
0x3a0: {  	[sflag:s20] =	ssyncset.done $0x0  }
0x3a1: {  	[sflag:s20] =	ssyncadd.s32 $0xFFFFE000  }
0x3a2: {  	[tilespmem:s17], [sflag:$0x1] =	stream.indirect.gather [spmem:s2], $0x40, s7, s16, $0xb8;
	[tilespmem:$0x18A40] =	vst v63  }
0x3a3: {  	_ = 	snop  }
0x3a4: {  	[spmem:s3] =	stream.indirect.scatter.add.f32 [tilespmem:s19], [sflag:$0x3], $0x40, s21, s16, $0xb8;
	[tilespmem:$0x18A40] =	vst v63  }
0x3a5: {  	_ =	swait.ge [sflag:s13], $0x2000  }
0x3a6: {  	[sflag:s13] =	ssyncset.done $0x0  }
0x3a7: {  	[sflag:s13] =	ssyncadd.s32 $0xFFFFE000  }
0x3a8: {  	_ =	swait.ge [sflag:s18], $0x2000  }
0x3a9: {  	[sflag:s18] =	ssyncset.done $0x0  }
0x3aa: {  	[sflag:s18] =	ssyncadd.s32 $0xFFFFE000  }
0x3ab: {  	[tilespmem:s19], [sflag:$0x2] =	stream.indirect.gather [spmem:s2], $0x40, s22, s16, $0xb8;
	[tilespmem:$0x18A40] =	vst v63  }
0x3ac: {  	_ = 	snop  }
0x3ad: {  	[spmem:s3] =	stream.indirect.scatter.add.f32 [tilespmem:s17], [sflag:$0x3], $0x40, s25, s16, $0xb8;
	[tilespmem:$0x18A40] =	vst v63  }
0x3ae: {  	_ =	swait.ge [sflag:s13], $0x2000  }
0x3af: {  	[sflag:s13] =	ssyncset.done $0x0  }
0x3b0: {  	[sflag:s13] =	ssyncadd.s32 $0xFFFFE000  }
0x3b1: {  	_ =	swait.ge [sflag:s20], $0x2000  }
0x3b2: {  	[sflag:s20] =	ssyncset.done $0x0  }
0x3b3: {  	[sflag:s20] =	ssyncadd.s32 $0xFFFFE000  }
0x3b4: {  	[tilespmem:s17], [sflag:$0x1] =	stream.indirect.gather [spmem:s2], $0x40, s26, s16, $0xb8;
	[tilespmem:$0x18A40] =	vst v63  }
0x3b5: {  	_ = 	snop  }
0x3b6: {  	[spmem:s3] =	stream.indirect.scatter.add.f32 [tilespmem:s19], [sflag:$0x3], $0x40, s28, s16, $0xb8;
	[tilespmem:$0x18A40] =	vst v63  }
0x3b7: {  	_ =	swait.ge [sflag:s13], $0x2000  }
0x3b8: {  	[sflag:s13] =	ssyncset.done $0x0  }
0x3b9: {  	[sflag:s13] =	ssyncadd.s32 $0xFFFFE000  }
0x3ba: {  	_ =	swait.ge [sflag:s18], $0x2000  }
0x3bb: {  	[sflag:s18] =	ssyncset.done $0x0  }
0x3bc: {  	[sflag:s18] =	ssyncadd.s32 $0xFFFFE000  }
0x3bd: {  	[tilespmem:s19], [sflag:$0x2] =	stream.indirect.gather [spmem:s2], $0x40, s29, s16, $0xb8;
	[tilespmem:$0x18A40] =	vst v63  }
0x3be: {  	_ = 	snop  }
0x3bf: {  	[spmem:s3] =	stream.indirect.scatter.add.f32 [tilespmem:s17], [sflag:$0x3], $0x40, s30, s16, $0xb8;
	[tilespmem:$0x18A40] =	vst v63  }
0x3c0: {  	_ =	swait.ge [sflag:s13], $0x2000  }
0x3c1: {  	[sflag:s13] =	ssyncset.done $0x0  }
0x3c2: {  	[sflag:s13] =	ssyncadd.s32 $0xFFFFE000  }
0x3c3: {  	_ =	swait.ge [sflag:s20], $0x2000  }
0x3c4: {  	[sflag:s20] =	ssyncset.done $0x0  }
0x3c5: {  	[sflag:s20] =	ssyncadd.s32 $0xFFFFE000  }
0x3c6: {  	[spmem:s3] =	stream.indirect.scatter.add.f32 [tilespmem:s19], [sflag:$0x3], $0x40, s31, s16, $0xb8;
	[tilespmem:$0x18A40] =	vst v63  }
0x3c7: {  	_ =	swait.ge [sflag:s13], $0x2000  }
0x3c8: {  	[sflag:s13] =	ssyncset.done $0x0  }
0x3c9: {  	[sflag:s13] =	ssyncadd.s32 $0xFFFFE000  }
0x3ca: {  	[bflag:$0x0] =	sbarrier.arrive $0xFFFF  }
0x3cb: {  	s23 =	rddreg [dreg:$0x9]  }
0x3cc: {  	s24 =	rddreg [dreg:$0xd]  }
0x3cd: {  	s9 =	rddreg [dreg:$0xf]  }
0x3ce: {  	[hbm:s9], [sflag:s23] =	dma.local [spmem:s24], $0x13C0  }
0x3cf: {  	_ =	swait.ge [sflag:s13], $0x13C0  }
0x3d0: {  	s6 =	rddreg [dreg:$0x10]  }
0x3d1: {  	s9 =	rddreg [dreg:$0xb];
	s8 =	sadd.s32 $0x1, s6  }
0x3d2: {  	p0 =	sne.s32 s8, s9  }
.Ltmp2:
0x3d3: {  	_ = 	snop;
	(pc) =	sbr.rel @p0 .LBB2_1-.Ltmp2, $3  }
0x3d4: {  	_ =	sdelay $0x1  }
0x3d5: {  	[sflag:s13] =	ssyncset.done $0x0  }
0x3d6: {  	[sflag:s13] =	ssyncadd.s32 $0xFFFFEC40  }
0x3d7: {  	_ =	sfence.sel $0x180000  }
0x3d8: {  	[bflag:$0x0] =	sbarrier.arrive $0xFFFF  }
0x3d9: {  	_ =	strace $0x9000004A  }
0x3da: {  	s0 =	stileid.u32;
	[bflag:$0x2] =	sbarrier.arrive $0xFFFF  }
0x3db: {  	p0 =	sne.s32 s0, $0x0;
	s0 =	rddreg [dreg:$0x4]  }
0x3dc: {  	s0 =	sadd.s32 @!p0 $0x100000, s0  }
0x3dd: {  	[sflag:s0] =	ssyncadd.tile.s32 @!p0 $0x1;
	_ =	shalt  }
.Lfunc_end2:
_tile_overlayer_lowered:
.L_overlay_start_2:
0x3de: {  	(tag) =	ssettag $0x2  }
0x3df: {  	s0 =	rddreg [dreg:$0x0];
	s2 =	stileid.u32  }
0x3e0: {  	s1 =	rddreg [dreg:$0x1];
	p0 =	sne.s32 s2, $0x0  }
0x3e1: {  	s3 =	rddreg [dreg:$0x2];
	[bflag:$0x3] =	sbarrier.arrive $0xFFFF;
	s2 =	simm.s32 @!p0 $0x1C03  }
0x3e2: {  	[timem:s3], [sflag:s2] =	dma.local @!p0 [hbm:s0], s1  }
0x3e3: {  	s0 =	simm.s32 @!p0 $0x3  }
0x3e4: {  	_ =	swait.ge @!p0 [sflag:s0], s1  }
0x3e5: {  	s1 =	ssub.s32 @!p0 $0x0, s1;
	[sflag:s0] =	ssyncset.done @!p0 $0x0  }
0x3e6: {  	[sflag:s0] =	ssyncadd.s32 @!p0 s1  }
0x3e7: {  	[bflag:$0x3] =	sbarrier.arrive $0xFFFF  }
0x3e8: {  	_ =	shalt  }

</sc_bundles>
